<compile_context>
chip_gen: v7x
topology: tpu7x:2x2x1
jax: 0.10.2.dev20260603
libtpu: 0.0.44.dev20260713+nightly
codegen_flags: <defaults>
</compile_context>

<pallas_src>
import functools

import jax
import jax.numpy as jnp
from jax import lax
from jax.experimental import pallas as pl
from jax.experimental.pallas import tpu as pltpu
from jax.experimental.pallas import tpu_sc as plsc

_NS = 4
_LC = 256



def _scores_body(*refs):
    hs = refs[:_NS]
    pooled_ref, w_ref, b_ref = refs[_NS:_NS + 3]
    ss = refs[_NS + 3:]
    w1 = w_ref[0:1, :]
    w2 = w_ref[1:2, :]
    c = jnp.sum(pooled_ref[0] * w1) + b_ref[0, 0]
    for h, s in zip(hs, ss):
        s[0] = jax.lax.dot_general(
            w2, h[0], (((1,), (1,)), ((), ())),
            preferred_element_type=jnp.float32,
        ) + c


def _scores_quarters(hidden, pooled_tokens, w, b2):
    B, L, D = hidden.shape
    nb = L // (_LC * _NS)
    lq = L // _NS

    def in_spec(i):
        return pl.BlockSpec((1, _LC, D), lambda b, c, i=i: (b, c + i * nb, 0))

    def out_spec(i):
        return pl.BlockSpec((1, 1, _LC), lambda b, c: (b, 0, c))

    return pl.pallas_call(
        _scores_body,
        grid=(B, nb),
        in_specs=[in_spec(i) for i in range(_NS)] + [
            pl.BlockSpec((1, 1, D), lambda b, c: (b, 0, 0)),
            pl.BlockSpec((2, D), lambda b, c: (0, 0)),
            pl.BlockSpec((1, 1), lambda b, c: (0, 0)),
        ],
        out_specs=[out_spec(i) for i in range(_NS)],
        out_shape=[jax.ShapeDtypeStruct((B, 1, lq), jnp.float32)] * _NS,
    )(*([hidden] * _NS), pooled_tokens[:, None, :], w, b2)



def _make_sc_kernel(B, L, D):
    NV = L // 16
    NCH = D // 128
    mesh = plsc.VectorSubcoreMesh(core_axis_name="c", subcore_axis_name="s")

    @functools.partial(
        pl.kernel,
        mesh=mesh,
        compiler_params=pltpu.CompilerParams(needs_layout_passes=False),
        out_type=[
            jax.ShapeDtypeStruct((B, L), jnp.float32),
            jax.ShapeDtypeStruct((B * NCH, 128), jnp.float32),
        ],
        scratch_types=[
            pltpu.VMEM((4, L // 4), jnp.float32),
            pltpu.VMEM((L,), jnp.float32),
            pltpu.VMEM((L + 16,), jnp.float32),
            pltpu.VMEM((L + 16,), jnp.int32),
            pltpu.VMEM((16, 128), jnp.float32),
            pltpu.VMEM((128,), jnp.float32),
            pltpu.SemaphoreType.DMA,
        ],
    )
    def sc_kernel(s0, s1, s2, s3, hidden2, probs_hbm, out_hbm,
                  z_ref, p_ref, sw_ref, sidx_ref, rows_ref, stage_ref, sem):
        wid = lax.axis_index("s") * 2 + lax.axis_index("c")
        b = wid // NCH
        cc = lax.rem(wid, NCH)
        lanes = lax.iota(jnp.int32, 16)
        fzero = jnp.zeros((16,), jnp.float32)

        lq = L // 4
        nvq = lq // 16
        with jax.named_scope("sc_stage"):
            copies = [pltpu.async_copy(sq.at[b], z_ref.at[q], sem)
                      for q, sq in enumerate((s0, s1, s2, s3))]
            for c_ in copies:
                c_.wait()

        with jax.named_scope("sc_max"):
            mv = z_ref[0, pl.ds(0, 16)]
            for q in range(4):
                def max_body(i, m, q=q):
                    return jnp.maximum(m, z_ref[q, pl.ds(i * 16, 16)])
                mv = lax.fori_loop(1 if q == 0 else 0, nvq, max_body, mv)
            m0 = jnp.max(mv)

        def bis_body(_, lohi):
            lo, hi = lohi
            mid = 0.5 * (lo + hi)
            a = (fzero,) * 8
            for q in range(4):
                def acc_body(i, a, q=q):
                    return tuple(
                        aj + jnp.maximum(
                            z_ref[q, pl.ds(i * 128 + j * 16, 16)] - mid, 0.0)
                        for j, aj in enumerate(a)
                    )
                a = lax.fori_loop(0, nvq // 8, acc_body, a)
            s = (a[0] + a[1]) + (a[2] + a[3]) + ((a[4] + a[5]) + (a[6] + a[7]))
            gt = jnp.sum(s) > 1.0
            return (jnp.where(gt, mid, lo), jnp.where(gt, hi, mid))
        with jax.named_scope("sc_bisect"):
            lo, hi = lax.fori_loop(0, 22, bis_body, (m0 - 1.0, m0))

        def newton_body(_, tau):
            acc = (fzero,) * 8
            for q in range(4):
                def acc_body(i, a, q=q):
                    out = []
                    for j in range(4):
                        v = z_ref[q, pl.ds(i * 64 + j * 16, 16)]
                        sup = v > tau
                        out.append(a[2 * j] + jnp.where(sup, 1.0, 0.0))
                        out.append(a[2 * j + 1] + jnp.where(sup, v, 0.0))
                    return tuple(out)
                acc = lax.fori_loop(0, nvq // 4, acc_body, acc)
            kk = (acc[0] + acc[2]) + (acc[4] + acc[6])
            zz = (acc[1] + acc[3]) + (acc[5] + acc[7])
            num = (jnp.sum(zz) - 1.0) + fzero
            den = jnp.sum(kk) + fzero
            return num / den
        with jax.named_scope("sc_newton"):
            tau = lax.fori_loop(0, 3, newton_body, lo + fzero)

        row_base = b * L
        def ps_body(q, i, cur, *, _q=None):
            v = z_ref[q, pl.ds(i * 16, 16)]
            msk = v > tau
            p_ref[pl.ds(q * lq + i * 16, 16)] = jnp.maximum(v - tau, 0.0)
            cnt = plsc.all_reduce_population_count(msk)[0]
            @pl.when(cnt > 0)
            def _():
                pos = plsc.cumsum(jnp.where(msk, 1, 0)) - 1 + cur
                plsc.store_scatter(sw_ref, [pos], v - tau, mask=msk)
                plsc.store_scatter(sidx_ref, [pos],
                                   lanes + (row_base + q * lq + i * 16), mask=msk)
            return cur + cnt
        with jax.named_scope("sc_probsup"):
            k = jnp.int32(0)
            for q in range(4):
                k = lax.fori_loop(0, nvq, functools.partial(ps_body, q), k)

        plsc.store_scatter(sw_ref, [k + lanes], fzero)
        plsc.store_scatter(sidx_ref, [k + lanes], jnp.zeros((16,), jnp.int32))

        nit = (k + 15) // 16
        col0 = cc * 128
        def pool_body(t, accs):
            idxv = sidx_ref[pl.ds(t * 16, 16)]
            pltpu.async_copy(hidden2.at[idxv, pl.ds(col0, 128)], rows_ref, sem).wait()
            for j in range(16):
                wj = plsc.load_gather(sw_ref, [t * 16 + j + jnp.zeros((16,), jnp.int32)])
                accs = tuple(
                    a + wj * rows_ref[j, pl.ds(l * 16, 16)]
                    for l, a in enumerate(accs)
                )
            return accs
        with jax.named_scope("sc_pool"):
            accs = lax.fori_loop(0, nit, pool_body, (fzero,) * 8)

        for l in range(8):
            stage_ref[pl.ds(l * 16, 16)] = accs[l]
        pltpu.sync_copy(stage_ref, out_hbm.at[b * NCH + cc])

        @pl.when(cc == 0)
        def _():
            pltpu.sync_copy(p_ref, probs_hbm.at[b])

    return sc_kernel


def kernel(hidden, token_mask, pooled_tokens, W_align, b_align):
    B, L, D = hidden.shape
    del token_mask
    w = W_align.reshape(2, D)
    b2 = b_align.reshape(1, 1)

    quarters = [q.reshape(B, L // _NS) for q in _scores_quarters(hidden, pooled_tokens, w, b2)]
    hidden2 = hidden.reshape(B * L, D)

    probs, out = _make_sc_kernel(B, L, D)(*quarters, hidden2)
    return (out.reshape(B, D), probs[:, :, None])

# --- scband reference (transcript-rebuilt; emitter-appended) ---
"""Pipeline reference for scband-sparsegen-attention-entity-pooler-75333726371898 (READ-ONLY COPY).

The authoritative reference and input builder live on the scoring server;
editing this copy changes nothing except your own understanding.
"""

import jax, jax.numpy as jnp
import numpy as np

B, L, D = 4, 2048, 1024
LAM = 0.0

def sparsegen_lin(z, lam=0.0):
    # z: [B, L]; sparsegen-lin projection onto the simplex (lam=0 -> sparsemax)
    n = z.shape[1]
    z = z - jnp.max(z, axis=1, keepdims=True)
    zs = jnp.sort(z, axis=1)[:, ::-1]
    ks = jnp.arange(1, n + 1, dtype=z.dtype)[None, :]
    bound = 1.0 - lam + ks * zs
    cumsum_zs = jnp.cumsum(zs, axis=1)
    is_gt = (bound > cumsum_zs).astype(z.dtype)
    k = jnp.max(is_gt * ks, axis=1, keepdims=True)
    zs_sparse = is_gt * zs
    taus = (jnp.sum(zs_sparse, axis=1, keepdims=True) - 1.0 + lam) / k
    ps = (z - taus) / (1.0 - lam)
    return jnp.maximum(jnp.zeros_like(z), ps)

def setup_inputs(seed: int = 0) -> dict:
    key = jax.random.key(seed)
    k1, k2, k3 = jax.random.split(key, 3)
    hidden = jax.random.normal(k1, (B, L, D), dtype=jnp.float32)
    token_mask = jnp.ones((B, L, D), dtype=jnp.float32)
    pooled_tokens = jax.random.normal(k2, (B, D), dtype=jnp.float32)
    # alignment_model: Linear(2*outsize, 1)
    W_align = jax.random.normal(k3, (1, 2 * D), dtype=jnp.float32) * 0.02
    b_align = jnp.zeros((1,), dtype=jnp.float32)
    return {"hidden": hidden, "token_mask": token_mask, "pooled_tokens": pooled_tokens, "W_align": W_align, "b_align": b_align}

def reference(hidden, token_mask, pooled_tokens, W_align, b_align):
    # masked hidden states
    masked_hidden = hidden * token_mask
    # repeat pooled tokens along seq dim and mask
    tokens_repeated_masked = pooled_tokens[:, None, :] * token_mask
    # alignment inputs: concat along feature dim -> [B, L, 2D]
    alignment_inputs = jnp.concatenate([tokens_repeated_masked, masked_hidden], axis=2)
    # alignment scores: [B, L, 1]
    attention_scores = jnp.einsum('blf,of->blo', alignment_inputs, W_align) + b_align
    # token_mask is all-ones here, so every position participates in sparsegen
    attention_probs = sparsegen_lin(attention_scores[:, :, 0], LAM)[:, :, None]
    pooled = jnp.sum(masked_hidden * attention_probs, axis=1)
    # insize == outsize -> no output projection
    projected = pooled
    return (projected, attention_probs)

if __name__ == "__main__":
    import jax
    _d = setup_inputs()
    print(jax.jit(kernel)(*tuple(_d.values())))

</pallas_src>

<mosaic_0001>
#map = affine_map<(d0, d1) -> (0, 0)>
module attributes {stable_mosaic.version = 14 : i64} {
  func.func @sc_kernel(%arg0: i32, %arg1: i32, %arg2: memref<4x512xf32, #tpu.memory_space<hbm>>, %arg3: memref<4x512xf32, #tpu.memory_space<hbm>>, %arg4: memref<4x512xf32, #tpu.memory_space<hbm>>, %arg5: memref<4x512xf32, #tpu.memory_space<hbm>>, %arg6: memref<8192x1024xf32, #tpu.memory_space<hbm>>, %arg7: memref<4x2048xf32, #tpu.memory_space<hbm>>, %arg8: memref<32x128xf32, #tpu.memory_space<hbm>>, %arg9: memref<4x512xf32, #tpu.memory_space<vmem>>, %arg10: memref<2048xf32, #tpu.memory_space<vmem>>, %arg11: memref<2064xf32, #tpu.memory_space<vmem>>, %arg12: memref<2064xi32, #tpu.memory_space<vmem>>, %arg13: memref<16x128xf32, #tpu.memory_space<vmem>>, %arg14: memref<128xf32, #tpu.memory_space<vmem>>, %arg15: memref<!tpu.dma_semaphore, #tpu.memory_space<semaphore_mem>>) attributes {dimension_semantics = [#tpu.dimension_semantics<core_parallel>, #tpu.dimension_semantics<subcore_parallel>], iteration_bounds = array<i64: 2, 16>, scalar_prefetch = 0 : i64, scratch_operands = 7 : i64, tpu.core_type = #tpu.core_type<sc_vector_subcore>, window_params = [{transform_indices = #map}, {transform_indices = #map}, {transform_indices = #map}, {transform_indices = #map}, {transform_indices = #map}, {transform_indices = #map}, {transform_indices = #map}]} {
    %mul3A = arith.constant 2 : i32
    %mul3A_0 = arith.muli %arg1, %mul3A : i32
    %add3A = arith.addi %mul3A_0, %arg0 : i32
    %jit3A = arith.constant 8 : i32
    %div3A = arith.divsi %add3A, %jit3A : i32
    %sign3A = arith.constant 0 : i32
    %sign3A_1 = arith.cmpi sgt, %add3A, %sign3A : i32
    %sign3A_2 = arith.extui %sign3A_1 : i1 to i32
    %sign3A_3 = arith.constant 0 : i32
    %sign3A_4 = arith.cmpi slt, %add3A, %sign3A_3 : i32
    %sign3A_5 = arith.extui %sign3A_4 : i1 to i32
    %sign3A_6 = arith.subi %sign3A_2, %sign3A_5 : i32
    %sign3A_7 = arith.constant 0 : i32
    %sign3A_8 = arith.cmpi sgt, %jit3A, %sign3A_7 : i32
    %sign3A_9 = arith.extui %sign3A_8 : i1 to i32
    %sign3A_10 = arith.constant 0 : i32
    %sign3A_11 = arith.cmpi slt, %jit3A, %sign3A_10 : i32
    %sign3A_12 = arith.extui %sign3A_11 : i1 to i32
    %sign3A_13 = arith.subi %sign3A_9, %sign3A_12 : i32
    %ne3A = arith.cmpi ne, %sign3A_6, %sign3A_13 : i32
    %rem3A = arith.remsi %add3A, %jit3A : i32
    %ne3A_14 = arith.constant 0 : i32
    %ne3A_15 = arith.cmpi ne, %rem3A, %ne3A_14 : i32
    %and3A = arith.andi %ne3A, %ne3A_15 : i1
    %sub3A = arith.constant 1 : i32
    %sub3A_16 = arith.subi %div3A, %sub3A : i32
    %select_n3A = arith.select %and3A, %sub3A_16, %div3A : i32
    %rem3A_17 = arith.constant 8 : i32
    %rem3A_18 = arith.remsi %add3A, %rem3A_17 : i32
    %iota3A = tpu.iota {dimensions = array<i32: 0>} : vector<16xi32>
    %broadcast_in_dim3A = arith.constant 0.000000e+00 : f32
    %broadcast_in_dim3A_19 = vector.broadcast %broadcast_in_dim3A : f32 to vector<16xf32>
    %dma_start3A = arith.constant 0 : i32
    "tpu.trace_start"() <{level = 10 : i32, message = "sc_stage"}> : () -> ()
    %dma_start3A_20 = arith.constant 0 : i32
    %dma_start3A_21 = tpu.memref_slice %arg9[%dma_start3A, %dma_start3A_20] : memref<4x512xf32, #tpu.memory_space<vmem>> -> memref<1x512xf32, #tpu.memory_space<vmem>>
    %dma_start3A_22 = tpu.memref_squeeze %dma_start3A_21 : memref<1x512xf32, #tpu.memory_space<vmem>> -> memref<512xf32, #tpu.memory_space<vmem>>
    %dma_start3A_23 = arith.constant 0 : i32
    %dma_start3A_24 = tpu.memref_slice %arg2[%select_n3A, %dma_start3A_23] : memref<4x512xf32, #tpu.memory_space<hbm>> -> memref<1x512xf32, #tpu.memory_space<hbm>>
    %dma_start3A_25 = tpu.memref_squeeze %dma_start3A_24 : memref<1x512xf32, #tpu.memory_space<hbm>> -> memref<512xf32, #tpu.memory_space<hbm>>
    %dma_start3A_26 = arith.constant 0 : i32
    %dma_start3A_27 = tpu.memref_slice %arg9[%dma_start3A, %dma_start3A_26] : memref<4x512xf32, #tpu.memory_space<vmem>> -> memref<1x512xf32, #tpu.memory_space<vmem>>
    %dma_start3A_28 = tpu.memref_squeeze %dma_start3A_27 : memref<1x512xf32, #tpu.memory_space<vmem>> -> memref<512xf32, #tpu.memory_space<vmem>>
    %dma_start3A_29 = arith.constant 0 : i32
    %dma_start3A_30 = tpu.memref_slice %arg2[%select_n3A, %dma_start3A_29] : memref<4x512xf32, #tpu.memory_space<hbm>> -> memref<1x512xf32, #tpu.memory_space<hbm>>
    %dma_start3A_31 = tpu.memref_squeeze %dma_start3A_30 : memref<1x512xf32, #tpu.memory_space<hbm>> -> memref<512xf32, #tpu.memory_space<hbm>>
    tpu.enqueue_dma source(%dma_start3A_31 : memref<512xf32, #tpu.memory_space<hbm>>) target(%dma_start3A_28 : memref<512xf32, #tpu.memory_space<vmem>>) target_semaphore(%arg15 : memref<!tpu.dma_semaphore, #tpu.memory_space<semaphore_mem>>)
    %dma_start3A_32 = arith.constant 1 : i32
    %dma_start3A_33 = arith.constant 0 : i32
    %dma_start3A_34 = tpu.memref_slice %arg9[%dma_start3A_32, %dma_start3A_33] : memref<4x512xf32, #tpu.memory_space<vmem>> -> memref<1x512xf32, #tpu.memory_space<vmem>>
    %dma_start3A_35 = tpu.memref_squeeze %dma_start3A_34 : memref<1x512xf32, #tpu.memory_space<vmem>> -> memref<512xf32, #tpu.memory_space<vmem>>
    %dma_start3A_36 = arith.constant 0 : i32
    %dma_start3A_37 = tpu.memref_slice %arg3[%select_n3A, %dma_start3A_36] : memref<4x512xf32, #tpu.memory_space<hbm>> -> memref<1x512xf32, #tpu.memory_space<hbm>>
    %dma_start3A_38 = tpu.memref_squeeze %dma_start3A_37 : memref<1x512xf32, #tpu.memory_space<hbm>> -> memref<512xf32, #tpu.memory_space<hbm>>
    %dma_start3A_39 = arith.constant 0 : i32
    %dma_start3A_40 = tpu.memref_slice %arg9[%dma_start3A_32, %dma_start3A_39] : memref<4x512xf32, #tpu.memory_space<vmem>> -> memref<1x512xf32, #tpu.memory_space<vmem>>
    %dma_start3A_41 = tpu.memref_squeeze %dma_start3A_40 : memref<1x512xf32, #tpu.memory_space<vmem>> -> memref<512xf32, #tpu.memory_space<vmem>>
    %dma_start3A_42 = arith.constant 0 : i32
    %dma_start3A_43 = tpu.memref_slice %arg3[%select_n3A, %dma_start3A_42] : memref<4x512xf32, #tpu.memory_space<hbm>> -> memref<1x512xf32, #tpu.memory_space<hbm>>
    %dma_start3A_44 = tpu.memref_squeeze %dma_start3A_43 : memref<1x512xf32, #tpu.memory_space<hbm>> -> memref<512xf32, #tpu.memory_space<hbm>>
    tpu.enqueue_dma source(%dma_start3A_44 : memref<512xf32, #tpu.memory_space<hbm>>) target(%dma_start3A_41 : memref<512xf32, #tpu.memory_space<vmem>>) target_semaphore(%arg15 : memref<!tpu.dma_semaphore, #tpu.memory_space<semaphore_mem>>)
    %dma_start3A_45 = arith.constant 2 : i32
    %dma_start3A_46 = arith.constant 0 : i32
    %dma_start3A_47 = tpu.memref_slice %arg9[%dma_start3A_45, %dma_start3A_46] : memref<4x512xf32, #tpu.memory_space<vmem>> -> memref<1x512xf32, #tpu.memory_space<vmem>>
    %dma_start3A_48 = tpu.memref_squeeze %dma_start3A_47 : memref<1x512xf32, #tpu.memory_space<vmem>> -> memref<512xf32, #tpu.memory_space<vmem>>
    %dma_start3A_49 = arith.constant 0 : i32
    %dma_start3A_50 = tpu.memref_slice %arg4[%select_n3A, %dma_start3A_49] : memref<4x512xf32, #tpu.memory_space<hbm>> -> memref<1x512xf32, #tpu.memory_space<hbm>>
    %dma_start3A_51 = tpu.memref_squeeze %dma_start3A_50 : memref<1x512xf32, #tpu.memory_space<hbm>> -> memref<512xf32, #tpu.memory_space<hbm>>
    %dma_start3A_52 = arith.constant 0 : i32
    %dma_start3A_53 = tpu.memref_slice %arg9[%dma_start3A_45, %dma_start3A_52] : memref<4x512xf32, #tpu.memory_space<vmem>> -> memref<1x512xf32, #tpu.memory_space<vmem>>
    %dma_start3A_54 = tpu.memref_squeeze %dma_start3A_53 : memref<1x512xf32, #tpu.memory_space<vmem>> -> memref<512xf32, #tpu.memory_space<vmem>>
    %dma_start3A_55 = arith.constant 0 : i32
    %dma_start3A_56 = tpu.memref_slice %arg4[%select_n3A, %dma_start3A_55] : memref<4x512xf32, #tpu.memory_space<hbm>> -> memref<1x512xf32, #tpu.memory_space<hbm>>
    %dma_start3A_57 = tpu.memref_squeeze %dma_start3A_56 : memref<1x512xf32, #tpu.memory_space<hbm>> -> memref<512xf32, #tpu.memory_space<hbm>>
    tpu.enqueue_dma source(%dma_start3A_57 : memref<512xf32, #tpu.memory_space<hbm>>) target(%dma_start3A_54 : memref<512xf32, #tpu.memory_space<vmem>>) target_semaphore(%arg15 : memref<!tpu.dma_semaphore, #tpu.memory_space<semaphore_mem>>)
    %dma_start3A_58 = arith.constant 3 : i32
    %dma_start3A_59 = arith.constant 0 : i32
    %dma_start3A_60 = tpu.memref_slice %arg9[%dma_start3A_58, %dma_start3A_59] : memref<4x512xf32, #tpu.memory_space<vmem>> -> memref<1x512xf32, #tpu.memory_space<vmem>>
    %dma_start3A_61 = tpu.memref_squeeze %dma_start3A_60 : memref<1x512xf32, #tpu.memory_space<vmem>> -> memref<512xf32, #tpu.memory_space<vmem>>
    %dma_start3A_62 = arith.constant 0 : i32
    %dma_start3A_63 = tpu.memref_slice %arg5[%select_n3A, %dma_start3A_62] : memref<4x512xf32, #tpu.memory_space<hbm>> -> memref<1x512xf32, #tpu.memory_space<hbm>>
    %dma_start3A_64 = tpu.memref_squeeze %dma_start3A_63 : memref<1x512xf32, #tpu.memory_space<hbm>> -> memref<512xf32, #tpu.memory_space<hbm>>
    %dma_start3A_65 = arith.constant 0 : i32
    %dma_start3A_66 = tpu.memref_slice %arg9[%dma_start3A_58, %dma_start3A_65] : memref<4x512xf32, #tpu.memory_space<vmem>> -> memref<1x512xf32, #tpu.memory_space<vmem>>
    %dma_start3A_67 = tpu.memref_squeeze %dma_start3A_66 : memref<1x512xf32, #tpu.memory_space<vmem>> -> memref<512xf32, #tpu.memory_space<vmem>>
    %dma_start3A_68 = arith.constant 0 : i32
    %dma_start3A_69 = tpu.memref_slice %arg5[%select_n3A, %dma_start3A_68] : memref<4x512xf32, #tpu.memory_space<hbm>> -> memref<1x512xf32, #tpu.memory_space<hbm>>
    %dma_start3A_70 = tpu.memref_squeeze %dma_start3A_69 : memref<1x512xf32, #tpu.memory_space<hbm>> -> memref<512xf32, #tpu.memory_space<hbm>>
    tpu.enqueue_dma source(%dma_start3A_70 : memref<512xf32, #tpu.memory_space<hbm>>) target(%dma_start3A_67 : memref<512xf32, #tpu.memory_space<vmem>>) target_semaphore(%arg15 : memref<!tpu.dma_semaphore, #tpu.memory_space<semaphore_mem>>)
    %dma_wait3A = arith.constant 0 : i32
    %dma_wait3A_71 = arith.constant 0 : i32
    %dma_wait3A_72 = tpu.memref_slice %arg9[%dma_wait3A, %dma_wait3A_71] : memref<4x512xf32, #tpu.memory_space<vmem>> -> memref<1x512xf32, #tpu.memory_space<vmem>>
    %dma_wait3A_73 = tpu.memref_squeeze %dma_wait3A_72 : memref<1x512xf32, #tpu.memory_space<vmem>> -> memref<512xf32, #tpu.memory_space<vmem>>
    %dma_wait3A_74 = arith.constant 0 : i32
    %dma_wait3A_75 = tpu.memref_slice %arg2[%select_n3A, %dma_wait3A_74] : memref<4x512xf32, #tpu.memory_space<hbm>> -> memref<1x512xf32, #tpu.memory_space<hbm>>
    %dma_wait3A_76 = tpu.memref_squeeze %dma_wait3A_75 : memref<1x512xf32, #tpu.memory_space<hbm>> -> memref<512xf32, #tpu.memory_space<hbm>>
    %dma_wait3A_77 = arith.constant 0 : i32
    %dma_wait3A_78 = tpu.memref_slice %arg9[%dma_wait3A, %dma_wait3A_77] : memref<4x512xf32, #tpu.memory_space<vmem>> -> memref<1x512xf32, #tpu.memory_space<vmem>>
    %dma_wait3A_79 = tpu.memref_squeeze %dma_wait3A_78 : memref<1x512xf32, #tpu.memory_space<vmem>> -> memref<512xf32, #tpu.memory_space<vmem>>
    %dma_wait3A_80 = arith.constant 0 : i32
    %dma_wait3A_81 = tpu.memref_slice %arg2[%select_n3A, %dma_wait3A_80] : memref<4x512xf32, #tpu.memory_space<hbm>> -> memref<1x512xf32, #tpu.memory_space<hbm>>
    %dma_wait3A_82 = tpu.memref_squeeze %dma_wait3A_81 : memref<1x512xf32, #tpu.memory_space<hbm>> -> memref<512xf32, #tpu.memory_space<hbm>>
    tpu.wait_dma2 semaphore(%arg15 : memref<!tpu.dma_semaphore, #tpu.memory_space<semaphore_mem>>) src(%dma_wait3A_82 : memref<512xf32, #tpu.memory_space<hbm>>) dst(%dma_wait3A_79 : memref<512xf32, #tpu.memory_space<vmem>>)
    %dma_wait3A_83 = arith.constant 1 : i32
    %dma_wait3A_84 = arith.constant 0 : i32
    %dma_wait3A_85 = tpu.memref_slice %arg9[%dma_wait3A_83, %dma_wait3A_84] : memref<4x512xf32, #tpu.memory_space<vmem>> -> memref<1x512xf32, #tpu.memory_space<vmem>>
    %dma_wait3A_86 = tpu.memref_squeeze %dma_wait3A_85 : memref<1x512xf32, #tpu.memory_space<vmem>> -> memref<512xf32, #tpu.memory_space<vmem>>
    %dma_wait3A_87 = arith.constant 0 : i32
    %dma_wait3A_88 = tpu.memref_slice %arg3[%select_n3A, %dma_wait3A_87] : memref<4x512xf32, #tpu.memory_space<hbm>> -> memref<1x512xf32, #tpu.memory_space<hbm>>
    %dma_wait3A_89 = tpu.memref_squeeze %dma_wait3A_88 : memref<1x512xf32, #tpu.memory_space<hbm>> -> memref<512xf32, #tpu.memory_space<hbm>>
    %dma_wait3A_90 = arith.constant 0 : i32
    %dma_wait3A_91 = tpu.memref_slice %arg9[%dma_wait3A_83, %dma_wait3A_90] : memref<4x512xf32, #tpu.memory_space<vmem>> -> memref<1x512xf32, #tpu.memory_space<vmem>>
    %dma_wait3A_92 = tpu.memref_squeeze %dma_wait3A_91 : memref<1x512xf32, #tpu.memory_space<vmem>> -> memref<512xf32, #tpu.memory_space<vmem>>
    %dma_wait3A_93 = arith.constant 0 : i32
    %dma_wait3A_94 = tpu.memref_slice %arg3[%select_n3A, %dma_wait3A_93] : memref<4x512xf32, #tpu.memory_space<hbm>> -> memref<1x512xf32, #tpu.memory_space<hbm>>
    %dma_wait3A_95 = tpu.memref_squeeze %dma_wait3A_94 : memref<1x512xf32, #tpu.memory_space<hbm>> -> memref<512xf32, #tpu.memory_space<hbm>>
    tpu.wait_dma2 semaphore(%arg15 : memref<!tpu.dma_semaphore, #tpu.memory_space<semaphore_mem>>) src(%dma_wait3A_95 : memref<512xf32, #tpu.memory_space<hbm>>) dst(%dma_wait3A_92 : memref<512xf32, #tpu.memory_space<vmem>>)
    %dma_wait3A_96 = arith.constant 2 : i32
    %dma_wait3A_97 = arith.constant 0 : i32
    %dma_wait3A_98 = tpu.memref_slice %arg9[%dma_wait3A_96, %dma_wait3A_97] : memref<4x512xf32, #tpu.memory_space<vmem>> -> memref<1x512xf32, #tpu.memory_space<vmem>>
    %dma_wait3A_99 = tpu.memref_squeeze %dma_wait3A_98 : memref<1x512xf32, #tpu.memory_space<vmem>> -> memref<512xf32, #tpu.memory_space<vmem>>
    %dma_wait3A_100 = arith.constant 0 : i32
    %dma_wait3A_101 = tpu.memref_slice %arg4[%select_n3A, %dma_wait3A_100] : memref<4x512xf32, #tpu.memory_space<hbm>> -> memref<1x512xf32, #tpu.memory_space<hbm>>
    %dma_wait3A_102 = tpu.memref_squeeze %dma_wait3A_101 : memref<1x512xf32, #tpu.memory_space<hbm>> -> memref<512xf32, #tpu.memory_space<hbm>>
    %dma_wait3A_103 = arith.constant 0 : i32
    %dma_wait3A_104 = tpu.memref_slice %arg9[%dma_wait3A_96, %dma_wait3A_103] : memref<4x512xf32, #tpu.memory_space<vmem>> -> memref<1x512xf32, #tpu.memory_space<vmem>>
    %dma_wait3A_105 = tpu.memref_squeeze %dma_wait3A_104 : memref<1x512xf32, #tpu.memory_space<vmem>> -> memref<512xf32, #tpu.memory_space<vmem>>
    %dma_wait3A_106 = arith.constant 0 : i32
    %dma_wait3A_107 = tpu.memref_slice %arg4[%select_n3A, %dma_wait3A_106] : memref<4x512xf32, #tpu.memory_space<hbm>> -> memref<1x512xf32, #tpu.memory_space<hbm>>
    %dma_wait3A_108 = tpu.memref_squeeze %dma_wait3A_107 : memref<1x512xf32, #tpu.memory_space<hbm>> -> memref<512xf32, #tpu.memory_space<hbm>>
    tpu.wait_dma2 semaphore(%arg15 : memref<!tpu.dma_semaphore, #tpu.memory_space<semaphore_mem>>) src(%dma_wait3A_108 : memref<512xf32, #tpu.memory_space<hbm>>) dst(%dma_wait3A_105 : memref<512xf32, #tpu.memory_space<vmem>>)
    %dma_wait3A_109 = arith.constant 3 : i32
    %dma_wait3A_110 = arith.constant 0 : i32
    %dma_wait3A_111 = tpu.memref_slice %arg9[%dma_wait3A_109, %dma_wait3A_110] : memref<4x512xf32, #tpu.memory_space<vmem>> -> memref<1x512xf32, #tpu.memory_space<vmem>>
    %dma_wait3A_112 = tpu.memref_squeeze %dma_wait3A_111 : memref<1x512xf32, #tpu.memory_space<vmem>> -> memref<512xf32, #tpu.memory_space<vmem>>
    %dma_wait3A_113 = arith.constant 0 : i32
    %dma_wait3A_114 = tpu.memref_slice %arg5[%select_n3A, %dma_wait3A_113] : memref<4x512xf32, #tpu.memory_space<hbm>> -> memref<1x512xf32, #tpu.memory_space<hbm>>
    %dma_wait3A_115 = tpu.memref_squeeze %dma_wait3A_114 : memref<1x512xf32, #tpu.memory_space<hbm>> -> memref<512xf32, #tpu.memory_space<hbm>>
    %dma_wait3A_116 = arith.constant 0 : i32
    %dma_wait3A_117 = tpu.memref_slice %arg9[%dma_wait3A_109, %dma_wait3A_116] : memref<4x512xf32, #tpu.memory_space<vmem>> -> memref<1x512xf32, #tpu.memory_space<vmem>>
    %dma_wait3A_118 = tpu.memref_squeeze %dma_wait3A_117 : memref<1x512xf32, #tpu.memory_space<vmem>> -> memref<512xf32, #tpu.memory_space<vmem>>
    %dma_wait3A_119 = arith.constant 0 : i32
    %dma_wait3A_120 = tpu.memref_slice %arg5[%select_n3A, %dma_wait3A_119] : memref<4x512xf32, #tpu.memory_space<hbm>> -> memref<1x512xf32, #tpu.memory_space<hbm>>
    %dma_wait3A_121 = tpu.memref_squeeze %dma_wait3A_120 : memref<1x512xf32, #tpu.memory_space<hbm>> -> memref<512xf32, #tpu.memory_space<hbm>>
    tpu.wait_dma2 semaphore(%arg15 : memref<!tpu.dma_semaphore, #tpu.memory_space<semaphore_mem>>) src(%dma_wait3A_121 : memref<512xf32, #tpu.memory_space<hbm>>) dst(%dma_wait3A_118 : memref<512xf32, #tpu.memory_space<vmem>>)
    %get3A = arith.constant 0 : i32
    "tpu.trace_stop"() : () -> ()
    "tpu.trace_start"() <{level = 10 : i32, message = "sc_max"}> : () -> ()
    %get3A_122 = arith.index_cast %get3A : i32 to index
    %get3A_123 = arith.constant 0 : index
    %get3A_124 = tpu.vector_load %arg9[%get3A_122, %get3A_123] {strides = array<i32>} : memref<4x512xf32, #tpu.memory_space<vmem>>, vector<16xf32>,
    %scan3A = arith.constant 1 : i32
    %scan3A_125 = arith.constant 31 : i32
    %scan3A_126 = arith.addi %scan3A, %scan3A_125 : i32
    %scan3A_127 = arith.constant 1 : i32
    %scan3A_128 = scf.for %scan3A_258 = %scan3A to %scan3A_126 step %scan3A_127 iter_args(%scan3A_259 = %get3A_124) -> (vector<16xf32>)  : i32 {
      %mul3A_260 = arith.constant 16 : i32
      %mul3A_261 = arith.muli %scan3A_258, %mul3A_260 : i32
      %get3A_262 = arith.constant 0 : i32
      %get3A_263 = arith.index_cast %get3A_262 : i32 to index
      %get3A_264 = arith.index_cast %mul3A_261 : i32 to index
      %get3A_265 = tpu.vector_load %arg9[%get3A_263, %get3A_264] {strides = array<i32>} : memref<4x512xf32, #tpu.memory_space<vmem>>, vector<16xf32>,
      %max3A = arith.maximumf %scan3A_259, %get3A_265 : vector<16xf32>
      scf.yield %max3A : vector<16xf32>
    }
    %scan3A_129 = arith.constant 31 : i32
    %scan3A_130 = arith.constant 0 : i32
    %scan3A_131 = arith.constant 32 : i32
    %scan3A_132 = arith.addi %scan3A_130, %scan3A_131 : i32
    %scan3A_133 = arith.constant 1 : i32
    %scan3A_134 = scf.for %scan3A_258 = %scan3A_130 to %scan3A_132 step %scan3A_133 iter_args(%scan3A_259 = %scan3A_128) -> (vector<16xf32>)  : i32 {
      %mul3A_260 = arith.constant 16 : i32
      %mul3A_261 = arith.muli %scan3A_258, %mul3A_260 : i32
      %get3A_262 = arith.constant 1 : i32
      %get3A_263 = arith.index_cast %get3A_262 : i32 to index
      %get3A_264 = arith.index_cast %mul3A_261 : i32 to index
      %get3A_265 = tpu.vector_load %arg9[%get3A_263, %get3A_264] {strides = array<i32>} : memref<4x512xf32, #tpu.memory_space<vmem>>, vector<16xf32>,
      %max3A = arith.maximumf %scan3A_259, %get3A_265 : vector<16xf32>
      scf.yield %max3A : vector<16xf32>
    }
    %scan3A_135 = arith.constant 32 : i32
    %scan3A_136 = arith.constant 0 : i32
    %scan3A_137 = arith.constant 32 : i32
    %scan3A_138 = arith.addi %scan3A_136, %scan3A_137 : i32
    %scan3A_139 = arith.constant 1 : i32
    %scan3A_140 = scf.for %scan3A_258 = %scan3A_136 to %scan3A_138 step %scan3A_139 iter_args(%scan3A_259 = %scan3A_134) -> (vector<16xf32>)  : i32 {
      %mul3A_260 = arith.constant 16 : i32
      %mul3A_261 = arith.muli %scan3A_258, %mul3A_260 : i32
      %get3A_262 = arith.constant 2 : i32
      %get3A_263 = arith.index_cast %get3A_262 : i32 to index
      %get3A_264 = arith.index_cast %mul3A_261 : i32 to index
      %get3A_265 = tpu.vector_load %arg9[%get3A_263, %get3A_264] {strides = array<i32>} : memref<4x512xf32, #tpu.memory_space<vmem>>, vector<16xf32>,
      %max3A = arith.maximumf %scan3A_259, %get3A_265 : vector<16xf32>
      scf.yield %max3A : vector<16xf32>
    }
    %scan3A_141 = arith.constant 32 : i32
    %scan3A_142 = arith.constant 0 : i32
    %scan3A_143 = arith.constant 32 : i32
    %scan3A_144 = arith.addi %scan3A_142, %scan3A_143 : i32
    %scan3A_145 = arith.constant 1 : i32
    %scan3A_146 = scf.for %scan3A_258 = %scan3A_142 to %scan3A_144 step %scan3A_145 iter_args(%scan3A_259 = %scan3A_140) -> (vector<16xf32>)  : i32 {
      %mul3A_260 = arith.constant 16 : i32
      %mul3A_261 = arith.muli %scan3A_258, %mul3A_260 : i32
      %get3A_262 = arith.constant 3 : i32
      %get3A_263 = arith.index_cast %get3A_262 : i32 to index
      %get3A_264 = arith.index_cast %mul3A_261 : i32 to index
      %get3A_265 = tpu.vector_load %arg9[%get3A_263, %get3A_264] {strides = array<i32>} : memref<4x512xf32, #tpu.memory_space<vmem>>, vector<16xf32>,
      %max3A = arith.maximumf %scan3A_259, %get3A_265 : vector<16xf32>
      scf.yield %max3A : vector<16xf32>
    }
    %scan3A_147 = arith.constant 32 : i32
    %reduce_max3A = arith.constant true
    %reduce_max3A_148 = vector.broadcast %reduce_max3A : i1 to vector<16xi1>
    %reduce_max3A_149 = tpu.scan <max>, %scan3A_146 masked %reduce_max3A_148 : vector<16xf32>, vector<16xi1> -> vector<16xf32>
    %reduce_max3A_150 = vector.extract %reduce_max3A_149[15] : f32 from vector<16xf32>
    "tpu.trace_stop"() : () -> ()
    "tpu.trace_start"() <{level = 10 : i32, message = "sc_bisect"}> : () -> ()
    %sub3A_151 = arith.constant 1.000000e+00 : f32
    %sub3A_152 = arith.subf %reduce_max3A_150, %sub3A_151 : f32
    %scan3A_153 = arith.constant 0 : i32
    %scan3A_154 = arith.constant 22 : i32
    %scan3A_155 = arith.addi %scan3A_153, %scan3A_154 : i32
    %scan3A_156 = arith.constant 1 : i32
    %scan3A_157:2 = scf.for %scan3A_258 = %scan3A_153 to %scan3A_155 step %scan3A_156 iter_args(%scan3A_259 = %sub3A_152, %scan3A_260 = %reduce_max3A_150) -> (f32, f32)  : i32 {
      %add3A_261 = arith.addf %scan3A_259, %scan3A_260 : f32
      %mul3A_262 = arith.constant 5.000000e-01 : f32
      %mul3A_263 = arith.mulf %mul3A_262, %add3A_261 : f32
      %scan3A_264 = arith.constant 0 : i32
      %scan3A_265 = arith.constant 4 : i32
      %scan3A_266 = arith.addi %scan3A_264, %scan3A_265 : i32
      %scan3A_267 = arith.constant 1 : i32
      %scan3A_268:8 = scf.for %scan3A_301 = %scan3A_264 to %scan3A_266 step %scan3A_267 iter_args(%scan3A_302 = %broadcast_in_dim3A_19, %scan3A_303 = %broadcast_in_dim3A_19, %scan3A_304 = %broadcast_in_dim3A_19, %scan3A_305 = %broadcast_in_dim3A_19, %scan3A_306 = %broadcast_in_dim3A_19, %scan3A_307 = %broadcast_in_dim3A_19, %scan3A_308 = %broadcast_in_dim3A_19, %scan3A_309 = %broadcast_in_dim3A_19) -> (vector<16xf32>, vector<16xf32>, vector<16xf32>, vector<16xf32>, vector<16xf32>, vector<16xf32>, vector<16xf32>, vector<16xf32>)  : i32 {
        %mul3A_310 = arith.constant 128 : i32
        %mul3A_311 = arith.muli %scan3A_301, %mul3A_310 : i32
        %add3A_312 = arith.constant 0 : i32
        %add3A_313 = arith.addi %mul3A_311, %add3A_312 : i32
        %get3A_314 = arith.constant 0 : i32
        %get3A_315 = arith.index_cast %get3A_314 : i32 to index
        %get3A_316 = arith.index_cast %add3A_313 : i32 to index
        %get3A_317 = tpu.vector_load %arg9[%get3A_315, %get3A_316] {strides = array<i32>} : memref<4x512xf32, #tpu.memory_space<vmem>>, vector<16xf32>,
        %sub3A_318 = vector.broadcast %mul3A_263 : f32 to vector<16xf32>
        %sub3A_319 = arith.subf %get3A_317, %sub3A_318 : vector<16xf32>
        %max3A = arith.constant 0.000000e+00 : f32
        %max3A_320 = vector.broadcast %max3A : f32 to vector<16xf32>
        %max3A_321 = arith.maximumf %sub3A_319, %max3A_320 : vector<16xf32>
        %add3A_322 = arith.addf %scan3A_302, %max3A_321 : vector<16xf32>
        %mul3A_323 = arith.constant 128 : i32
        %mul3A_324 = arith.muli %scan3A_301, %mul3A_323 : i32
        %add3A_325 = arith.constant 16 : i32
        %add3A_326 = arith.addi %mul3A_324, %add3A_325 : i32
        %get3A_327 = arith.constant 0 : i32
        %get3A_328 = arith.index_cast %get3A_327 : i32 to index
        %get3A_329 = arith.index_cast %add3A_326 : i32 to index
        %get3A_330 = tpu.vector_load %arg9[%get3A_328, %get3A_329] {strides = array<i32>} : memref<4x512xf32, #tpu.memory_space<vmem>>, vector<16xf32>,
        %sub3A_331 = vector.broadcast %mul3A_263 : f32 to vector<16xf32>
        %sub3A_332 = arith.subf %get3A_330, %sub3A_331 : vector<16xf32>
        %max3A_333 = arith.constant 0.000000e+00 : f32
        %max3A_334 = vector.broadcast %max3A_333 : f32 to vector<16xf32>
        %max3A_335 = arith.maximumf %sub3A_332, %max3A_334 : vector<16xf32>
        %add3A_336 = arith.addf %scan3A_303, %max3A_335 : vector<16xf32>
        %mul3A_337 = arith.constant 128 : i32
        %mul3A_338 = arith.muli %scan3A_301, %mul3A_337 : i32
        %add3A_339 = arith.constant 32 : i32
        %add3A_340 = arith.addi %mul3A_338, %add3A_339 : i32
        %get3A_341 = arith.constant 0 : i32
        %get3A_342 = arith.index_cast %get3A_341 : i32 to index
        %get3A_343 = arith.index_cast %add3A_340 : i32 to index
        %get3A_344 = tpu.vector_load %arg9[%get3A_342, %get3A_343] {strides = array<i32>} : memref<4x512xf32, #tpu.memory_space<vmem>>, vector<16xf32>,
        %sub3A_345 = vector.broadcast %mul3A_263 : f32 to vector<16xf32>
        %sub3A_346 = arith.subf %get3A_344, %sub3A_345 : vector<16xf32>
        %max3A_347 = arith.constant 0.000000e+00 : f32
        %max3A_348 = vector.broadcast %max3A_347 : f32 to vector<16xf32>
        %max3A_349 = arith.maximumf %sub3A_346, %max3A_348 : vector<16xf32>
        %add3A_350 = arith.addf %scan3A_304, %max3A_349 : vector<16xf32>
        %mul3A_351 = arith.constant 128 : i32
        %mul3A_352 = arith.muli %scan3A_301, %mul3A_351 : i32
        %add3A_353 = arith.constant 48 : i32
        %add3A_354 = arith.addi %mul3A_352, %add3A_353 : i32
        %get3A_355 = arith.constant 0 : i32
        %get3A_356 = arith.index_cast %get3A_355 : i32 to index
        %get3A_357 = arith.index_cast %add3A_354 : i32 to index
        %get3A_358 = tpu.vector_load %arg9[%get3A_356, %get3A_357] {strides = array<i32>} : memref<4x512xf32, #tpu.memory_space<vmem>>, vector<16xf32>,
        %sub3A_359 = vector.broadcast %mul3A_263 : f32 to vector<16xf32>
        %sub3A_360 = arith.subf %get3A_358, %sub3A_359 : vector<16xf32>
        %max3A_361 = arith.constant 0.000000e+00 : f32
        %max3A_362 = vector.broadcast %max3A_361 : f32 to vector<16xf32>
        %max3A_363 = arith.maximumf %sub3A_360, %max3A_362 : vector<16xf32>
        %add3A_364 = arith.addf %scan3A_305, %max3A_363 : vector<16xf32>
        %mul3A_365 = arith.constant 128 : i32
        %mul3A_366 = arith.muli %scan3A_301, %mul3A_365 : i32
        %add3A_367 = arith.constant 64 : i32
        %add3A_368 = arith.addi %mul3A_366, %add3A_367 : i32
        %get3A_369 = arith.constant 0 : i32
        %get3A_370 = arith.index_cast %get3A_369 : i32 to index
        %get3A_371 = arith.index_cast %add3A_368 : i32 to index
        %get3A_372 = tpu.vector_load %arg9[%get3A_370, %get3A_371] {strides = array<i32>} : memref<4x512xf32, #tpu.memory_space<vmem>>, vector<16xf32>,
        %sub3A_373 = vector.broadcast %mul3A_263 : f32 to vector<16xf32>
        %sub3A_374 = arith.subf %get3A_372, %sub3A_373 : vector<16xf32>
        %max3A_375 = arith.constant 0.000000e+00 : f32
        %max3A_376 = vector.broadcast %max3A_375 : f32 to vector<16xf32>
        %max3A_377 = arith.maximumf %sub3A_374, %max3A_376 : vector<16xf32>
        %add3A_378 = arith.addf %scan3A_306, %max3A_377 : vector<16xf32>
        %mul3A_379 = arith.constant 128 : i32
        %mul3A_380 = arith.muli %scan3A_301, %mul3A_379 : i32
        %add3A_381 = arith.constant 80 : i32
        %add3A_382 = arith.addi %mul3A_380, %add3A_381 : i32
        %get3A_383 = arith.constant 0 : i32
        %get3A_384 = arith.index_cast %get3A_383 : i32 to index
        %get3A_385 = arith.index_cast %add3A_382 : i32 to index
        %get3A_386 = tpu.vector_load %arg9[%get3A_384, %get3A_385] {strides = array<i32>} : memref<4x512xf32, #tpu.memory_space<vmem>>, vector<16xf32>,
        %sub3A_387 = vector.broadcast %mul3A_263 : f32 to vector<16xf32>
        %sub3A_388 = arith.subf %get3A_386, %sub3A_387 : vector<16xf32>
        %max3A_389 = arith.constant 0.000000e+00 : f32
        %max3A_390 = vector.broadcast %max3A_389 : f32 to vector<16xf32>
        %max3A_391 = arith.maximumf %sub3A_388, %max3A_390 : vector<16xf32>
        %add3A_392 = arith.addf %scan3A_307, %max3A_391 : vector<16xf32>
        %mul3A_393 = arith.constant 128 : i32
        %mul3A_394 = arith.muli %scan3A_301, %mul3A_393 : i32
        %add3A_395 = arith.constant 96 : i32
        %add3A_396 = arith.addi %mul3A_394, %add3A_395 : i32
        %get3A_397 = arith.constant 0 : i32
        %get3A_398 = arith.index_cast %get3A_397 : i32 to index
        %get3A_399 = arith.index_cast %add3A_396 : i32 to index
        %get3A_400 = tpu.vector_load %arg9[%get3A_398, %get3A_399] {strides = array<i32>} : memref<4x512xf32, #tpu.memory_space<vmem>>, vector<16xf32>,
        %sub3A_401 = vector.broadcast %mul3A_263 : f32 to vector<16xf32>
        %sub3A_402 = arith.subf %get3A_400, %sub3A_401 : vector<16xf32>
        %max3A_403 = arith.constant 0.000000e+00 : f32
        %max3A_404 = vector.broadcast %max3A_403 : f32 to vector<16xf32>
        %max3A_405 = arith.maximumf %sub3A_402, %max3A_404 : vector<16xf32>
        %add3A_406 = arith.addf %scan3A_308, %max3A_405 : vector<16xf32>
        %mul3A_407 = arith.constant 128 : i32
        %mul3A_408 = arith.muli %scan3A_301, %mul3A_407 : i32
        %add3A_409 = arith.constant 112 : i32
        %add3A_410 = arith.addi %mul3A_408, %add3A_409 : i32
        %get3A_411 = arith.constant 0 : i32
        %get3A_412 = arith.index_cast %get3A_411 : i32 to index
        %get3A_413 = arith.index_cast %add3A_410 : i32 to index
        %get3A_414 = tpu.vector_load %arg9[%get3A_412, %get3A_413] {strides = array<i32>} : memref<4x512xf32, #tpu.memory_space<vmem>>, vector<16xf32>,
        %sub3A_415 = vector.broadcast %mul3A_263 : f32 to vector<16xf32>
        %sub3A_416 = arith.subf %get3A_414, %sub3A_415 : vector<16xf32>
        %max3A_417 = arith.constant 0.000000e+00 : f32
        %max3A_418 = vector.broadcast %max3A_417 : f32 to vector<16xf32>
        %max3A_419 = arith.maximumf %sub3A_416, %max3A_418 : vector<16xf32>
        %add3A_420 = arith.addf %scan3A_309, %max3A_419 : vector<16xf32>
        scf.yield %add3A_322, %add3A_336, %add3A_350, %add3A_364, %add3A_378, %add3A_392, %add3A_406, %add3A_420 : vector<16xf32>, vector<16xf32>, vector<16xf32>, vector<16xf32>, vector<16xf32>, vector<16xf32>, vector<16xf32>, vector<16xf32>
      }
      %scan3A_269 = arith.constant 4 : i32
      %scan3A_270 = arith.constant 0 : i32
      %scan3A_271 = arith.constant 4 : i32
      %scan3A_272 = arith.addi %scan3A_270, %scan3A_271 : i32
      %scan3A_273 = arith.constant 1 : i32
      %scan3A_274:8 = scf.for %scan3A_301 = %scan3A_270 to %scan3A_272 step %scan3A_273 iter_args(%scan3A_302 = %scan3A_268#0, %scan3A_303 = %scan3A_268#1, %scan3A_304 = %scan3A_268#2, %scan3A_305 = %scan3A_268#3, %scan3A_306 = %scan3A_268#4, %scan3A_307 = %scan3A_268#5, %scan3A_308 = %scan3A_268#6, %scan3A_309 = %scan3A_268#7) -> (vector<16xf32>, vector<16xf32>, vector<16xf32>, vector<16xf32>, vector<16xf32>, vector<16xf32>, vector<16xf32>, vector<16xf32>)  : i32 {
        %mul3A_310 = arith.constant 128 : i32
        %mul3A_311 = arith.muli %scan3A_301, %mul3A_310 : i32
        %add3A_312 = arith.constant 0 : i32
        %add3A_313 = arith.addi %mul3A_311, %add3A_312 : i32
        %get3A_314 = arith.constant 1 : i32
        %get3A_315 = arith.index_cast %get3A_314 : i32 to index
        %get3A_316 = arith.index_cast %add3A_313 : i32 to index
        %get3A_317 = tpu.vector_load %arg9[%get3A_315, %get3A_316] {strides = array<i32>} : memref<4x512xf32, #tpu.memory_space<vmem>>, vector<16xf32>,
        %sub3A_318 = vector.broadcast %mul3A_263 : f32 to vector<16xf32>
        %sub3A_319 = arith.subf %get3A_317, %sub3A_318 : vector<16xf32>
        %max3A = arith.constant 0.000000e+00 : f32
        %max3A_320 = vector.broadcast %max3A : f32 to vector<16xf32>
        %max3A_321 = arith.maximumf %sub3A_319, %max3A_320 : vector<16xf32>
        %add3A_322 = arith.addf %scan3A_302, %max3A_321 : vector<16xf32>
        %mul3A_323 = arith.constant 128 : i32
        %mul3A_324 = arith.muli %scan3A_301, %mul3A_323 : i32
        %add3A_325 = arith.constant 16 : i32
        %add3A_326 = arith.addi %mul3A_324, %add3A_325 : i32
        %get3A_327 = arith.constant 1 : i32
        %get3A_328 = arith.index_cast %get3A_327 : i32 to index
        %get3A_329 = arith.index_cast %add3A_326 : i32 to index
        %get3A_330 = tpu.vector_load %arg9[%get3A_328, %get3A_329] {strides = array<i32>} : memref<4x512xf32, #tpu.memory_space<vmem>>, vector<16xf32>,
        %sub3A_331 = vector.broadcast %mul3A_263 : f32 to vector<16xf32>
        %sub3A_332 = arith.subf %get3A_330, %sub3A_331 : vector<16xf32>
        %max3A_333 = arith.constant 0.000000e+00 : f32
        %max3A_334 = vector.broadcast %max3A_333 : f32 to vector<16xf32>
        %max3A_335 = arith.maximumf %sub3A_332, %max3A_334 : vector<16xf32>
        %add3A_336 = arith.addf %scan3A_303, %max3A_335 : vector<16xf32>
        %mul3A_337 = arith.constant 128 : i32
        %mul3A_338 = arith.muli %scan3A_301, %mul3A_337 : i32
        %add3A_339 = arith.constant 32 : i32
        %add3A_340 = arith.addi %mul3A_338, %add3A_339 : i32
        %get3A_341 = arith.constant 1 : i32
        %get3A_342 = arith.index_cast %get3A_341 : i32 to index
        %get3A_343 = arith.index_cast %add3A_340 : i32 to index
        %get3A_344 = tpu.vector_load %arg9[%get3A_342, %get3A_343] {strides = array<i32>} : memref<4x512xf32, #tpu.memory_space<vmem>>, vector<16xf32>,
        %sub3A_345 = vector.broadcast %mul3A_263 : f32 to vector<16xf32>
        %sub3A_346 = arith.subf %get3A_344, %sub3A_345 : vector<16xf32>
        %max3A_347 = arith.constant 0.000000e+00 : f32
        %max3A_348 = vector.broadcast %max3A_347 : f32 to vector<16xf32>
        %max3A_349 = arith.maximumf %sub3A_346, %max3A_348 : vector<16xf32>
        %add3A_350 = arith.addf %scan3A_304, %max3A_349 : vector<16xf32>
        %mul3A_351 = arith.constant 128 : i32
        %mul3A_352 = arith.muli %scan3A_301, %mul3A_351 : i32
        %add3A_353 = arith.constant 48 : i32
        %add3A_354 = arith.addi %mul3A_352, %add3A_353 : i32
        %get3A_355 = arith.constant 1 : i32
        %get3A_356 = arith.index_cast %get3A_355 : i32 to index
        %get3A_357 = arith.index_cast %add3A_354 : i32 to index
        %get3A_358 = tpu.vector_load %arg9[%get3A_356, %get3A_357] {strides = array<i32>} : memref<4x512xf32, #tpu.memory_space<vmem>>, vector<16xf32>,
        %sub3A_359 = vector.broadcast %mul3A_263 : f32 to vector<16xf32>
        %sub3A_360 = arith.subf %get3A_358, %sub3A_359 : vector<16xf32>
        %max3A_361 = arith.constant 0.000000e+00 : f32
        %max3A_362 = vector.broadcast %max3A_361 : f32 to vector<16xf32>
        %max3A_363 = arith.maximumf %sub3A_360, %max3A_362 : vector<16xf32>
        %add3A_364 = arith.addf %scan3A_305, %max3A_363 : vector<16xf32>
        %mul3A_365 = arith.constant 128 : i32
        %mul3A_366 = arith.muli %scan3A_301, %mul3A_365 : i32
        %add3A_367 = arith.constant 64 : i32
        %add3A_368 = arith.addi %mul3A_366, %add3A_367 : i32
        %get3A_369 = arith.constant 1 : i32
        %get3A_370 = arith.index_cast %get3A_369 : i32 to index
        %get3A_371 = arith.index_cast %add3A_368 : i32 to index
        %get3A_372 = tpu.vector_load %arg9[%get3A_370, %get3A_371] {strides = array<i32>} : memref<4x512xf32, #tpu.memory_space<vmem>>, vector<16xf32>,
        %sub3A_373 = vector.broadcast %mul3A_263 : f32 to vector<16xf32>
        %sub3A_374 = arith.subf %get3A_372, %sub3A_373 : vector<16xf32>
        %max3A_375 = arith.constant 0.000000e+00 : f32
        %max3A_376 = vector.broadcast %max3A_375 : f32 to vector<16xf32>
        %max3A_377 = arith.maximumf %sub3A_374, %max3A_376 : vector<16xf32>
        %add3A_378 = arith.addf %scan3A_306, %max3A_377 : vector<16xf32>
        %mul3A_379 = arith.constant 128 : i32
        %mul3A_380 = arith.muli %scan3A_301, %mul3A_379 : i32
        %add3A_381 = arith.constant 80 : i32
        %add3A_382 = arith.addi %mul3A_380, %add3A_381 : i32
        %get3A_383 = arith.constant 1 : i32
        %get3A_384 = arith.index_cast %get3A_383 : i32 to index
        %get3A_385 = arith.index_cast %add3A_382 : i32 to index
        %get3A_386 = tpu.vector_load %arg9[%get3A_384, %get3A_385] {strides = array<i32>} : memref<4x512xf32, #tpu.memory_space<vmem>>, vector<16xf32>,
        %sub3A_387 = vector.broadcast %mul3A_263 : f32 to vector<16xf32>
        %sub3A_388 = arith.subf %get3A_386, %sub3A_387 : vector<16xf32>
        %max3A_389 = arith.constant 0.000000e+00 : f32
        %max3A_390 = vector.broadcast %max3A_389 : f32 to vector<16xf32>
        %max3A_391 = arith.maximumf %sub3A_388, %max3A_390 : vector<16xf32>
        %add3A_392 = arith.addf %scan3A_307, %max3A_391 : vector<16xf32>
        %mul3A_393 = arith.constant 128 : i32
        %mul3A_394 = arith.muli %scan3A_301, %mul3A_393 : i32
        %add3A_395 = arith.constant 96 : i32
        %add3A_396 = arith.addi %mul3A_394, %add3A_395 : i32
        %get3A_397 = arith.constant 1 : i32
        %get3A_398 = arith.index_cast %get3A_397 : i32 to index
        %get3A_399 = arith.index_cast %add3A_396 : i32 to index
        %get3A_400 = tpu.vector_load %arg9[%get3A_398, %get3A_399] {strides = array<i32>} : memref<4x512xf32, #tpu.memory_space<vmem>>, vector<16xf32>,
        %sub3A_401 = vector.broadcast %mul3A_263 : f32 to vector<16xf32>
        %sub3A_402 = arith.subf %get3A_400, %sub3A_401 : vector<16xf32>
        %max3A_403 = arith.constant 0.000000e+00 : f32
        %max3A_404 = vector.broadcast %max3A_403 : f32 to vector<16xf32>
        %max3A_405 = arith.maximumf %sub3A_402, %max3A_404 : vector<16xf32>
        %add3A_406 = arith.addf %scan3A_308, %max3A_405 : vector<16xf32>
        %mul3A_407 = arith.constant 128 : i32
        %mul3A_408 = arith.muli %scan3A_301, %mul3A_407 : i32
        %add3A_409 = arith.constant 112 : i32
        %add3A_410 = arith.addi %mul3A_408, %add3A_409 : i32
        %get3A_411 = arith.constant 1 : i32
        %get3A_412 = arith.index_cast %get3A_411 : i32 to index
        %get3A_413 = arith.index_cast %add3A_410 : i32 to index
        %get3A_414 = tpu.vector_load %arg9[%get3A_412, %get3A_413] {strides = array<i32>} : memref<4x512xf32, #tpu.memory_space<vmem>>, vector<16xf32>,
        %sub3A_415 = vector.broadcast %mul3A_263 : f32 to vector<16xf32>
        %sub3A_416 = arith.subf %get3A_414, %sub3A_415 : vector<16xf32>
        %max3A_417 = arith.constant 0.000000e+00 : f32
        %max3A_418 = vector.broadcast %max3A_417 : f32 to vector<16xf32>
        %max3A_419 = arith.maximumf %sub3A_416, %max3A_418 : vector<16xf32>
        %add3A_420 = arith.addf %scan3A_309, %max3A_419 : vector<16xf32>
        scf.yield %add3A_322, %add3A_336, %add3A_350, %add3A_364, %add3A_378, %add3A_392, %add3A_406, %add3A_420 : vector<16xf32>, vector<16xf32>, vector<16xf32>, vector<16xf32>, vector<16xf32>, vector<16xf32>, vector<16xf32>, vector<16xf32>
      }
      %scan3A_275 = arith.constant 4 : i32
      %scan3A_276 = arith.constant 0 : i32
      %scan3A_277 = arith.constant 4 : i32
      %scan3A_278 = arith.addi %scan3A_276, %scan3A_277 : i32
      %scan3A_279 = arith.constant 1 : i32
      %scan3A_280:8 = scf.for %scan3A_301 = %scan3A_276 to %scan3A_278 step %scan3A_279 iter_args(%scan3A_302 = %scan3A_274#0, %scan3A_303 = %scan3A_274#1, %scan3A_304 = %scan3A_274#2, %scan3A_305 = %scan3A_274#3, %scan3A_306 = %scan3A_274#4, %scan3A_307 = %scan3A_274#5, %scan3A_308 = %scan3A_274#6, %scan3A_309 = %scan3A_274#7) -> (vector<16xf32>, vector<16xf32>, vector<16xf32>, vector<16xf32>, vector<16xf32>, vector<16xf32>, vector<16xf32>, vector<16xf32>)  : i32 {
        %mul3A_310 = arith.constant 128 : i32
        %mul3A_311 = arith.muli %scan3A_301, %mul3A_310 : i32
        %add3A_312 = arith.constant 0 : i32
        %add3A_313 = arith.addi %mul3A_311, %add3A_312 : i32
        %get3A_314 = arith.constant 2 : i32
        %get3A_315 = arith.index_cast %get3A_314 : i32 to index
        %get3A_316 = arith.index_cast %add3A_313 : i32 to index
        %get3A_317 = tpu.vector_load %arg9[%get3A_315, %get3A_316] {strides = array<i32>} : memref<4x512xf32, #tpu.memory_space<vmem>>, vector<16xf32>,
        %sub3A_318 = vector.broadcast %mul3A_263 : f32 to vector<16xf32>
        %sub3A_319 = arith.subf %get3A_317, %sub3A_318 : vector<16xf32>
        %max3A = arith.constant 0.000000e+00 : f32
        %max3A_320 = vector.broadcast %max3A : f32 to vector<16xf32>
        %max3A_321 = arith.maximumf %sub3A_319, %max3A_320 : vector<16xf32>
        %add3A_322 = arith.addf %scan3A_302, %max3A_321 : vector<16xf32>
        %mul3A_323 = arith.constant 128 : i32
        %mul3A_324 = arith.muli %scan3A_301, %mul3A_323 : i32
        %add3A_325 = arith.constant 16 : i32
        %add3A_326 = arith.addi %mul3A_324, %add3A_325 : i32
        %get3A_327 = arith.constant 2 : i32
        %get3A_328 = arith.index_cast %get3A_327 : i32 to index
        %get3A_329 = arith.index_cast %add3A_326 : i32 to index
        %get3A_330 = tpu.vector_load %arg9[%get3A_328, %get3A_329] {strides = array<i32>} : memref<4x512xf32, #tpu.memory_space<vmem>>, vector<16xf32>,
        %sub3A_331 = vector.broadcast %mul3A_263 : f32 to vector<16xf32>
        %sub3A_332 = arith.subf %get3A_330, %sub3A_331 : vector<16xf32>
        %max3A_333 = arith.constant 0.000000e+00 : f32
        %max3A_334 = vector.broadcast %max3A_333 : f32 to vector<16xf32>
        %max3A_335 = arith.maximumf %sub3A_332, %max3A_334 : vector<16xf32>
        %add3A_336 = arith.addf %scan3A_303, %max3A_335 : vector<16xf32>
        %mul3A_337 = arith.constant 128 : i32
        %mul3A_338 = arith.muli %scan3A_301, %mul3A_337 : i32
        %add3A_339 = arith.constant 32 : i32
        %add3A_340 = arith.addi %mul3A_338, %add3A_339 : i32
        %get3A_341 = arith.constant 2 : i32
        %get3A_342 = arith.index_cast %get3A_341 : i32 to index
        %get3A_343 = arith.index_cast %add3A_340 : i32 to index
        %get3A_344 = tpu.vector_load %arg9[%get3A_342, %get3A_343] {strides = array<i32>} : memref<4x512xf32, #tpu.memory_space<vmem>>, vector<16xf32>,
        %sub3A_345 = vector.broadcast %mul3A_263 : f32 to vector<16xf32>
        %sub3A_346 = arith.subf %get3A_344, %sub3A_345 : vector<16xf32>
        %max3A_347 = arith.constant 0.000000e+00 : f32
        %max3A_348 = vector.broadcast %max3A_347 : f32 to vector<16xf32>
        %max3A_349 = arith.maximumf %sub3A_346, %max3A_348 : vector<16xf32>
        %add3A_350 = arith.addf %scan3A_304, %max3A_349 : vector<16xf32>
        %mul3A_351 = arith.constant 128 : i32
        %mul3A_352 = arith.muli %scan3A_301, %mul3A_351 : i32
        %add3A_353 = arith.constant 48 : i32
        %add3A_354 = arith.addi %mul3A_352, %add3A_353 : i32
        %get3A_355 = arith.constant 2 : i32
        %get3A_356 = arith.index_cast %get3A_355 : i32 to index
        %get3A_357 = arith.index_cast %add3A_354 : i32 to index
        %get3A_358 = tpu.vector_load %arg9[%get3A_356, %get3A_357] {strides = array<i32>} : memref<4x512xf32, #tpu.memory_space<vmem>>, vector<16xf32>,
        %sub3A_359 = vector.broadcast %mul3A_263 : f32 to vector<16xf32>
        %sub3A_360 = arith.subf %get3A_358, %sub3A_359 : vector<16xf32>
        %max3A_361 = arith.constant 0.000000e+00 : f32
        %max3A_362 = vector.broadcast %max3A_361 : f32 to vector<16xf32>
        %max3A_363 = arith.maximumf %sub3A_360, %max3A_362 : vector<16xf32>
        %add3A_364 = arith.addf %scan3A_305, %max3A_363 : vector<16xf32>
        %mul3A_365 = arith.constant 128 : i32
        %mul3A_366 = arith.muli %scan3A_301, %mul3A_365 : i32
        %add3A_367 = arith.constant 64 : i32
        %add3A_368 = arith.addi %mul3A_366, %add3A_367 : i32
        %get3A_369 = arith.constant 2 : i32
        %get3A_370 = arith.index_cast %get3A_369 : i32 to index
        %get3A_371 = arith.index_cast %add3A_368 : i32 to index
        %get3A_372 = tpu.vector_load %arg9[%get3A_370, %get3A_371] {strides = array<i32>} : memref<4x512xf32, #tpu.memory_space<vmem>>, vector<16xf32>,
        %sub3A_373 = vector.broadcast %mul3A_263 : f32 to vector<16xf32>
        %sub3A_374 = arith.subf %get3A_372, %sub3A_373 : vector<16xf32>
        %max3A_375 = arith.constant 0.000000e+00 : f32
        %max3A_376 = vector.broadcast %max3A_375 : f32 to vector<16xf32>
        %max3A_377 = arith.maximumf %sub3A_374, %max3A_376 : vector<16xf32>
        %add3A_378 = arith.addf %scan3A_306, %max3A_377 : vector<16xf32>
        %mul3A_379 = arith.constant 128 : i32
        %mul3A_380 = arith.muli %scan3A_301, %mul3A_379 : i32
        %add3A_381 = arith.constant 80 : i32
        %add3A_382 = arith.addi %mul3A_380, %add3A_381 : i32
        %get3A_383 = arith.constant 2 : i32
        %get3A_384 = arith.index_cast %get3A_383 : i32 to index
        %get3A_385 = arith.index_cast %add3A_382 : i32 to index
        %get3A_386 = tpu.vector_load %arg9[%get3A_384, %get3A_385] {strides = array<i32>} : memref<4x512xf32, #tpu.memory_space<vmem>>, vector<16xf32>,
        %sub3A_387 = vector.broadcast %mul3A_263 : f32 to vector<16xf32>
        %sub3A_388 = arith.subf %get3A_386, %sub3A_387 : vector<16xf32>
        %max3A_389 = arith.constant 0.000000e+00 : f32
        %max3A_390 = vector.broadcast %max3A_389 : f32 to vector<16xf32>
        %max3A_391 = arith.maximumf %sub3A_388, %max3A_390 : vector<16xf32>
        %add3A_392 = arith.addf %scan3A_307, %max3A_391 : vector<16xf32>
        %mul3A_393 = arith.constant 128 : i32
        %mul3A_394 = arith.muli %scan3A_301, %mul3A_393 : i32
        %add3A_395 = arith.constant 96 : i32
        %add3A_396 = arith.addi %mul3A_394, %add3A_395 : i32
        %get3A_397 = arith.constant 2 : i32
        %get3A_398 = arith.index_cast %get3A_397 : i32 to index
        %get3A_399 = arith.index_cast %add3A_396 : i32 to index
        %get3A_400 = tpu.vector_load %arg9[%get3A_398, %get3A_399] {strides = array<i32>} : memref<4x512xf32, #tpu.memory_space<vmem>>, vector<16xf32>,
        %sub3A_401 = vector.broadcast %mul3A_263 : f32 to vector<16xf32>
        %sub3A_402 = arith.subf %get3A_400, %sub3A_401 : vector<16xf32>
        %max3A_403 = arith.constant 0.000000e+00 : f32
        %max3A_404 = vector.broadcast %max3A_403 : f32 to vector<16xf32>
        %max3A_405 = arith.maximumf %sub3A_402, %max3A_404 : vector<16xf32>
        %add3A_406 = arith.addf %scan3A_308, %max3A_405 : vector<16xf32>
        %mul3A_407 = arith.constant 128 : i32
        %mul3A_408 = arith.muli %scan3A_301, %mul3A_407 : i32
        %add3A_409 = arith.constant 112 : i32
        %add3A_410 = arith.addi %mul3A_408, %add3A_409 : i32
        %get3A_411 = arith.constant 2 : i32
        %get3A_412 = arith.index_cast %get3A_411 : i32 to index
        %get3A_413 = arith.index_cast %add3A_410 : i32 to index
        %get3A_414 = tpu.vector_load %arg9[%get3A_412, %get3A_413] {strides = array<i32>} : memref<4x512xf32, #tpu.memory_space<vmem>>, vector<16xf32>,
        %sub3A_415 = vector.broadcast %mul3A_263 : f32 to vector<16xf32>
        %sub3A_416 = arith.subf %get3A_414, %sub3A_415 : vector<16xf32>
        %max3A_417 = arith.constant 0.000000e+00 : f32
        %max3A_418 = vector.broadcast %max3A_417 : f32 to vector<16xf32>
        %max3A_419 = arith.maximumf %sub3A_416, %max3A_418 : vector<16xf32>
        %add3A_420 = arith.addf %scan3A_309, %max3A_419 : vector<16xf32>
        scf.yield %add3A_322, %add3A_336, %add3A_350, %add3A_364, %add3A_378, %add3A_392, %add3A_406, %add3A_420 : vector<16xf32>, vector<16xf32>, vector<16xf32>, vector<16xf32>, vector<16xf32>, vector<16xf32>, vector<16xf32>, vector<16xf32>
      }
      %scan3A_281 = arith.constant 4 : i32
      %scan3A_282 = arith.constant 0 : i32
      %scan3A_283 = arith.constant 4 : i32
      %scan3A_284 = arith.addi %scan3A_282, %scan3A_283 : i32
      %scan3A_285 = arith.constant 1 : i32
      %scan3A_286:8 = scf.for %scan3A_301 = %scan3A_282 to %scan3A_284 step %scan3A_285 iter_args(%scan3A_302 = %scan3A_280#0, %scan3A_303 = %scan3A_280#1, %scan3A_304 = %scan3A_280#2, %scan3A_305 = %scan3A_280#3, %scan3A_306 = %scan3A_280#4, %scan3A_307 = %scan3A_280#5, %scan3A_308 = %scan3A_280#6, %scan3A_309 = %scan3A_280#7) -> (vector<16xf32>, vector<16xf32>, vector<16xf32>, vector<16xf32>, vector<16xf32>, vector<16xf32>, vector<16xf32>, vector<16xf32>)  : i32 {
        %mul3A_310 = arith.constant 128 : i32
        %mul3A_311 = arith.muli %scan3A_301, %mul3A_310 : i32
        %add3A_312 = arith.constant 0 : i32
        %add3A_313 = arith.addi %mul3A_311, %add3A_312 : i32
        %get3A_314 = arith.constant 3 : i32
        %get3A_315 = arith.index_cast %get3A_314 : i32 to index
        %get3A_316 = arith.index_cast %add3A_313 : i32 to index
        %get3A_317 = tpu.vector_load %arg9[%get3A_315, %get3A_316] {strides = array<i32>} : memref<4x512xf32, #tpu.memory_space<vmem>>, vector<16xf32>,
        %sub3A_318 = vector.broadcast %mul3A_263 : f32 to vector<16xf32>
        %sub3A_319 = arith.subf %get3A_317, %sub3A_318 : vector<16xf32>
        %max3A = arith.constant 0.000000e+00 : f32
        %max3A_320 = vector.broadcast %max3A : f32 to vector<16xf32>
        %max3A_321 = arith.maximumf %sub3A_319, %max3A_320 : vector<16xf32>
        %add3A_322 = arith.addf %scan3A_302, %max3A_321 : vector<16xf32>
        %mul3A_323 = arith.constant 128 : i32
        %mul3A_324 = arith.muli %scan3A_301, %mul3A_323 : i32
        %add3A_325 = arith.constant 16 : i32
        %add3A_326 = arith.addi %mul3A_324, %add3A_325 : i32
        %get3A_327 = arith.constant 3 : i32
        %get3A_328 = arith.index_cast %get3A_327 : i32 to index
        %get3A_329 = arith.index_cast %add3A_326 : i32 to index
        %get3A_330 = tpu.vector_load %arg9[%get3A_328, %get3A_329] {strides = array<i32>} : memref<4x512xf32, #tpu.memory_space<vmem>>, vector<16xf32>,
        %sub3A_331 = vector.broadcast %mul3A_263 : f32 to vector<16xf32>
        %sub3A_332 = arith.subf %get3A_330, %sub3A_331 : vector<16xf32>
        %max3A_333 = arith.constant 0.000000e+00 : f32
        %max3A_334 = vector.broadcast %max3A_333 : f32 to vector<16xf32>
        %max3A_335 = arith.maximumf %sub3A_332, %max3A_334 : vector<16xf32>
        %add3A_336 = arith.addf %scan3A_303, %max3A_335 : vector<16xf32>
        %mul3A_337 = arith.constant 128 : i32
        %mul3A_338 = arith.muli %scan3A_301, %mul3A_337 : i32
        %add3A_339 = arith.constant 32 : i32
        %add3A_340 = arith.addi %mul3A_338, %add3A_339 : i32
        %get3A_341 = arith.constant 3 : i32
        %get3A_342 = arith.index_cast %get3A_341 : i32 to index
        %get3A_343 = arith.index_cast %add3A_340 : i32 to index
        %get3A_344 = tpu.vector_load %arg9[%get3A_342, %get3A_343] {strides = array<i32>} : memref<4x512xf32, #tpu.memory_space<vmem>>, vector<16xf32>,
        %sub3A_345 = vector.broadcast %mul3A_263 : f32 to vector<16xf32>
        %sub3A_346 = arith.subf %get3A_344, %sub3A_345 : vector<16xf32>
        %max3A_347 = arith.constant 0.000000e+00 : f32
        %max3A_348 = vector.broadcast %max3A_347 : f32 to vector<16xf32>
        %max3A_349 = arith.maximumf %sub3A_346, %max3A_348 : vector<16xf32>
        %add3A_350 = arith.addf %scan3A_304, %max3A_349 : vector<16xf32>
        %mul3A_351 = arith.constant 128 : i32
        %mul3A_352 = arith.muli %scan3A_301, %mul3A_351 : i32
        %add3A_353 = arith.constant 48 : i32
        %add3A_354 = arith.addi %mul3A_352, %add3A_353 : i32
        %get3A_355 = arith.constant 3 : i32
        %get3A_356 = arith.index_cast %get3A_355 : i32 to index
        %get3A_357 = arith.index_cast %add3A_354 : i32 to index
        %get3A_358 = tpu.vector_load %arg9[%get3A_356, %get3A_357] {strides = array<i32>} : memref<4x512xf32, #tpu.memory_space<vmem>>, vector<16xf32>,
        %sub3A_359 = vector.broadcast %mul3A_263 : f32 to vector<16xf32>
        %sub3A_360 = arith.subf %get3A_358, %sub3A_359 : vector<16xf32>
        %max3A_361 = arith.constant 0.000000e+00 : f32
        %max3A_362 = vector.broadcast %max3A_361 : f32 to vector<16xf32>
        %max3A_363 = arith.maximumf %sub3A_360, %max3A_362 : vector<16xf32>
        %add3A_364 = arith.addf %scan3A_305, %max3A_363 : vector<16xf32>
        %mul3A_365 = arith.constant 128 : i32
        %mul3A_366 = arith.muli %scan3A_301, %mul3A_365 : i32
        %add3A_367 = arith.constant 64 : i32
        %add3A_368 = arith.addi %mul3A_366, %add3A_367 : i32
        %get3A_369 = arith.constant 3 : i32
        %get3A_370 = arith.index_cast %get3A_369 : i32 to index
        %get3A_371 = arith.index_cast %add3A_368 : i32 to index
        %get3A_372 = tpu.vector_load %arg9[%get3A_370, %get3A_371] {strides = array<i32>} : memref<4x512xf32, #tpu.memory_space<vmem>>, vector<16xf32>,
        %sub3A_373 = vector.broadcast %mul3A_263 : f32 to vector<16xf32>
        %sub3A_374 = arith.subf %get3A_372, %sub3A_373 : vector<16xf32>
        %max3A_375 = arith.constant 0.000000e+00 : f32
        %max3A_376 = vector.broadcast %max3A_375 : f32 to vector<16xf32>
        %max3A_377 = arith.maximumf %sub3A_374, %max3A_376 : vector<16xf32>
        %add3A_378 = arith.addf %scan3A_306, %max3A_377 : vector<16xf32>
        %mul3A_379 = arith.constant 128 : i32
        %mul3A_380 = arith.muli %scan3A_301, %mul3A_379 : i32
        %add3A_381 = arith.constant 80 : i32
        %add3A_382 = arith.addi %mul3A_380, %add3A_381 : i32
        %get3A_383 = arith.constant 3 : i32
        %get3A_384 = arith.index_cast %get3A_383 : i32 to index
        %get3A_385 = arith.index_cast %add3A_382 : i32 to index
        %get3A_386 = tpu.vector_load %arg9[%get3A_384, %get3A_385] {strides = array<i32>} : memref<4x512xf32, #tpu.memory_space<vmem>>, vector<16xf32>,
        %sub3A_387 = vector.broadcast %mul3A_263 : f32 to vector<16xf32>
        %sub3A_388 = arith.subf %get3A_386, %sub3A_387 : vector<16xf32>
        %max3A_389 = arith.constant 0.000000e+00 : f32
        %max3A_390 = vector.broadcast %max3A_389 : f32 to vector<16xf32>
        %max3A_391 = arith.maximumf %sub3A_388, %max3A_390 : vector<16xf32>
        %add3A_392 = arith.addf %scan3A_307, %max3A_391 : vector<16xf32>
        %mul3A_393 = arith.constant 128 : i32
        %mul3A_394 = arith.muli %scan3A_301, %mul3A_393 : i32
        %add3A_395 = arith.constant 96 : i32
        %add3A_396 = arith.addi %mul3A_394, %add3A_395 : i32
        %get3A_397 = arith.constant 3 : i32
        %get3A_398 = arith.index_cast %get3A_397 : i32 to index
        %get3A_399 = arith.index_cast %add3A_396 : i32 to index
        %get3A_400 = tpu.vector_load %arg9[%get3A_398, %get3A_399] {strides = array<i32>} : memref<4x512xf32, #tpu.memory_space<vmem>>, vector<16xf32>,
        %sub3A_401 = vector.broadcast %mul3A_263 : f32 to vector<16xf32>
        %sub3A_402 = arith.subf %get3A_400, %sub3A_401 : vector<16xf32>
        %max3A_403 = arith.constant 0.000000e+00 : f32
        %max3A_404 = vector.broadcast %max3A_403 : f32 to vector<16xf32>
        %max3A_405 = arith.maximumf %sub3A_402, %max3A_404 : vector<16xf32>
        %add3A_406 = arith.addf %scan3A_308, %max3A_405 : vector<16xf32>
        %mul3A_407 = arith.constant 128 : i32
        %mul3A_408 = arith.muli %scan3A_301, %mul3A_407 : i32
        %add3A_409 = arith.constant 112 : i32
        %add3A_410 = arith.addi %mul3A_408, %add3A_409 : i32
        %get3A_411 = arith.constant 3 : i32
        %get3A_412 = arith.index_cast %get3A_411 : i32 to index
        %get3A_413 = arith.index_cast %add3A_410 : i32 to index
        %get3A_414 = tpu.vector_load %arg9[%get3A_412, %get3A_413] {strides = array<i32>} : memref<4x512xf32, #tpu.memory_space<vmem>>, vector<16xf32>,
        %sub3A_415 = vector.broadcast %mul3A_263 : f32 to vector<16xf32>
        %sub3A_416 = arith.subf %get3A_414, %sub3A_415 : vector<16xf32>
        %max3A_417 = arith.constant 0.000000e+00 : f32
        %max3A_418 = vector.broadcast %max3A_417 : f32 to vector<16xf32>
        %max3A_419 = arith.maximumf %sub3A_416, %max3A_418 : vector<16xf32>
        %add3A_420 = arith.addf %scan3A_309, %max3A_419 : vector<16xf32>
        scf.yield %add3A_322, %add3A_336, %add3A_350, %add3A_364, %add3A_378, %add3A_392, %add3A_406, %add3A_420 : vector<16xf32>, vector<16xf32>, vector<16xf32>, vector<16xf32>, vector<16xf32>, vector<16xf32>, vector<16xf32>, vector<16xf32>
      }
      %scan3A_287 = arith.constant 4 : i32
      %add3A_288 = arith.addf %scan3A_286#0, %scan3A_286#1 : vector<16xf32>
      %add3A_289 = arith.addf %scan3A_286#2, %scan3A_286#3 : vector<16xf32>
      %add3A_290 = arith.addf %add3A_288, %add3A_289 : vector<16xf32>
      %add3A_291 = arith.addf %scan3A_286#4, %scan3A_286#5 : vector<16xf32>
      %add3A_292 = arith.addf %scan3A_286#6, %scan3A_286#7 : vector<16xf32>
      %add3A_293 = arith.addf %add3A_291, %add3A_292 : vector<16xf32>
      %add3A_294 = arith.addf %add3A_290, %add3A_293 : vector<16xf32>
      %reduce_sum3A = arith.constant true
      %reduce_sum3A_295 = vector.broadcast %reduce_sum3A : i1 to vector<16xi1>
      %reduce_sum3A_296 = tpu.scan <sum>, %add3A_294 masked %reduce_sum3A_295 : vector<16xf32>, vector<16xi1> -> vector<16xf32>
      %reduce_sum3A_297 = vector.extract %reduce_sum3A_296[15] : f32 from vector<16xf32>
      %gt3A = arith.constant 1.000000e+00 : f32
      %gt3A_298 = arith.cmpf ogt, %reduce_sum3A_297, %gt3A : f32
      %select_n3A_299 = arith.select %gt3A_298, %mul3A_263, %scan3A_259 : f32
      %select_n3A_300 = arith.select %gt3A_298, %scan3A_260, %mul3A_263 : f32
      scf.yield %select_n3A_299, %select_n3A_300 : f32, f32
    }
    %scan3A_158 = arith.constant 22 : i32
    "tpu.trace_stop"() : () -> ()
    "tpu.trace_start"() <{level = 10 : i32, message = "sc_newton"}> : () -> ()
    %add3A_159 = vector.broadcast %scan3A_157#0 : f32 to vector<16xf32>
    %add3A_160 = arith.addf %add3A_159, %broadcast_in_dim3A_19 : vector<16xf32>
    %scan3A_161 = arith.constant 0 : i32
    %scan3A_162 = arith.constant 3 : i32
    %scan3A_163 = arith.addi %scan3A_161, %scan3A_162 : i32
    %scan3A_164 = arith.constant 1 : i32
    %scan3A_165 = scf.for %scan3A_258 = %scan3A_161 to %scan3A_163 step %scan3A_164 iter_args(%scan3A_259 = %add3A_160) -> (vector<16xf32>)  : i32 {
      %scan3A_260 = arith.constant 0 : i32
      %scan3A_261 = arith.constant 8 : i32
      %scan3A_262 = arith.addi %scan3A_260, %scan3A_261 : i32
      %scan3A_263 = arith.constant 1 : i32
      %scan3A_264:8 = scf.for %scan3A_304 = %scan3A_260 to %scan3A_262 step %scan3A_263 iter_args(%scan3A_305 = %broadcast_in_dim3A_19, %scan3A_306 = %broadcast_in_dim3A_19, %scan3A_307 = %broadcast_in_dim3A_19, %scan3A_308 = %broadcast_in_dim3A_19, %scan3A_309 = %broadcast_in_dim3A_19, %scan3A_310 = %broadcast_in_dim3A_19, %scan3A_311 = %broadcast_in_dim3A_19, %scan3A_312 = %broadcast_in_dim3A_19) -> (vector<16xf32>, vector<16xf32>, vector<16xf32>, vector<16xf32>, vector<16xf32>, vector<16xf32>, vector<16xf32>, vector<16xf32>)  : i32 {
        %mul3A_313 = arith.constant 64 : i32
        %mul3A_314 = arith.muli %scan3A_304, %mul3A_313 : i32
        %add3A_315 = arith.constant 0 : i32
        %add3A_316 = arith.addi %mul3A_314, %add3A_315 : i32
        %get3A_317 = arith.constant 0 : i32
        %get3A_318 = arith.index_cast %get3A_317 : i32 to index
        %get3A_319 = arith.index_cast %add3A_316 : i32 to index
        %get3A_320 = tpu.vector_load %arg9[%get3A_318, %get3A_319] {strides = array<i32>} : memref<4x512xf32, #tpu.memory_space<vmem>>, vector<16xf32>,
        %gt3A = arith.cmpf ogt, %get3A_320, %scan3A_259 : vector<16xf32>
        %jit3A_321 = arith.constant 1.000000e+00 : f32
        %jit3A_322 = arith.constant 0.000000e+00 : f32
        %broadcast_in_dim3A_323 = vector.broadcast %jit3A_321 : f32 to vector<16xf32>
        %broadcast_in_dim3A_324 = vector.broadcast %jit3A_322 : f32 to vector<16xf32>
        %select_n3A_325 = arith.select %gt3A, %broadcast_in_dim3A_323, %broadcast_in_dim3A_324 : vector<16xi1>, vector<16xf32>
        %add3A_326 = arith.addf %scan3A_305, %select_n3A_325 : vector<16xf32>
        %jit3A_327 = arith.constant 0.000000e+00 : f32
        %broadcast_in_dim3A_328 = vector.broadcast %jit3A_327 : f32 to vector<16xf32>
        %select_n3A_329 = arith.select %gt3A, %get3A_320, %broadcast_in_dim3A_328 : vector<16xi1>, vector<16xf32>
        %add3A_330 = arith.addf %scan3A_306, %select_n3A_329 : vector<16xf32>
        %mul3A_331 = arith.constant 64 : i32
        %mul3A_332 = arith.muli %scan3A_304, %mul3A_331 : i32
        %add3A_333 = arith.constant 16 : i32
        %add3A_334 = arith.addi %mul3A_332, %add3A_333 : i32
        %get3A_335 = arith.constant 0 : i32
        %get3A_336 = arith.index_cast %get3A_335 : i32 to index
        %get3A_337 = arith.index_cast %add3A_334 : i32 to index
        %get3A_338 = tpu.vector_load %arg9[%get3A_336, %get3A_337] {strides = array<i32>} : memref<4x512xf32, #tpu.memory_space<vmem>>, vector<16xf32>,
        %gt3A_339 = arith.cmpf ogt, %get3A_338, %scan3A_259 : vector<16xf32>
        %jit3A_340 = arith.constant 1.000000e+00 : f32
        %jit3A_341 = arith.constant 0.000000e+00 : f32
        %broadcast_in_dim3A_342 = vector.broadcast %jit3A_340 : f32 to vector<16xf32>
        %broadcast_in_dim3A_343 = vector.broadcast %jit3A_341 : f32 to vector<16xf32>
        %select_n3A_344 = arith.select %gt3A_339, %broadcast_in_dim3A_342, %broadcast_in_dim3A_343 : vector<16xi1>, vector<16xf32>
        %add3A_345 = arith.addf %scan3A_307, %select_n3A_344 : vector<16xf32>
        %jit3A_346 = arith.constant 0.000000e+00 : f32
        %broadcast_in_dim3A_347 = vector.broadcast %jit3A_346 : f32 to vector<16xf32>
        %select_n3A_348 = arith.select %gt3A_339, %get3A_338, %broadcast_in_dim3A_347 : vector<16xi1>, vector<16xf32>
        %add3A_349 = arith.addf %scan3A_308, %select_n3A_348 : vector<16xf32>
        %mul3A_350 = arith.constant 64 : i32
        %mul3A_351 = arith.muli %scan3A_304, %mul3A_350 : i32
        %add3A_352 = arith.constant 32 : i32
        %add3A_353 = arith.addi %mul3A_351, %add3A_352 : i32
        %get3A_354 = arith.constant 0 : i32
        %get3A_355 = arith.index_cast %get3A_354 : i32 to index
        %get3A_356 = arith.index_cast %add3A_353 : i32 to index
        %get3A_357 = tpu.vector_load %arg9[%get3A_355, %get3A_356] {strides = array<i32>} : memref<4x512xf32, #tpu.memory_space<vmem>>, vector<16xf32>,
        %gt3A_358 = arith.cmpf ogt, %get3A_357, %scan3A_259 : vector<16xf32>
        %jit3A_359 = arith.constant 1.000000e+00 : f32
        %jit3A_360 = arith.constant 0.000000e+00 : f32
        %broadcast_in_dim3A_361 = vector.broadcast %jit3A_359 : f32 to vector<16xf32>
        %broadcast_in_dim3A_362 = vector.broadcast %jit3A_360 : f32 to vector<16xf32>
        %select_n3A_363 = arith.select %gt3A_358, %broadcast_in_dim3A_361, %broadcast_in_dim3A_362 : vector<16xi1>, vector<16xf32>
        %add3A_364 = arith.addf %scan3A_309, %select_n3A_363 : vector<16xf32>
        %jit3A_365 = arith.constant 0.000000e+00 : f32
        %broadcast_in_dim3A_366 = vector.broadcast %jit3A_365 : f32 to vector<16xf32>
        %select_n3A_367 = arith.select %gt3A_358, %get3A_357, %broadcast_in_dim3A_366 : vector<16xi1>, vector<16xf32>
        %add3A_368 = arith.addf %scan3A_310, %select_n3A_367 : vector<16xf32>
        %mul3A_369 = arith.constant 64 : i32
        %mul3A_370 = arith.muli %scan3A_304, %mul3A_369 : i32
        %add3A_371 = arith.constant 48 : i32
        %add3A_372 = arith.addi %mul3A_370, %add3A_371 : i32
        %get3A_373 = arith.constant 0 : i32
        %get3A_374 = arith.index_cast %get3A_373 : i32 to index
        %get3A_375 = arith.index_cast %add3A_372 : i32 to index
        %get3A_376 = tpu.vector_load %arg9[%get3A_374, %get3A_375] {strides = array<i32>} : memref<4x512xf32, #tpu.memory_space<vmem>>, vector<16xf32>,
        %gt3A_377 = arith.cmpf ogt, %get3A_376, %scan3A_259 : vector<16xf32>
        %jit3A_378 = arith.constant 1.000000e+00 : f32
        %jit3A_379 = arith.constant 0.000000e+00 : f32
        %broadcast_in_dim3A_380 = vector.broadcast %jit3A_378 : f32 to vector<16xf32>
        %broadcast_in_dim3A_381 = vector.broadcast %jit3A_379 : f32 to vector<16xf32>
        %select_n3A_382 = arith.select %gt3A_377, %broadcast_in_dim3A_380, %broadcast_in_dim3A_381 : vector<16xi1>, vector<16xf32>
        %add3A_383 = arith.addf %scan3A_311, %select_n3A_382 : vector<16xf32>
        %jit3A_384 = arith.constant 0.000000e+00 : f32
        %broadcast_in_dim3A_385 = vector.broadcast %jit3A_384 : f32 to vector<16xf32>
        %select_n3A_386 = arith.select %gt3A_377, %get3A_376, %broadcast_in_dim3A_385 : vector<16xi1>, vector<16xf32>
        %add3A_387 = arith.addf %scan3A_312, %select_n3A_386 : vector<16xf32>
        scf.yield %add3A_326, %add3A_330, %add3A_345, %add3A_349, %add3A_364, %add3A_368, %add3A_383, %add3A_387 : vector<16xf32>, vector<16xf32>, vector<16xf32>, vector<16xf32>, vector<16xf32>, vector<16xf32>, vector<16xf32>, vector<16xf32>
      }
      %scan3A_265 = arith.constant 8 : i32
      %scan3A_266 = arith.constant 0 : i32
      %scan3A_267 = arith.constant 8 : i32
      %scan3A_268 = arith.addi %scan3A_266, %scan3A_267 : i32
      %scan3A_269 = arith.constant 1 : i32
      %scan3A_270:8 = scf.for %scan3A_304 = %scan3A_266 to %scan3A_268 step %scan3A_269 iter_args(%scan3A_305 = %scan3A_264#0, %scan3A_306 = %scan3A_264#1, %scan3A_307 = %scan3A_264#2, %scan3A_308 = %scan3A_264#3, %scan3A_309 = %scan3A_264#4, %scan3A_310 = %scan3A_264#5, %scan3A_311 = %scan3A_264#6, %scan3A_312 = %scan3A_264#7) -> (vector<16xf32>, vector<16xf32>, vector<16xf32>, vector<16xf32>, vector<16xf32>, vector<16xf32>, vector<16xf32>, vector<16xf32>)  : i32 {
        %mul3A_313 = arith.constant 64 : i32
        %mul3A_314 = arith.muli %scan3A_304, %mul3A_313 : i32
        %add3A_315 = arith.constant 0 : i32
        %add3A_316 = arith.addi %mul3A_314, %add3A_315 : i32
        %get3A_317 = arith.constant 1 : i32
        %get3A_318 = arith.index_cast %get3A_317 : i32 to index
        %get3A_319 = arith.index_cast %add3A_316 : i32 to index
        %get3A_320 = tpu.vector_load %arg9[%get3A_318, %get3A_319] {strides = array<i32>} : memref<4x512xf32, #tpu.memory_space<vmem>>, vector<16xf32>,
        %gt3A = arith.cmpf ogt, %get3A_320, %scan3A_259 : vector<16xf32>
        %jit3A_321 = arith.constant 1.000000e+00 : f32
        %jit3A_322 = arith.constant 0.000000e+00 : f32
        %broadcast_in_dim3A_323 = vector.broadcast %jit3A_321 : f32 to vector<16xf32>
        %broadcast_in_dim3A_324 = vector.broadcast %jit3A_322 : f32 to vector<16xf32>
        %select_n3A_325 = arith.select %gt3A, %broadcast_in_dim3A_323, %broadcast_in_dim3A_324 : vector<16xi1>, vector<16xf32>
        %add3A_326 = arith.addf %scan3A_305, %select_n3A_325 : vector<16xf32>
        %jit3A_327 = arith.constant 0.000000e+00 : f32
        %broadcast_in_dim3A_328 = vector.broadcast %jit3A_327 : f32 to vector<16xf32>
        %select_n3A_329 = arith.select %gt3A, %get3A_320, %broadcast_in_dim3A_328 : vector<16xi1>, vector<16xf32>
        %add3A_330 = arith.addf %scan3A_306, %select_n3A_329 : vector<16xf32>
        %mul3A_331 = arith.constant 64 : i32
        %mul3A_332 = arith.muli %scan3A_304, %mul3A_331 : i32
        %add3A_333 = arith.constant 16 : i32
        %add3A_334 = arith.addi %mul3A_332, %add3A_333 : i32
        %get3A_335 = arith.constant 1 : i32
        %get3A_336 = arith.index_cast %get3A_335 : i32 to index
        %get3A_337 = arith.index_cast %add3A_334 : i32 to index
        %get3A_338 = tpu.vector_load %arg9[%get3A_336, %get3A_337] {strides = array<i32>} : memref<4x512xf32, #tpu.memory_space<vmem>>, vector<16xf32>,
        %gt3A_339 = arith.cmpf ogt, %get3A_338, %scan3A_259 : vector<16xf32>
        %jit3A_340 = arith.constant 1.000000e+00 : f32
        %jit3A_341 = arith.constant 0.000000e+00 : f32
        %broadcast_in_dim3A_342 = vector.broadcast %jit3A_340 : f32 to vector<16xf32>
        %broadcast_in_dim3A_343 = vector.broadcast %jit3A_341 : f32 to vector<16xf32>
        %select_n3A_344 = arith.select %gt3A_339, %broadcast_in_dim3A_342, %broadcast_in_dim3A_343 : vector<16xi1>, vector<16xf32>
        %add3A_345 = arith.addf %scan3A_307, %select_n3A_344 : vector<16xf32>
        %jit3A_346 = arith.constant 0.000000e+00 : f32
        %broadcast_in_dim3A_347 = vector.broadcast %jit3A_346 : f32 to vector<16xf32>
        %select_n3A_348 = arith.select %gt3A_339, %get3A_338, %broadcast_in_dim3A_347 : vector<16xi1>, vector<16xf32>
        %add3A_349 = arith.addf %scan3A_308, %select_n3A_348 : vector<16xf32>
        %mul3A_350 = arith.constant 64 : i32
        %mul3A_351 = arith.muli %scan3A_304, %mul3A_350 : i32
        %add3A_352 = arith.constant 32 : i32
        %add3A_353 = arith.addi %mul3A_351, %add3A_352 : i32
        %get3A_354 = arith.constant 1 : i32
        %get3A_355 = arith.index_cast %get3A_354 : i32 to index
        %get3A_356 = arith.index_cast %add3A_353 : i32 to index
        %get3A_357 = tpu.vector_load %arg9[%get3A_355, %get3A_356] {strides = array<i32>} : memref<4x512xf32, #tpu.memory_space<vmem>>, vector<16xf32>,
        %gt3A_358 = arith.cmpf ogt, %get3A_357, %scan3A_259 : vector<16xf32>
        %jit3A_359 = arith.constant 1.000000e+00 : f32
        %jit3A_360 = arith.constant 0.000000e+00 : f32
        %broadcast_in_dim3A_361 = vector.broadcast %jit3A_359 : f32 to vector<16xf32>
        %broadcast_in_dim3A_362 = vector.broadcast %jit3A_360 : f32 to vector<16xf32>
        %select_n3A_363 = arith.select %gt3A_358, %broadcast_in_dim3A_361, %broadcast_in_dim3A_362 : vector<16xi1>, vector<16xf32>
        %add3A_364 = arith.addf %scan3A_309, %select_n3A_363 : vector<16xf32>
        %jit3A_365 = arith.constant 0.000000e+00 : f32
        %broadcast_in_dim3A_366 = vector.broadcast %jit3A_365 : f32 to vector<16xf32>
        %select_n3A_367 = arith.select %gt3A_358, %get3A_357, %broadcast_in_dim3A_366 : vector<16xi1>, vector<16xf32>
        %add3A_368 = arith.addf %scan3A_310, %select_n3A_367 : vector<16xf32>
        %mul3A_369 = arith.constant 64 : i32
        %mul3A_370 = arith.muli %scan3A_304, %mul3A_369 : i32
        %add3A_371 = arith.constant 48 : i32
        %add3A_372 = arith.addi %mul3A_370, %add3A_371 : i32
        %get3A_373 = arith.constant 1 : i32
        %get3A_374 = arith.index_cast %get3A_373 : i32 to index
        %get3A_375 = arith.index_cast %add3A_372 : i32 to index
        %get3A_376 = tpu.vector_load %arg9[%get3A_374, %get3A_375] {strides = array<i32>} : memref<4x512xf32, #tpu.memory_space<vmem>>, vector<16xf32>,
        %gt3A_377 = arith.cmpf ogt, %get3A_376, %scan3A_259 : vector<16xf32>
        %jit3A_378 = arith.constant 1.000000e+00 : f32
        %jit3A_379 = arith.constant 0.000000e+00 : f32
        %broadcast_in_dim3A_380 = vector.broadcast %jit3A_378 : f32 to vector<16xf32>
        %broadcast_in_dim3A_381 = vector.broadcast %jit3A_379 : f32 to vector<16xf32>
        %select_n3A_382 = arith.select %gt3A_377, %broadcast_in_dim3A_380, %broadcast_in_dim3A_381 : vector<16xi1>, vector<16xf32>
        %add3A_383 = arith.addf %scan3A_311, %select_n3A_382 : vector<16xf32>
        %jit3A_384 = arith.constant 0.000000e+00 : f32
        %broadcast_in_dim3A_385 = vector.broadcast %jit3A_384 : f32 to vector<16xf32>
        %select_n3A_386 = arith.select %gt3A_377, %get3A_376, %broadcast_in_dim3A_385 : vector<16xi1>, vector<16xf32>
        %add3A_387 = arith.addf %scan3A_312, %select_n3A_386 : vector<16xf32>
        scf.yield %add3A_326, %add3A_330, %add3A_345, %add3A_349, %add3A_364, %add3A_368, %add3A_383, %add3A_387 : vector<16xf32>, vector<16xf32>, vector<16xf32>, vector<16xf32>, vector<16xf32>, vector<16xf32>, vector<16xf32>, vector<16xf32>
      }
      %scan3A_271 = arith.constant 8 : i32
      %scan3A_272 = arith.constant 0 : i32
      %scan3A_273 = arith.constant 8 : i32
      %scan3A_274 = arith.addi %scan3A_272, %scan3A_273 : i32
      %scan3A_275 = arith.constant 1 : i32
      %scan3A_276:8 = scf.for %scan3A_304 = %scan3A_272 to %scan3A_274 step %scan3A_275 iter_args(%scan3A_305 = %scan3A_270#0, %scan3A_306 = %scan3A_270#1, %scan3A_307 = %scan3A_270#2, %scan3A_308 = %scan3A_270#3, %scan3A_309 = %scan3A_270#4, %scan3A_310 = %scan3A_270#5, %scan3A_311 = %scan3A_270#6, %scan3A_312 = %scan3A_270#7) -> (vector<16xf32>, vector<16xf32>, vector<16xf32>, vector<16xf32>, vector<16xf32>, vector<16xf32>, vector<16xf32>, vector<16xf32>)  : i32 {
        %mul3A_313 = arith.constant 64 : i32
        %mul3A_314 = arith.muli %scan3A_304, %mul3A_313 : i32
        %add3A_315 = arith.constant 0 : i32
        %add3A_316 = arith.addi %mul3A_314, %add3A_315 : i32
        %get3A_317 = arith.constant 2 : i32
        %get3A_318 = arith.index_cast %get3A_317 : i32 to index
        %get3A_319 = arith.index_cast %add3A_316 : i32 to index
        %get3A_320 = tpu.vector_load %arg9[%get3A_318, %get3A_319] {strides = array<i32>} : memref<4x512xf32, #tpu.memory_space<vmem>>, vector<16xf32>,
        %gt3A = arith.cmpf ogt, %get3A_320, %scan3A_259 : vector<16xf32>
        %jit3A_321 = arith.constant 1.000000e+00 : f32
        %jit3A_322 = arith.constant 0.000000e+00 : f32
        %broadcast_in_dim3A_323 = vector.broadcast %jit3A_321 : f32 to vector<16xf32>
        %broadcast_in_dim3A_324 = vector.broadcast %jit3A_322 : f32 to vector<16xf32>
        %select_n3A_325 = arith.select %gt3A, %broadcast_in_dim3A_323, %broadcast_in_dim3A_324 : vector<16xi1>, vector<16xf32>
        %add3A_326 = arith.addf %scan3A_305, %select_n3A_325 : vector<16xf32>
        %jit3A_327 = arith.constant 0.000000e+00 : f32
        %broadcast_in_dim3A_328 = vector.broadcast %jit3A_327 : f32 to vector<16xf32>
        %select_n3A_329 = arith.select %gt3A, %get3A_320, %broadcast_in_dim3A_328 : vector<16xi1>, vector<16xf32>
        %add3A_330 = arith.addf %scan3A_306, %select_n3A_329 : vector<16xf32>
        %mul3A_331 = arith.constant 64 : i32
        %mul3A_332 = arith.muli %scan3A_304, %mul3A_331 : i32
        %add3A_333 = arith.constant 16 : i32
        %add3A_334 = arith.addi %mul3A_332, %add3A_333 : i32
        %get3A_335 = arith.constant 2 : i32
        %get3A_336 = arith.index_cast %get3A_335 : i32 to index
        %get3A_337 = arith.index_cast %add3A_334 : i32 to index
        %get3A_338 = tpu.vector_load %arg9[%get3A_336, %get3A_337] {strides = array<i32>} : memref<4x512xf32, #tpu.memory_space<vmem>>, vector<16xf32>,
        %gt3A_339 = arith.cmpf ogt, %get3A_338, %scan3A_259 : vector<16xf32>
        %jit3A_340 = arith.constant 1.000000e+00 : f32
        %jit3A_341 = arith.constant 0.000000e+00 : f32
        %broadcast_in_dim3A_342 = vector.broadcast %jit3A_340 : f32 to vector<16xf32>
        %broadcast_in_dim3A_343 = vector.broadcast %jit3A_341 : f32 to vector<16xf32>
        %select_n3A_344 = arith.select %gt3A_339, %broadcast_in_dim3A_342, %broadcast_in_dim3A_343 : vector<16xi1>, vector<16xf32>
        %add3A_345 = arith.addf %scan3A_307, %select_n3A_344 : vector<16xf32>
        %jit3A_346 = arith.constant 0.000000e+00 : f32
        %broadcast_in_dim3A_347 = vector.broadcast %jit3A_346 : f32 to vector<16xf32>
        %select_n3A_348 = arith.select %gt3A_339, %get3A_338, %broadcast_in_dim3A_347 : vector<16xi1>, vector<16xf32>
        %add3A_349 = arith.addf %scan3A_308, %select_n3A_348 : vector<16xf32>
        %mul3A_350 = arith.constant 64 : i32
        %mul3A_351 = arith.muli %scan3A_304, %mul3A_350 : i32
        %add3A_352 = arith.constant 32 : i32
        %add3A_353 = arith.addi %mul3A_351, %add3A_352 : i32
        %get3A_354 = arith.constant 2 : i32
        %get3A_355 = arith.index_cast %get3A_354 : i32 to index
        %get3A_356 = arith.index_cast %add3A_353 : i32 to index
        %get3A_357 = tpu.vector_load %arg9[%get3A_355, %get3A_356] {strides = array<i32>} : memref<4x512xf32, #tpu.memory_space<vmem>>, vector<16xf32>,
        %gt3A_358 = arith.cmpf ogt, %get3A_357, %scan3A_259 : vector<16xf32>
        %jit3A_359 = arith.constant 1.000000e+00 : f32
        %jit3A_360 = arith.constant 0.000000e+00 : f32
        %broadcast_in_dim3A_361 = vector.broadcast %jit3A_359 : f32 to vector<16xf32>
        %broadcast_in_dim3A_362 = vector.broadcast %jit3A_360 : f32 to vector<16xf32>
        %select_n3A_363 = arith.select %gt3A_358, %broadcast_in_dim3A_361, %broadcast_in_dim3A_362 : vector<16xi1>, vector<16xf32>
        %add3A_364 = arith.addf %scan3A_309, %select_n3A_363 : vector<16xf32>
        %jit3A_365 = arith.constant 0.000000e+00 : f32
        %broadcast_in_dim3A_366 = vector.broadcast %jit3A_365 : f32 to vector<16xf32>
        %select_n3A_367 = arith.select %gt3A_358, %get3A_357, %broadcast_in_dim3A_366 : vector<16xi1>, vector<16xf32>
        %add3A_368 = arith.addf %scan3A_310, %select_n3A_367 : vector<16xf32>
        %mul3A_369 = arith.constant 64 : i32
        %mul3A_370 = arith.muli %scan3A_304, %mul3A_369 : i32
        %add3A_371 = arith.constant 48 : i32
        %add3A_372 = arith.addi %mul3A_370, %add3A_371 : i32
        %get3A_373 = arith.constant 2 : i32
        %get3A_374 = arith.index_cast %get3A_373 : i32 to index
        %get3A_375 = arith.index_cast %add3A_372 : i32 to index
        %get3A_376 = tpu.vector_load %arg9[%get3A_374, %get3A_375] {strides = array<i32>} : memref<4x512xf32, #tpu.memory_space<vmem>>, vector<16xf32>,
        %gt3A_377 = arith.cmpf ogt, %get3A_376, %scan3A_259 : vector<16xf32>
        %jit3A_378 = arith.constant 1.000000e+00 : f32
        %jit3A_379 = arith.constant 0.000000e+00 : f32
        %broadcast_in_dim3A_380 = vector.broadcast %jit3A_378 : f32 to vector<16xf32>
        %broadcast_in_dim3A_381 = vector.broadcast %jit3A_379 : f32 to vector<16xf32>
        %select_n3A_382 = arith.select %gt3A_377, %broadcast_in_dim3A_380, %broadcast_in_dim3A_381 : vector<16xi1>, vector<16xf32>
        %add3A_383 = arith.addf %scan3A_311, %select_n3A_382 : vector<16xf32>
        %jit3A_384 = arith.constant 0.000000e+00 : f32
        %broadcast_in_dim3A_385 = vector.broadcast %jit3A_384 : f32 to vector<16xf32>
        %select_n3A_386 = arith.select %gt3A_377, %get3A_376, %broadcast_in_dim3A_385 : vector<16xi1>, vector<16xf32>
        %add3A_387 = arith.addf %scan3A_312, %select_n3A_386 : vector<16xf32>
        scf.yield %add3A_326, %add3A_330, %add3A_345, %add3A_349, %add3A_364, %add3A_368, %add3A_383, %add3A_387 : vector<16xf32>, vector<16xf32>, vector<16xf32>, vector<16xf32>, vector<16xf32>, vector<16xf32>, vector<16xf32>, vector<16xf32>
      }
      %scan3A_277 = arith.constant 8 : i32
      %scan3A_278 = arith.constant 0 : i32
      %scan3A_279 = arith.constant 8 : i32
      %scan3A_280 = arith.addi %scan3A_278, %scan3A_279 : i32
      %scan3A_281 = arith.constant 1 : i32
      %scan3A_282:8 = scf.for %scan3A_304 = %scan3A_278 to %scan3A_280 step %scan3A_281 iter_args(%scan3A_305 = %scan3A_276#0, %scan3A_306 = %scan3A_276#1, %scan3A_307 = %scan3A_276#2, %scan3A_308 = %scan3A_276#3, %scan3A_309 = %scan3A_276#4, %scan3A_310 = %scan3A_276#5, %scan3A_311 = %scan3A_276#6, %scan3A_312 = %scan3A_276#7) -> (vector<16xf32>, vector<16xf32>, vector<16xf32>, vector<16xf32>, vector<16xf32>, vector<16xf32>, vector<16xf32>, vector<16xf32>)  : i32 {
        %mul3A_313 = arith.constant 64 : i32
        %mul3A_314 = arith.muli %scan3A_304, %mul3A_313 : i32
        %add3A_315 = arith.constant 0 : i32
        %add3A_316 = arith.addi %mul3A_314, %add3A_315 : i32
        %get3A_317 = arith.constant 3 : i32
        %get3A_318 = arith.index_cast %get3A_317 : i32 to index
        %get3A_319 = arith.index_cast %add3A_316 : i32 to index
        %get3A_320 = tpu.vector_load %arg9[%get3A_318, %get3A_319] {strides = array<i32>} : memref<4x512xf32, #tpu.memory_space<vmem>>, vector<16xf32>,
        %gt3A = arith.cmpf ogt, %get3A_320, %scan3A_259 : vector<16xf32>
        %jit3A_321 = arith.constant 1.000000e+00 : f32
        %jit3A_322 = arith.constant 0.000000e+00 : f32
        %broadcast_in_dim3A_323 = vector.broadcast %jit3A_321 : f32 to vector<16xf32>
        %broadcast_in_dim3A_324 = vector.broadcast %jit3A_322 : f32 to vector<16xf32>
        %select_n3A_325 = arith.select %gt3A, %broadcast_in_dim3A_323, %broadcast_in_dim3A_324 : vector<16xi1>, vector<16xf32>
        %add3A_326 = arith.addf %scan3A_305, %select_n3A_325 : vector<16xf32>
        %jit3A_327 = arith.constant 0.000000e+00 : f32
        %broadcast_in_dim3A_328 = vector.broadcast %jit3A_327 : f32 to vector<16xf32>
        %select_n3A_329 = arith.select %gt3A, %get3A_320, %broadcast_in_dim3A_328 : vector<16xi1>, vector<16xf32>
        %add3A_330 = arith.addf %scan3A_306, %select_n3A_329 : vector<16xf32>
        %mul3A_331 = arith.constant 64 : i32
        %mul3A_332 = arith.muli %scan3A_304, %mul3A_331 : i32
        %add3A_333 = arith.constant 16 : i32
        %add3A_334 = arith.addi %mul3A_332, %add3A_333 : i32
        %get3A_335 = arith.constant 3 : i32
        %get3A_336 = arith.index_cast %get3A_335 : i32 to index
        %get3A_337 = arith.index_cast %add3A_334 : i32 to index
        %get3A_338 = tpu.vector_load %arg9[%get3A_336, %get3A_337] {strides = array<i32>} : memref<4x512xf32, #tpu.memory_space<vmem>>, vector<16xf32>,
        %gt3A_339 = arith.cmpf ogt, %get3A_338, %scan3A_259 : vector<16xf32>
        %jit3A_340 = arith.constant 1.000000e+00 : f32
        %jit3A_341 = arith.constant 0.000000e+00 : f32
        %broadcast_in_dim3A_342 = vector.broadcast %jit3A_340 : f32 to vector<16xf32>
        %broadcast_in_dim3A_343 = vector.broadcast %jit3A_341 : f32 to vector<16xf32>
        %select_n3A_344 = arith.select %gt3A_339, %broadcast_in_dim3A_342, %broadcast_in_dim3A_343 : vector<16xi1>, vector<16xf32>
        %add3A_345 = arith.addf %scan3A_307, %select_n3A_344 : vector<16xf32>
        %jit3A_346 = arith.constant 0.000000e+00 : f32
        %broadcast_in_dim3A_347 = vector.broadcast %jit3A_346 : f32 to vector<16xf32>
        %select_n3A_348 = arith.select %gt3A_339, %get3A_338, %broadcast_in_dim3A_347 : vector<16xi1>, vector<16xf32>
        %add3A_349 = arith.addf %scan3A_308, %select_n3A_348 : vector<16xf32>
        %mul3A_350 = arith.constant 64 : i32
        %mul3A_351 = arith.muli %scan3A_304, %mul3A_350 : i32
        %add3A_352 = arith.constant 32 : i32
        %add3A_353 = arith.addi %mul3A_351, %add3A_352 : i32
        %get3A_354 = arith.constant 3 : i32
        %get3A_355 = arith.index_cast %get3A_354 : i32 to index
        %get3A_356 = arith.index_cast %add3A_353 : i32 to index
        %get3A_357 = tpu.vector_load %arg9[%get3A_355, %get3A_356] {strides = array<i32>} : memref<4x512xf32, #tpu.memory_space<vmem>>, vector<16xf32>,
        %gt3A_358 = arith.cmpf ogt, %get3A_357, %scan3A_259 : vector<16xf32>
        %jit3A_359 = arith.constant 1.000000e+00 : f32
        %jit3A_360 = arith.constant 0.000000e+00 : f32
        %broadcast_in_dim3A_361 = vector.broadcast %jit3A_359 : f32 to vector<16xf32>
        %broadcast_in_dim3A_362 = vector.broadcast %jit3A_360 : f32 to vector<16xf32>
        %select_n3A_363 = arith.select %gt3A_358, %broadcast_in_dim3A_361, %broadcast_in_dim3A_362 : vector<16xi1>, vector<16xf32>
        %add3A_364 = arith.addf %scan3A_309, %select_n3A_363 : vector<16xf32>
        %jit3A_365 = arith.constant 0.000000e+00 : f32
        %broadcast_in_dim3A_366 = vector.broadcast %jit3A_365 : f32 to vector<16xf32>
        %select_n3A_367 = arith.select %gt3A_358, %get3A_357, %broadcast_in_dim3A_366 : vector<16xi1>, vector<16xf32>
        %add3A_368 = arith.addf %scan3A_310, %select_n3A_367 : vector<16xf32>
        %mul3A_369 = arith.constant 64 : i32
        %mul3A_370 = arith.muli %scan3A_304, %mul3A_369 : i32
        %add3A_371 = arith.constant 48 : i32
        %add3A_372 = arith.addi %mul3A_370, %add3A_371 : i32
        %get3A_373 = arith.constant 3 : i32
        %get3A_374 = arith.index_cast %get3A_373 : i32 to index
        %get3A_375 = arith.index_cast %add3A_372 : i32 to index
        %get3A_376 = tpu.vector_load %arg9[%get3A_374, %get3A_375] {strides = array<i32>} : memref<4x512xf32, #tpu.memory_space<vmem>>, vector<16xf32>,
        %gt3A_377 = arith.cmpf ogt, %get3A_376, %scan3A_259 : vector<16xf32>
        %jit3A_378 = arith.constant 1.000000e+00 : f32
        %jit3A_379 = arith.constant 0.000000e+00 : f32
        %broadcast_in_dim3A_380 = vector.broadcast %jit3A_378 : f32 to vector<16xf32>
        %broadcast_in_dim3A_381 = vector.broadcast %jit3A_379 : f32 to vector<16xf32>
        %select_n3A_382 = arith.select %gt3A_377, %broadcast_in_dim3A_380, %broadcast_in_dim3A_381 : vector<16xi1>, vector<16xf32>
        %add3A_383 = arith.addf %scan3A_311, %select_n3A_382 : vector<16xf32>
        %jit3A_384 = arith.constant 0.000000e+00 : f32
        %broadcast_in_dim3A_385 = vector.broadcast %jit3A_384 : f32 to vector<16xf32>
        %select_n3A_386 = arith.select %gt3A_377, %get3A_376, %broadcast_in_dim3A_385 : vector<16xi1>, vector<16xf32>
        %add3A_387 = arith.addf %scan3A_312, %select_n3A_386 : vector<16xf32>
        scf.yield %add3A_326, %add3A_330, %add3A_345, %add3A_349, %add3A_364, %add3A_368, %add3A_383, %add3A_387 : vector<16xf32>, vector<16xf32>, vector<16xf32>, vector<16xf32>, vector<16xf32>, vector<16xf32>, vector<16xf32>, vector<16xf32>
      }
      %scan3A_283 = arith.constant 8 : i32
      %add3A_284 = arith.addf %scan3A_282#0, %scan3A_282#2 : vector<16xf32>
      %add3A_285 = arith.addf %scan3A_282#4, %scan3A_282#6 : vector<16xf32>
      %add3A_286 = arith.addf %add3A_284, %add3A_285 : vector<16xf32>
      %add3A_287 = arith.addf %scan3A_282#1, %scan3A_282#3 : vector<16xf32>
      %add3A_288 = arith.addf %scan3A_282#5, %scan3A_282#7 : vector<16xf32>
      %add3A_289 = arith.addf %add3A_287, %add3A_288 : vector<16xf32>
      %reduce_sum3A = arith.constant true
      %reduce_sum3A_290 = vector.broadcast %reduce_sum3A : i1 to vector<16xi1>
      %reduce_sum3A_291 = tpu.scan <sum>, %add3A_289 masked %reduce_sum3A_290 : vector<16xf32>, vector<16xi1> -> vector<16xf32>
      %reduce_sum3A_292 = vector.extract %reduce_sum3A_291[15] : f32 from vector<16xf32>
      %sub3A_293 = arith.constant 1.000000e+00 : f32
      %sub3A_294 = arith.subf %reduce_sum3A_292, %sub3A_293 : f32
      %add3A_295 = vector.broadcast %sub3A_294 : f32 to vector<16xf32>
      %add3A_296 = arith.addf %add3A_295, %broadcast_in_dim3A_19 : vector<16xf32>
      %reduce_sum3A_297 = arith.constant true
      %reduce_sum3A_298 = vector.broadcast %reduce_sum3A_297 : i1 to vector<16xi1>
      %reduce_sum3A_299 = tpu.scan <sum>, %add3A_286 masked %reduce_sum3A_298 : vector<16xf32>, vector<16xi1> -> vector<16xf32>
      %reduce_sum3A_300 = vector.extract %reduce_sum3A_299[15] : f32 from vector<16xf32>
      %add3A_301 = vector.broadcast %reduce_sum3A_300 : f32 to vector<16xf32>
      %add3A_302 = arith.addf %add3A_301, %broadcast_in_dim3A_19 : vector<16xf32>
      %div3A_303 = arith.divf %add3A_296, %add3A_302 : vector<16xf32>
      scf.yield %div3A_303 : vector<16xf32>
    }
    %scan3A_166 = arith.constant 3 : i32
    "tpu.trace_stop"() : () -> ()
    %mul3A_167 = arith.constant 2048 : i32
    %mul3A_168 = arith.muli %select_n3A, %mul3A_167 : i32
    "tpu.trace_start"() <{level = 10 : i32, message = "sc_probsup"}> : () -> ()
    %scan3A_169 = arith.constant 0 : i32
    %scan3A_170 = arith.constant 0 : i32
    %scan3A_171 = arith.constant 32 : i32
    %scan3A_172 = arith.addi %scan3A_170, %scan3A_171 : i32
    %scan3A_173 = arith.constant 1 : i32
    %scan3A_174 = scf.for %scan3A_258 = %scan3A_170 to %scan3A_172 step %scan3A_173 iter_args(%scan3A_259 = %scan3A_169) -> (i32)  : i32 {
      %mul3A_260 = arith.constant 16 : i32
      %mul3A_261 = arith.muli %scan3A_258, %mul3A_260 : i32
      %get3A_262 = arith.constant 0 : i32
      %get3A_263 = arith.index_cast %get3A_262 : i32 to index
      %get3A_264 = arith.index_cast %mul3A_261 : i32 to index
      %get3A_265 = tpu.vector_load %arg9[%get3A_263, %get3A_264] {strides = array<i32>} : memref<4x512xf32, #tpu.memory_space<vmem>>, vector<16xf32>,
      %gt3A = arith.cmpf ogt, %get3A_265, %scan3A_165 : vector<16xf32>
      %sub3A_266 = arith.subf %get3A_265, %scan3A_165 : vector<16xf32>
      %max3A = arith.constant 0.000000e+00 : f32
      %max3A_267 = vector.broadcast %max3A : f32 to vector<16xf32>
      %max3A_268 = arith.maximumf %sub3A_266, %max3A_267 : vector<16xf32>
      %mul3A_269 = arith.constant 16 : i32
      %mul3A_270 = arith.muli %scan3A_258, %mul3A_269 : i32
      %add3A_271 = arith.constant 0 : i32
      %add3A_272 = arith.addi %add3A_271, %mul3A_270 : i32
      %swap3A_273 = arith.index_cast %add3A_272 : i32 to index
      %swap3A_274 = tpu.vector_load %arg10[%swap3A_273] {strides = array<i32>} : memref<2048xf32, #tpu.memory_space<vmem>>, vector<16xf32>,
      tpu.vector_store %arg10[%swap3A_273], %max3A_268 {strides = array<i32>} : memref<2048xf32, #tpu.memory_space<vmem>>, vector<16xf32>,
      %all_reduce_population_count3A = tpu.all_reduce %gt3A {dim = 0 : i64, kind = #tpu.reduction_kind<sum>} : vector<16xi1> -> vector<16xi32>
      %slice3A = vector.extract_strided_slice %all_reduce_population_count3A {offsets = [0], sizes = [1], strides = [1]} : vector<16xi32> to vector<1xi32>
      %squeeze3A = vector.extract %slice3A[0] : i32 from vector<1xi32>
      %gt3A_275 = arith.constant 0 : i32
      %gt3A_276 = arith.cmpi sgt, %squeeze3A, %gt3A_275 : i32
      %convert_element_type3A_277 = arith.extui %gt3A_276 : i1 to i32
      %cond3A_278 = arith.constant 0 : i32
      %cond3A_279 = arith.cmpi ne, %convert_element_type3A_277, %cond3A_278 : i32
      scf.if %cond3A_279 {
        %jit3A_281 = arith.constant 1 : i32
        %jit3A_282 = arith.constant 0 : i32
        %broadcast_in_dim3A_283 = vector.broadcast %jit3A_281 : i32 to vector<16xi32>
        %broadcast_in_dim3A_284 = vector.broadcast %jit3A_282 : i32 to vector<16xi32>
        %select_n3A_285 = arith.select %gt3A, %broadcast_in_dim3A_283, %broadcast_in_dim3A_284 : vector<16xi1>, vector<16xi32>
        %broadcast_in_dim3A_286 = arith.constant true
        %broadcast_in_dim3A_287 = vector.broadcast %broadcast_in_dim3A_286 : i1 to vector<16xi1>
        %masked_cumsum3A = tpu.scan <sum>, %select_n3A_285 masked %broadcast_in_dim3A_287 : vector<16xi32>, vector<16xi1> -> vector<16xi32>
        %sub3A_288 = arith.constant 1 : i32
        %sub3A_289 = vector.broadcast %sub3A_288 : i32 to vector<16xi32>
        %sub3A_290 = arith.subi %masked_cumsum3A, %sub3A_289 : vector<16xi32>
        %add3A_291 = vector.broadcast %scan3A_259 : i32 to vector<16xi32>
        %add3A_292 = arith.addi %sub3A_290, %add3A_291 : vector<16xi32>
        %sub3A_293 = arith.subf %get3A_265, %scan3A_165 : vector<16xf32>
        tpu.vector_store_idx %arg11[%add3A_292], %sub3A_293 masked %gt3A : memref<2064xf32, #tpu.memory_space<vmem>>[vector<16xi32>], vector<16xf32>, vector<16xi1>
        %add3A_294 = arith.constant 0 : i32
        %add3A_295 = arith.addi %mul3A_168, %add3A_294 : i32
        %mul3A_296 = arith.constant 16 : i32
        %mul3A_297 = arith.muli %scan3A_258, %mul3A_296 : i32
        %add3A_298 = arith.addi %add3A_295, %mul3A_297 : i32
        %add3A_299 = vector.broadcast %add3A_298 : i32 to vector<16xi32>
        %add3A_300 = arith.addi %iota3A, %add3A_299 : vector<16xi32>
        tpu.vector_store_idx %arg12[%add3A_292], %add3A_300 masked %gt3A : memref<2064xi32, #tpu.memory_space<vmem>>[vector<16xi32>], vector<16xi32>, vector<16xi1>
      } else {
      }
      %add3A_280 = arith.addi %scan3A_259, %squeeze3A : i32
      scf.yield %add3A_280 : i32
    }
    %scan3A_175 = arith.constant 32 : i32
    %scan3A_176 = arith.constant 0 : i32
    %scan3A_177 = arith.constant 32 : i32
    %scan3A_178 = arith.addi %scan3A_176, %scan3A_177 : i32
    %scan3A_179 = arith.constant 1 : i32
    %scan3A_180 = scf.for %scan3A_258 = %scan3A_176 to %scan3A_178 step %scan3A_179 iter_args(%scan3A_259 = %scan3A_174) -> (i32)  : i32 {
      %mul3A_260 = arith.constant 16 : i32
      %mul3A_261 = arith.muli %scan3A_258, %mul3A_260 : i32
      %get3A_262 = arith.constant 1 : i32
      %get3A_263 = arith.index_cast %get3A_262 : i32 to index
      %get3A_264 = arith.index_cast %mul3A_261 : i32 to index
      %get3A_265 = tpu.vector_load %arg9[%get3A_263, %get3A_264] {strides = array<i32>} : memref<4x512xf32, #tpu.memory_space<vmem>>, vector<16xf32>,
      %gt3A = arith.cmpf ogt, %get3A_265, %scan3A_165 : vector<16xf32>
      %sub3A_266 = arith.subf %get3A_265, %scan3A_165 : vector<16xf32>
      %max3A = arith.constant 0.000000e+00 : f32
      %max3A_267 = vector.broadcast %max3A : f32 to vector<16xf32>
      %max3A_268 = arith.maximumf %sub3A_266, %max3A_267 : vector<16xf32>
      %mul3A_269 = arith.constant 16 : i32
      %mul3A_270 = arith.muli %scan3A_258, %mul3A_269 : i32
      %add3A_271 = arith.constant 512 : i32
      %add3A_272 = arith.addi %add3A_271, %mul3A_270 : i32
      %swap3A_273 = arith.index_cast %add3A_272 : i32 to index
      %swap3A_274 = tpu.vector_load %arg10[%swap3A_273] {strides = array<i32>} : memref<2048xf32, #tpu.memory_space<vmem>>, vector<16xf32>,
      tpu.vector_store %arg10[%swap3A_273], %max3A_268 {strides = array<i32>} : memref<2048xf32, #tpu.memory_space<vmem>>, vector<16xf32>,
      %all_reduce_population_count3A = tpu.all_reduce %gt3A {dim = 0 : i64, kind = #tpu.reduction_kind<sum>} : vector<16xi1> -> vector<16xi32>
      %slice3A = vector.extract_strided_slice %all_reduce_population_count3A {offsets = [0], sizes = [1], strides = [1]} : vector<16xi32> to vector<1xi32>
      %squeeze3A = vector.extract %slice3A[0] : i32 from vector<1xi32>
      %gt3A_275 = arith.constant 0 : i32
      %gt3A_276 = arith.cmpi sgt, %squeeze3A, %gt3A_275 : i32
      %convert_element_type3A_277 = arith.extui %gt3A_276 : i1 to i32
      %cond3A_278 = arith.constant 0 : i32
      %cond3A_279 = arith.cmpi ne, %convert_element_type3A_277, %cond3A_278 : i32
      scf.if %cond3A_279 {
        %jit3A_281 = arith.constant 1 : i32
        %jit3A_282 = arith.constant 0 : i32
        %broadcast_in_dim3A_283 = vector.broadcast %jit3A_281 : i32 to vector<16xi32>
        %broadcast_in_dim3A_284 = vector.broadcast %jit3A_282 : i32 to vector<16xi32>
        %select_n3A_285 = arith.select %gt3A, %broadcast_in_dim3A_283, %broadcast_in_dim3A_284 : vector<16xi1>, vector<16xi32>
        %broadcast_in_dim3A_286 = arith.constant true
        %broadcast_in_dim3A_287 = vector.broadcast %broadcast_in_dim3A_286 : i1 to vector<16xi1>
        %masked_cumsum3A = tpu.scan <sum>, %select_n3A_285 masked %broadcast_in_dim3A_287 : vector<16xi32>, vector<16xi1> -> vector<16xi32>
        %sub3A_288 = arith.constant 1 : i32
        %sub3A_289 = vector.broadcast %sub3A_288 : i32 to vector<16xi32>
        %sub3A_290 = arith.subi %masked_cumsum3A, %sub3A_289 : vector<16xi32>
        %add3A_291 = vector.broadcast %scan3A_259 : i32 to vector<16xi32>
        %add3A_292 = arith.addi %sub3A_290, %add3A_291 : vector<16xi32>
        %sub3A_293 = arith.subf %get3A_265, %scan3A_165 : vector<16xf32>
        tpu.vector_store_idx %arg11[%add3A_292], %sub3A_293 masked %gt3A : memref<2064xf32, #tpu.memory_space<vmem>>[vector<16xi32>], vector<16xf32>, vector<16xi1>
        %add3A_294 = arith.constant 512 : i32
        %add3A_295 = arith.addi %mul3A_168, %add3A_294 : i32
        %mul3A_296 = arith.constant 16 : i32
        %mul3A_297 = arith.muli %scan3A_258, %mul3A_296 : i32
        %add3A_298 = arith.addi %add3A_295, %mul3A_297 : i32
        %add3A_299 = vector.broadcast %add3A_298 : i32 to vector<16xi32>
        %add3A_300 = arith.addi %iota3A, %add3A_299 : vector<16xi32>
        tpu.vector_store_idx %arg12[%add3A_292], %add3A_300 masked %gt3A : memref<2064xi32, #tpu.memory_space<vmem>>[vector<16xi32>], vector<16xi32>, vector<16xi1>
      } else {
      }
      %add3A_280 = arith.addi %scan3A_259, %squeeze3A : i32
      scf.yield %add3A_280 : i32
    }
    %scan3A_181 = arith.constant 32 : i32
    %scan3A_182 = arith.constant 0 : i32
    %scan3A_183 = arith.constant 32 : i32
    %scan3A_184 = arith.addi %scan3A_182, %scan3A_183 : i32
    %scan3A_185 = arith.constant 1 : i32
    %scan3A_186 = scf.for %scan3A_258 = %scan3A_182 to %scan3A_184 step %scan3A_185 iter_args(%scan3A_259 = %scan3A_180) -> (i32)  : i32 {
      %mul3A_260 = arith.constant 16 : i32
      %mul3A_261 = arith.muli %scan3A_258, %mul3A_260 : i32
      %get3A_262 = arith.constant 2 : i32
      %get3A_263 = arith.index_cast %get3A_262 : i32 to index
      %get3A_264 = arith.index_cast %mul3A_261 : i32 to index
      %get3A_265 = tpu.vector_load %arg9[%get3A_263, %get3A_264] {strides = array<i32>} : memref<4x512xf32, #tpu.memory_space<vmem>>, vector<16xf32>,
      %gt3A = arith.cmpf ogt, %get3A_265, %scan3A_165 : vector<16xf32>
      %sub3A_266 = arith.subf %get3A_265, %scan3A_165 : vector<16xf32>
      %max3A = arith.constant 0.000000e+00 : f32
      %max3A_267 = vector.broadcast %max3A : f32 to vector<16xf32>
      %max3A_268 = arith.maximumf %sub3A_266, %max3A_267 : vector<16xf32>
      %mul3A_269 = arith.constant 16 : i32
      %mul3A_270 = arith.muli %scan3A_258, %mul3A_269 : i32
      %add3A_271 = arith.constant 1024 : i32
      %add3A_272 = arith.addi %add3A_271, %mul3A_270 : i32
      %swap3A_273 = arith.index_cast %add3A_272 : i32 to index
      %swap3A_274 = tpu.vector_load %arg10[%swap3A_273] {strides = array<i32>} : memref<2048xf32, #tpu.memory_space<vmem>>, vector<16xf32>,
      tpu.vector_store %arg10[%swap3A_273], %max3A_268 {strides = array<i32>} : memref<2048xf32, #tpu.memory_space<vmem>>, vector<16xf32>,
      %all_reduce_population_count3A = tpu.all_reduce %gt3A {dim = 0 : i64, kind = #tpu.reduction_kind<sum>} : vector<16xi1> -> vector<16xi32>
      %slice3A = vector.extract_strided_slice %all_reduce_population_count3A {offsets = [0], sizes = [1], strides = [1]} : vector<16xi32> to vector<1xi32>
      %squeeze3A = vector.extract %slice3A[0] : i32 from vector<1xi32>
      %gt3A_275 = arith.constant 0 : i32
      %gt3A_276 = arith.cmpi sgt, %squeeze3A, %gt3A_275 : i32
      %convert_element_type3A_277 = arith.extui %gt3A_276 : i1 to i32
      %cond3A_278 = arith.constant 0 : i32
      %cond3A_279 = arith.cmpi ne, %convert_element_type3A_277, %cond3A_278 : i32
      scf.if %cond3A_279 {
        %jit3A_281 = arith.constant 1 : i32
        %jit3A_282 = arith.constant 0 : i32
        %broadcast_in_dim3A_283 = vector.broadcast %jit3A_281 : i32 to vector<16xi32>
        %broadcast_in_dim3A_284 = vector.broadcast %jit3A_282 : i32 to vector<16xi32>
        %select_n3A_285 = arith.select %gt3A, %broadcast_in_dim3A_283, %broadcast_in_dim3A_284 : vector<16xi1>, vector<16xi32>
        %broadcast_in_dim3A_286 = arith.constant true
        %broadcast_in_dim3A_287 = vector.broadcast %broadcast_in_dim3A_286 : i1 to vector<16xi1>
        %masked_cumsum3A = tpu.scan <sum>, %select_n3A_285 masked %broadcast_in_dim3A_287 : vector<16xi32>, vector<16xi1> -> vector<16xi32>
        %sub3A_288 = arith.constant 1 : i32
        %sub3A_289 = vector.broadcast %sub3A_288 : i32 to vector<16xi32>
        %sub3A_290 = arith.subi %masked_cumsum3A, %sub3A_289 : vector<16xi32>
        %add3A_291 = vector.broadcast %scan3A_259 : i32 to vector<16xi32>
        %add3A_292 = arith.addi %sub3A_290, %add3A_291 : vector<16xi32>
        %sub3A_293 = arith.subf %get3A_265, %scan3A_165 : vector<16xf32>
        tpu.vector_store_idx %arg11[%add3A_292], %sub3A_293 masked %gt3A : memref<2064xf32, #tpu.memory_space<vmem>>[vector<16xi32>], vector<16xf32>, vector<16xi1>
        %add3A_294 = arith.constant 1024 : i32
        %add3A_295 = arith.addi %mul3A_168, %add3A_294 : i32
        %mul3A_296 = arith.constant 16 : i32
        %mul3A_297 = arith.muli %scan3A_258, %mul3A_296 : i32
        %add3A_298 = arith.addi %add3A_295, %mul3A_297 : i32
        %add3A_299 = vector.broadcast %add3A_298 : i32 to vector<16xi32>
        %add3A_300 = arith.addi %iota3A, %add3A_299 : vector<16xi32>
        tpu.vector_store_idx %arg12[%add3A_292], %add3A_300 masked %gt3A : memref<2064xi32, #tpu.memory_space<vmem>>[vector<16xi32>], vector<16xi32>, vector<16xi1>
      } else {
      }
      %add3A_280 = arith.addi %scan3A_259, %squeeze3A : i32
      scf.yield %add3A_280 : i32
    }
    %scan3A_187 = arith.constant 32 : i32
    %scan3A_188 = arith.constant 0 : i32
    %scan3A_189 = arith.constant 32 : i32
    %scan3A_190 = arith.addi %scan3A_188, %scan3A_189 : i32
    %scan3A_191 = arith.constant 1 : i32
    %scan3A_192 = scf.for %scan3A_258 = %scan3A_188 to %scan3A_190 step %scan3A_191 iter_args(%scan3A_259 = %scan3A_186) -> (i32)  : i32 {
      %mul3A_260 = arith.constant 16 : i32
      %mul3A_261 = arith.muli %scan3A_258, %mul3A_260 : i32
      %get3A_262 = arith.constant 3 : i32
      %get3A_263 = arith.index_cast %get3A_262 : i32 to index
      %get3A_264 = arith.index_cast %mul3A_261 : i32 to index
      %get3A_265 = tpu.vector_load %arg9[%get3A_263, %get3A_264] {strides = array<i32>} : memref<4x512xf32, #tpu.memory_space<vmem>>, vector<16xf32>,
      %gt3A = arith.cmpf ogt, %get3A_265, %scan3A_165 : vector<16xf32>
      %sub3A_266 = arith.subf %get3A_265, %scan3A_165 : vector<16xf32>
      %max3A = arith.constant 0.000000e+00 : f32
      %max3A_267 = vector.broadcast %max3A : f32 to vector<16xf32>
      %max3A_268 = arith.maximumf %sub3A_266, %max3A_267 : vector<16xf32>
      %mul3A_269 = arith.constant 16 : i32
      %mul3A_270 = arith.muli %scan3A_258, %mul3A_269 : i32
      %add3A_271 = arith.constant 1536 : i32
      %add3A_272 = arith.addi %add3A_271, %mul3A_270 : i32
      %swap3A_273 = arith.index_cast %add3A_272 : i32 to index
      %swap3A_274 = tpu.vector_load %arg10[%swap3A_273] {strides = array<i32>} : memref<2048xf32, #tpu.memory_space<vmem>>, vector<16xf32>,
      tpu.vector_store %arg10[%swap3A_273], %max3A_268 {strides = array<i32>} : memref<2048xf32, #tpu.memory_space<vmem>>, vector<16xf32>,
      %all_reduce_population_count3A = tpu.all_reduce %gt3A {dim = 0 : i64, kind = #tpu.reduction_kind<sum>} : vector<16xi1> -> vector<16xi32>
      %slice3A = vector.extract_strided_slice %all_reduce_population_count3A {offsets = [0], sizes = [1], strides = [1]} : vector<16xi32> to vector<1xi32>
      %squeeze3A = vector.extract %slice3A[0] : i32 from vector<1xi32>
      %gt3A_275 = arith.constant 0 : i32
      %gt3A_276 = arith.cmpi sgt, %squeeze3A, %gt3A_275 : i32
      %convert_element_type3A_277 = arith.extui %gt3A_276 : i1 to i32
      %cond3A_278 = arith.constant 0 : i32
      %cond3A_279 = arith.cmpi ne, %convert_element_type3A_277, %cond3A_278 : i32
      scf.if %cond3A_279 {
        %jit3A_281 = arith.constant 1 : i32
        %jit3A_282 = arith.constant 0 : i32
        %broadcast_in_dim3A_283 = vector.broadcast %jit3A_281 : i32 to vector<16xi32>
        %broadcast_in_dim3A_284 = vector.broadcast %jit3A_282 : i32 to vector<16xi32>
        %select_n3A_285 = arith.select %gt3A, %broadcast_in_dim3A_283, %broadcast_in_dim3A_284 : vector<16xi1>, vector<16xi32>
        %broadcast_in_dim3A_286 = arith.constant true
        %broadcast_in_dim3A_287 = vector.broadcast %broadcast_in_dim3A_286 : i1 to vector<16xi1>
        %masked_cumsum3A = tpu.scan <sum>, %select_n3A_285 masked %broadcast_in_dim3A_287 : vector<16xi32>, vector<16xi1> -> vector<16xi32>
        %sub3A_288 = arith.constant 1 : i32
        %sub3A_289 = vector.broadcast %sub3A_288 : i32 to vector<16xi32>
        %sub3A_290 = arith.subi %masked_cumsum3A, %sub3A_289 : vector<16xi32>
        %add3A_291 = vector.broadcast %scan3A_259 : i32 to vector<16xi32>
        %add3A_292 = arith.addi %sub3A_290, %add3A_291 : vector<16xi32>
        %sub3A_293 = arith.subf %get3A_265, %scan3A_165 : vector<16xf32>
        tpu.vector_store_idx %arg11[%add3A_292], %sub3A_293 masked %gt3A : memref<2064xf32, #tpu.memory_space<vmem>>[vector<16xi32>], vector<16xf32>, vector<16xi1>
        %add3A_294 = arith.constant 1536 : i32
        %add3A_295 = arith.addi %mul3A_168, %add3A_294 : i32
        %mul3A_296 = arith.constant 16 : i32
        %mul3A_297 = arith.muli %scan3A_258, %mul3A_296 : i32
        %add3A_298 = arith.addi %add3A_295, %mul3A_297 : i32
        %add3A_299 = vector.broadcast %add3A_298 : i32 to vector<16xi32>
        %add3A_300 = arith.addi %iota3A, %add3A_299 : vector<16xi32>
        tpu.vector_store_idx %arg12[%add3A_292], %add3A_300 masked %gt3A : memref<2064xi32, #tpu.memory_space<vmem>>[vector<16xi32>], vector<16xi32>, vector<16xi1>
      } else {
      }
      %add3A_280 = arith.addi %scan3A_259, %squeeze3A : i32
      scf.yield %add3A_280 : i32
    }
    %scan3A_193 = arith.constant 32 : i32
    "tpu.trace_stop"() : () -> ()
    %add3A_194 = vector.broadcast %scan3A_192 : i32 to vector<16xi32>
    %add3A_195 = arith.addi %add3A_194, %iota3A : vector<16xi32>
    tpu.vector_store_idx %arg11[%add3A_195], %broadcast_in_dim3A_19 : memref<2064xf32, #tpu.memory_space<vmem>>[vector<16xi32>], vector<16xf32>,
    %add3A_196 = vector.broadcast %scan3A_192 : i32 to vector<16xi32>
    %add3A_197 = arith.addi %add3A_196, %iota3A : vector<16xi32>
    %broadcast_in_dim3A_198 = arith.constant 0 : i32
    %broadcast_in_dim3A_199 = vector.broadcast %broadcast_in_dim3A_198 : i32 to vector<16xi32>
    tpu.vector_store_idx %arg12[%add3A_197], %broadcast_in_dim3A_199 : memref<2064xi32, #tpu.memory_space<vmem>>[vector<16xi32>], vector<16xi32>,
    %add3A_200 = arith.constant 15 : i32
    %add3A_201 = arith.addi %scan3A_192, %add3A_200 : i32
    %jit3A_202 = arith.constant 16 : i32
    %div3A_203 = arith.divsi %add3A_201, %jit3A_202 : i32
    %sign3A_204 = arith.constant 0 : i32
    %sign3A_205 = arith.cmpi sgt, %add3A_201, %sign3A_204 : i32
    %sign3A_206 = arith.extui %sign3A_205 : i1 to i32
    %sign3A_207 = arith.constant 0 : i32
    %sign3A_208 = arith.cmpi slt, %add3A_201, %sign3A_207 : i32
    %sign3A_209 = arith.extui %sign3A_208 : i1 to i32
    %sign3A_210 = arith.subi %sign3A_206, %sign3A_209 : i32
    %sign3A_211 = arith.constant 0 : i32
    %sign3A_212 = arith.cmpi sgt, %jit3A_202, %sign3A_211 : i32
    %sign3A_213 = arith.extui %sign3A_212 : i1 to i32
    %sign3A_214 = arith.constant 0 : i32
    %sign3A_215 = arith.cmpi slt, %jit3A_202, %sign3A_214 : i32
    %sign3A_216 = arith.extui %sign3A_215 : i1 to i32
    %sign3A_217 = arith.subi %sign3A_213, %sign3A_216 : i32
    %ne3A_218 = arith.cmpi ne, %sign3A_210, %sign3A_217 : i32
    %rem3A_219 = arith.remsi %add3A_201, %jit3A_202 : i32
    %ne3A_220 = arith.constant 0 : i32
    %ne3A_221 = arith.cmpi ne, %rem3A_219, %ne3A_220 : i32
    %and3A_222 = arith.andi %ne3A_218, %ne3A_221 : i1
    %sub3A_223 = arith.constant 1 : i32
    %sub3A_224 = arith.subi %div3A_203, %sub3A_223 : i32
    %select_n3A_225 = arith.select %and3A_222, %sub3A_224, %div3A_203 : i32
    %mul3A_226 = arith.constant 128 : i32
    %mul3A_227 = arith.muli %rem3A_18, %mul3A_226 : i32
    %while3A = arith.constant 0 : i32
    "tpu.trace_start"() <{level = 10 : i32, message = "sc_pool"}> : () -> ()
    %while3A_228 = arith.subi %select_n3A_225, %while3A : i32
    %while3A_229 = arith.addi %while3A, %while3A_228 : i32
    %while3A_230 = arith.constant 1 : i32
    %while3A_231 = arith.divsi %while3A_228, %while3A_230 : i32
    %while3A_232 = arith.muli %while3A_231, %while3A_230 : i32
    %while3A_233 = arith.addi %while3A, %while3A_232 : i32
    %while3A_234 = arith.constant 1 : i32
    %while3A_235:8 = scf.for %while3A_258 = %while3A to %while3A_233 step %while3A_234 iter_args(%while3A_259 = %broadcast_in_dim3A_19, %while3A_260 = %broadcast_in_dim3A_19, %while3A_261 = %broadcast_in_dim3A_19, %while3A_262 = %broadcast_in_dim3A_19, %while3A_263 = %broadcast_in_dim3A_19, %while3A_264 = %broadcast_in_dim3A_19, %while3A_265 = %broadcast_in_dim3A_19, %while3A_266 = %broadcast_in_dim3A_19) -> (vector<16xf32>, vector<16xf32>, vector<16xf32>, vector<16xf32>, vector<16xf32>, vector<16xf32>, vector<16xf32>, vector<16xf32>)  : i32 {
      %mul3A_267 = arith.constant 16 : i32
      %mul3A_268 = arith.muli %while3A_258, %mul3A_267 : i32
      %get3A_269 = arith.index_cast %mul3A_268 : i32 to index
      %get3A_270 = tpu.vector_load %arg12[%get3A_269] {strides = array<i32>} : memref<2064xi32, #tpu.memory_space<vmem>>, vector<16xi32>,
      %dma_start3A_271 = arith.constant 0 : i32
      %dma_start3A_272 = tpu.memref_slice %arg6[%dma_start3A_271, %mul3A_227] : memref<8192x1024xf32, #tpu.memory_space<hbm>> -> memref<8192x128xf32, #tpu.memory_space<hbm>>
      tpu.enqueue_indirect_dma source(%dma_start3A_272 : memref<8192x128xf32, #tpu.memory_space<hbm>>) target(%arg13 : memref<16x128xf32, #tpu.memory_space<vmem>>) offsets(%get3A_270 : vector<16xi32>) semaphore(%arg15 : memref<!tpu.dma_semaphore, #tpu.memory_space<semaphore_mem>>)
      %dma_wait3A_273 = arith.constant 0 : i32
      %dma_wait3A_274 = tpu.memref_slice %arg6[%dma_wait3A_273, %mul3A_227] : memref<8192x1024xf32, #tpu.memory_space<hbm>> -> memref<8192x128xf32, #tpu.memory_space<hbm>>
      tpu.wait_indirect_dma semaphore(%arg15 : memref<!tpu.dma_semaphore, #tpu.memory_space<semaphore_mem>>) src(%dma_wait3A_274 : memref<8192x128xf32, #tpu.memory_space<hbm>>) dst(%arg13 : memref<16x128xf32, #tpu.memory_space<vmem>>)
      %mul3A_275 = arith.constant 16 : i32
      %mul3A_276 = arith.muli %while3A_258, %mul3A_275 : i32
      %add3A_277 = arith.constant 0 : i32
      %add3A_278 = arith.addi %mul3A_276, %add3A_277 : i32
      %broadcast_in_dim3A_279 = arith.constant 0 : i32
      %broadcast_in_dim3A_280 = vector.broadcast %broadcast_in_dim3A_279 : i32 to vector<16xi32>
      %add3A_281 = vector.broadcast %add3A_278 : i32 to vector<16xi32>
      %add3A_282 = arith.addi %add3A_281, %broadcast_in_dim3A_280 : vector<16xi32>
      %gather3A = tpu.vector_load_idx %arg11[%add3A_282] : memref<2064xf32, #tpu.memory_space<vmem>>[vector<16xi32>], vector<16xf32>,
      %get3A_283 = arith.constant 0 : i32
      %get3A_284 = arith.index_cast %get3A_283 : i32 to index
      %get3A_285 = arith.constant 0 : index
      %get3A_286 = tpu.vector_load %arg13[%get3A_284, %get3A_285] {strides = array<i32>} : memref<16x128xf32, #tpu.memory_space<vmem>>, vector<16xf32>,
      %mul3A_287 = arith.mulf %gather3A, %get3A_286 : vector<16xf32>
      %add3A_288 = arith.addf %while3A_259, %mul3A_287 : vector<16xf32>
      %get3A_289 = arith.constant 0 : i32
      %get3A_290 = arith.index_cast %get3A_289 : i32 to index
      %get3A_291 = arith.constant 16 : index
      %get3A_292 = tpu.vector_load %arg13[%get3A_290, %get3A_291] {strides = array<i32>} : memref<16x128xf32, #tpu.memory_space<vmem>>, vector<16xf32>,
      %mul3A_293 = arith.mulf %gather3A, %get3A_292 : vector<16xf32>
      %add3A_294 = arith.addf %while3A_260, %mul3A_293 : vector<16xf32>
      %get3A_295 = arith.constant 0 : i32
      %get3A_296 = arith.index_cast %get3A_295 : i32 to index
      %get3A_297 = arith.constant 32 : index
      %get3A_298 = tpu.vector_load %arg13[%get3A_296, %get3A_297] {strides = array<i32>} : memref<16x128xf32, #tpu.memory_space<vmem>>, vector<16xf32>,
      %mul3A_299 = arith.mulf %gather3A, %get3A_298 : vector<16xf32>
      %add3A_300 = arith.addf %while3A_261, %mul3A_299 : vector<16xf32>
      %get3A_301 = arith.constant 0 : i32
      %get3A_302 = arith.index_cast %get3A_301 : i32 to index
      %get3A_303 = arith.constant 48 : index
      %get3A_304 = tpu.vector_load %arg13[%get3A_302, %get3A_303] {strides = array<i32>} : memref<16x128xf32, #tpu.memory_space<vmem>>, vector<16xf32>,
      %mul3A_305 = arith.mulf %gather3A, %get3A_304 : vector<16xf32>
      %add3A_306 = arith.addf %while3A_262, %mul3A_305 : vector<16xf32>
      %get3A_307 = arith.constant 0 : i32
      %get3A_308 = arith.index_cast %get3A_307 : i32 to index
      %get3A_309 = arith.constant 64 : index
      %get3A_310 = tpu.vector_load %arg13[%get3A_308, %get3A_309] {strides = array<i32>} : memref<16x128xf32, #tpu.memory_space<vmem>>, vector<16xf32>,
      %mul3A_311 = arith.mulf %gather3A, %get3A_310 : vector<16xf32>
      %add3A_312 = arith.addf %while3A_263, %mul3A_311 : vector<16xf32>
      %get3A_313 = arith.constant 0 : i32
      %get3A_314 = arith.index_cast %get3A_313 : i32 to index
      %get3A_315 = arith.constant 80 : index
      %get3A_316 = tpu.vector_load %arg13[%get3A_314, %get3A_315] {strides = array<i32>} : memref<16x128xf32, #tpu.memory_space<vmem>>, vector<16xf32>,
      %mul3A_317 = arith.mulf %gather3A, %get3A_316 : vector<16xf32>
      %add3A_318 = arith.addf %while3A_264, %mul3A_317 : vector<16xf32>
      %get3A_319 = arith.constant 0 : i32
      %get3A_320 = arith.index_cast %get3A_319 : i32 to index
      %get3A_321 = arith.constant 96 : index
      %get3A_322 = tpu.vector_load %arg13[%get3A_320, %get3A_321] {strides = array<i32>} : memref<16x128xf32, #tpu.memory_space<vmem>>, vector<16xf32>,
      %mul3A_323 = arith.mulf %gather3A, %get3A_322 : vector<16xf32>
      %add3A_324 = arith.addf %while3A_265, %mul3A_323 : vector<16xf32>
      %get3A_325 = arith.constant 0 : i32
      %get3A_326 = arith.index_cast %get3A_325 : i32 to index
      %get3A_327 = arith.constant 112 : index
      %get3A_328 = tpu.vector_load %arg13[%get3A_326, %get3A_327] {strides = array<i32>} : memref<16x128xf32, #tpu.memory_space<vmem>>, vector<16xf32>,
      %mul3A_329 = arith.mulf %gather3A, %get3A_328 : vector<16xf32>
      %add3A_330 = arith.addf %while3A_266, %mul3A_329 : vector<16xf32>
      %mul3A_331 = arith.constant 16 : i32
      %mul3A_332 = arith.muli %while3A_258, %mul3A_331 : i32
      %add3A_333 = arith.constant 1 : i32
      %add3A_334 = arith.addi %mul3A_332, %add3A_333 : i32
      %broadcast_in_dim3A_335 = arith.constant 0 : i32
      %broadcast_in_dim3A_336 = vector.broadcast %broadcast_in_dim3A_335 : i32 to vector<16xi32>
      %add3A_337 = vector.broadcast %add3A_334 : i32 to vector<16xi32>
      %add3A_338 = arith.addi %add3A_337, %broadcast_in_dim3A_336 : vector<16xi32>
      %gather3A_339 = tpu.vector_load_idx %arg11[%add3A_338] : memref<2064xf32, #tpu.memory_space<vmem>>[vector<16xi32>], vector<16xf32>,
      %get3A_340 = arith.constant 1 : i32
      %get3A_341 = arith.index_cast %get3A_340 : i32 to index
      %get3A_342 = arith.constant 0 : index
      %get3A_343 = tpu.vector_load %arg13[%get3A_341, %get3A_342] {strides = array<i32>} : memref<16x128xf32, #tpu.memory_space<vmem>>, vector<16xf32>,
      %mul3A_344 = arith.mulf %gather3A_339, %get3A_343 : vector<16xf32>
      %add3A_345 = arith.addf %add3A_288, %mul3A_344 : vector<16xf32>
      %get3A_346 = arith.constant 1 : i32
      %get3A_347 = arith.index_cast %get3A_346 : i32 to index
      %get3A_348 = arith.constant 16 : index
      %get3A_349 = tpu.vector_load %arg13[%get3A_347, %get3A_348] {strides = array<i32>} : memref<16x128xf32, #tpu.memory_space<vmem>>, vector<16xf32>,
      %mul3A_350 = arith.mulf %gather3A_339, %get3A_349 : vector<16xf32>
      %add3A_351 = arith.addf %add3A_294, %mul3A_350 : vector<16xf32>
      %get3A_352 = arith.constant 1 : i32
      %get3A_353 = arith.index_cast %get3A_352 : i32 to index
      %get3A_354 = arith.constant 32 : index
      %get3A_355 = tpu.vector_load %arg13[%get3A_353, %get3A_354] {strides = array<i32>} : memref<16x128xf32, #tpu.memory_space<vmem>>, vector<16xf32>,
      %mul3A_356 = arith.mulf %gather3A_339, %get3A_355 : vector<16xf32>
      %add3A_357 = arith.addf %add3A_300, %mul3A_356 : vector<16xf32>
      %get3A_358 = arith.constant 1 : i32
      %get3A_359 = arith.index_cast %get3A_358 : i32 to index
      %get3A_360 = arith.constant 48 : index
      %get3A_361 = tpu.vector_load %arg13[%get3A_359, %get3A_360] {strides = array<i32>} : memref<16x128xf32, #tpu.memory_space<vmem>>, vector<16xf32>,
      %mul3A_362 = arith.mulf %gather3A_339, %get3A_361 : vector<16xf32>
      %add3A_363 = arith.addf %add3A_306, %mul3A_362 : vector<16xf32>
      %get3A_364 = arith.constant 1 : i32
      %get3A_365 = arith.index_cast %get3A_364 : i32 to index
      %get3A_366 = arith.constant 64 : index
      %get3A_367 = tpu.vector_load %arg13[%get3A_365, %get3A_366] {strides = array<i32>} : memref<16x128xf32, #tpu.memory_space<vmem>>, vector<16xf32>,
      %mul3A_368 = arith.mulf %gather3A_339, %get3A_367 : vector<16xf32>
      %add3A_369 = arith.addf %add3A_312, %mul3A_368 : vector<16xf32>
      %get3A_370 = arith.constant 1 : i32
      %get3A_371 = arith.index_cast %get3A_370 : i32 to index
      %get3A_372 = arith.constant 80 : index
      %get3A_373 = tpu.vector_load %arg13[%get3A_371, %get3A_372] {strides = array<i32>} : memref<16x128xf32, #tpu.memory_space<vmem>>, vector<16xf32>,
      %mul3A_374 = arith.mulf %gather3A_339, %get3A_373 : vector<16xf32>
      %add3A_375 = arith.addf %add3A_318, %mul3A_374 : vector<16xf32>
      %get3A_376 = arith.constant 1 : i32
      %get3A_377 = arith.index_cast %get3A_376 : i32 to index
      %get3A_378 = arith.constant 96 : index
      %get3A_379 = tpu.vector_load %arg13[%get3A_377, %get3A_378] {strides = array<i32>} : memref<16x128xf32, #tpu.memory_space<vmem>>, vector<16xf32>,
      %mul3A_380 = arith.mulf %gather3A_339, %get3A_379 : vector<16xf32>
      %add3A_381 = arith.addf %add3A_324, %mul3A_380 : vector<16xf32>
      %get3A_382 = arith.constant 1 : i32
      %get3A_383 = arith.index_cast %get3A_382 : i32 to index
      %get3A_384 = arith.constant 112 : index
      %get3A_385 = tpu.vector_load %arg13[%get3A_383, %get3A_384] {strides = array<i32>} : memref<16x128xf32, #tpu.memory_space<vmem>>, vector<16xf32>,
      %mul3A_386 = arith.mulf %gather3A_339, %get3A_385 : vector<16xf32>
      %add3A_387 = arith.addf %add3A_330, %mul3A_386 : vector<16xf32>
      %mul3A_388 = arith.constant 16 : i32
      %mul3A_389 = arith.muli %while3A_258, %mul3A_388 : i32
      %add3A_390 = arith.constant 2 : i32
      %add3A_391 = arith.addi %mul3A_389, %add3A_390 : i32
      %broadcast_in_dim3A_392 = arith.constant 0 : i32
      %broadcast_in_dim3A_393 = vector.broadcast %broadcast_in_dim3A_392 : i32 to vector<16xi32>
      %add3A_394 = vector.broadcast %add3A_391 : i32 to vector<16xi32>
      %add3A_395 = arith.addi %add3A_394, %broadcast_in_dim3A_393 : vector<16xi32>
      %gather3A_396 = tpu.vector_load_idx %arg11[%add3A_395] : memref<2064xf32, #tpu.memory_space<vmem>>[vector<16xi32>], vector<16xf32>,
      %get3A_397 = arith.constant 2 : i32
      %get3A_398 = arith.index_cast %get3A_397 : i32 to index
      %get3A_399 = arith.constant 0 : index
      %get3A_400 = tpu.vector_load %arg13[%get3A_398, %get3A_399] {strides = array<i32>} : memref<16x128xf32, #tpu.memory_space<vmem>>, vector<16xf32>,
      %mul3A_401 = arith.mulf %gather3A_396, %get3A_400 : vector<16xf32>
      %add3A_402 = arith.addf %add3A_345, %mul3A_401 : vector<16xf32>
      %get3A_403 = arith.constant 2 : i32
      %get3A_404 = arith.index_cast %get3A_403 : i32 to index
      %get3A_405 = arith.constant 16 : index
      %get3A_406 = tpu.vector_load %arg13[%get3A_404, %get3A_405] {strides = array<i32>} : memref<16x128xf32, #tpu.memory_space<vmem>>, vector<16xf32>,
      %mul3A_407 = arith.mulf %gather3A_396, %get3A_406 : vector<16xf32>
      %add3A_408 = arith.addf %add3A_351, %mul3A_407 : vector<16xf32>
      %get3A_409 = arith.constant 2 : i32
      %get3A_410 = arith.index_cast %get3A_409 : i32 to index
      %get3A_411 = arith.constant 32 : index
      %get3A_412 = tpu.vector_load %arg13[%get3A_410, %get3A_411] {strides = array<i32>} : memref<16x128xf32, #tpu.memory_space<vmem>>, vector<16xf32>,
      %mul3A_413 = arith.mulf %gather3A_396, %get3A_412 : vector<16xf32>
      %add3A_414 = arith.addf %add3A_357, %mul3A_413 : vector<16xf32>
      %get3A_415 = arith.constant 2 : i32
      %get3A_416 = arith.index_cast %get3A_415 : i32 to index
      %get3A_417 = arith.constant 48 : index
      %get3A_418 = tpu.vector_load %arg13[%get3A_416, %get3A_417] {strides = array<i32>} : memref<16x128xf32, #tpu.memory_space<vmem>>, vector<16xf32>,
      %mul3A_419 = arith.mulf %gather3A_396, %get3A_418 : vector<16xf32>
      %add3A_420 = arith.addf %add3A_363, %mul3A_419 : vector<16xf32>
      %get3A_421 = arith.constant 2 : i32
      %get3A_422 = arith.index_cast %get3A_421 : i32 to index
      %get3A_423 = arith.constant 64 : index
      %get3A_424 = tpu.vector_load %arg13[%get3A_422, %get3A_423] {strides = array<i32>} : memref<16x128xf32, #tpu.memory_space<vmem>>, vector<16xf32>,
      %mul3A_425 = arith.mulf %gather3A_396, %get3A_424 : vector<16xf32>
      %add3A_426 = arith.addf %add3A_369, %mul3A_425 : vector<16xf32>
      %get3A_427 = arith.constant 2 : i32
      %get3A_428 = arith.index_cast %get3A_427 : i32 to index
      %get3A_429 = arith.constant 80 : index
      %get3A_430 = tpu.vector_load %arg13[%get3A_428, %get3A_429] {strides = array<i32>} : memref<16x128xf32, #tpu.memory_space<vmem>>, vector<16xf32>,
      %mul3A_431 = arith.mulf %gather3A_396, %get3A_430 : vector<16xf32>
      %add3A_432 = arith.addf %add3A_375, %mul3A_431 : vector<16xf32>
      %get3A_433 = arith.constant 2 : i32
      %get3A_434 = arith.index_cast %get3A_433 : i32 to index
      %get3A_435 = arith.constant 96 : index
      %get3A_436 = tpu.vector_load %arg13[%get3A_434, %get3A_435] {strides = array<i32>} : memref<16x128xf32, #tpu.memory_space<vmem>>, vector<16xf32>,
      %mul3A_437 = arith.mulf %gather3A_396, %get3A_436 : vector<16xf32>
      %add3A_438 = arith.addf %add3A_381, %mul3A_437 : vector<16xf32>
      %get3A_439 = arith.constant 2 : i32
      %get3A_440 = arith.index_cast %get3A_439 : i32 to index
      %get3A_441 = arith.constant 112 : index
      %get3A_442 = tpu.vector_load %arg13[%get3A_440, %get3A_441] {strides = array<i32>} : memref<16x128xf32, #tpu.memory_space<vmem>>, vector<16xf32>,
      %mul3A_443 = arith.mulf %gather3A_396, %get3A_442 : vector<16xf32>
      %add3A_444 = arith.addf %add3A_387, %mul3A_443 : vector<16xf32>
      %mul3A_445 = arith.constant 16 : i32
      %mul3A_446 = arith.muli %while3A_258, %mul3A_445 : i32
      %add3A_447 = arith.constant 3 : i32
      %add3A_448 = arith.addi %mul3A_446, %add3A_447 : i32
      %broadcast_in_dim3A_449 = arith.constant 0 : i32
      %broadcast_in_dim3A_450 = vector.broadcast %broadcast_in_dim3A_449 : i32 to vector<16xi32>
      %add3A_451 = vector.broadcast %add3A_448 : i32 to vector<16xi32>
      %add3A_452 = arith.addi %add3A_451, %broadcast_in_dim3A_450 : vector<16xi32>
      %gather3A_453 = tpu.vector_load_idx %arg11[%add3A_452] : memref<2064xf32, #tpu.memory_space<vmem>>[vector<16xi32>], vector<16xf32>,
      %get3A_454 = arith.constant 3 : i32
      %get3A_455 = arith.index_cast %get3A_454 : i32 to index
      %get3A_456 = arith.constant 0 : index
      %get3A_457 = tpu.vector_load %arg13[%get3A_455, %get3A_456] {strides = array<i32>} : memref<16x128xf32, #tpu.memory_space<vmem>>, vector<16xf32>,
      %mul3A_458 = arith.mulf %gather3A_453, %get3A_457 : vector<16xf32>
      %add3A_459 = arith.addf %add3A_402, %mul3A_458 : vector<16xf32>
      %get3A_460 = arith.constant 3 : i32
      %get3A_461 = arith.index_cast %get3A_460 : i32 to index
      %get3A_462 = arith.constant 16 : index
      %get3A_463 = tpu.vector_load %arg13[%get3A_461, %get3A_462] {strides = array<i32>} : memref<16x128xf32, #tpu.memory_space<vmem>>, vector<16xf32>,
      %mul3A_464 = arith.mulf %gather3A_453, %get3A_463 : vector<16xf32>
      %add3A_465 = arith.addf %add3A_408, %mul3A_464 : vector<16xf32>
      %get3A_466 = arith.constant 3 : i32
      %get3A_467 = arith.index_cast %get3A_466 : i32 to index
      %get3A_468 = arith.constant 32 : index
      %get3A_469 = tpu.vector_load %arg13[%get3A_467, %get3A_468] {strides = array<i32>} : memref<16x128xf32, #tpu.memory_space<vmem>>, vector<16xf32>,
      %mul3A_470 = arith.mulf %gather3A_453, %get3A_469 : vector<16xf32>
      %add3A_471 = arith.addf %add3A_414, %mul3A_470 : vector<16xf32>
      %get3A_472 = arith.constant 3 : i32
      %get3A_473 = arith.index_cast %get3A_472 : i32 to index
      %get3A_474 = arith.constant 48 : index
      %get3A_475 = tpu.vector_load %arg13[%get3A_473, %get3A_474] {strides = array<i32>} : memref<16x128xf32, #tpu.memory_space<vmem>>, vector<16xf32>,
      %mul3A_476 = arith.mulf %gather3A_453, %get3A_475 : vector<16xf32>
      %add3A_477 = arith.addf %add3A_420, %mul3A_476 : vector<16xf32>
      %get3A_478 = arith.constant 3 : i32
      %get3A_479 = arith.index_cast %get3A_478 : i32 to index
      %get3A_480 = arith.constant 64 : index
      %get3A_481 = tpu.vector_load %arg13[%get3A_479, %get3A_480] {strides = array<i32>} : memref<16x128xf32, #tpu.memory_space<vmem>>, vector<16xf32>,
      %mul3A_482 = arith.mulf %gather3A_453, %get3A_481 : vector<16xf32>
      %add3A_483 = arith.addf %add3A_426, %mul3A_482 : vector<16xf32>
      %get3A_484 = arith.constant 3 : i32
      %get3A_485 = arith.index_cast %get3A_484 : i32 to index
      %get3A_486 = arith.constant 80 : index
      %get3A_487 = tpu.vector_load %arg13[%get3A_485, %get3A_486] {strides = array<i32>} : memref<16x128xf32, #tpu.memory_space<vmem>>, vector<16xf32>,
      %mul3A_488 = arith.mulf %gather3A_453, %get3A_487 : vector<16xf32>
      %add3A_489 = arith.addf %add3A_432, %mul3A_488 : vector<16xf32>
      %get3A_490 = arith.constant 3 : i32
      %get3A_491 = arith.index_cast %get3A_490 : i32 to index
      %get3A_492 = arith.constant 96 : index
      %get3A_493 = tpu.vector_load %arg13[%get3A_491, %get3A_492] {strides = array<i32>} : memref<16x128xf32, #tpu.memory_space<vmem>>, vector<16xf32>,
      %mul3A_494 = arith.mulf %gather3A_453, %get3A_493 : vector<16xf32>
      %add3A_495 = arith.addf %add3A_438, %mul3A_494 : vector<16xf32>
      %get3A_496 = arith.constant 3 : i32
      %get3A_497 = arith.index_cast %get3A_496 : i32 to index
      %get3A_498 = arith.constant 112 : index
      %get3A_499 = tpu.vector_load %arg13[%get3A_497, %get3A_498] {strides = array<i32>} : memref<16x128xf32, #tpu.memory_space<vmem>>, vector<16xf32>,
      %mul3A_500 = arith.mulf %gather3A_453, %get3A_499 : vector<16xf32>
      %add3A_501 = arith.addf %add3A_444, %mul3A_500 : vector<16xf32>
      %mul3A_502 = arith.constant 16 : i32
      %mul3A_503 = arith.muli %while3A_258, %mul3A_502 : i32
      %add3A_504 = arith.constant 4 : i32
      %add3A_505 = arith.addi %mul3A_503, %add3A_504 : i32
      %broadcast_in_dim3A_506 = arith.constant 0 : i32
      %broadcast_in_dim3A_507 = vector.broadcast %broadcast_in_dim3A_506 : i32 to vector<16xi32>
      %add3A_508 = vector.broadcast %add3A_505 : i32 to vector<16xi32>
      %add3A_509 = arith.addi %add3A_508, %broadcast_in_dim3A_507 : vector<16xi32>
      %gather3A_510 = tpu.vector_load_idx %arg11[%add3A_509] : memref<2064xf32, #tpu.memory_space<vmem>>[vector<16xi32>], vector<16xf32>,
      %get3A_511 = arith.constant 4 : i32
      %get3A_512 = arith.index_cast %get3A_511 : i32 to index
      %get3A_513 = arith.constant 0 : index
      %get3A_514 = tpu.vector_load %arg13[%get3A_512, %get3A_513] {strides = array<i32>} : memref<16x128xf32, #tpu.memory_space<vmem>>, vector<16xf32>,
      %mul3A_515 = arith.mulf %gather3A_510, %get3A_514 : vector<16xf32>
      %add3A_516 = arith.addf %add3A_459, %mul3A_515 : vector<16xf32>
      %get3A_517 = arith.constant 4 : i32
      %get3A_518 = arith.index_cast %get3A_517 : i32 to index
      %get3A_519 = arith.constant 16 : index
      %get3A_520 = tpu.vector_load %arg13[%get3A_518, %get3A_519] {strides = array<i32>} : memref<16x128xf32, #tpu.memory_space<vmem>>, vector<16xf32>,
      %mul3A_521 = arith.mulf %gather3A_510, %get3A_520 : vector<16xf32>
      %add3A_522 = arith.addf %add3A_465, %mul3A_521 : vector<16xf32>
      %get3A_523 = arith.constant 4 : i32
      %get3A_524 = arith.index_cast %get3A_523 : i32 to index
      %get3A_525 = arith.constant 32 : index
      %get3A_526 = tpu.vector_load %arg13[%get3A_524, %get3A_525] {strides = array<i32>} : memref<16x128xf32, #tpu.memory_space<vmem>>, vector<16xf32>,
      %mul3A_527 = arith.mulf %gather3A_510, %get3A_526 : vector<16xf32>
      %add3A_528 = arith.addf %add3A_471, %mul3A_527 : vector<16xf32>
      %get3A_529 = arith.constant 4 : i32
      %get3A_530 = arith.index_cast %get3A_529 : i32 to index
      %get3A_531 = arith.constant 48 : index
      %get3A_532 = tpu.vector_load %arg13[%get3A_530, %get3A_531] {strides = array<i32>} : memref<16x128xf32, #tpu.memory_space<vmem>>, vector<16xf32>,
      %mul3A_533 = arith.mulf %gather3A_510, %get3A_532 : vector<16xf32>
      %add3A_534 = arith.addf %add3A_477, %mul3A_533 : vector<16xf32>
      %get3A_535 = arith.constant 4 : i32
      %get3A_536 = arith.index_cast %get3A_535 : i32 to index
      %get3A_537 = arith.constant 64 : index
      %get3A_538 = tpu.vector_load %arg13[%get3A_536, %get3A_537] {strides = array<i32>} : memref<16x128xf32, #tpu.memory_space<vmem>>, vector<16xf32>,
      %mul3A_539 = arith.mulf %gather3A_510, %get3A_538 : vector<16xf32>
      %add3A_540 = arith.addf %add3A_483, %mul3A_539 : vector<16xf32>
      %get3A_541 = arith.constant 4 : i32
      %get3A_542 = arith.index_cast %get3A_541 : i32 to index
      %get3A_543 = arith.constant 80 : index
      %get3A_544 = tpu.vector_load %arg13[%get3A_542, %get3A_543] {strides = array<i32>} : memref<16x128xf32, #tpu.memory_space<vmem>>, vector<16xf32>,
      %mul3A_545 = arith.mulf %gather3A_510, %get3A_544 : vector<16xf32>
      %add3A_546 = arith.addf %add3A_489, %mul3A_545 : vector<16xf32>
      %get3A_547 = arith.constant 4 : i32
      %get3A_548 = arith.index_cast %get3A_547 : i32 to index
      %get3A_549 = arith.constant 96 : index
      %get3A_550 = tpu.vector_load %arg13[%get3A_548, %get3A_549] {strides = array<i32>} : memref<16x128xf32, #tpu.memory_space<vmem>>, vector<16xf32>,
      %mul3A_551 = arith.mulf %gather3A_510, %get3A_550 : vector<16xf32>
      %add3A_552 = arith.addf %add3A_495, %mul3A_551 : vector<16xf32>
      %get3A_553 = arith.constant 4 : i32
      %get3A_554 = arith.index_cast %get3A_553 : i32 to index
      %get3A_555 = arith.constant 112 : index
      %get3A_556 = tpu.vector_load %arg13[%get3A_554, %get3A_555] {strides = array<i32>} : memref<16x128xf32, #tpu.memory_space<vmem>>, vector<16xf32>,
      %mul3A_557 = arith.mulf %gather3A_510, %get3A_556 : vector<16xf32>
      %add3A_558 = arith.addf %add3A_501, %mul3A_557 : vector<16xf32>
      %mul3A_559 = arith.constant 16 : i32
      %mul3A_560 = arith.muli %while3A_258, %mul3A_559 : i32
      %add3A_561 = arith.constant 5 : i32
      %add3A_562 = arith.addi %mul3A_560, %add3A_561 : i32
      %broadcast_in_dim3A_563 = arith.constant 0 : i32
      %broadcast_in_dim3A_564 = vector.broadcast %broadcast_in_dim3A_563 : i32 to vector<16xi32>
      %add3A_565 = vector.broadcast %add3A_562 : i32 to vector<16xi32>
      %add3A_566 = arith.addi %add3A_565, %broadcast_in_dim3A_564 : vector<16xi32>
      %gather3A_567 = tpu.vector_load_idx %arg11[%add3A_566] : memref<2064xf32, #tpu.memory_space<vmem>>[vector<16xi32>], vector<16xf32>,
      %get3A_568 = arith.constant 5 : i32
      %get3A_569 = arith.index_cast %get3A_568 : i32 to index
      %get3A_570 = arith.constant 0 : index
      %get3A_571 = tpu.vector_load %arg13[%get3A_569, %get3A_570] {strides = array<i32>} : memref<16x128xf32, #tpu.memory_space<vmem>>, vector<16xf32>,
      %mul3A_572 = arith.mulf %gather3A_567, %get3A_571 : vector<16xf32>
      %add3A_573 = arith.addf %add3A_516, %mul3A_572 : vector<16xf32>
      %get3A_574 = arith.constant 5 : i32
      %get3A_575 = arith.index_cast %get3A_574 : i32 to index
      %get3A_576 = arith.constant 16 : index
      %get3A_577 = tpu.vector_load %arg13[%get3A_575, %get3A_576] {strides = array<i32>} : memref<16x128xf32, #tpu.memory_space<vmem>>, vector<16xf32>,
      %mul3A_578 = arith.mulf %gather3A_567, %get3A_577 : vector<16xf32>
      %add3A_579 = arith.addf %add3A_522, %mul3A_578 : vector<16xf32>
      %get3A_580 = arith.constant 5 : i32
      %get3A_581 = arith.index_cast %get3A_580 : i32 to index
      %get3A_582 = arith.constant 32 : index
      %get3A_583 = tpu.vector_load %arg13[%get3A_581, %get3A_582] {strides = array<i32>} : memref<16x128xf32, #tpu.memory_space<vmem>>, vector<16xf32>,
      %mul3A_584 = arith.mulf %gather3A_567, %get3A_583 : vector<16xf32>
      %add3A_585 = arith.addf %add3A_528, %mul3A_584 : vector<16xf32>
      %get3A_586 = arith.constant 5 : i32
      %get3A_587 = arith.index_cast %get3A_586 : i32 to index
      %get3A_588 = arith.constant 48 : index
      %get3A_589 = tpu.vector_load %arg13[%get3A_587, %get3A_588] {strides = array<i32>} : memref<16x128xf32, #tpu.memory_space<vmem>>, vector<16xf32>,
      %mul3A_590 = arith.mulf %gather3A_567, %get3A_589 : vector<16xf32>
      %add3A_591 = arith.addf %add3A_534, %mul3A_590 : vector<16xf32>
      %get3A_592 = arith.constant 5 : i32
      %get3A_593 = arith.index_cast %get3A_592 : i32 to index
      %get3A_594 = arith.constant 64 : index
      %get3A_595 = tpu.vector_load %arg13[%get3A_593, %get3A_594] {strides = array<i32>} : memref<16x128xf32, #tpu.memory_space<vmem>>, vector<16xf32>,
      %mul3A_596 = arith.mulf %gather3A_567, %get3A_595 : vector<16xf32>
      %add3A_597 = arith.addf %add3A_540, %mul3A_596 : vector<16xf32>
      %get3A_598 = arith.constant 5 : i32
      %get3A_599 = arith.index_cast %get3A_598 : i32 to index
      %get3A_600 = arith.constant 80 : index
      %get3A_601 = tpu.vector_load %arg13[%get3A_599, %get3A_600] {strides = array<i32>} : memref<16x128xf32, #tpu.memory_space<vmem>>, vector<16xf32>,
      %mul3A_602 = arith.mulf %gather3A_567, %get3A_601 : vector<16xf32>
      %add3A_603 = arith.addf %add3A_546, %mul3A_602 : vector<16xf32>
      %get3A_604 = arith.constant 5 : i32
      %get3A_605 = arith.index_cast %get3A_604 : i32 to index
      %get3A_606 = arith.constant 96 : index
      %get3A_607 = tpu.vector_load %arg13[%get3A_605, %get3A_606] {strides = array<i32>} : memref<16x128xf32, #tpu.memory_space<vmem>>, vector<16xf32>,
      %mul3A_608 = arith.mulf %gather3A_567, %get3A_607 : vector<16xf32>
      %add3A_609 = arith.addf %add3A_552, %mul3A_608 : vector<16xf32>
      %get3A_610 = arith.constant 5 : i32
      %get3A_611 = arith.index_cast %get3A_610 : i32 to index
      %get3A_612 = arith.constant 112 : index
      %get3A_613 = tpu.vector_load %arg13[%get3A_611, %get3A_612] {strides = array<i32>} : memref<16x128xf32, #tpu.memory_space<vmem>>, vector<16xf32>,
      %mul3A_614 = arith.mulf %gather3A_567, %get3A_613 : vector<16xf32>
      %add3A_615 = arith.addf %add3A_558, %mul3A_614 : vector<16xf32>
      %mul3A_616 = arith.constant 16 : i32
      %mul3A_617 = arith.muli %while3A_258, %mul3A_616 : i32
      %add3A_618 = arith.constant 6 : i32
      %add3A_619 = arith.addi %mul3A_617, %add3A_618 : i32
      %broadcast_in_dim3A_620 = arith.constant 0 : i32
      %broadcast_in_dim3A_621 = vector.broadcast %broadcast_in_dim3A_620 : i32 to vector<16xi32>
      %add3A_622 = vector.broadcast %add3A_619 : i32 to vector<16xi32>
      %add3A_623 = arith.addi %add3A_622, %broadcast_in_dim3A_621 : vector<16xi32>
      %gather3A_624 = tpu.vector_load_idx %arg11[%add3A_623] : memref<2064xf32, #tpu.memory_space<vmem>>[vector<16xi32>], vector<16xf32>,
      %get3A_625 = arith.constant 6 : i32
      %get3A_626 = arith.index_cast %get3A_625 : i32 to index
      %get3A_627 = arith.constant 0 : index
      %get3A_628 = tpu.vector_load %arg13[%get3A_626, %get3A_627] {strides = array<i32>} : memref<16x128xf32, #tpu.memory_space<vmem>>, vector<16xf32>,
      %mul3A_629 = arith.mulf %gather3A_624, %get3A_628 : vector<16xf32>
      %add3A_630 = arith.addf %add3A_573, %mul3A_629 : vector<16xf32>
      %get3A_631 = arith.constant 6 : i32
      %get3A_632 = arith.index_cast %get3A_631 : i32 to index
      %get3A_633 = arith.constant 16 : index
      %get3A_634 = tpu.vector_load %arg13[%get3A_632, %get3A_633] {strides = array<i32>} : memref<16x128xf32, #tpu.memory_space<vmem>>, vector<16xf32>,
      %mul3A_635 = arith.mulf %gather3A_624, %get3A_634 : vector<16xf32>
      %add3A_636 = arith.addf %add3A_579, %mul3A_635 : vector<16xf32>
      %get3A_637 = arith.constant 6 : i32
      %get3A_638 = arith.index_cast %get3A_637 : i32 to index
      %get3A_639 = arith.constant 32 : index
      %get3A_640 = tpu.vector_load %arg13[%get3A_638, %get3A_639] {strides = array<i32>} : memref<16x128xf32, #tpu.memory_space<vmem>>, vector<16xf32>,
      %mul3A_641 = arith.mulf %gather3A_624, %get3A_640 : vector<16xf32>
      %add3A_642 = arith.addf %add3A_585, %mul3A_641 : vector<16xf32>
      %get3A_643 = arith.constant 6 : i32
      %get3A_644 = arith.index_cast %get3A_643 : i32 to index
      %get3A_645 = arith.constant 48 : index
      %get3A_646 = tpu.vector_load %arg13[%get3A_644, %get3A_645] {strides = array<i32>} : memref<16x128xf32, #tpu.memory_space<vmem>>, vector<16xf32>,
      %mul3A_647 = arith.mulf %gather3A_624, %get3A_646 : vector<16xf32>
      %add3A_648 = arith.addf %add3A_591, %mul3A_647 : vector<16xf32>
      %get3A_649 = arith.constant 6 : i32
      %get3A_650 = arith.index_cast %get3A_649 : i32 to index
      %get3A_651 = arith.constant 64 : index
      %get3A_652 = tpu.vector_load %arg13[%get3A_650, %get3A_651] {strides = array<i32>} : memref<16x128xf32, #tpu.memory_space<vmem>>, vector<16xf32>,
      %mul3A_653 = arith.mulf %gather3A_624, %get3A_652 : vector<16xf32>
      %add3A_654 = arith.addf %add3A_597, %mul3A_653 : vector<16xf32>
      %get3A_655 = arith.constant 6 : i32
      %get3A_656 = arith.index_cast %get3A_655 : i32 to index
      %get3A_657 = arith.constant 80 : index
      %get3A_658 = tpu.vector_load %arg13[%get3A_656, %get3A_657] {strides = array<i32>} : memref<16x128xf32, #tpu.memory_space<vmem>>, vector<16xf32>,
      %mul3A_659 = arith.mulf %gather3A_624, %get3A_658 : vector<16xf32>
      %add3A_660 = arith.addf %add3A_603, %mul3A_659 : vector<16xf32>
      %get3A_661 = arith.constant 6 : i32
      %get3A_662 = arith.index_cast %get3A_661 : i32 to index
      %get3A_663 = arith.constant 96 : index
      %get3A_664 = tpu.vector_load %arg13[%get3A_662, %get3A_663] {strides = array<i32>} : memref<16x128xf32, #tpu.memory_space<vmem>>, vector<16xf32>,
      %mul3A_665 = arith.mulf %gather3A_624, %get3A_664 : vector<16xf32>
      %add3A_666 = arith.addf %add3A_609, %mul3A_665 : vector<16xf32>
      %get3A_667 = arith.constant 6 : i32
      %get3A_668 = arith.index_cast %get3A_667 : i32 to index
      %get3A_669 = arith.constant 112 : index
      %get3A_670 = tpu.vector_load %arg13[%get3A_668, %get3A_669] {strides = array<i32>} : memref<16x128xf32, #tpu.memory_space<vmem>>, vector<16xf32>,
      %mul3A_671 = arith.mulf %gather3A_624, %get3A_670 : vector<16xf32>
      %add3A_672 = arith.addf %add3A_615, %mul3A_671 : vector<16xf32>
      %mul3A_673 = arith.constant 16 : i32
      %mul3A_674 = arith.muli %while3A_258, %mul3A_673 : i32
      %add3A_675 = arith.constant 7 : i32
      %add3A_676 = arith.addi %mul3A_674, %add3A_675 : i32
      %broadcast_in_dim3A_677 = arith.constant 0 : i32
      %broadcast_in_dim3A_678 = vector.broadcast %broadcast_in_dim3A_677 : i32 to vector<16xi32>
      %add3A_679 = vector.broadcast %add3A_676 : i32 to vector<16xi32>
      %add3A_680 = arith.addi %add3A_679, %broadcast_in_dim3A_678 : vector<16xi32>
      %gather3A_681 = tpu.vector_load_idx %arg11[%add3A_680] : memref<2064xf32, #tpu.memory_space<vmem>>[vector<16xi32>], vector<16xf32>,
      %get3A_682 = arith.constant 7 : i32
      %get3A_683 = arith.index_cast %get3A_682 : i32 to index
      %get3A_684 = arith.constant 0 : index
      %get3A_685 = tpu.vector_load %arg13[%get3A_683, %get3A_684] {strides = array<i32>} : memref<16x128xf32, #tpu.memory_space<vmem>>, vector<16xf32>,
      %mul3A_686 = arith.mulf %gather3A_681, %get3A_685 : vector<16xf32>
      %add3A_687 = arith.addf %add3A_630, %mul3A_686 : vector<16xf32>
      %get3A_688 = arith.constant 7 : i32
      %get3A_689 = arith.index_cast %get3A_688 : i32 to index
      %get3A_690 = arith.constant 16 : index
      %get3A_691 = tpu.vector_load %arg13[%get3A_689, %get3A_690] {strides = array<i32>} : memref<16x128xf32, #tpu.memory_space<vmem>>, vector<16xf32>,
      %mul3A_692 = arith.mulf %gather3A_681, %get3A_691 : vector<16xf32>
      %add3A_693 = arith.addf %add3A_636, %mul3A_692 : vector<16xf32>
      %get3A_694 = arith.constant 7 : i32
      %get3A_695 = arith.index_cast %get3A_694 : i32 to index
      %get3A_696 = arith.constant 32 : index
      %get3A_697 = tpu.vector_load %arg13[%get3A_695, %get3A_696] {strides = array<i32>} : memref<16x128xf32, #tpu.memory_space<vmem>>, vector<16xf32>,
      %mul3A_698 = arith.mulf %gather3A_681, %get3A_697 : vector<16xf32>
      %add3A_699 = arith.addf %add3A_642, %mul3A_698 : vector<16xf32>
      %get3A_700 = arith.constant 7 : i32
      %get3A_701 = arith.index_cast %get3A_700 : i32 to index
      %get3A_702 = arith.constant 48 : index
      %get3A_703 = tpu.vector_load %arg13[%get3A_701, %get3A_702] {strides = array<i32>} : memref<16x128xf32, #tpu.memory_space<vmem>>, vector<16xf32>,
      %mul3A_704 = arith.mulf %gather3A_681, %get3A_703 : vector<16xf32>
      %add3A_705 = arith.addf %add3A_648, %mul3A_704 : vector<16xf32>
      %get3A_706 = arith.constant 7 : i32
      %get3A_707 = arith.index_cast %get3A_706 : i32 to index
      %get3A_708 = arith.constant 64 : index
      %get3A_709 = tpu.vector_load %arg13[%get3A_707, %get3A_708] {strides = array<i32>} : memref<16x128xf32, #tpu.memory_space<vmem>>, vector<16xf32>,
      %mul3A_710 = arith.mulf %gather3A_681, %get3A_709 : vector<16xf32>
      %add3A_711 = arith.addf %add3A_654, %mul3A_710 : vector<16xf32>
      %get3A_712 = arith.constant 7 : i32
      %get3A_713 = arith.index_cast %get3A_712 : i32 to index
      %get3A_714 = arith.constant 80 : index
      %get3A_715 = tpu.vector_load %arg13[%get3A_713, %get3A_714] {strides = array<i32>} : memref<16x128xf32, #tpu.memory_space<vmem>>, vector<16xf32>,
      %mul3A_716 = arith.mulf %gather3A_681, %get3A_715 : vector<16xf32>
      %add3A_717 = arith.addf %add3A_660, %mul3A_716 : vector<16xf32>
      %get3A_718 = arith.constant 7 : i32
      %get3A_719 = arith.index_cast %get3A_718 : i32 to index
      %get3A_720 = arith.constant 96 : index
      %get3A_721 = tpu.vector_load %arg13[%get3A_719, %get3A_720] {strides = array<i32>} : memref<16x128xf32, #tpu.memory_space<vmem>>, vector<16xf32>,
      %mul3A_722 = arith.mulf %gather3A_681, %get3A_721 : vector<16xf32>
      %add3A_723 = arith.addf %add3A_666, %mul3A_722 : vector<16xf32>
      %get3A_724 = arith.constant 7 : i32
      %get3A_725 = arith.index_cast %get3A_724 : i32 to index
      %get3A_726 = arith.constant 112 : index
      %get3A_727 = tpu.vector_load %arg13[%get3A_725, %get3A_726] {strides = array<i32>} : memref<16x128xf32, #tpu.memory_space<vmem>>, vector<16xf32>,
      %mul3A_728 = arith.mulf %gather3A_681, %get3A_727 : vector<16xf32>
      %add3A_729 = arith.addf %add3A_672, %mul3A_728 : vector<16xf32>
      %mul3A_730 = arith.constant 16 : i32
      %mul3A_731 = arith.muli %while3A_258, %mul3A_730 : i32
      %add3A_732 = arith.constant 8 : i32
      %add3A_733 = arith.addi %mul3A_731, %add3A_732 : i32
      %broadcast_in_dim3A_734 = arith.constant 0 : i32
      %broadcast_in_dim3A_735 = vector.broadcast %broadcast_in_dim3A_734 : i32 to vector<16xi32>
      %add3A_736 = vector.broadcast %add3A_733 : i32 to vector<16xi32>
      %add3A_737 = arith.addi %add3A_736, %broadcast_in_dim3A_735 : vector<16xi32>
      %gather3A_738 = tpu.vector_load_idx %arg11[%add3A_737] : memref<2064xf32, #tpu.memory_space<vmem>>[vector<16xi32>], vector<16xf32>,
      %get3A_739 = arith.constant 8 : i32
      %get3A_740 = arith.index_cast %get3A_739 : i32 to index
      %get3A_741 = arith.constant 0 : index
      %get3A_742 = tpu.vector_load %arg13[%get3A_740, %get3A_741] {strides = array<i32>} : memref<16x128xf32, #tpu.memory_space<vmem>>, vector<16xf32>,
      %mul3A_743 = arith.mulf %gather3A_738, %get3A_742 : vector<16xf32>
      %add3A_744 = arith.addf %add3A_687, %mul3A_743 : vector<16xf32>
      %get3A_745 = arith.constant 8 : i32
      %get3A_746 = arith.index_cast %get3A_745 : i32 to index
      %get3A_747 = arith.constant 16 : index
      %get3A_748 = tpu.vector_load %arg13[%get3A_746, %get3A_747] {strides = array<i32>} : memref<16x128xf32, #tpu.memory_space<vmem>>, vector<16xf32>,
      %mul3A_749 = arith.mulf %gather3A_738, %get3A_748 : vector<16xf32>
      %add3A_750 = arith.addf %add3A_693, %mul3A_749 : vector<16xf32>
      %get3A_751 = arith.constant 8 : i32
      %get3A_752 = arith.index_cast %get3A_751 : i32 to index
      %get3A_753 = arith.constant 32 : index
      %get3A_754 = tpu.vector_load %arg13[%get3A_752, %get3A_753] {strides = array<i32>} : memref<16x128xf32, #tpu.memory_space<vmem>>, vector<16xf32>,
      %mul3A_755 = arith.mulf %gather3A_738, %get3A_754 : vector<16xf32>
      %add3A_756 = arith.addf %add3A_699, %mul3A_755 : vector<16xf32>
      %get3A_757 = arith.constant 8 : i32
      %get3A_758 = arith.index_cast %get3A_757 : i32 to index
      %get3A_759 = arith.constant 48 : index
      %get3A_760 = tpu.vector_load %arg13[%get3A_758, %get3A_759] {strides = array<i32>} : memref<16x128xf32, #tpu.memory_space<vmem>>, vector<16xf32>,
      %mul3A_761 = arith.mulf %gather3A_738, %get3A_760 : vector<16xf32>
      %add3A_762 = arith.addf %add3A_705, %mul3A_761 : vector<16xf32>
      %get3A_763 = arith.constant 8 : i32
      %get3A_764 = arith.index_cast %get3A_763 : i32 to index
      %get3A_765 = arith.constant 64 : index
      %get3A_766 = tpu.vector_load %arg13[%get3A_764, %get3A_765] {strides = array<i32>} : memref<16x128xf32, #tpu.memory_space<vmem>>, vector<16xf32>,
      %mul3A_767 = arith.mulf %gather3A_738, %get3A_766 : vector<16xf32>
      %add3A_768 = arith.addf %add3A_711, %mul3A_767 : vector<16xf32>
      %get3A_769 = arith.constant 8 : i32
      %get3A_770 = arith.index_cast %get3A_769 : i32 to index
      %get3A_771 = arith.constant 80 : index
      %get3A_772 = tpu.vector_load %arg13[%get3A_770, %get3A_771] {strides = array<i32>} : memref<16x128xf32, #tpu.memory_space<vmem>>, vector<16xf32>,
      %mul3A_773 = arith.mulf %gather3A_738, %get3A_772 : vector<16xf32>
      %add3A_774 = arith.addf %add3A_717, %mul3A_773 : vector<16xf32>
      %get3A_775 = arith.constant 8 : i32
      %get3A_776 = arith.index_cast %get3A_775 : i32 to index
      %get3A_777 = arith.constant 96 : index
      %get3A_778 = tpu.vector_load %arg13[%get3A_776, %get3A_777] {strides = array<i32>} : memref<16x128xf32, #tpu.memory_space<vmem>>, vector<16xf32>,
      %mul3A_779 = arith.mulf %gather3A_738, %get3A_778 : vector<16xf32>
      %add3A_780 = arith.addf %add3A_723, %mul3A_779 : vector<16xf32>
      %get3A_781 = arith.constant 8 : i32
      %get3A_782 = arith.index_cast %get3A_781 : i32 to index
      %get3A_783 = arith.constant 112 : index
      %get3A_784 = tpu.vector_load %arg13[%get3A_782, %get3A_783] {strides = array<i32>} : memref<16x128xf32, #tpu.memory_space<vmem>>, vector<16xf32>,
      %mul3A_785 = arith.mulf %gather3A_738, %get3A_784 : vector<16xf32>
      %add3A_786 = arith.addf %add3A_729, %mul3A_785 : vector<16xf32>
      %mul3A_787 = arith.constant 16 : i32
      %mul3A_788 = arith.muli %while3A_258, %mul3A_787 : i32
      %add3A_789 = arith.constant 9 : i32
      %add3A_790 = arith.addi %mul3A_788, %add3A_789 : i32
      %broadcast_in_dim3A_791 = arith.constant 0 : i32
      %broadcast_in_dim3A_792 = vector.broadcast %broadcast_in_dim3A_791 : i32 to vector<16xi32>
      %add3A_793 = vector.broadcast %add3A_790 : i32 to vector<16xi32>
      %add3A_794 = arith.addi %add3A_793, %broadcast_in_dim3A_792 : vector<16xi32>
      %gather3A_795 = tpu.vector_load_idx %arg11[%add3A_794] : memref<2064xf32, #tpu.memory_space<vmem>>[vector<16xi32>], vector<16xf32>,
      %get3A_796 = arith.constant 9 : i32
      %get3A_797 = arith.index_cast %get3A_796 : i32 to index
      %get3A_798 = arith.constant 0 : index
      %get3A_799 = tpu.vector_load %arg13[%get3A_797, %get3A_798] {strides = array<i32>} : memref<16x128xf32, #tpu.memory_space<vmem>>, vector<16xf32>,
      %mul3A_800 = arith.mulf %gather3A_795, %get3A_799 : vector<16xf32>
      %add3A_801 = arith.addf %add3A_744, %mul3A_800 : vector<16xf32>
      %get3A_802 = arith.constant 9 : i32
      %get3A_803 = arith.index_cast %get3A_802 : i32 to index
      %get3A_804 = arith.constant 16 : index
      %get3A_805 = tpu.vector_load %arg13[%get3A_803, %get3A_804] {strides = array<i32>} : memref<16x128xf32, #tpu.memory_space<vmem>>, vector<16xf32>,
      %mul3A_806 = arith.mulf %gather3A_795, %get3A_805 : vector<16xf32>
      %add3A_807 = arith.addf %add3A_750, %mul3A_806 : vector<16xf32>
      %get3A_808 = arith.constant 9 : i32
      %get3A_809 = arith.index_cast %get3A_808 : i32 to index
      %get3A_810 = arith.constant 32 : index
      %get3A_811 = tpu.vector_load %arg13[%get3A_809, %get3A_810] {strides = array<i32>} : memref<16x128xf32, #tpu.memory_space<vmem>>, vector<16xf32>,
      %mul3A_812 = arith.mulf %gather3A_795, %get3A_811 : vector<16xf32>
      %add3A_813 = arith.addf %add3A_756, %mul3A_812 : vector<16xf32>
      %get3A_814 = arith.constant 9 : i32
      %get3A_815 = arith.index_cast %get3A_814 : i32 to index
      %get3A_816 = arith.constant 48 : index
      %get3A_817 = tpu.vector_load %arg13[%get3A_815, %get3A_816] {strides = array<i32>} : memref<16x128xf32, #tpu.memory_space<vmem>>, vector<16xf32>,
      %mul3A_818 = arith.mulf %gather3A_795, %get3A_817 : vector<16xf32>
      %add3A_819 = arith.addf %add3A_762, %mul3A_818 : vector<16xf32>
      %get3A_820 = arith.constant 9 : i32
      %get3A_821 = arith.index_cast %get3A_820 : i32 to index
      %get3A_822 = arith.constant 64 : index
      %get3A_823 = tpu.vector_load %arg13[%get3A_821, %get3A_822] {strides = array<i32>} : memref<16x128xf32, #tpu.memory_space<vmem>>, vector<16xf32>,
      %mul3A_824 = arith.mulf %gather3A_795, %get3A_823 : vector<16xf32>
      %add3A_825 = arith.addf %add3A_768, %mul3A_824 : vector<16xf32>
      %get3A_826 = arith.constant 9 : i32
      %get3A_827 = arith.index_cast %get3A_826 : i32 to index
      %get3A_828 = arith.constant 80 : index
      %get3A_829 = tpu.vector_load %arg13[%get3A_827, %get3A_828] {strides = array<i32>} : memref<16x128xf32, #tpu.memory_space<vmem>>, vector<16xf32>,
      %mul3A_830 = arith.mulf %gather3A_795, %get3A_829 : vector<16xf32>
      %add3A_831 = arith.addf %add3A_774, %mul3A_830 : vector<16xf32>
      %get3A_832 = arith.constant 9 : i32
      %get3A_833 = arith.index_cast %get3A_832 : i32 to index
      %get3A_834 = arith.constant 96 : index
      %get3A_835 = tpu.vector_load %arg13[%get3A_833, %get3A_834] {strides = array<i32>} : memref<16x128xf32, #tpu.memory_space<vmem>>, vector<16xf32>,
      %mul3A_836 = arith.mulf %gather3A_795, %get3A_835 : vector<16xf32>
      %add3A_837 = arith.addf %add3A_780, %mul3A_836 : vector<16xf32>
      %get3A_838 = arith.constant 9 : i32
      %get3A_839 = arith.index_cast %get3A_838 : i32 to index
      %get3A_840 = arith.constant 112 : index
      %get3A_841 = tpu.vector_load %arg13[%get3A_839, %get3A_840] {strides = array<i32>} : memref<16x128xf32, #tpu.memory_space<vmem>>, vector<16xf32>,
      %mul3A_842 = arith.mulf %gather3A_795, %get3A_841 : vector<16xf32>
      %add3A_843 = arith.addf %add3A_786, %mul3A_842 : vector<16xf32>
      %mul3A_844 = arith.constant 16 : i32
      %mul3A_845 = arith.muli %while3A_258, %mul3A_844 : i32
      %add3A_846 = arith.constant 10 : i32
      %add3A_847 = arith.addi %mul3A_845, %add3A_846 : i32
      %broadcast_in_dim3A_848 = arith.constant 0 : i32
      %broadcast_in_dim3A_849 = vector.broadcast %broadcast_in_dim3A_848 : i32 to vector<16xi32>
      %add3A_850 = vector.broadcast %add3A_847 : i32 to vector<16xi32>
      %add3A_851 = arith.addi %add3A_850, %broadcast_in_dim3A_849 : vector<16xi32>
      %gather3A_852 = tpu.vector_load_idx %arg11[%add3A_851] : memref<2064xf32, #tpu.memory_space<vmem>>[vector<16xi32>], vector<16xf32>,
      %get3A_853 = arith.constant 10 : i32
      %get3A_854 = arith.index_cast %get3A_853 : i32 to index
      %get3A_855 = arith.constant 0 : index
      %get3A_856 = tpu.vector_load %arg13[%get3A_854, %get3A_855] {strides = array<i32>} : memref<16x128xf32, #tpu.memory_space<vmem>>, vector<16xf32>,
      %mul3A_857 = arith.mulf %gather3A_852, %get3A_856 : vector<16xf32>
      %add3A_858 = arith.addf %add3A_801, %mul3A_857 : vector<16xf32>
      %get3A_859 = arith.constant 10 : i32
      %get3A_860 = arith.index_cast %get3A_859 : i32 to index
      %get3A_861 = arith.constant 16 : index
      %get3A_862 = tpu.vector_load %arg13[%get3A_860, %get3A_861] {strides = array<i32>} : memref<16x128xf32, #tpu.memory_space<vmem>>, vector<16xf32>,
      %mul3A_863 = arith.mulf %gather3A_852, %get3A_862 : vector<16xf32>
      %add3A_864 = arith.addf %add3A_807, %mul3A_863 : vector<16xf32>
      %get3A_865 = arith.constant 10 : i32
      %get3A_866 = arith.index_cast %get3A_865 : i32 to index
      %get3A_867 = arith.constant 32 : index
      %get3A_868 = tpu.vector_load %arg13[%get3A_866, %get3A_867] {strides = array<i32>} : memref<16x128xf32, #tpu.memory_space<vmem>>, vector<16xf32>,
      %mul3A_869 = arith.mulf %gather3A_852, %get3A_868 : vector<16xf32>
      %add3A_870 = arith.addf %add3A_813, %mul3A_869 : vector<16xf32>
      %get3A_871 = arith.constant 10 : i32
      %get3A_872 = arith.index_cast %get3A_871 : i32 to index
      %get3A_873 = arith.constant 48 : index
      %get3A_874 = tpu.vector_load %arg13[%get3A_872, %get3A_873] {strides = array<i32>} : memref<16x128xf32, #tpu.memory_space<vmem>>, vector<16xf32>,
      %mul3A_875 = arith.mulf %gather3A_852, %get3A_874 : vector<16xf32>
      %add3A_876 = arith.addf %add3A_819, %mul3A_875 : vector<16xf32>
      %get3A_877 = arith.constant 10 : i32
      %get3A_878 = arith.index_cast %get3A_877 : i32 to index
      %get3A_879 = arith.constant 64 : index
      %get3A_880 = tpu.vector_load %arg13[%get3A_878, %get3A_879] {strides = array<i32>} : memref<16x128xf32, #tpu.memory_space<vmem>>, vector<16xf32>,
      %mul3A_881 = arith.mulf %gather3A_852, %get3A_880 : vector<16xf32>
      %add3A_882 = arith.addf %add3A_825, %mul3A_881 : vector<16xf32>
      %get3A_883 = arith.constant 10 : i32
      %get3A_884 = arith.index_cast %get3A_883 : i32 to index
      %get3A_885 = arith.constant 80 : index
      %get3A_886 = tpu.vector_load %arg13[%get3A_884, %get3A_885] {strides = array<i32>} : memref<16x128xf32, #tpu.memory_space<vmem>>, vector<16xf32>,
      %mul3A_887 = arith.mulf %gather3A_852, %get3A_886 : vector<16xf32>
      %add3A_888 = arith.addf %add3A_831, %mul3A_887 : vector<16xf32>
      %get3A_889 = arith.constant 10 : i32
      %get3A_890 = arith.index_cast %get3A_889 : i32 to index
      %get3A_891 = arith.constant 96 : index
      %get3A_892 = tpu.vector_load %arg13[%get3A_890, %get3A_891] {strides = array<i32>} : memref<16x128xf32, #tpu.memory_space<vmem>>, vector<16xf32>,
      %mul3A_893 = arith.mulf %gather3A_852, %get3A_892 : vector<16xf32>
      %add3A_894 = arith.addf %add3A_837, %mul3A_893 : vector<16xf32>
      %get3A_895 = arith.constant 10 : i32
      %get3A_896 = arith.index_cast %get3A_895 : i32 to index
      %get3A_897 = arith.constant 112 : index
      %get3A_898 = tpu.vector_load %arg13[%get3A_896, %get3A_897] {strides = array<i32>} : memref<16x128xf32, #tpu.memory_space<vmem>>, vector<16xf32>,
      %mul3A_899 = arith.mulf %gather3A_852, %get3A_898 : vector<16xf32>
      %add3A_900 = arith.addf %add3A_843, %mul3A_899 : vector<16xf32>
      %mul3A_901 = arith.constant 16 : i32
      %mul3A_902 = arith.muli %while3A_258, %mul3A_901 : i32
      %add3A_903 = arith.constant 11 : i32
      %add3A_904 = arith.addi %mul3A_902, %add3A_903 : i32
      %broadcast_in_dim3A_905 = arith.constant 0 : i32
      %broadcast_in_dim3A_906 = vector.broadcast %broadcast_in_dim3A_905 : i32 to vector<16xi32>
      %add3A_907 = vector.broadcast %add3A_904 : i32 to vector<16xi32>
      %add3A_908 = arith.addi %add3A_907, %broadcast_in_dim3A_906 : vector<16xi32>
      %gather3A_909 = tpu.vector_load_idx %arg11[%add3A_908] : memref<2064xf32, #tpu.memory_space<vmem>>[vector<16xi32>], vector<16xf32>,
      %get3A_910 = arith.constant 11 : i32
      %get3A_911 = arith.index_cast %get3A_910 : i32 to index
      %get3A_912 = arith.constant 0 : index
      %get3A_913 = tpu.vector_load %arg13[%get3A_911, %get3A_912] {strides = array<i32>} : memref<16x128xf32, #tpu.memory_space<vmem>>, vector<16xf32>,
      %mul3A_914 = arith.mulf %gather3A_909, %get3A_913 : vector<16xf32>
      %add3A_915 = arith.addf %add3A_858, %mul3A_914 : vector<16xf32>
      %get3A_916 = arith.constant 11 : i32
      %get3A_917 = arith.index_cast %get3A_916 : i32 to index
      %get3A_918 = arith.constant 16 : index
      %get3A_919 = tpu.vector_load %arg13[%get3A_917, %get3A_918] {strides = array<i32>} : memref<16x128xf32, #tpu.memory_space<vmem>>, vector<16xf32>,
      %mul3A_920 = arith.mulf %gather3A_909, %get3A_919 : vector<16xf32>
      %add3A_921 = arith.addf %add3A_864, %mul3A_920 : vector<16xf32>
      %get3A_922 = arith.constant 11 : i32
      %get3A_923 = arith.index_cast %get3A_922 : i32 to index
      %get3A_924 = arith.constant 32 : index
      %get3A_925 = tpu.vector_load %arg13[%get3A_923, %get3A_924] {strides = array<i32>} : memref<16x128xf32, #tpu.memory_space<vmem>>, vector<16xf32>,
      %mul3A_926 = arith.mulf %gather3A_909, %get3A_925 : vector<16xf32>
      %add3A_927 = arith.addf %add3A_870, %mul3A_926 : vector<16xf32>
      %get3A_928 = arith.constant 11 : i32
      %get3A_929 = arith.index_cast %get3A_928 : i32 to index
      %get3A_930 = arith.constant 48 : index
      %get3A_931 = tpu.vector_load %arg13[%get3A_929, %get3A_930] {strides = array<i32>} : memref<16x128xf32, #tpu.memory_space<vmem>>, vector<16xf32>,
      %mul3A_932 = arith.mulf %gather3A_909, %get3A_931 : vector<16xf32>
      %add3A_933 = arith.addf %add3A_876, %mul3A_932 : vector<16xf32>
      %get3A_934 = arith.constant 11 : i32
      %get3A_935 = arith.index_cast %get3A_934 : i32 to index
      %get3A_936 = arith.constant 64 : index
      %get3A_937 = tpu.vector_load %arg13[%get3A_935, %get3A_936] {strides = array<i32>} : memref<16x128xf32, #tpu.memory_space<vmem>>, vector<16xf32>,
      %mul3A_938 = arith.mulf %gather3A_909, %get3A_937 : vector<16xf32>
      %add3A_939 = arith.addf %add3A_882, %mul3A_938 : vector<16xf32>
      %get3A_940 = arith.constant 11 : i32
      %get3A_941 = arith.index_cast %get3A_940 : i32 to index
      %get3A_942 = arith.constant 80 : index
      %get3A_943 = tpu.vector_load %arg13[%get3A_941, %get3A_942] {strides = array<i32>} : memref<16x128xf32, #tpu.memory_space<vmem>>, vector<16xf32>,
      %mul3A_944 = arith.mulf %gather3A_909, %get3A_943 : vector<16xf32>
      %add3A_945 = arith.addf %add3A_888, %mul3A_944 : vector<16xf32>
      %get3A_946 = arith.constant 11 : i32
      %get3A_947 = arith.index_cast %get3A_946 : i32 to index
      %get3A_948 = arith.constant 96 : index
      %get3A_949 = tpu.vector_load %arg13[%get3A_947, %get3A_948] {strides = array<i32>} : memref<16x128xf32, #tpu.memory_space<vmem>>, vector<16xf32>,
      %mul3A_950 = arith.mulf %gather3A_909, %get3A_949 : vector<16xf32>
      %add3A_951 = arith.addf %add3A_894, %mul3A_950 : vector<16xf32>
      %get3A_952 = arith.constant 11 : i32
      %get3A_953 = arith.index_cast %get3A_952 : i32 to index
      %get3A_954 = arith.constant 112 : index
      %get3A_955 = tpu.vector_load %arg13[%get3A_953, %get3A_954] {strides = array<i32>} : memref<16x128xf32, #tpu.memory_space<vmem>>, vector<16xf32>,
      %mul3A_956 = arith.mulf %gather3A_909, %get3A_955 : vector<16xf32>
      %add3A_957 = arith.addf %add3A_900, %mul3A_956 : vector<16xf32>
      %mul3A_958 = arith.constant 16 : i32
      %mul3A_959 = arith.muli %while3A_258, %mul3A_958 : i32
      %add3A_960 = arith.constant 12 : i32
      %add3A_961 = arith.addi %mul3A_959, %add3A_960 : i32
      %broadcast_in_dim3A_962 = arith.constant 0 : i32
      %broadcast_in_dim3A_963 = vector.broadcast %broadcast_in_dim3A_962 : i32 to vector<16xi32>
      %add3A_964 = vector.broadcast %add3A_961 : i32 to vector<16xi32>
      %add3A_965 = arith.addi %add3A_964, %broadcast_in_dim3A_963 : vector<16xi32>
      %gather3A_966 = tpu.vector_load_idx %arg11[%add3A_965] : memref<2064xf32, #tpu.memory_space<vmem>>[vector<16xi32>], vector<16xf32>,
      %get3A_967 = arith.constant 12 : i32
      %get3A_968 = arith.index_cast %get3A_967 : i32 to index
      %get3A_969 = arith.constant 0 : index
      %get3A_970 = tpu.vector_load %arg13[%get3A_968, %get3A_969] {strides = array<i32>} : memref<16x128xf32, #tpu.memory_space<vmem>>, vector<16xf32>,
      %mul3A_971 = arith.mulf %gather3A_966, %get3A_970 : vector<16xf32>
      %add3A_972 = arith.addf %add3A_915, %mul3A_971 : vector<16xf32>
      %get3A_973 = arith.constant 12 : i32
      %get3A_974 = arith.index_cast %get3A_973 : i32 to index
      %get3A_975 = arith.constant 16 : index
      %get3A_976 = tpu.vector_load %arg13[%get3A_974, %get3A_975] {strides = array<i32>} : memref<16x128xf32, #tpu.memory_space<vmem>>, vector<16xf32>,
      %mul3A_977 = arith.mulf %gather3A_966, %get3A_976 : vector<16xf32>
      %add3A_978 = arith.addf %add3A_921, %mul3A_977 : vector<16xf32>
      %get3A_979 = arith.constant 12 : i32
      %get3A_980 = arith.index_cast %get3A_979 : i32 to index
      %get3A_981 = arith.constant 32 : index
      %get3A_982 = tpu.vector_load %arg13[%get3A_980, %get3A_981] {strides = array<i32>} : memref<16x128xf32, #tpu.memory_space<vmem>>, vector<16xf32>,
      %mul3A_983 = arith.mulf %gather3A_966, %get3A_982 : vector<16xf32>
      %add3A_984 = arith.addf %add3A_927, %mul3A_983 : vector<16xf32>
      %get3A_985 = arith.constant 12 : i32
      %get3A_986 = arith.index_cast %get3A_985 : i32 to index
      %get3A_987 = arith.constant 48 : index
      %get3A_988 = tpu.vector_load %arg13[%get3A_986, %get3A_987] {strides = array<i32>} : memref<16x128xf32, #tpu.memory_space<vmem>>, vector<16xf32>,
      %mul3A_989 = arith.mulf %gather3A_966, %get3A_988 : vector<16xf32>
      %add3A_990 = arith.addf %add3A_933, %mul3A_989 : vector<16xf32>
      %get3A_991 = arith.constant 12 : i32
      %get3A_992 = arith.index_cast %get3A_991 : i32 to index
      %get3A_993 = arith.constant 64 : index
      %get3A_994 = tpu.vector_load %arg13[%get3A_992, %get3A_993] {strides = array<i32>} : memref<16x128xf32, #tpu.memory_space<vmem>>, vector<16xf32>,
      %mul3A_995 = arith.mulf %gather3A_966, %get3A_994 : vector<16xf32>
      %add3A_996 = arith.addf %add3A_939, %mul3A_995 : vector<16xf32>
      %get3A_997 = arith.constant 12 : i32
      %get3A_998 = arith.index_cast %get3A_997 : i32 to index
      %get3A_999 = arith.constant 80 : index
      %get3A_1000 = tpu.vector_load %arg13[%get3A_998, %get3A_999] {strides = array<i32>} : memref<16x128xf32, #tpu.memory_space<vmem>>, vector<16xf32>,
      %mul3A_1001 = arith.mulf %gather3A_966, %get3A_1000 : vector<16xf32>
      %add3A_1002 = arith.addf %add3A_945, %mul3A_1001 : vector<16xf32>
      %get3A_1003 = arith.constant 12 : i32
      %get3A_1004 = arith.index_cast %get3A_1003 : i32 to index
      %get3A_1005 = arith.constant 96 : index
      %get3A_1006 = tpu.vector_load %arg13[%get3A_1004, %get3A_1005] {strides = array<i32>} : memref<16x128xf32, #tpu.memory_space<vmem>>, vector<16xf32>,
      %mul3A_1007 = arith.mulf %gather3A_966, %get3A_1006 : vector<16xf32>
      %add3A_1008 = arith.addf %add3A_951, %mul3A_1007 : vector<16xf32>
      %get3A_1009 = arith.constant 12 : i32
      %get3A_1010 = arith.index_cast %get3A_1009 : i32 to index
      %get3A_1011 = arith.constant 112 : index
      %get3A_1012 = tpu.vector_load %arg13[%get3A_1010, %get3A_1011] {strides = array<i32>} : memref<16x128xf32, #tpu.memory_space<vmem>>, vector<16xf32>,
      %mul3A_1013 = arith.mulf %gather3A_966, %get3A_1012 : vector<16xf32>
      %add3A_1014 = arith.addf %add3A_957, %mul3A_1013 : vector<16xf32>
      %mul3A_1015 = arith.constant 16 : i32
      %mul3A_1016 = arith.muli %while3A_258, %mul3A_1015 : i32
      %add3A_1017 = arith.constant 13 : i32
      %add3A_1018 = arith.addi %mul3A_1016, %add3A_1017 : i32
      %broadcast_in_dim3A_1019 = arith.constant 0 : i32
      %broadcast_in_dim3A_1020 = vector.broadcast %broadcast_in_dim3A_1019 : i32 to vector<16xi32>
      %add3A_1021 = vector.broadcast %add3A_1018 : i32 to vector<16xi32>
      %add3A_1022 = arith.addi %add3A_1021, %broadcast_in_dim3A_1020 : vector<16xi32>
      %gather3A_1023 = tpu.vector_load_idx %arg11[%add3A_1022] : memref<2064xf32, #tpu.memory_space<vmem>>[vector<16xi32>], vector<16xf32>,
      %get3A_1024 = arith.constant 13 : i32
      %get3A_1025 = arith.index_cast %get3A_1024 : i32 to index
      %get3A_1026 = arith.constant 0 : index
      %get3A_1027 = tpu.vector_load %arg13[%get3A_1025, %get3A_1026] {strides = array<i32>} : memref<16x128xf32, #tpu.memory_space<vmem>>, vector<16xf32>,
      %mul3A_1028 = arith.mulf %gather3A_1023, %get3A_1027 : vector<16xf32>
      %add3A_1029 = arith.addf %add3A_972, %mul3A_1028 : vector<16xf32>
      %get3A_1030 = arith.constant 13 : i32
      %get3A_1031 = arith.index_cast %get3A_1030 : i32 to index
      %get3A_1032 = arith.constant 16 : index
      %get3A_1033 = tpu.vector_load %arg13[%get3A_1031, %get3A_1032] {strides = array<i32>} : memref<16x128xf32, #tpu.memory_space<vmem>>, vector<16xf32>,
      %mul3A_1034 = arith.mulf %gather3A_1023, %get3A_1033 : vector<16xf32>
      %add3A_1035 = arith.addf %add3A_978, %mul3A_1034 : vector<16xf32>
      %get3A_1036 = arith.constant 13 : i32
      %get3A_1037 = arith.index_cast %get3A_1036 : i32 to index
      %get3A_1038 = arith.constant 32 : index
      %get3A_1039 = tpu.vector_load %arg13[%get3A_1037, %get3A_1038] {strides = array<i32>} : memref<16x128xf32, #tpu.memory_space<vmem>>, vector<16xf32>,
      %mul3A_1040 = arith.mulf %gather3A_1023, %get3A_1039 : vector<16xf32>
      %add3A_1041 = arith.addf %add3A_984, %mul3A_1040 : vector<16xf32>
      %get3A_1042 = arith.constant 13 : i32
      %get3A_1043 = arith.index_cast %get3A_1042 : i32 to index
      %get3A_1044 = arith.constant 48 : index
      %get3A_1045 = tpu.vector_load %arg13[%get3A_1043, %get3A_1044] {strides = array<i32>} : memref<16x128xf32, #tpu.memory_space<vmem>>, vector<16xf32>,
      %mul3A_1046 = arith.mulf %gather3A_1023, %get3A_1045 : vector<16xf32>
      %add3A_1047 = arith.addf %add3A_990, %mul3A_1046 : vector<16xf32>
      %get3A_1048 = arith.constant 13 : i32
      %get3A_1049 = arith.index_cast %get3A_1048 : i32 to index
      %get3A_1050 = arith.constant 64 : index
      %get3A_1051 = tpu.vector_load %arg13[%get3A_1049, %get3A_1050] {strides = array<i32>} : memref<16x128xf32, #tpu.memory_space<vmem>>, vector<16xf32>,
      %mul3A_1052 = arith.mulf %gather3A_1023, %get3A_1051 : vector<16xf32>
      %add3A_1053 = arith.addf %add3A_996, %mul3A_1052 : vector<16xf32>
      %get3A_1054 = arith.constant 13 : i32
      %get3A_1055 = arith.index_cast %get3A_1054 : i32 to index
      %get3A_1056 = arith.constant 80 : index
      %get3A_1057 = tpu.vector_load %arg13[%get3A_1055, %get3A_1056] {strides = array<i32>} : memref<16x128xf32, #tpu.memory_space<vmem>>, vector<16xf32>,
      %mul3A_1058 = arith.mulf %gather3A_1023, %get3A_1057 : vector<16xf32>
      %add3A_1059 = arith.addf %add3A_1002, %mul3A_1058 : vector<16xf32>
      %get3A_1060 = arith.constant 13 : i32
      %get3A_1061 = arith.index_cast %get3A_1060 : i32 to index
      %get3A_1062 = arith.constant 96 : index
      %get3A_1063 = tpu.vector_load %arg13[%get3A_1061, %get3A_1062] {strides = array<i32>} : memref<16x128xf32, #tpu.memory_space<vmem>>, vector<16xf32>,
      %mul3A_1064 = arith.mulf %gather3A_1023, %get3A_1063 : vector<16xf32>
      %add3A_1065 = arith.addf %add3A_1008, %mul3A_1064 : vector<16xf32>
      %get3A_1066 = arith.constant 13 : i32
      %get3A_1067 = arith.index_cast %get3A_1066 : i32 to index
      %get3A_1068 = arith.constant 112 : index
      %get3A_1069 = tpu.vector_load %arg13[%get3A_1067, %get3A_1068] {strides = array<i32>} : memref<16x128xf32, #tpu.memory_space<vmem>>, vector<16xf32>,
      %mul3A_1070 = arith.mulf %gather3A_1023, %get3A_1069 : vector<16xf32>
      %add3A_1071 = arith.addf %add3A_1014, %mul3A_1070 : vector<16xf32>
      %mul3A_1072 = arith.constant 16 : i32
      %mul3A_1073 = arith.muli %while3A_258, %mul3A_1072 : i32
      %add3A_1074 = arith.constant 14 : i32
      %add3A_1075 = arith.addi %mul3A_1073, %add3A_1074 : i32
      %broadcast_in_dim3A_1076 = arith.constant 0 : i32
      %broadcast_in_dim3A_1077 = vector.broadcast %broadcast_in_dim3A_1076 : i32 to vector<16xi32>
      %add3A_1078 = vector.broadcast %add3A_1075 : i32 to vector<16xi32>
      %add3A_1079 = arith.addi %add3A_1078, %broadcast_in_dim3A_1077 : vector<16xi32>
      %gather3A_1080 = tpu.vector_load_idx %arg11[%add3A_1079] : memref<2064xf32, #tpu.memory_space<vmem>>[vector<16xi32>], vector<16xf32>,
      %get3A_1081 = arith.constant 14 : i32
      %get3A_1082 = arith.index_cast %get3A_1081 : i32 to index
      %get3A_1083 = arith.constant 0 : index
      %get3A_1084 = tpu.vector_load %arg13[%get3A_1082, %get3A_1083] {strides = array<i32>} : memref<16x128xf32, #tpu.memory_space<vmem>>, vector<16xf32>,
      %mul3A_1085 = arith.mulf %gather3A_1080, %get3A_1084 : vector<16xf32>
      %add3A_1086 = arith.addf %add3A_1029, %mul3A_1085 : vector<16xf32>
      %get3A_1087 = arith.constant 14 : i32
      %get3A_1088 = arith.index_cast %get3A_1087 : i32 to index
      %get3A_1089 = arith.constant 16 : index
      %get3A_1090 = tpu.vector_load %arg13[%get3A_1088, %get3A_1089] {strides = array<i32>} : memref<16x128xf32, #tpu.memory_space<vmem>>, vector<16xf32>,
      %mul3A_1091 = arith.mulf %gather3A_1080, %get3A_1090 : vector<16xf32>
      %add3A_1092 = arith.addf %add3A_1035, %mul3A_1091 : vector<16xf32>
      %get3A_1093 = arith.constant 14 : i32
      %get3A_1094 = arith.index_cast %get3A_1093 : i32 to index
      %get3A_1095 = arith.constant 32 : index
      %get3A_1096 = tpu.vector_load %arg13[%get3A_1094, %get3A_1095] {strides = array<i32>} : memref<16x128xf32, #tpu.memory_space<vmem>>, vector<16xf32>,
      %mul3A_1097 = arith.mulf %gather3A_1080, %get3A_1096 : vector<16xf32>
      %add3A_1098 = arith.addf %add3A_1041, %mul3A_1097 : vector<16xf32>
      %get3A_1099 = arith.constant 14 : i32
      %get3A_1100 = arith.index_cast %get3A_1099 : i32 to index
      %get3A_1101 = arith.constant 48 : index
      %get3A_1102 = tpu.vector_load %arg13[%get3A_1100, %get3A_1101] {strides = array<i32>} : memref<16x128xf32, #tpu.memory_space<vmem>>, vector<16xf32>,
      %mul3A_1103 = arith.mulf %gather3A_1080, %get3A_1102 : vector<16xf32>
      %add3A_1104 = arith.addf %add3A_1047, %mul3A_1103 : vector<16xf32>
      %get3A_1105 = arith.constant 14 : i32
      %get3A_1106 = arith.index_cast %get3A_1105 : i32 to index
      %get3A_1107 = arith.constant 64 : index
      %get3A_1108 = tpu.vector_load %arg13[%get3A_1106, %get3A_1107] {strides = array<i32>} : memref<16x128xf32, #tpu.memory_space<vmem>>, vector<16xf32>,
      %mul3A_1109 = arith.mulf %gather3A_1080, %get3A_1108 : vector<16xf32>
      %add3A_1110 = arith.addf %add3A_1053, %mul3A_1109 : vector<16xf32>
      %get3A_1111 = arith.constant 14 : i32
      %get3A_1112 = arith.index_cast %get3A_1111 : i32 to index
      %get3A_1113 = arith.constant 80 : index
      %get3A_1114 = tpu.vector_load %arg13[%get3A_1112, %get3A_1113] {strides = array<i32>} : memref<16x128xf32, #tpu.memory_space<vmem>>, vector<16xf32>,
      %mul3A_1115 = arith.mulf %gather3A_1080, %get3A_1114 : vector<16xf32>
      %add3A_1116 = arith.addf %add3A_1059, %mul3A_1115 : vector<16xf32>
      %get3A_1117 = arith.constant 14 : i32
      %get3A_1118 = arith.index_cast %get3A_1117 : i32 to index
      %get3A_1119 = arith.constant 96 : index
      %get3A_1120 = tpu.vector_load %arg13[%get3A_1118, %get3A_1119] {strides = array<i32>} : memref<16x128xf32, #tpu.memory_space<vmem>>, vector<16xf32>,
      %mul3A_1121 = arith.mulf %gather3A_1080, %get3A_1120 : vector<16xf32>
      %add3A_1122 = arith.addf %add3A_1065, %mul3A_1121 : vector<16xf32>
      %get3A_1123 = arith.constant 14 : i32
      %get3A_1124 = arith.index_cast %get3A_1123 : i32 to index
      %get3A_1125 = arith.constant 112 : index
      %get3A_1126 = tpu.vector_load %arg13[%get3A_1124, %get3A_1125] {strides = array<i32>} : memref<16x128xf32, #tpu.memory_space<vmem>>, vector<16xf32>,
      %mul3A_1127 = arith.mulf %gather3A_1080, %get3A_1126 : vector<16xf32>
      %add3A_1128 = arith.addf %add3A_1071, %mul3A_1127 : vector<16xf32>
      %mul3A_1129 = arith.constant 16 : i32
      %mul3A_1130 = arith.muli %while3A_258, %mul3A_1129 : i32
      %add3A_1131 = arith.constant 15 : i32
      %add3A_1132 = arith.addi %mul3A_1130, %add3A_1131 : i32
      %broadcast_in_dim3A_1133 = arith.constant 0 : i32
      %broadcast_in_dim3A_1134 = vector.broadcast %broadcast_in_dim3A_1133 : i32 to vector<16xi32>
      %add3A_1135 = vector.broadcast %add3A_1132 : i32 to vector<16xi32>
      %add3A_1136 = arith.addi %add3A_1135, %broadcast_in_dim3A_1134 : vector<16xi32>
      %gather3A_1137 = tpu.vector_load_idx %arg11[%add3A_1136] : memref<2064xf32, #tpu.memory_space<vmem>>[vector<16xi32>], vector<16xf32>,
      %get3A_1138 = arith.constant 15 : i32
      %get3A_1139 = arith.index_cast %get3A_1138 : i32 to index
      %get3A_1140 = arith.constant 0 : index
      %get3A_1141 = tpu.vector_load %arg13[%get3A_1139, %get3A_1140] {strides = array<i32>} : memref<16x128xf32, #tpu.memory_space<vmem>>, vector<16xf32>,
      %mul3A_1142 = arith.mulf %gather3A_1137, %get3A_1141 : vector<16xf32>
      %add3A_1143 = arith.addf %add3A_1086, %mul3A_1142 : vector<16xf32>
      %get3A_1144 = arith.constant 15 : i32
      %get3A_1145 = arith.index_cast %get3A_1144 : i32 to index
      %get3A_1146 = arith.constant 16 : index
      %get3A_1147 = tpu.vector_load %arg13[%get3A_1145, %get3A_1146] {strides = array<i32>} : memref<16x128xf32, #tpu.memory_space<vmem>>, vector<16xf32>,
      %mul3A_1148 = arith.mulf %gather3A_1137, %get3A_1147 : vector<16xf32>
      %add3A_1149 = arith.addf %add3A_1092, %mul3A_1148 : vector<16xf32>
      %get3A_1150 = arith.constant 15 : i32
      %get3A_1151 = arith.index_cast %get3A_1150 : i32 to index
      %get3A_1152 = arith.constant 32 : index
      %get3A_1153 = tpu.vector_load %arg13[%get3A_1151, %get3A_1152] {strides = array<i32>} : memref<16x128xf32, #tpu.memory_space<vmem>>, vector<16xf32>,
      %mul3A_1154 = arith.mulf %gather3A_1137, %get3A_1153 : vector<16xf32>
      %add3A_1155 = arith.addf %add3A_1098, %mul3A_1154 : vector<16xf32>
      %get3A_1156 = arith.constant 15 : i32
      %get3A_1157 = arith.index_cast %get3A_1156 : i32 to index
      %get3A_1158 = arith.constant 48 : index
      %get3A_1159 = tpu.vector_load %arg13[%get3A_1157, %get3A_1158] {strides = array<i32>} : memref<16x128xf32, #tpu.memory_space<vmem>>, vector<16xf32>,
      %mul3A_1160 = arith.mulf %gather3A_1137, %get3A_1159 : vector<16xf32>
      %add3A_1161 = arith.addf %add3A_1104, %mul3A_1160 : vector<16xf32>
      %get3A_1162 = arith.constant 15 : i32
      %get3A_1163 = arith.index_cast %get3A_1162 : i32 to index
      %get3A_1164 = arith.constant 64 : index
      %get3A_1165 = tpu.vector_load %arg13[%get3A_1163, %get3A_1164] {strides = array<i32>} : memref<16x128xf32, #tpu.memory_space<vmem>>, vector<16xf32>,
      %mul3A_1166 = arith.mulf %gather3A_1137, %get3A_1165 : vector<16xf32>
      %add3A_1167 = arith.addf %add3A_1110, %mul3A_1166 : vector<16xf32>
      %get3A_1168 = arith.constant 15 : i32
      %get3A_1169 = arith.index_cast %get3A_1168 : i32 to index
      %get3A_1170 = arith.constant 80 : index
      %get3A_1171 = tpu.vector_load %arg13[%get3A_1169, %get3A_1170] {strides = array<i32>} : memref<16x128xf32, #tpu.memory_space<vmem>>, vector<16xf32>,
      %mul3A_1172 = arith.mulf %gather3A_1137, %get3A_1171 : vector<16xf32>
      %add3A_1173 = arith.addf %add3A_1116, %mul3A_1172 : vector<16xf32>
      %get3A_1174 = arith.constant 15 : i32
      %get3A_1175 = arith.index_cast %get3A_1174 : i32 to index
      %get3A_1176 = arith.constant 96 : index
      %get3A_1177 = tpu.vector_load %arg13[%get3A_1175, %get3A_1176] {strides = array<i32>} : memref<16x128xf32, #tpu.memory_space<vmem>>, vector<16xf32>,
      %mul3A_1178 = arith.mulf %gather3A_1137, %get3A_1177 : vector<16xf32>
      %add3A_1179 = arith.addf %add3A_1122, %mul3A_1178 : vector<16xf32>
      %get3A_1180 = arith.constant 15 : i32
      %get3A_1181 = arith.index_cast %get3A_1180 : i32 to index
      %get3A_1182 = arith.constant 112 : index
      %get3A_1183 = tpu.vector_load %arg13[%get3A_1181, %get3A_1182] {strides = array<i32>} : memref<16x128xf32, #tpu.memory_space<vmem>>, vector<16xf32>,
      %mul3A_1184 = arith.mulf %gather3A_1137, %get3A_1183 : vector<16xf32>
      %add3A_1185 = arith.addf %add3A_1128, %mul3A_1184 : vector<16xf32>
      scf.yield %add3A_1143, %add3A_1149, %add3A_1155, %add3A_1161, %add3A_1167, %add3A_1173, %add3A_1179, %add3A_1185 : vector<16xf32>, vector<16xf32>, vector<16xf32>, vector<16xf32>, vector<16xf32>, vector<16xf32>, vector<16xf32>, vector<16xf32>
    }
    %while3A_236 = arith.constant 1 : i32
    %while3A_237:8 = scf.for %while3A_258 = %while3A_233 to %while3A_229 step %while3A_236 iter_args(%while3A_259 = %while3A_235#0, %while3A_260 = %while3A_235#1, %while3A_261 = %while3A_235#2, %while3A_262 = %while3A_235#3, %while3A_263 = %while3A_235#4, %while3A_264 = %while3A_235#5, %while3A_265 = %while3A_235#6, %while3A_266 = %while3A_235#7) -> (vector<16xf32>, vector<16xf32>, vector<16xf32>, vector<16xf32>, vector<16xf32>, vector<16xf32>, vector<16xf32>, vector<16xf32>)  : i32 {
      %mul3A_267 = arith.constant 16 : i32
      %mul3A_268 = arith.muli %while3A_258, %mul3A_267 : i32
      %get3A_269 = arith.index_cast %mul3A_268 : i32 to index
      %get3A_270 = tpu.vector_load %arg12[%get3A_269] {strides = array<i32>} : memref<2064xi32, #tpu.memory_space<vmem>>, vector<16xi32>,
      %dma_start3A_271 = arith.constant 0 : i32
      %dma_start3A_272 = tpu.memref_slice %arg6[%dma_start3A_271, %mul3A_227] : memref<8192x1024xf32, #tpu.memory_space<hbm>> -> memref<8192x128xf32, #tpu.memory_space<hbm>>
      tpu.enqueue_indirect_dma source(%dma_start3A_272 : memref<8192x128xf32, #tpu.memory_space<hbm>>) target(%arg13 : memref<16x128xf32, #tpu.memory_space<vmem>>) offsets(%get3A_270 : vector<16xi32>) semaphore(%arg15 : memref<!tpu.dma_semaphore, #tpu.memory_space<semaphore_mem>>)
      %dma_wait3A_273 = arith.constant 0 : i32
      %dma_wait3A_274 = tpu.memref_slice %arg6[%dma_wait3A_273, %mul3A_227] : memref<8192x1024xf32, #tpu.memory_space<hbm>> -> memref<8192x128xf32, #tpu.memory_space<hbm>>
      tpu.wait_indirect_dma semaphore(%arg15 : memref<!tpu.dma_semaphore, #tpu.memory_space<semaphore_mem>>) src(%dma_wait3A_274 : memref<8192x128xf32, #tpu.memory_space<hbm>>) dst(%arg13 : memref<16x128xf32, #tpu.memory_space<vmem>>)
      %mul3A_275 = arith.constant 16 : i32
      %mul3A_276 = arith.muli %while3A_258, %mul3A_275 : i32
      %add3A_277 = arith.constant 0 : i32
      %add3A_278 = arith.addi %mul3A_276, %add3A_277 : i32
      %broadcast_in_dim3A_279 = arith.constant 0 : i32
      %broadcast_in_dim3A_280 = vector.broadcast %broadcast_in_dim3A_279 : i32 to vector<16xi32>
      %add3A_281 = vector.broadcast %add3A_278 : i32 to vector<16xi32>
      %add3A_282 = arith.addi %add3A_281, %broadcast_in_dim3A_280 : vector<16xi32>
      %gather3A = tpu.vector_load_idx %arg11[%add3A_282] : memref<2064xf32, #tpu.memory_space<vmem>>[vector<16xi32>], vector<16xf32>,
      %get3A_283 = arith.constant 0 : i32
      %get3A_284 = arith.index_cast %get3A_283 : i32 to index
      %get3A_285 = arith.constant 0 : index
      %get3A_286 = tpu.vector_load %arg13[%get3A_284, %get3A_285] {strides = array<i32>} : memref<16x128xf32, #tpu.memory_space<vmem>>, vector<16xf32>,
      %mul3A_287 = arith.mulf %gather3A, %get3A_286 : vector<16xf32>
      %add3A_288 = arith.addf %while3A_259, %mul3A_287 : vector<16xf32>
      %get3A_289 = arith.constant 0 : i32
      %get3A_290 = arith.index_cast %get3A_289 : i32 to index
      %get3A_291 = arith.constant 16 : index
      %get3A_292 = tpu.vector_load %arg13[%get3A_290, %get3A_291] {strides = array<i32>} : memref<16x128xf32, #tpu.memory_space<vmem>>, vector<16xf32>,
      %mul3A_293 = arith.mulf %gather3A, %get3A_292 : vector<16xf32>
      %add3A_294 = arith.addf %while3A_260, %mul3A_293 : vector<16xf32>
      %get3A_295 = arith.constant 0 : i32
      %get3A_296 = arith.index_cast %get3A_295 : i32 to index
      %get3A_297 = arith.constant 32 : index
      %get3A_298 = tpu.vector_load %arg13[%get3A_296, %get3A_297] {strides = array<i32>} : memref<16x128xf32, #tpu.memory_space<vmem>>, vector<16xf32>,
      %mul3A_299 = arith.mulf %gather3A, %get3A_298 : vector<16xf32>
      %add3A_300 = arith.addf %while3A_261, %mul3A_299 : vector<16xf32>
      %get3A_301 = arith.constant 0 : i32
      %get3A_302 = arith.index_cast %get3A_301 : i32 to index
      %get3A_303 = arith.constant 48 : index
      %get3A_304 = tpu.vector_load %arg13[%get3A_302, %get3A_303] {strides = array<i32>} : memref<16x128xf32, #tpu.memory_space<vmem>>, vector<16xf32>,
      %mul3A_305 = arith.mulf %gather3A, %get3A_304 : vector<16xf32>
      %add3A_306 = arith.addf %while3A_262, %mul3A_305 : vector<16xf32>
      %get3A_307 = arith.constant 0 : i32
      %get3A_308 = arith.index_cast %get3A_307 : i32 to index
      %get3A_309 = arith.constant 64 : index
      %get3A_310 = tpu.vector_load %arg13[%get3A_308, %get3A_309] {strides = array<i32>} : memref<16x128xf32, #tpu.memory_space<vmem>>, vector<16xf32>,
      %mul3A_311 = arith.mulf %gather3A, %get3A_310 : vector<16xf32>
      %add3A_312 = arith.addf %while3A_263, %mul3A_311 : vector<16xf32>
      %get3A_313 = arith.constant 0 : i32
      %get3A_314 = arith.index_cast %get3A_313 : i32 to index
      %get3A_315 = arith.constant 80 : index
      %get3A_316 = tpu.vector_load %arg13[%get3A_314, %get3A_315] {strides = array<i32>} : memref<16x128xf32, #tpu.memory_space<vmem>>, vector<16xf32>,
      %mul3A_317 = arith.mulf %gather3A, %get3A_316 : vector<16xf32>
      %add3A_318 = arith.addf %while3A_264, %mul3A_317 : vector<16xf32>
      %get3A_319 = arith.constant 0 : i32
      %get3A_320 = arith.index_cast %get3A_319 : i32 to index
      %get3A_321 = arith.constant 96 : index
      %get3A_322 = tpu.vector_load %arg13[%get3A_320, %get3A_321] {strides = array<i32>} : memref<16x128xf32, #tpu.memory_space<vmem>>, vector<16xf32>,
      %mul3A_323 = arith.mulf %gather3A, %get3A_322 : vector<16xf32>
      %add3A_324 = arith.addf %while3A_265, %mul3A_323 : vector<16xf32>
      %get3A_325 = arith.constant 0 : i32
      %get3A_326 = arith.index_cast %get3A_325 : i32 to index
      %get3A_327 = arith.constant 112 : index
      %get3A_328 = tpu.vector_load %arg13[%get3A_326, %get3A_327] {strides = array<i32>} : memref<16x128xf32, #tpu.memory_space<vmem>>, vector<16xf32>,
      %mul3A_329 = arith.mulf %gather3A, %get3A_328 : vector<16xf32>
      %add3A_330 = arith.addf %while3A_266, %mul3A_329 : vector<16xf32>
      %mul3A_331 = arith.constant 16 : i32
      %mul3A_332 = arith.muli %while3A_258, %mul3A_331 : i32
      %add3A_333 = arith.constant 1 : i32
      %add3A_334 = arith.addi %mul3A_332, %add3A_333 : i32
      %broadcast_in_dim3A_335 = arith.constant 0 : i32
      %broadcast_in_dim3A_336 = vector.broadcast %broadcast_in_dim3A_335 : i32 to vector<16xi32>
      %add3A_337 = vector.broadcast %add3A_334 : i32 to vector<16xi32>
      %add3A_338 = arith.addi %add3A_337, %broadcast_in_dim3A_336 : vector<16xi32>
      %gather3A_339 = tpu.vector_load_idx %arg11[%add3A_338] : memref<2064xf32, #tpu.memory_space<vmem>>[vector<16xi32>], vector<16xf32>,
      %get3A_340 = arith.constant 1 : i32
      %get3A_341 = arith.index_cast %get3A_340 : i32 to index
      %get3A_342 = arith.constant 0 : index
      %get3A_343 = tpu.vector_load %arg13[%get3A_341, %get3A_342] {strides = array<i32>} : memref<16x128xf32, #tpu.memory_space<vmem>>, vector<16xf32>,
      %mul3A_344 = arith.mulf %gather3A_339, %get3A_343 : vector<16xf32>
      %add3A_345 = arith.addf %add3A_288, %mul3A_344 : vector<16xf32>
      %get3A_346 = arith.constant 1 : i32
      %get3A_347 = arith.index_cast %get3A_346 : i32 to index
      %get3A_348 = arith.constant 16 : index
      %get3A_349 = tpu.vector_load %arg13[%get3A_347, %get3A_348] {strides = array<i32>} : memref<16x128xf32, #tpu.memory_space<vmem>>, vector<16xf32>,
      %mul3A_350 = arith.mulf %gather3A_339, %get3A_349 : vector<16xf32>
      %add3A_351 = arith.addf %add3A_294, %mul3A_350 : vector<16xf32>
      %get3A_352 = arith.constant 1 : i32
      %get3A_353 = arith.index_cast %get3A_352 : i32 to index
      %get3A_354 = arith.constant 32 : index
      %get3A_355 = tpu.vector_load %arg13[%get3A_353, %get3A_354] {strides = array<i32>} : memref<16x128xf32, #tpu.memory_space<vmem>>, vector<16xf32>,
      %mul3A_356 = arith.mulf %gather3A_339, %get3A_355 : vector<16xf32>
      %add3A_357 = arith.addf %add3A_300, %mul3A_356 : vector<16xf32>
      %get3A_358 = arith.constant 1 : i32
      %get3A_359 = arith.index_cast %get3A_358 : i32 to index
      %get3A_360 = arith.constant 48 : index
      %get3A_361 = tpu.vector_load %arg13[%get3A_359, %get3A_360] {strides = array<i32>} : memref<16x128xf32, #tpu.memory_space<vmem>>, vector<16xf32>,
      %mul3A_362 = arith.mulf %gather3A_339, %get3A_361 : vector<16xf32>
      %add3A_363 = arith.addf %add3A_306, %mul3A_362 : vector<16xf32>
      %get3A_364 = arith.constant 1 : i32
      %get3A_365 = arith.index_cast %get3A_364 : i32 to index
      %get3A_366 = arith.constant 64 : index
      %get3A_367 = tpu.vector_load %arg13[%get3A_365, %get3A_366] {strides = array<i32>} : memref<16x128xf32, #tpu.memory_space<vmem>>, vector<16xf32>,
      %mul3A_368 = arith.mulf %gather3A_339, %get3A_367 : vector<16xf32>
      %add3A_369 = arith.addf %add3A_312, %mul3A_368 : vector<16xf32>
      %get3A_370 = arith.constant 1 : i32
      %get3A_371 = arith.index_cast %get3A_370 : i32 to index
      %get3A_372 = arith.constant 80 : index
      %get3A_373 = tpu.vector_load %arg13[%get3A_371, %get3A_372] {strides = array<i32>} : memref<16x128xf32, #tpu.memory_space<vmem>>, vector<16xf32>,
      %mul3A_374 = arith.mulf %gather3A_339, %get3A_373 : vector<16xf32>
      %add3A_375 = arith.addf %add3A_318, %mul3A_374 : vector<16xf32>
      %get3A_376 = arith.constant 1 : i32
      %get3A_377 = arith.index_cast %get3A_376 : i32 to index
      %get3A_378 = arith.constant 96 : index
      %get3A_379 = tpu.vector_load %arg13[%get3A_377, %get3A_378] {strides = array<i32>} : memref<16x128xf32, #tpu.memory_space<vmem>>, vector<16xf32>,
      %mul3A_380 = arith.mulf %gather3A_339, %get3A_379 : vector<16xf32>
      %add3A_381 = arith.addf %add3A_324, %mul3A_380 : vector<16xf32>
      %get3A_382 = arith.constant 1 : i32
      %get3A_383 = arith.index_cast %get3A_382 : i32 to index
      %get3A_384 = arith.constant 112 : index
      %get3A_385 = tpu.vector_load %arg13[%get3A_383, %get3A_384] {strides = array<i32>} : memref<16x128xf32, #tpu.memory_space<vmem>>, vector<16xf32>,
      %mul3A_386 = arith.mulf %gather3A_339, %get3A_385 : vector<16xf32>
      %add3A_387 = arith.addf %add3A_330, %mul3A_386 : vector<16xf32>
      %mul3A_388 = arith.constant 16 : i32
      %mul3A_389 = arith.muli %while3A_258, %mul3A_388 : i32
      %add3A_390 = arith.constant 2 : i32
      %add3A_391 = arith.addi %mul3A_389, %add3A_390 : i32
      %broadcast_in_dim3A_392 = arith.constant 0 : i32
      %broadcast_in_dim3A_393 = vector.broadcast %broadcast_in_dim3A_392 : i32 to vector<16xi32>
      %add3A_394 = vector.broadcast %add3A_391 : i32 to vector<16xi32>
      %add3A_395 = arith.addi %add3A_394, %broadcast_in_dim3A_393 : vector<16xi32>
      %gather3A_396 = tpu.vector_load_idx %arg11[%add3A_395] : memref<2064xf32, #tpu.memory_space<vmem>>[vector<16xi32>], vector<16xf32>,
      %get3A_397 = arith.constant 2 : i32
      %get3A_398 = arith.index_cast %get3A_397 : i32 to index
      %get3A_399 = arith.constant 0 : index
      %get3A_400 = tpu.vector_load %arg13[%get3A_398, %get3A_399] {strides = array<i32>} : memref<16x128xf32, #tpu.memory_space<vmem>>, vector<16xf32>,
      %mul3A_401 = arith.mulf %gather3A_396, %get3A_400 : vector<16xf32>
      %add3A_402 = arith.addf %add3A_345, %mul3A_401 : vector<16xf32>
      %get3A_403 = arith.constant 2 : i32
      %get3A_404 = arith.index_cast %get3A_403 : i32 to index
      %get3A_405 = arith.constant 16 : index
      %get3A_406 = tpu.vector_load %arg13[%get3A_404, %get3A_405] {strides = array<i32>} : memref<16x128xf32, #tpu.memory_space<vmem>>, vector<16xf32>,
      %mul3A_407 = arith.mulf %gather3A_396, %get3A_406 : vector<16xf32>
      %add3A_408 = arith.addf %add3A_351, %mul3A_407 : vector<16xf32>
      %get3A_409 = arith.constant 2 : i32
      %get3A_410 = arith.index_cast %get3A_409 : i32 to index
      %get3A_411 = arith.constant 32 : index
      %get3A_412 = tpu.vector_load %arg13[%get3A_410, %get3A_411] {strides = array<i32>} : memref<16x128xf32, #tpu.memory_space<vmem>>, vector<16xf32>,
      %mul3A_413 = arith.mulf %gather3A_396, %get3A_412 : vector<16xf32>
      %add3A_414 = arith.addf %add3A_357, %mul3A_413 : vector<16xf32>
      %get3A_415 = arith.constant 2 : i32
      %get3A_416 = arith.index_cast %get3A_415 : i32 to index
      %get3A_417 = arith.constant 48 : index
      %get3A_418 = tpu.vector_load %arg13[%get3A_416, %get3A_417] {strides = array<i32>} : memref<16x128xf32, #tpu.memory_space<vmem>>, vector<16xf32>,
      %mul3A_419 = arith.mulf %gather3A_396, %get3A_418 : vector<16xf32>
      %add3A_420 = arith.addf %add3A_363, %mul3A_419 : vector<16xf32>
      %get3A_421 = arith.constant 2 : i32
      %get3A_422 = arith.index_cast %get3A_421 : i32 to index
      %get3A_423 = arith.constant 64 : index
      %get3A_424 = tpu.vector_load %arg13[%get3A_422, %get3A_423] {strides = array<i32>} : memref<16x128xf32, #tpu.memory_space<vmem>>, vector<16xf32>,
      %mul3A_425 = arith.mulf %gather3A_396, %get3A_424 : vector<16xf32>
      %add3A_426 = arith.addf %add3A_369, %mul3A_425 : vector<16xf32>
      %get3A_427 = arith.constant 2 : i32
      %get3A_428 = arith.index_cast %get3A_427 : i32 to index
      %get3A_429 = arith.constant 80 : index
      %get3A_430 = tpu.vector_load %arg13[%get3A_428, %get3A_429] {strides = array<i32>} : memref<16x128xf32, #tpu.memory_space<vmem>>, vector<16xf32>,
      %mul3A_431 = arith.mulf %gather3A_396, %get3A_430 : vector<16xf32>
      %add3A_432 = arith.addf %add3A_375, %mul3A_431 : vector<16xf32>
      %get3A_433 = arith.constant 2 : i32
      %get3A_434 = arith.index_cast %get3A_433 : i32 to index
      %get3A_435 = arith.constant 96 : index
      %get3A_436 = tpu.vector_load %arg13[%get3A_434, %get3A_435] {strides = array<i32>} : memref<16x128xf32, #tpu.memory_space<vmem>>, vector<16xf32>,
      %mul3A_437 = arith.mulf %gather3A_396, %get3A_436 : vector<16xf32>
      %add3A_438 = arith.addf %add3A_381, %mul3A_437 : vector<16xf32>
      %get3A_439 = arith.constant 2 : i32
      %get3A_440 = arith.index_cast %get3A_439 : i32 to index
      %get3A_441 = arith.constant 112 : index
      %get3A_442 = tpu.vector_load %arg13[%get3A_440, %get3A_441] {strides = array<i32>} : memref<16x128xf32, #tpu.memory_space<vmem>>, vector<16xf32>,
      %mul3A_443 = arith.mulf %gather3A_396, %get3A_442 : vector<16xf32>
      %add3A_444 = arith.addf %add3A_387, %mul3A_443 : vector<16xf32>
      %mul3A_445 = arith.constant 16 : i32
      %mul3A_446 = arith.muli %while3A_258, %mul3A_445 : i32
      %add3A_447 = arith.constant 3 : i32
      %add3A_448 = arith.addi %mul3A_446, %add3A_447 : i32
      %broadcast_in_dim3A_449 = arith.constant 0 : i32
      %broadcast_in_dim3A_450 = vector.broadcast %broadcast_in_dim3A_449 : i32 to vector<16xi32>
      %add3A_451 = vector.broadcast %add3A_448 : i32 to vector<16xi32>
      %add3A_452 = arith.addi %add3A_451, %broadcast_in_dim3A_450 : vector<16xi32>
      %gather3A_453 = tpu.vector_load_idx %arg11[%add3A_452] : memref<2064xf32, #tpu.memory_space<vmem>>[vector<16xi32>], vector<16xf32>,
      %get3A_454 = arith.constant 3 : i32
      %get3A_455 = arith.index_cast %get3A_454 : i32 to index
      %get3A_456 = arith.constant 0 : index
      %get3A_457 = tpu.vector_load %arg13[%get3A_455, %get3A_456] {strides = array<i32>} : memref<16x128xf32, #tpu.memory_space<vmem>>, vector<16xf32>,
      %mul3A_458 = arith.mulf %gather3A_453, %get3A_457 : vector<16xf32>
      %add3A_459 = arith.addf %add3A_402, %mul3A_458 : vector<16xf32>
      %get3A_460 = arith.constant 3 : i32
      %get3A_461 = arith.index_cast %get3A_460 : i32 to index
      %get3A_462 = arith.constant 16 : index
      %get3A_463 = tpu.vector_load %arg13[%get3A_461, %get3A_462] {strides = array<i32>} : memref<16x128xf32, #tpu.memory_space<vmem>>, vector<16xf32>,
      %mul3A_464 = arith.mulf %gather3A_453, %get3A_463 : vector<16xf32>
      %add3A_465 = arith.addf %add3A_408, %mul3A_464 : vector<16xf32>
      %get3A_466 = arith.constant 3 : i32
      %get3A_467 = arith.index_cast %get3A_466 : i32 to index
      %get3A_468 = arith.constant 32 : index
      %get3A_469 = tpu.vector_load %arg13[%get3A_467, %get3A_468] {strides = array<i32>} : memref<16x128xf32, #tpu.memory_space<vmem>>, vector<16xf32>,
      %mul3A_470 = arith.mulf %gather3A_453, %get3A_469 : vector<16xf32>
      %add3A_471 = arith.addf %add3A_414, %mul3A_470 : vector<16xf32>
      %get3A_472 = arith.constant 3 : i32
      %get3A_473 = arith.index_cast %get3A_472 : i32 to index
      %get3A_474 = arith.constant 48 : index
      %get3A_475 = tpu.vector_load %arg13[%get3A_473, %get3A_474] {strides = array<i32>} : memref<16x128xf32, #tpu.memory_space<vmem>>, vector<16xf32>,
      %mul3A_476 = arith.mulf %gather3A_453, %get3A_475 : vector<16xf32>
      %add3A_477 = arith.addf %add3A_420, %mul3A_476 : vector<16xf32>
      %get3A_478 = arith.constant 3 : i32
      %get3A_479 = arith.index_cast %get3A_478 : i32 to index
      %get3A_480 = arith.constant 64 : index
      %get3A_481 = tpu.vector_load %arg13[%get3A_479, %get3A_480] {strides = array<i32>} : memref<16x128xf32, #tpu.memory_space<vmem>>, vector<16xf32>,
      %mul3A_482 = arith.mulf %gather3A_453, %get3A_481 : vector<16xf32>
      %add3A_483 = arith.addf %add3A_426, %mul3A_482 : vector<16xf32>
      %get3A_484 = arith.constant 3 : i32
      %get3A_485 = arith.index_cast %get3A_484 : i32 to index
      %get3A_486 = arith.constant 80 : index
      %get3A_487 = tpu.vector_load %arg13[%get3A_485, %get3A_486] {strides = array<i32>} : memref<16x128xf32, #tpu.memory_space<vmem>>, vector<16xf32>,
      %mul3A_488 = arith.mulf %gather3A_453, %get3A_487 : vector<16xf32>
      %add3A_489 = arith.addf %add3A_432, %mul3A_488 : vector<16xf32>
      %get3A_490 = arith.constant 3 : i32
      %get3A_491 = arith.index_cast %get3A_490 : i32 to index
      %get3A_492 = arith.constant 96 : index
      %get3A_493 = tpu.vector_load %arg13[%get3A_491, %get3A_492] {strides = array<i32>} : memref<16x128xf32, #tpu.memory_space<vmem>>, vector<16xf32>,
      %mul3A_494 = arith.mulf %gather3A_453, %get3A_493 : vector<16xf32>
      %add3A_495 = arith.addf %add3A_438, %mul3A_494 : vector<16xf32>
      %get3A_496 = arith.constant 3 : i32
      %get3A_497 = arith.index_cast %get3A_496 : i32 to index
      %get3A_498 = arith.constant 112 : index
      %get3A_499 = tpu.vector_load %arg13[%get3A_497, %get3A_498] {strides = array<i32>} : memref<16x128xf32, #tpu.memory_space<vmem>>, vector<16xf32>,
      %mul3A_500 = arith.mulf %gather3A_453, %get3A_499 : vector<16xf32>
      %add3A_501 = arith.addf %add3A_444, %mul3A_500 : vector<16xf32>
      %mul3A_502 = arith.constant 16 : i32
      %mul3A_503 = arith.muli %while3A_258, %mul3A_502 : i32
      %add3A_504 = arith.constant 4 : i32
      %add3A_505 = arith.addi %mul3A_503, %add3A_504 : i32
      %broadcast_in_dim3A_506 = arith.constant 0 : i32
      %broadcast_in_dim3A_507 = vector.broadcast %broadcast_in_dim3A_506 : i32 to vector<16xi32>
      %add3A_508 = vector.broadcast %add3A_505 : i32 to vector<16xi32>
      %add3A_509 = arith.addi %add3A_508, %broadcast_in_dim3A_507 : vector<16xi32>
      %gather3A_510 = tpu.vector_load_idx %arg11[%add3A_509] : memref<2064xf32, #tpu.memory_space<vmem>>[vector<16xi32>], vector<16xf32>,
      %get3A_511 = arith.constant 4 : i32
      %get3A_512 = arith.index_cast %get3A_511 : i32 to index
      %get3A_513 = arith.constant 0 : index
      %get3A_514 = tpu.vector_load %arg13[%get3A_512, %get3A_513] {strides = array<i32>} : memref<16x128xf32, #tpu.memory_space<vmem>>, vector<16xf32>,
      %mul3A_515 = arith.mulf %gather3A_510, %get3A_514 : vector<16xf32>
      %add3A_516 = arith.addf %add3A_459, %mul3A_515 : vector<16xf32>
      %get3A_517 = arith.constant 4 : i32
      %get3A_518 = arith.index_cast %get3A_517 : i32 to index
      %get3A_519 = arith.constant 16 : index
      %get3A_520 = tpu.vector_load %arg13[%get3A_518, %get3A_519] {strides = array<i32>} : memref<16x128xf32, #tpu.memory_space<vmem>>, vector<16xf32>,
      %mul3A_521 = arith.mulf %gather3A_510, %get3A_520 : vector<16xf32>
      %add3A_522 = arith.addf %add3A_465, %mul3A_521 : vector<16xf32>
      %get3A_523 = arith.constant 4 : i32
      %get3A_524 = arith.index_cast %get3A_523 : i32 to index
      %get3A_525 = arith.constant 32 : index
      %get3A_526 = tpu.vector_load %arg13[%get3A_524, %get3A_525] {strides = array<i32>} : memref<16x128xf32, #tpu.memory_space<vmem>>, vector<16xf32>,
      %mul3A_527 = arith.mulf %gather3A_510, %get3A_526 : vector<16xf32>
      %add3A_528 = arith.addf %add3A_471, %mul3A_527 : vector<16xf32>
      %get3A_529 = arith.constant 4 : i32
      %get3A_530 = arith.index_cast %get3A_529 : i32 to index
      %get3A_531 = arith.constant 48 : index
      %get3A_532 = tpu.vector_load %arg13[%get3A_530, %get3A_531] {strides = array<i32>} : memref<16x128xf32, #tpu.memory_space<vmem>>, vector<16xf32>,
      %mul3A_533 = arith.mulf %gather3A_510, %get3A_532 : vector<16xf32>
      %add3A_534 = arith.addf %add3A_477, %mul3A_533 : vector<16xf32>
      %get3A_535 = arith.constant 4 : i32
      %get3A_536 = arith.index_cast %get3A_535 : i32 to index
      %get3A_537 = arith.constant 64 : index
      %get3A_538 = tpu.vector_load %arg13[%get3A_536, %get3A_537] {strides = array<i32>} : memref<16x128xf32, #tpu.memory_space<vmem>>, vector<16xf32>,
      %mul3A_539 = arith.mulf %gather3A_510, %get3A_538 : vector<16xf32>
      %add3A_540 = arith.addf %add3A_483, %mul3A_539 : vector<16xf32>
      %get3A_541 = arith.constant 4 : i32
      %get3A_542 = arith.index_cast %get3A_541 : i32 to index
      %get3A_543 = arith.constant 80 : index
      %get3A_544 = tpu.vector_load %arg13[%get3A_542, %get3A_543] {strides = array<i32>} : memref<16x128xf32, #tpu.memory_space<vmem>>, vector<16xf32>,
      %mul3A_545 = arith.mulf %gather3A_510, %get3A_544 : vector<16xf32>
      %add3A_546 = arith.addf %add3A_489, %mul3A_545 : vector<16xf32>
      %get3A_547 = arith.constant 4 : i32
      %get3A_548 = arith.index_cast %get3A_547 : i32 to index
      %get3A_549 = arith.constant 96 : index
      %get3A_550 = tpu.vector_load %arg13[%get3A_548, %get3A_549] {strides = array<i32>} : memref<16x128xf32, #tpu.memory_space<vmem>>, vector<16xf32>,
      %mul3A_551 = arith.mulf %gather3A_510, %get3A_550 : vector<16xf32>
      %add3A_552 = arith.addf %add3A_495, %mul3A_551 : vector<16xf32>
      %get3A_553 = arith.constant 4 : i32
      %get3A_554 = arith.index_cast %get3A_553 : i32 to index
      %get3A_555 = arith.constant 112 : index
      %get3A_556 = tpu.vector_load %arg13[%get3A_554, %get3A_555] {strides = array<i32>} : memref<16x128xf32, #tpu.memory_space<vmem>>, vector<16xf32>,
      %mul3A_557 = arith.mulf %gather3A_510, %get3A_556 : vector<16xf32>
      %add3A_558 = arith.addf %add3A_501, %mul3A_557 : vector<16xf32>
      %mul3A_559 = arith.constant 16 : i32
      %mul3A_560 = arith.muli %while3A_258, %mul3A_559 : i32
      %add3A_561 = arith.constant 5 : i32
      %add3A_562 = arith.addi %mul3A_560, %add3A_561 : i32
      %broadcast_in_dim3A_563 = arith.constant 0 : i32
      %broadcast_in_dim3A_564 = vector.broadcast %broadcast_in_dim3A_563 : i32 to vector<16xi32>
      %add3A_565 = vector.broadcast %add3A_562 : i32 to vector<16xi32>
      %add3A_566 = arith.addi %add3A_565, %broadcast_in_dim3A_564 : vector<16xi32>
      %gather3A_567 = tpu.vector_load_idx %arg11[%add3A_566] : memref<2064xf32, #tpu.memory_space<vmem>>[vector<16xi32>], vector<16xf32>,
      %get3A_568 = arith.constant 5 : i32
      %get3A_569 = arith.index_cast %get3A_568 : i32 to index
      %get3A_570 = arith.constant 0 : index
      %get3A_571 = tpu.vector_load %arg13[%get3A_569, %get3A_570] {strides = array<i32>} : memref<16x128xf32, #tpu.memory_space<vmem>>, vector<16xf32>,
      %mul3A_572 = arith.mulf %gather3A_567, %get3A_571 : vector<16xf32>
      %add3A_573 = arith.addf %add3A_516, %mul3A_572 : vector<16xf32>
      %get3A_574 = arith.constant 5 : i32
      %get3A_575 = arith.index_cast %get3A_574 : i32 to index
      %get3A_576 = arith.constant 16 : index
      %get3A_577 = tpu.vector_load %arg13[%get3A_575, %get3A_576] {strides = array<i32>} : memref<16x128xf32, #tpu.memory_space<vmem>>, vector<16xf32>,
      %mul3A_578 = arith.mulf %gather3A_567, %get3A_577 : vector<16xf32>
      %add3A_579 = arith.addf %add3A_522, %mul3A_578 : vector<16xf32>
      %get3A_580 = arith.constant 5 : i32
      %get3A_581 = arith.index_cast %get3A_580 : i32 to index
      %get3A_582 = arith.constant 32 : index
      %get3A_583 = tpu.vector_load %arg13[%get3A_581, %get3A_582] {strides = array<i32>} : memref<16x128xf32, #tpu.memory_space<vmem>>, vector<16xf32>,
      %mul3A_584 = arith.mulf %gather3A_567, %get3A_583 : vector<16xf32>
      %add3A_585 = arith.addf %add3A_528, %mul3A_584 : vector<16xf32>
      %get3A_586 = arith.constant 5 : i32
      %get3A_587 = arith.index_cast %get3A_586 : i32 to index
      %get3A_588 = arith.constant 48 : index
      %get3A_589 = tpu.vector_load %arg13[%get3A_587, %get3A_588] {strides = array<i32>} : memref<16x128xf32, #tpu.memory_space<vmem>>, vector<16xf32>,
      %mul3A_590 = arith.mulf %gather3A_567, %get3A_589 : vector<16xf32>
      %add3A_591 = arith.addf %add3A_534, %mul3A_590 : vector<16xf32>
      %get3A_592 = arith.constant 5 : i32
      %get3A_593 = arith.index_cast %get3A_592 : i32 to index
      %get3A_594 = arith.constant 64 : index
      %get3A_595 = tpu.vector_load %arg13[%get3A_593, %get3A_594] {strides = array<i32>} : memref<16x128xf32, #tpu.memory_space<vmem>>, vector<16xf32>,
      %mul3A_596 = arith.mulf %gather3A_567, %get3A_595 : vector<16xf32>
      %add3A_597 = arith.addf %add3A_540, %mul3A_596 : vector<16xf32>
      %get3A_598 = arith.constant 5 : i32
      %get3A_599 = arith.index_cast %get3A_598 : i32 to index
      %get3A_600 = arith.constant 80 : index
      %get3A_601 = tpu.vector_load %arg13[%get3A_599, %get3A_600] {strides = array<i32>} : memref<16x128xf32, #tpu.memory_space<vmem>>, vector<16xf32>,
      %mul3A_602 = arith.mulf %gather3A_567, %get3A_601 : vector<16xf32>
      %add3A_603 = arith.addf %add3A_546, %mul3A_602 : vector<16xf32>
      %get3A_604 = arith.constant 5 : i32
      %get3A_605 = arith.index_cast %get3A_604 : i32 to index
      %get3A_606 = arith.constant 96 : index
      %get3A_607 = tpu.vector_load %arg13[%get3A_605, %get3A_606] {strides = array<i32>} : memref<16x128xf32, #tpu.memory_space<vmem>>, vector<16xf32>,
      %mul3A_608 = arith.mulf %gather3A_567, %get3A_607 : vector<16xf32>
      %add3A_609 = arith.addf %add3A_552, %mul3A_608 : vector<16xf32>
      %get3A_610 = arith.constant 5 : i32
      %get3A_611 = arith.index_cast %get3A_610 : i32 to index
      %get3A_612 = arith.constant 112 : index
      %get3A_613 = tpu.vector_load %arg13[%get3A_611, %get3A_612] {strides = array<i32>} : memref<16x128xf32, #tpu.memory_space<vmem>>, vector<16xf32>,
      %mul3A_614 = arith.mulf %gather3A_567, %get3A_613 : vector<16xf32>
      %add3A_615 = arith.addf %add3A_558, %mul3A_614 : vector<16xf32>
      %mul3A_616 = arith.constant 16 : i32
      %mul3A_617 = arith.muli %while3A_258, %mul3A_616 : i32
      %add3A_618 = arith.constant 6 : i32
      %add3A_619 = arith.addi %mul3A_617, %add3A_618 : i32
      %broadcast_in_dim3A_620 = arith.constant 0 : i32
      %broadcast_in_dim3A_621 = vector.broadcast %broadcast_in_dim3A_620 : i32 to vector<16xi32>
      %add3A_622 = vector.broadcast %add3A_619 : i32 to vector<16xi32>
      %add3A_623 = arith.addi %add3A_622, %broadcast_in_dim3A_621 : vector<16xi32>
      %gather3A_624 = tpu.vector_load_idx %arg11[%add3A_623] : memref<2064xf32, #tpu.memory_space<vmem>>[vector<16xi32>], vector<16xf32>,
      %get3A_625 = arith.constant 6 : i32
      %get3A_626 = arith.index_cast %get3A_625 : i32 to index
      %get3A_627 = arith.constant 0 : index
      %get3A_628 = tpu.vector_load %arg13[%get3A_626, %get3A_627] {strides = array<i32>} : memref<16x128xf32, #tpu.memory_space<vmem>>, vector<16xf32>,
      %mul3A_629 = arith.mulf %gather3A_624, %get3A_628 : vector<16xf32>
      %add3A_630 = arith.addf %add3A_573, %mul3A_629 : vector<16xf32>
      %get3A_631 = arith.constant 6 : i32
      %get3A_632 = arith.index_cast %get3A_631 : i32 to index
      %get3A_633 = arith.constant 16 : index
      %get3A_634 = tpu.vector_load %arg13[%get3A_632, %get3A_633] {strides = array<i32>} : memref<16x128xf32, #tpu.memory_space<vmem>>, vector<16xf32>,
      %mul3A_635 = arith.mulf %gather3A_624, %get3A_634 : vector<16xf32>
      %add3A_636 = arith.addf %add3A_579, %mul3A_635 : vector<16xf32>
      %get3A_637 = arith.constant 6 : i32
      %get3A_638 = arith.index_cast %get3A_637 : i32 to index
      %get3A_639 = arith.constant 32 : index
      %get3A_640 = tpu.vector_load %arg13[%get3A_638, %get3A_639] {strides = array<i32>} : memref<16x128xf32, #tpu.memory_space<vmem>>, vector<16xf32>,
      %mul3A_641 = arith.mulf %gather3A_624, %get3A_640 : vector<16xf32>
      %add3A_642 = arith.addf %add3A_585, %mul3A_641 : vector<16xf32>
      %get3A_643 = arith.constant 6 : i32
      %get3A_644 = arith.index_cast %get3A_643 : i32 to index
      %get3A_645 = arith.constant 48 : index
      %get3A_646 = tpu.vector_load %arg13[%get3A_644, %get3A_645] {strides = array<i32>} : memref<16x128xf32, #tpu.memory_space<vmem>>, vector<16xf32>,
      %mul3A_647 = arith.mulf %gather3A_624, %get3A_646 : vector<16xf32>
      %add3A_648 = arith.addf %add3A_591, %mul3A_647 : vector<16xf32>
      %get3A_649 = arith.constant 6 : i32
      %get3A_650 = arith.index_cast %get3A_649 : i32 to index
      %get3A_651 = arith.constant 64 : index
      %get3A_652 = tpu.vector_load %arg13[%get3A_650, %get3A_651] {strides = array<i32>} : memref<16x128xf32, #tpu.memory_space<vmem>>, vector<16xf32>,
      %mul3A_653 = arith.mulf %gather3A_624, %get3A_652 : vector<16xf32>
      %add3A_654 = arith.addf %add3A_597, %mul3A_653 : vector<16xf32>
      %get3A_655 = arith.constant 6 : i32
      %get3A_656 = arith.index_cast %get3A_655 : i32 to index
      %get3A_657 = arith.constant 80 : index
      %get3A_658 = tpu.vector_load %arg13[%get3A_656, %get3A_657] {strides = array<i32>} : memref<16x128xf32, #tpu.memory_space<vmem>>, vector<16xf32>,
      %mul3A_659 = arith.mulf %gather3A_624, %get3A_658 : vector<16xf32>
      %add3A_660 = arith.addf %add3A_603, %mul3A_659 : vector<16xf32>
      %get3A_661 = arith.constant 6 : i32
      %get3A_662 = arith.index_cast %get3A_661 : i32 to index
      %get3A_663 = arith.constant 96 : index
      %get3A_664 = tpu.vector_load %arg13[%get3A_662, %get3A_663] {strides = array<i32>} : memref<16x128xf32, #tpu.memory_space<vmem>>, vector<16xf32>,
      %mul3A_665 = arith.mulf %gather3A_624, %get3A_664 : vector<16xf32>
      %add3A_666 = arith.addf %add3A_609, %mul3A_665 : vector<16xf32>
      %get3A_667 = arith.constant 6 : i32
      %get3A_668 = arith.index_cast %get3A_667 : i32 to index
      %get3A_669 = arith.constant 112 : index
      %get3A_670 = tpu.vector_load %arg13[%get3A_668, %get3A_669] {strides = array<i32>} : memref<16x128xf32, #tpu.memory_space<vmem>>, vector<16xf32>,
      %mul3A_671 = arith.mulf %gather3A_624, %get3A_670 : vector<16xf32>
      %add3A_672 = arith.addf %add3A_615, %mul3A_671 : vector<16xf32>
      %mul3A_673 = arith.constant 16 : i32
      %mul3A_674 = arith.muli %while3A_258, %mul3A_673 : i32
      %add3A_675 = arith.constant 7 : i32
      %add3A_676 = arith.addi %mul3A_674, %add3A_675 : i32
      %broadcast_in_dim3A_677 = arith.constant 0 : i32
      %broadcast_in_dim3A_678 = vector.broadcast %broadcast_in_dim3A_677 : i32 to vector<16xi32>
      %add3A_679 = vector.broadcast %add3A_676 : i32 to vector<16xi32>
      %add3A_680 = arith.addi %add3A_679, %broadcast_in_dim3A_678 : vector<16xi32>
      %gather3A_681 = tpu.vector_load_idx %arg11[%add3A_680] : memref<2064xf32, #tpu.memory_space<vmem>>[vector<16xi32>], vector<16xf32>,
      %get3A_682 = arith.constant 7 : i32
      %get3A_683 = arith.index_cast %get3A_682 : i32 to index
      %get3A_684 = arith.constant 0 : index
      %get3A_685 = tpu.vector_load %arg13[%get3A_683, %get3A_684] {strides = array<i32>} : memref<16x128xf32, #tpu.memory_space<vmem>>, vector<16xf32>,
      %mul3A_686 = arith.mulf %gather3A_681, %get3A_685 : vector<16xf32>
      %add3A_687 = arith.addf %add3A_630, %mul3A_686 : vector<16xf32>
      %get3A_688 = arith.constant 7 : i32
      %get3A_689 = arith.index_cast %get3A_688 : i32 to index
      %get3A_690 = arith.constant 16 : index
      %get3A_691 = tpu.vector_load %arg13[%get3A_689, %get3A_690] {strides = array<i32>} : memref<16x128xf32, #tpu.memory_space<vmem>>, vector<16xf32>,
      %mul3A_692 = arith.mulf %gather3A_681, %get3A_691 : vector<16xf32>
      %add3A_693 = arith.addf %add3A_636, %mul3A_692 : vector<16xf32>
      %get3A_694 = arith.constant 7 : i32
      %get3A_695 = arith.index_cast %get3A_694 : i32 to index
      %get3A_696 = arith.constant 32 : index
      %get3A_697 = tpu.vector_load %arg13[%get3A_695, %get3A_696] {strides = array<i32>} : memref<16x128xf32, #tpu.memory_space<vmem>>, vector<16xf32>,
      %mul3A_698 = arith.mulf %gather3A_681, %get3A_697 : vector<16xf32>
      %add3A_699 = arith.addf %add3A_642, %mul3A_698 : vector<16xf32>
      %get3A_700 = arith.constant 7 : i32
      %get3A_701 = arith.index_cast %get3A_700 : i32 to index
      %get3A_702 = arith.constant 48 : index
      %get3A_703 = tpu.vector_load %arg13[%get3A_701, %get3A_702] {strides = array<i32>} : memref<16x128xf32, #tpu.memory_space<vmem>>, vector<16xf32>,
      %mul3A_704 = arith.mulf %gather3A_681, %get3A_703 : vector<16xf32>
      %add3A_705 = arith.addf %add3A_648, %mul3A_704 : vector<16xf32>
      %get3A_706 = arith.constant 7 : i32
      %get3A_707 = arith.index_cast %get3A_706 : i32 to index
      %get3A_708 = arith.constant 64 : index
      %get3A_709 = tpu.vector_load %arg13[%get3A_707, %get3A_708] {strides = array<i32>} : memref<16x128xf32, #tpu.memory_space<vmem>>, vector<16xf32>,
      %mul3A_710 = arith.mulf %gather3A_681, %get3A_709 : vector<16xf32>
      %add3A_711 = arith.addf %add3A_654, %mul3A_710 : vector<16xf32>
      %get3A_712 = arith.constant 7 : i32
      %get3A_713 = arith.index_cast %get3A_712 : i32 to index
      %get3A_714 = arith.constant 80 : index
      %get3A_715 = tpu.vector_load %arg13[%get3A_713, %get3A_714] {strides = array<i32>} : memref<16x128xf32, #tpu.memory_space<vmem>>, vector<16xf32>,
      %mul3A_716 = arith.mulf %gather3A_681, %get3A_715 : vector<16xf32>
      %add3A_717 = arith.addf %add3A_660, %mul3A_716 : vector<16xf32>
      %get3A_718 = arith.constant 7 : i32
      %get3A_719 = arith.index_cast %get3A_718 : i32 to index
      %get3A_720 = arith.constant 96 : index
      %get3A_721 = tpu.vector_load %arg13[%get3A_719, %get3A_720] {strides = array<i32>} : memref<16x128xf32, #tpu.memory_space<vmem>>, vector<16xf32>,
      %mul3A_722 = arith.mulf %gather3A_681, %get3A_721 : vector<16xf32>
      %add3A_723 = arith.addf %add3A_666, %mul3A_722 : vector<16xf32>
      %get3A_724 = arith.constant 7 : i32
      %get3A_725 = arith.index_cast %get3A_724 : i32 to index
      %get3A_726 = arith.constant 112 : index
      %get3A_727 = tpu.vector_load %arg13[%get3A_725, %get3A_726] {strides = array<i32>} : memref<16x128xf32, #tpu.memory_space<vmem>>, vector<16xf32>,
      %mul3A_728 = arith.mulf %gather3A_681, %get3A_727 : vector<16xf32>
      %add3A_729 = arith.addf %add3A_672, %mul3A_728 : vector<16xf32>
      %mul3A_730 = arith.constant 16 : i32
      %mul3A_731 = arith.muli %while3A_258, %mul3A_730 : i32
      %add3A_732 = arith.constant 8 : i32
      %add3A_733 = arith.addi %mul3A_731, %add3A_732 : i32
      %broadcast_in_dim3A_734 = arith.constant 0 : i32
      %broadcast_in_dim3A_735 = vector.broadcast %broadcast_in_dim3A_734 : i32 to vector<16xi32>
      %add3A_736 = vector.broadcast %add3A_733 : i32 to vector<16xi32>
      %add3A_737 = arith.addi %add3A_736, %broadcast_in_dim3A_735 : vector<16xi32>
      %gather3A_738 = tpu.vector_load_idx %arg11[%add3A_737] : memref<2064xf32, #tpu.memory_space<vmem>>[vector<16xi32>], vector<16xf32>,
      %get3A_739 = arith.constant 8 : i32
      %get3A_740 = arith.index_cast %get3A_739 : i32 to index
      %get3A_741 = arith.constant 0 : index
      %get3A_742 = tpu.vector_load %arg13[%get3A_740, %get3A_741] {strides = array<i32>} : memref<16x128xf32, #tpu.memory_space<vmem>>, vector<16xf32>,
      %mul3A_743 = arith.mulf %gather3A_738, %get3A_742 : vector<16xf32>
      %add3A_744 = arith.addf %add3A_687, %mul3A_743 : vector<16xf32>
      %get3A_745 = arith.constant 8 : i32
      %get3A_746 = arith.index_cast %get3A_745 : i32 to index
      %get3A_747 = arith.constant 16 : index
      %get3A_748 = tpu.vector_load %arg13[%get3A_746, %get3A_747] {strides = array<i32>} : memref<16x128xf32, #tpu.memory_space<vmem>>, vector<16xf32>,
      %mul3A_749 = arith.mulf %gather3A_738, %get3A_748 : vector<16xf32>
      %add3A_750 = arith.addf %add3A_693, %mul3A_749 : vector<16xf32>
      %get3A_751 = arith.constant 8 : i32
      %get3A_752 = arith.index_cast %get3A_751 : i32 to index
      %get3A_753 = arith.constant 32 : index
      %get3A_754 = tpu.vector_load %arg13[%get3A_752, %get3A_753] {strides = array<i32>} : memref<16x128xf32, #tpu.memory_space<vmem>>, vector<16xf32>,
      %mul3A_755 = arith.mulf %gather3A_738, %get3A_754 : vector<16xf32>
      %add3A_756 = arith.addf %add3A_699, %mul3A_755 : vector<16xf32>
      %get3A_757 = arith.constant 8 : i32
      %get3A_758 = arith.index_cast %get3A_757 : i32 to index
      %get3A_759 = arith.constant 48 : index
      %get3A_760 = tpu.vector_load %arg13[%get3A_758, %get3A_759] {strides = array<i32>} : memref<16x128xf32, #tpu.memory_space<vmem>>, vector<16xf32>,
      %mul3A_761 = arith.mulf %gather3A_738, %get3A_760 : vector<16xf32>
      %add3A_762 = arith.addf %add3A_705, %mul3A_761 : vector<16xf32>
      %get3A_763 = arith.constant 8 : i32
      %get3A_764 = arith.index_cast %get3A_763 : i32 to index
      %get3A_765 = arith.constant 64 : index
      %get3A_766 = tpu.vector_load %arg13[%get3A_764, %get3A_765] {strides = array<i32>} : memref<16x128xf32, #tpu.memory_space<vmem>>, vector<16xf32>,
      %mul3A_767 = arith.mulf %gather3A_738, %get3A_766 : vector<16xf32>
      %add3A_768 = arith.addf %add3A_711, %mul3A_767 : vector<16xf32>
      %get3A_769 = arith.constant 8 : i32
      %get3A_770 = arith.index_cast %get3A_769 : i32 to index
      %get3A_771 = arith.constant 80 : index
      %get3A_772 = tpu.vector_load %arg13[%get3A_770, %get3A_771] {strides = array<i32>} : memref<16x128xf32, #tpu.memory_space<vmem>>, vector<16xf32>,
      %mul3A_773 = arith.mulf %gather3A_738, %get3A_772 : vector<16xf32>
      %add3A_774 = arith.addf %add3A_717, %mul3A_773 : vector<16xf32>
      %get3A_775 = arith.constant 8 : i32
      %get3A_776 = arith.index_cast %get3A_775 : i32 to index
      %get3A_777 = arith.constant 96 : index
      %get3A_778 = tpu.vector_load %arg13[%get3A_776, %get3A_777] {strides = array<i32>} : memref<16x128xf32, #tpu.memory_space<vmem>>, vector<16xf32>,
      %mul3A_779 = arith.mulf %gather3A_738, %get3A_778 : vector<16xf32>
      %add3A_780 = arith.addf %add3A_723, %mul3A_779 : vector<16xf32>
      %get3A_781 = arith.constant 8 : i32
      %get3A_782 = arith.index_cast %get3A_781 : i32 to index
      %get3A_783 = arith.constant 112 : index
      %get3A_784 = tpu.vector_load %arg13[%get3A_782, %get3A_783] {strides = array<i32>} : memref<16x128xf32, #tpu.memory_space<vmem>>, vector<16xf32>,
      %mul3A_785 = arith.mulf %gather3A_738, %get3A_784 : vector<16xf32>
      %add3A_786 = arith.addf %add3A_729, %mul3A_785 : vector<16xf32>
      %mul3A_787 = arith.constant 16 : i32
      %mul3A_788 = arith.muli %while3A_258, %mul3A_787 : i32
      %add3A_789 = arith.constant 9 : i32
      %add3A_790 = arith.addi %mul3A_788, %add3A_789 : i32
      %broadcast_in_dim3A_791 = arith.constant 0 : i32
      %broadcast_in_dim3A_792 = vector.broadcast %broadcast_in_dim3A_791 : i32 to vector<16xi32>
      %add3A_793 = vector.broadcast %add3A_790 : i32 to vector<16xi32>
      %add3A_794 = arith.addi %add3A_793, %broadcast_in_dim3A_792 : vector<16xi32>
      %gather3A_795 = tpu.vector_load_idx %arg11[%add3A_794] : memref<2064xf32, #tpu.memory_space<vmem>>[vector<16xi32>], vector<16xf32>,
      %get3A_796 = arith.constant 9 : i32
      %get3A_797 = arith.index_cast %get3A_796 : i32 to index
      %get3A_798 = arith.constant 0 : index
      %get3A_799 = tpu.vector_load %arg13[%get3A_797, %get3A_798] {strides = array<i32>} : memref<16x128xf32, #tpu.memory_space<vmem>>, vector<16xf32>,
      %mul3A_800 = arith.mulf %gather3A_795, %get3A_799 : vector<16xf32>
      %add3A_801 = arith.addf %add3A_744, %mul3A_800 : vector<16xf32>
      %get3A_802 = arith.constant 9 : i32
      %get3A_803 = arith.index_cast %get3A_802 : i32 to index
      %get3A_804 = arith.constant 16 : index
      %get3A_805 = tpu.vector_load %arg13[%get3A_803, %get3A_804] {strides = array<i32>} : memref<16x128xf32, #tpu.memory_space<vmem>>, vector<16xf32>,
      %mul3A_806 = arith.mulf %gather3A_795, %get3A_805 : vector<16xf32>
      %add3A_807 = arith.addf %add3A_750, %mul3A_806 : vector<16xf32>
      %get3A_808 = arith.constant 9 : i32
      %get3A_809 = arith.index_cast %get3A_808 : i32 to index
      %get3A_810 = arith.constant 32 : index
      %get3A_811 = tpu.vector_load %arg13[%get3A_809, %get3A_810] {strides = array<i32>} : memref<16x128xf32, #tpu.memory_space<vmem>>, vector<16xf32>,
      %mul3A_812 = arith.mulf %gather3A_795, %get3A_811 : vector<16xf32>
      %add3A_813 = arith.addf %add3A_756, %mul3A_812 : vector<16xf32>
      %get3A_814 = arith.constant 9 : i32
      %get3A_815 = arith.index_cast %get3A_814 : i32 to index
      %get3A_816 = arith.constant 48 : index
      %get3A_817 = tpu.vector_load %arg13[%get3A_815, %get3A_816] {strides = array<i32>} : memref<16x128xf32, #tpu.memory_space<vmem>>, vector<16xf32>,
      %mul3A_818 = arith.mulf %gather3A_795, %get3A_817 : vector<16xf32>
      %add3A_819 = arith.addf %add3A_762, %mul3A_818 : vector<16xf32>
      %get3A_820 = arith.constant 9 : i32
      %get3A_821 = arith.index_cast %get3A_820 : i32 to index
      %get3A_822 = arith.constant 64 : index
      %get3A_823 = tpu.vector_load %arg13[%get3A_821, %get3A_822] {strides = array<i32>} : memref<16x128xf32, #tpu.memory_space<vmem>>, vector<16xf32>,
      %mul3A_824 = arith.mulf %gather3A_795, %get3A_823 : vector<16xf32>
      %add3A_825 = arith.addf %add3A_768, %mul3A_824 : vector<16xf32>
      %get3A_826 = arith.constant 9 : i32
      %get3A_827 = arith.index_cast %get3A_826 : i32 to index
      %get3A_828 = arith.constant 80 : index
      %get3A_829 = tpu.vector_load %arg13[%get3A_827, %get3A_828] {strides = array<i32>} : memref<16x128xf32, #tpu.memory_space<vmem>>, vector<16xf32>,
      %mul3A_830 = arith.mulf %gather3A_795, %get3A_829 : vector<16xf32>
      %add3A_831 = arith.addf %add3A_774, %mul3A_830 : vector<16xf32>
      %get3A_832 = arith.constant 9 : i32
      %get3A_833 = arith.index_cast %get3A_832 : i32 to index
      %get3A_834 = arith.constant 96 : index
      %get3A_835 = tpu.vector_load %arg13[%get3A_833, %get3A_834] {strides = array<i32>} : memref<16x128xf32, #tpu.memory_space<vmem>>, vector<16xf32>,
      %mul3A_836 = arith.mulf %gather3A_795, %get3A_835 : vector<16xf32>
      %add3A_837 = arith.addf %add3A_780, %mul3A_836 : vector<16xf32>
      %get3A_838 = arith.constant 9 : i32
      %get3A_839 = arith.index_cast %get3A_838 : i32 to index
      %get3A_840 = arith.constant 112 : index
      %get3A_841 = tpu.vector_load %arg13[%get3A_839, %get3A_840] {strides = array<i32>} : memref<16x128xf32, #tpu.memory_space<vmem>>, vector<16xf32>,
      %mul3A_842 = arith.mulf %gather3A_795, %get3A_841 : vector<16xf32>
      %add3A_843 = arith.addf %add3A_786, %mul3A_842 : vector<16xf32>
      %mul3A_844 = arith.constant 16 : i32
      %mul3A_845 = arith.muli %while3A_258, %mul3A_844 : i32
      %add3A_846 = arith.constant 10 : i32
      %add3A_847 = arith.addi %mul3A_845, %add3A_846 : i32
      %broadcast_in_dim3A_848 = arith.constant 0 : i32
      %broadcast_in_dim3A_849 = vector.broadcast %broadcast_in_dim3A_848 : i32 to vector<16xi32>
      %add3A_850 = vector.broadcast %add3A_847 : i32 to vector<16xi32>
      %add3A_851 = arith.addi %add3A_850, %broadcast_in_dim3A_849 : vector<16xi32>
      %gather3A_852 = tpu.vector_load_idx %arg11[%add3A_851] : memref<2064xf32, #tpu.memory_space<vmem>>[vector<16xi32>], vector<16xf32>,
      %get3A_853 = arith.constant 10 : i32
      %get3A_854 = arith.index_cast %get3A_853 : i32 to index
      %get3A_855 = arith.constant 0 : index
      %get3A_856 = tpu.vector_load %arg13[%get3A_854, %get3A_855] {strides = array<i32>} : memref<16x128xf32, #tpu.memory_space<vmem>>, vector<16xf32>,
      %mul3A_857 = arith.mulf %gather3A_852, %get3A_856 : vector<16xf32>
      %add3A_858 = arith.addf %add3A_801, %mul3A_857 : vector<16xf32>
      %get3A_859 = arith.constant 10 : i32
      %get3A_860 = arith.index_cast %get3A_859 : i32 to index
      %get3A_861 = arith.constant 16 : index
      %get3A_862 = tpu.vector_load %arg13[%get3A_860, %get3A_861] {strides = array<i32>} : memref<16x128xf32, #tpu.memory_space<vmem>>, vector<16xf32>,
      %mul3A_863 = arith.mulf %gather3A_852, %get3A_862 : vector<16xf32>
      %add3A_864 = arith.addf %add3A_807, %mul3A_863 : vector<16xf32>
      %get3A_865 = arith.constant 10 : i32
      %get3A_866 = arith.index_cast %get3A_865 : i32 to index
      %get3A_867 = arith.constant 32 : index
      %get3A_868 = tpu.vector_load %arg13[%get3A_866, %get3A_867] {strides = array<i32>} : memref<16x128xf32, #tpu.memory_space<vmem>>, vector<16xf32>,
      %mul3A_869 = arith.mulf %gather3A_852, %get3A_868 : vector<16xf32>
      %add3A_870 = arith.addf %add3A_813, %mul3A_869 : vector<16xf32>
      %get3A_871 = arith.constant 10 : i32
      %get3A_872 = arith.index_cast %get3A_871 : i32 to index
      %get3A_873 = arith.constant 48 : index
      %get3A_874 = tpu.vector_load %arg13[%get3A_872, %get3A_873] {strides = array<i32>} : memref<16x128xf32, #tpu.memory_space<vmem>>, vector<16xf32>,
      %mul3A_875 = arith.mulf %gather3A_852, %get3A_874 : vector<16xf32>
      %add3A_876 = arith.addf %add3A_819, %mul3A_875 : vector<16xf32>
      %get3A_877 = arith.constant 10 : i32
      %get3A_878 = arith.index_cast %get3A_877 : i32 to index
      %get3A_879 = arith.constant 64 : index
      %get3A_880 = tpu.vector_load %arg13[%get3A_878, %get3A_879] {strides = array<i32>} : memref<16x128xf32, #tpu.memory_space<vmem>>, vector<16xf32>,
      %mul3A_881 = arith.mulf %gather3A_852, %get3A_880 : vector<16xf32>
      %add3A_882 = arith.addf %add3A_825, %mul3A_881 : vector<16xf32>
      %get3A_883 = arith.constant 10 : i32
      %get3A_884 = arith.index_cast %get3A_883 : i32 to index
      %get3A_885 = arith.constant 80 : index
      %get3A_886 = tpu.vector_load %arg13[%get3A_884, %get3A_885] {strides = array<i32>} : memref<16x128xf32, #tpu.memory_space<vmem>>, vector<16xf32>,
      %mul3A_887 = arith.mulf %gather3A_852, %get3A_886 : vector<16xf32>
      %add3A_888 = arith.addf %add3A_831, %mul3A_887 : vector<16xf32>
      %get3A_889 = arith.constant 10 : i32
      %get3A_890 = arith.index_cast %get3A_889 : i32 to index
      %get3A_891 = arith.constant 96 : index
      %get3A_892 = tpu.vector_load %arg13[%get3A_890, %get3A_891] {strides = array<i32>} : memref<16x128xf32, #tpu.memory_space<vmem>>, vector<16xf32>,
      %mul3A_893 = arith.mulf %gather3A_852, %get3A_892 : vector<16xf32>
      %add3A_894 = arith.addf %add3A_837, %mul3A_893 : vector<16xf32>
      %get3A_895 = arith.constant 10 : i32
      %get3A_896 = arith.index_cast %get3A_895 : i32 to index
      %get3A_897 = arith.constant 112 : index
      %get3A_898 = tpu.vector_load %arg13[%get3A_896, %get3A_897] {strides = array<i32>} : memref<16x128xf32, #tpu.memory_space<vmem>>, vector<16xf32>,
      %mul3A_899 = arith.mulf %gather3A_852, %get3A_898 : vector<16xf32>
      %add3A_900 = arith.addf %add3A_843, %mul3A_899 : vector<16xf32>
      %mul3A_901 = arith.constant 16 : i32
      %mul3A_902 = arith.muli %while3A_258, %mul3A_901 : i32
      %add3A_903 = arith.constant 11 : i32
      %add3A_904 = arith.addi %mul3A_902, %add3A_903 : i32
      %broadcast_in_dim3A_905 = arith.constant 0 : i32
      %broadcast_in_dim3A_906 = vector.broadcast %broadcast_in_dim3A_905 : i32 to vector<16xi32>
      %add3A_907 = vector.broadcast %add3A_904 : i32 to vector<16xi32>
      %add3A_908 = arith.addi %add3A_907, %broadcast_in_dim3A_906 : vector<16xi32>
      %gather3A_909 = tpu.vector_load_idx %arg11[%add3A_908] : memref<2064xf32, #tpu.memory_space<vmem>>[vector<16xi32>], vector<16xf32>,
      %get3A_910 = arith.constant 11 : i32
      %get3A_911 = arith.index_cast %get3A_910 : i32 to index
      %get3A_912 = arith.constant 0 : index
      %get3A_913 = tpu.vector_load %arg13[%get3A_911, %get3A_912] {strides = array<i32>} : memref<16x128xf32, #tpu.memory_space<vmem>>, vector<16xf32>,
      %mul3A_914 = arith.mulf %gather3A_909, %get3A_913 : vector<16xf32>
      %add3A_915 = arith.addf %add3A_858, %mul3A_914 : vector<16xf32>
      %get3A_916 = arith.constant 11 : i32
      %get3A_917 = arith.index_cast %get3A_916 : i32 to index
      %get3A_918 = arith.constant 16 : index
      %get3A_919 = tpu.vector_load %arg13[%get3A_917, %get3A_918] {strides = array<i32>} : memref<16x128xf32, #tpu.memory_space<vmem>>, vector<16xf32>,
      %mul3A_920 = arith.mulf %gather3A_909, %get3A_919 : vector<16xf32>
      %add3A_921 = arith.addf %add3A_864, %mul3A_920 : vector<16xf32>
      %get3A_922 = arith.constant 11 : i32
      %get3A_923 = arith.index_cast %get3A_922 : i32 to index
      %get3A_924 = arith.constant 32 : index
      %get3A_925 = tpu.vector_load %arg13[%get3A_923, %get3A_924] {strides = array<i32>} : memref<16x128xf32, #tpu.memory_space<vmem>>, vector<16xf32>,
      %mul3A_926 = arith.mulf %gather3A_909, %get3A_925 : vector<16xf32>
      %add3A_927 = arith.addf %add3A_870, %mul3A_926 : vector<16xf32>
      %get3A_928 = arith.constant 11 : i32
      %get3A_929 = arith.index_cast %get3A_928 : i32 to index
      %get3A_930 = arith.constant 48 : index
      %get3A_931 = tpu.vector_load %arg13[%get3A_929, %get3A_930] {strides = array<i32>} : memref<16x128xf32, #tpu.memory_space<vmem>>, vector<16xf32>,
      %mul3A_932 = arith.mulf %gather3A_909, %get3A_931 : vector<16xf32>
      %add3A_933 = arith.addf %add3A_876, %mul3A_932 : vector<16xf32>
      %get3A_934 = arith.constant 11 : i32
      %get3A_935 = arith.index_cast %get3A_934 : i32 to index
      %get3A_936 = arith.constant 64 : index
      %get3A_937 = tpu.vector_load %arg13[%get3A_935, %get3A_936] {strides = array<i32>} : memref<16x128xf32, #tpu.memory_space<vmem>>, vector<16xf32>,
      %mul3A_938 = arith.mulf %gather3A_909, %get3A_937 : vector<16xf32>
      %add3A_939 = arith.addf %add3A_882, %mul3A_938 : vector<16xf32>
      %get3A_940 = arith.constant 11 : i32
      %get3A_941 = arith.index_cast %get3A_940 : i32 to index
      %get3A_942 = arith.constant 80 : index
      %get3A_943 = tpu.vector_load %arg13[%get3A_941, %get3A_942] {strides = array<i32>} : memref<16x128xf32, #tpu.memory_space<vmem>>, vector<16xf32>,
      %mul3A_944 = arith.mulf %gather3A_909, %get3A_943 : vector<16xf32>
      %add3A_945 = arith.addf %add3A_888, %mul3A_944 : vector<16xf32>
      %get3A_946 = arith.constant 11 : i32
      %get3A_947 = arith.index_cast %get3A_946 : i32 to index
      %get3A_948 = arith.constant 96 : index
      %get3A_949 = tpu.vector_load %arg13[%get3A_947, %get3A_948] {strides = array<i32>} : memref<16x128xf32, #tpu.memory_space<vmem>>, vector<16xf32>,
      %mul3A_950 = arith.mulf %gather3A_909, %get3A_949 : vector<16xf32>
      %add3A_951 = arith.addf %add3A_894, %mul3A_950 : vector<16xf32>
      %get3A_952 = arith.constant 11 : i32
      %get3A_953 = arith.index_cast %get3A_952 : i32 to index
      %get3A_954 = arith.constant 112 : index
      %get3A_955 = tpu.vector_load %arg13[%get3A_953, %get3A_954] {strides = array<i32>} : memref<16x128xf32, #tpu.memory_space<vmem>>, vector<16xf32>,
      %mul3A_956 = arith.mulf %gather3A_909, %get3A_955 : vector<16xf32>
      %add3A_957 = arith.addf %add3A_900, %mul3A_956 : vector<16xf32>
      %mul3A_958 = arith.constant 16 : i32
      %mul3A_959 = arith.muli %while3A_258, %mul3A_958 : i32
      %add3A_960 = arith.constant 12 : i32
      %add3A_961 = arith.addi %mul3A_959, %add3A_960 : i32
      %broadcast_in_dim3A_962 = arith.constant 0 : i32
      %broadcast_in_dim3A_963 = vector.broadcast %broadcast_in_dim3A_962 : i32 to vector<16xi32>
      %add3A_964 = vector.broadcast %add3A_961 : i32 to vector<16xi32>
      %add3A_965 = arith.addi %add3A_964, %broadcast_in_dim3A_963 : vector<16xi32>
      %gather3A_966 = tpu.vector_load_idx %arg11[%add3A_965] : memref<2064xf32, #tpu.memory_space<vmem>>[vector<16xi32>], vector<16xf32>,
      %get3A_967 = arith.constant 12 : i32
      %get3A_968 = arith.index_cast %get3A_967 : i32 to index
      %get3A_969 = arith.constant 0 : index
      %get3A_970 = tpu.vector_load %arg13[%get3A_968, %get3A_969] {strides = array<i32>} : memref<16x128xf32, #tpu.memory_space<vmem>>, vector<16xf32>,
      %mul3A_971 = arith.mulf %gather3A_966, %get3A_970 : vector<16xf32>
      %add3A_972 = arith.addf %add3A_915, %mul3A_971 : vector<16xf32>
      %get3A_973 = arith.constant 12 : i32
      %get3A_974 = arith.index_cast %get3A_973 : i32 to index
      %get3A_975 = arith.constant 16 : index
      %get3A_976 = tpu.vector_load %arg13[%get3A_974, %get3A_975] {strides = array<i32>} : memref<16x128xf32, #tpu.memory_space<vmem>>, vector<16xf32>,
      %mul3A_977 = arith.mulf %gather3A_966, %get3A_976 : vector<16xf32>
      %add3A_978 = arith.addf %add3A_921, %mul3A_977 : vector<16xf32>
      %get3A_979 = arith.constant 12 : i32
      %get3A_980 = arith.index_cast %get3A_979 : i32 to index
      %get3A_981 = arith.constant 32 : index
      %get3A_982 = tpu.vector_load %arg13[%get3A_980, %get3A_981] {strides = array<i32>} : memref<16x128xf32, #tpu.memory_space<vmem>>, vector<16xf32>,
      %mul3A_983 = arith.mulf %gather3A_966, %get3A_982 : vector<16xf32>
      %add3A_984 = arith.addf %add3A_927, %mul3A_983 : vector<16xf32>
      %get3A_985 = arith.constant 12 : i32
      %get3A_986 = arith.index_cast %get3A_985 : i32 to index
      %get3A_987 = arith.constant 48 : index
      %get3A_988 = tpu.vector_load %arg13[%get3A_986, %get3A_987] {strides = array<i32>} : memref<16x128xf32, #tpu.memory_space<vmem>>, vector<16xf32>,
      %mul3A_989 = arith.mulf %gather3A_966, %get3A_988 : vector<16xf32>
      %add3A_990 = arith.addf %add3A_933, %mul3A_989 : vector<16xf32>
      %get3A_991 = arith.constant 12 : i32
      %get3A_992 = arith.index_cast %get3A_991 : i32 to index
      %get3A_993 = arith.constant 64 : index
      %get3A_994 = tpu.vector_load %arg13[%get3A_992, %get3A_993] {strides = array<i32>} : memref<16x128xf32, #tpu.memory_space<vmem>>, vector<16xf32>,
      %mul3A_995 = arith.mulf %gather3A_966, %get3A_994 : vector<16xf32>
      %add3A_996 = arith.addf %add3A_939, %mul3A_995 : vector<16xf32>
      %get3A_997 = arith.constant 12 : i32
      %get3A_998 = arith.index_cast %get3A_997 : i32 to index
      %get3A_999 = arith.constant 80 : index
      %get3A_1000 = tpu.vector_load %arg13[%get3A_998, %get3A_999] {strides = array<i32>} : memref<16x128xf32, #tpu.memory_space<vmem>>, vector<16xf32>,
      %mul3A_1001 = arith.mulf %gather3A_966, %get3A_1000 : vector<16xf32>
      %add3A_1002 = arith.addf %add3A_945, %mul3A_1001 : vector<16xf32>
      %get3A_1003 = arith.constant 12 : i32
      %get3A_1004 = arith.index_cast %get3A_1003 : i32 to index
      %get3A_1005 = arith.constant 96 : index
      %get3A_1006 = tpu.vector_load %arg13[%get3A_1004, %get3A_1005] {strides = array<i32>} : memref<16x128xf32, #tpu.memory_space<vmem>>, vector<16xf32>,
      %mul3A_1007 = arith.mulf %gather3A_966, %get3A_1006 : vector<16xf32>
      %add3A_1008 = arith.addf %add3A_951, %mul3A_1007 : vector<16xf32>
      %get3A_1009 = arith.constant 12 : i32
      %get3A_1010 = arith.index_cast %get3A_1009 : i32 to index
      %get3A_1011 = arith.constant 112 : index
      %get3A_1012 = tpu.vector_load %arg13[%get3A_1010, %get3A_1011] {strides = array<i32>} : memref<16x128xf32, #tpu.memory_space<vmem>>, vector<16xf32>,
      %mul3A_1013 = arith.mulf %gather3A_966, %get3A_1012 : vector<16xf32>
      %add3A_1014 = arith.addf %add3A_957, %mul3A_1013 : vector<16xf32>
      %mul3A_1015 = arith.constant 16 : i32
      %mul3A_1016 = arith.muli %while3A_258, %mul3A_1015 : i32
      %add3A_1017 = arith.constant 13 : i32
      %add3A_1018 = arith.addi %mul3A_1016, %add3A_1017 : i32
      %broadcast_in_dim3A_1019 = arith.constant 0 : i32
      %broadcast_in_dim3A_1020 = vector.broadcast %broadcast_in_dim3A_1019 : i32 to vector<16xi32>
      %add3A_1021 = vector.broadcast %add3A_1018 : i32 to vector<16xi32>
      %add3A_1022 = arith.addi %add3A_1021, %broadcast_in_dim3A_1020 : vector<16xi32>
      %gather3A_1023 = tpu.vector_load_idx %arg11[%add3A_1022] : memref<2064xf32, #tpu.memory_space<vmem>>[vector<16xi32>], vector<16xf32>,
      %get3A_1024 = arith.constant 13 : i32
      %get3A_1025 = arith.index_cast %get3A_1024 : i32 to index
      %get3A_1026 = arith.constant 0 : index
      %get3A_1027 = tpu.vector_load %arg13[%get3A_1025, %get3A_1026] {strides = array<i32>} : memref<16x128xf32, #tpu.memory_space<vmem>>, vector<16xf32>,
      %mul3A_1028 = arith.mulf %gather3A_1023, %get3A_1027 : vector<16xf32>
      %add3A_1029 = arith.addf %add3A_972, %mul3A_1028 : vector<16xf32>
      %get3A_1030 = arith.constant 13 : i32
      %get3A_1031 = arith.index_cast %get3A_1030 : i32 to index
      %get3A_1032 = arith.constant 16 : index
      %get3A_1033 = tpu.vector_load %arg13[%get3A_1031, %get3A_1032] {strides = array<i32>} : memref<16x128xf32, #tpu.memory_space<vmem>>, vector<16xf32>,
      %mul3A_1034 = arith.mulf %gather3A_1023, %get3A_1033 : vector<16xf32>
      %add3A_1035 = arith.addf %add3A_978, %mul3A_1034 : vector<16xf32>
      %get3A_1036 = arith.constant 13 : i32
      %get3A_1037 = arith.index_cast %get3A_1036 : i32 to index
      %get3A_1038 = arith.constant 32 : index
      %get3A_1039 = tpu.vector_load %arg13[%get3A_1037, %get3A_1038] {strides = array<i32>} : memref<16x128xf32, #tpu.memory_space<vmem>>, vector<16xf32>,
      %mul3A_1040 = arith.mulf %gather3A_1023, %get3A_1039 : vector<16xf32>
      %add3A_1041 = arith.addf %add3A_984, %mul3A_1040 : vector<16xf32>
      %get3A_1042 = arith.constant 13 : i32
      %get3A_1043 = arith.index_cast %get3A_1042 : i32 to index
      %get3A_1044 = arith.constant 48 : index
      %get3A_1045 = tpu.vector_load %arg13[%get3A_1043, %get3A_1044] {strides = array<i32>} : memref<16x128xf32, #tpu.memory_space<vmem>>, vector<16xf32>,
      %mul3A_1046 = arith.mulf %gather3A_1023, %get3A_1045 : vector<16xf32>
      %add3A_1047 = arith.addf %add3A_990, %mul3A_1046 : vector<16xf32>
      %get3A_1048 = arith.constant 13 : i32
      %get3A_1049 = arith.index_cast %get3A_1048 : i32 to index
      %get3A_1050 = arith.constant 64 : index
      %get3A_1051 = tpu.vector_load %arg13[%get3A_1049, %get3A_1050] {strides = array<i32>} : memref<16x128xf32, #tpu.memory_space<vmem>>, vector<16xf32>,
      %mul3A_1052 = arith.mulf %gather3A_1023, %get3A_1051 : vector<16xf32>
      %add3A_1053 = arith.addf %add3A_996, %mul3A_1052 : vector<16xf32>
      %get3A_1054 = arith.constant 13 : i32
      %get3A_1055 = arith.index_cast %get3A_1054 : i32 to index
      %get3A_1056 = arith.constant 80 : index
      %get3A_1057 = tpu.vector_load %arg13[%get3A_1055, %get3A_1056] {strides = array<i32>} : memref<16x128xf32, #tpu.memory_space<vmem>>, vector<16xf32>,
      %mul3A_1058 = arith.mulf %gather3A_1023, %get3A_1057 : vector<16xf32>
      %add3A_1059 = arith.addf %add3A_1002, %mul3A_1058 : vector<16xf32>
      %get3A_1060 = arith.constant 13 : i32
      %get3A_1061 = arith.index_cast %get3A_1060 : i32 to index
      %get3A_1062 = arith.constant 96 : index
      %get3A_1063 = tpu.vector_load %arg13[%get3A_1061, %get3A_1062] {strides = array<i32>} : memref<16x128xf32, #tpu.memory_space<vmem>>, vector<16xf32>,
      %mul3A_1064 = arith.mulf %gather3A_1023, %get3A_1063 : vector<16xf32>
      %add3A_1065 = arith.addf %add3A_1008, %mul3A_1064 : vector<16xf32>
      %get3A_1066 = arith.constant 13 : i32
      %get3A_1067 = arith.index_cast %get3A_1066 : i32 to index
      %get3A_1068 = arith.constant 112 : index
      %get3A_1069 = tpu.vector_load %arg13[%get3A_1067, %get3A_1068] {strides = array<i32>} : memref<16x128xf32, #tpu.memory_space<vmem>>, vector<16xf32>,
      %mul3A_1070 = arith.mulf %gather3A_1023, %get3A_1069 : vector<16xf32>
      %add3A_1071 = arith.addf %add3A_1014, %mul3A_1070 : vector<16xf32>
      %mul3A_1072 = arith.constant 16 : i32
      %mul3A_1073 = arith.muli %while3A_258, %mul3A_1072 : i32
      %add3A_1074 = arith.constant 14 : i32
      %add3A_1075 = arith.addi %mul3A_1073, %add3A_1074 : i32
      %broadcast_in_dim3A_1076 = arith.constant 0 : i32
      %broadcast_in_dim3A_1077 = vector.broadcast %broadcast_in_dim3A_1076 : i32 to vector<16xi32>
      %add3A_1078 = vector.broadcast %add3A_1075 : i32 to vector<16xi32>
      %add3A_1079 = arith.addi %add3A_1078, %broadcast_in_dim3A_1077 : vector<16xi32>
      %gather3A_1080 = tpu.vector_load_idx %arg11[%add3A_1079] : memref<2064xf32, #tpu.memory_space<vmem>>[vector<16xi32>], vector<16xf32>,
      %get3A_1081 = arith.constant 14 : i32
      %get3A_1082 = arith.index_cast %get3A_1081 : i32 to index
      %get3A_1083 = arith.constant 0 : index
      %get3A_1084 = tpu.vector_load %arg13[%get3A_1082, %get3A_1083] {strides = array<i32>} : memref<16x128xf32, #tpu.memory_space<vmem>>, vector<16xf32>,
      %mul3A_1085 = arith.mulf %gather3A_1080, %get3A_1084 : vector<16xf32>
      %add3A_1086 = arith.addf %add3A_1029, %mul3A_1085 : vector<16xf32>
      %get3A_1087 = arith.constant 14 : i32
      %get3A_1088 = arith.index_cast %get3A_1087 : i32 to index
      %get3A_1089 = arith.constant 16 : index
      %get3A_1090 = tpu.vector_load %arg13[%get3A_1088, %get3A_1089] {strides = array<i32>} : memref<16x128xf32, #tpu.memory_space<vmem>>, vector<16xf32>,
      %mul3A_1091 = arith.mulf %gather3A_1080, %get3A_1090 : vector<16xf32>
      %add3A_1092 = arith.addf %add3A_1035, %mul3A_1091 : vector<16xf32>
      %get3A_1093 = arith.constant 14 : i32
      %get3A_1094 = arith.index_cast %get3A_1093 : i32 to index
      %get3A_1095 = arith.constant 32 : index
      %get3A_1096 = tpu.vector_load %arg13[%get3A_1094, %get3A_1095] {strides = array<i32>} : memref<16x128xf32, #tpu.memory_space<vmem>>, vector<16xf32>,
      %mul3A_1097 = arith.mulf %gather3A_1080, %get3A_1096 : vector<16xf32>
      %add3A_1098 = arith.addf %add3A_1041, %mul3A_1097 : vector<16xf32>
      %get3A_1099 = arith.constant 14 : i32
      %get3A_1100 = arith.index_cast %get3A_1099 : i32 to index
      %get3A_1101 = arith.constant 48 : index
      %get3A_1102 = tpu.vector_load %arg13[%get3A_1100, %get3A_1101] {strides = array<i32>} : memref<16x128xf32, #tpu.memory_space<vmem>>, vector<16xf32>,
      %mul3A_1103 = arith.mulf %gather3A_1080, %get3A_1102 : vector<16xf32>
      %add3A_1104 = arith.addf %add3A_1047, %mul3A_1103 : vector<16xf32>
      %get3A_1105 = arith.constant 14 : i32
      %get3A_1106 = arith.index_cast %get3A_1105 : i32 to index
      %get3A_1107 = arith.constant 64 : index
      %get3A_1108 = tpu.vector_load %arg13[%get3A_1106, %get3A_1107] {strides = array<i32>} : memref<16x128xf32, #tpu.memory_space<vmem>>, vector<16xf32>,
      %mul3A_1109 = arith.mulf %gather3A_1080, %get3A_1108 : vector<16xf32>
      %add3A_1110 = arith.addf %add3A_1053, %mul3A_1109 : vector<16xf32>
      %get3A_1111 = arith.constant 14 : i32
      %get3A_1112 = arith.index_cast %get3A_1111 : i32 to index
      %get3A_1113 = arith.constant 80 : index
      %get3A_1114 = tpu.vector_load %arg13[%get3A_1112, %get3A_1113] {strides = array<i32>} : memref<16x128xf32, #tpu.memory_space<vmem>>, vector<16xf32>,
      %mul3A_1115 = arith.mulf %gather3A_1080, %get3A_1114 : vector<16xf32>
      %add3A_1116 = arith.addf %add3A_1059, %mul3A_1115 : vector<16xf32>
      %get3A_1117 = arith.constant 14 : i32
      %get3A_1118 = arith.index_cast %get3A_1117 : i32 to index
      %get3A_1119 = arith.constant 96 : index
      %get3A_1120 = tpu.vector_load %arg13[%get3A_1118, %get3A_1119] {strides = array<i32>} : memref<16x128xf32, #tpu.memory_space<vmem>>, vector<16xf32>,
      %mul3A_1121 = arith.mulf %gather3A_1080, %get3A_1120 : vector<16xf32>
      %add3A_1122 = arith.addf %add3A_1065, %mul3A_1121 : vector<16xf32>
      %get3A_1123 = arith.constant 14 : i32
      %get3A_1124 = arith.index_cast %get3A_1123 : i32 to index
      %get3A_1125 = arith.constant 112 : index
      %get3A_1126 = tpu.vector_load %arg13[%get3A_1124, %get3A_1125] {strides = array<i32>} : memref<16x128xf32, #tpu.memory_space<vmem>>, vector<16xf32>,
      %mul3A_1127 = arith.mulf %gather3A_1080, %get3A_1126 : vector<16xf32>
      %add3A_1128 = arith.addf %add3A_1071, %mul3A_1127 : vector<16xf32>
      %mul3A_1129 = arith.constant 16 : i32
      %mul3A_1130 = arith.muli %while3A_258, %mul3A_1129 : i32
      %add3A_1131 = arith.constant 15 : i32
      %add3A_1132 = arith.addi %mul3A_1130, %add3A_1131 : i32
      %broadcast_in_dim3A_1133 = arith.constant 0 : i32
      %broadcast_in_dim3A_1134 = vector.broadcast %broadcast_in_dim3A_1133 : i32 to vector<16xi32>
      %add3A_1135 = vector.broadcast %add3A_1132 : i32 to vector<16xi32>
      %add3A_1136 = arith.addi %add3A_1135, %broadcast_in_dim3A_1134 : vector<16xi32>
      %gather3A_1137 = tpu.vector_load_idx %arg11[%add3A_1136] : memref<2064xf32, #tpu.memory_space<vmem>>[vector<16xi32>], vector<16xf32>,
      %get3A_1138 = arith.constant 15 : i32
      %get3A_1139 = arith.index_cast %get3A_1138 : i32 to index
      %get3A_1140 = arith.constant 0 : index
      %get3A_1141 = tpu.vector_load %arg13[%get3A_1139, %get3A_1140] {strides = array<i32>} : memref<16x128xf32, #tpu.memory_space<vmem>>, vector<16xf32>,
      %mul3A_1142 = arith.mulf %gather3A_1137, %get3A_1141 : vector<16xf32>
      %add3A_1143 = arith.addf %add3A_1086, %mul3A_1142 : vector<16xf32>
      %get3A_1144 = arith.constant 15 : i32
      %get3A_1145 = arith.index_cast %get3A_1144 : i32 to index
      %get3A_1146 = arith.constant 16 : index
      %get3A_1147 = tpu.vector_load %arg13[%get3A_1145, %get3A_1146] {strides = array<i32>} : memref<16x128xf32, #tpu.memory_space<vmem>>, vector<16xf32>,
      %mul3A_1148 = arith.mulf %gather3A_1137, %get3A_1147 : vector<16xf32>
      %add3A_1149 = arith.addf %add3A_1092, %mul3A_1148 : vector<16xf32>
      %get3A_1150 = arith.constant 15 : i32
      %get3A_1151 = arith.index_cast %get3A_1150 : i32 to index
      %get3A_1152 = arith.constant 32 : index
      %get3A_1153 = tpu.vector_load %arg13[%get3A_1151, %get3A_1152] {strides = array<i32>} : memref<16x128xf32, #tpu.memory_space<vmem>>, vector<16xf32>,
      %mul3A_1154 = arith.mulf %gather3A_1137, %get3A_1153 : vector<16xf32>
      %add3A_1155 = arith.addf %add3A_1098, %mul3A_1154 : vector<16xf32>
      %get3A_1156 = arith.constant 15 : i32
      %get3A_1157 = arith.index_cast %get3A_1156 : i32 to index
      %get3A_1158 = arith.constant 48 : index
      %get3A_1159 = tpu.vector_load %arg13[%get3A_1157, %get3A_1158] {strides = array<i32>} : memref<16x128xf32, #tpu.memory_space<vmem>>, vector<16xf32>,
      %mul3A_1160 = arith.mulf %gather3A_1137, %get3A_1159 : vector<16xf32>
      %add3A_1161 = arith.addf %add3A_1104, %mul3A_1160 : vector<16xf32>
      %get3A_1162 = arith.constant 15 : i32
      %get3A_1163 = arith.index_cast %get3A_1162 : i32 to index
      %get3A_1164 = arith.constant 64 : index
      %get3A_1165 = tpu.vector_load %arg13[%get3A_1163, %get3A_1164] {strides = array<i32>} : memref<16x128xf32, #tpu.memory_space<vmem>>, vector<16xf32>,
      %mul3A_1166 = arith.mulf %gather3A_1137, %get3A_1165 : vector<16xf32>
      %add3A_1167 = arith.addf %add3A_1110, %mul3A_1166 : vector<16xf32>
      %get3A_1168 = arith.constant 15 : i32
      %get3A_1169 = arith.index_cast %get3A_1168 : i32 to index
      %get3A_1170 = arith.constant 80 : index
      %get3A_1171 = tpu.vector_load %arg13[%get3A_1169, %get3A_1170] {strides = array<i32>} : memref<16x128xf32, #tpu.memory_space<vmem>>, vector<16xf32>,
      %mul3A_1172 = arith.mulf %gather3A_1137, %get3A_1171 : vector<16xf32>
      %add3A_1173 = arith.addf %add3A_1116, %mul3A_1172 : vector<16xf32>
      %get3A_1174 = arith.constant 15 : i32
      %get3A_1175 = arith.index_cast %get3A_1174 : i32 to index
      %get3A_1176 = arith.constant 96 : index
      %get3A_1177 = tpu.vector_load %arg13[%get3A_1175, %get3A_1176] {strides = array<i32>} : memref<16x128xf32, #tpu.memory_space<vmem>>, vector<16xf32>,
      %mul3A_1178 = arith.mulf %gather3A_1137, %get3A_1177 : vector<16xf32>
      %add3A_1179 = arith.addf %add3A_1122, %mul3A_1178 : vector<16xf32>
      %get3A_1180 = arith.constant 15 : i32
      %get3A_1181 = arith.index_cast %get3A_1180 : i32 to index
      %get3A_1182 = arith.constant 112 : index
      %get3A_1183 = tpu.vector_load %arg13[%get3A_1181, %get3A_1182] {strides = array<i32>} : memref<16x128xf32, #tpu.memory_space<vmem>>, vector<16xf32>,
      %mul3A_1184 = arith.mulf %gather3A_1137, %get3A_1183 : vector<16xf32>
      %add3A_1185 = arith.addf %add3A_1128, %mul3A_1184 : vector<16xf32>
      scf.yield %add3A_1143, %add3A_1149, %add3A_1155, %add3A_1161, %add3A_1167, %add3A_1173, %add3A_1179, %add3A_1185 : vector<16xf32>, vector<16xf32>, vector<16xf32>, vector<16xf32>, vector<16xf32>, vector<16xf32>, vector<16xf32>, vector<16xf32>
    }
    "tpu.trace_stop"() : () -> ()
    %swap3A = arith.constant 0 : index
    %swap3A_238 = tpu.vector_load %arg14[%swap3A] {strides = array<i32>} : memref<128xf32, #tpu.memory_space<vmem>>, vector<16xf32>,
    tpu.vector_store %arg14[%swap3A], %while3A_237#0 {strides = array<i32>} : memref<128xf32, #tpu.memory_space<vmem>>, vector<16xf32>,
    %swap3A_239 = arith.constant 16 : index
    %swap3A_240 = tpu.vector_load %arg14[%swap3A_239] {strides = array<i32>} : memref<128xf32, #tpu.memory_space<vmem>>, vector<16xf32>,
    tpu.vector_store %arg14[%swap3A_239], %while3A_237#1 {strides = array<i32>} : memref<128xf32, #tpu.memory_space<vmem>>, vector<16xf32>,
    %swap3A_241 = arith.constant 32 : index
    %swap3A_242 = tpu.vector_load %arg14[%swap3A_241] {strides = array<i32>} : memref<128xf32, #tpu.memory_space<vmem>>, vector<16xf32>,
    tpu.vector_store %arg14[%swap3A_241], %while3A_237#2 {strides = array<i32>} : memref<128xf32, #tpu.memory_space<vmem>>, vector<16xf32>,
    %swap3A_243 = arith.constant 48 : index
    %swap3A_244 = tpu.vector_load %arg14[%swap3A_243] {strides = array<i32>} : memref<128xf32, #tpu.memory_space<vmem>>, vector<16xf32>,
    tpu.vector_store %arg14[%swap3A_243], %while3A_237#3 {strides = array<i32>} : memref<128xf32, #tpu.memory_space<vmem>>, vector<16xf32>,
    %swap3A_245 = arith.constant 64 : index
    %swap3A_246 = tpu.vector_load %arg14[%swap3A_245] {strides = array<i32>} : memref<128xf32, #tpu.memory_space<vmem>>, vector<16xf32>,
    tpu.vector_store %arg14[%swap3A_245], %while3A_237#4 {strides = array<i32>} : memref<128xf32, #tpu.memory_space<vmem>>, vector<16xf32>,
    %swap3A_247 = arith.constant 80 : index
    %swap3A_248 = tpu.vector_load %arg14[%swap3A_247] {strides = array<i32>} : memref<128xf32, #tpu.memory_space<vmem>>, vector<16xf32>,
    tpu.vector_store %arg14[%swap3A_247], %while3A_237#5 {strides = array<i32>} : memref<128xf32, #tpu.memory_space<vmem>>, vector<16xf32>,
    %swap3A_249 = arith.constant 96 : index
    %swap3A_250 = tpu.vector_load %arg14[%swap3A_249] {strides = array<i32>} : memref<128xf32, #tpu.memory_space<vmem>>, vector<16xf32>,
    tpu.vector_store %arg14[%swap3A_249], %while3A_237#6 {strides = array<i32>} : memref<128xf32, #tpu.memory_space<vmem>>, vector<16xf32>,
    %swap3A_251 = arith.constant 112 : index
    %swap3A_252 = tpu.vector_load %arg14[%swap3A_251] {strides = array<i32>} : memref<128xf32, #tpu.memory_space<vmem>>, vector<16xf32>,
    tpu.vector_store %arg14[%swap3A_251], %while3A_237#7 {strides = array<i32>} : memref<128xf32, #tpu.memory_space<vmem>>, vector<16xf32>,
    %mul3A_253 = arith.constant 8 : i32
    %mul3A_254 = arith.muli %select_n3A, %mul3A_253 : i32
    %add3A_255 = arith.addi %mul3A_254, %rem3A_18 : i32
    "tpu.region"() ({
      %run_scoped3A = tpu.sem_alloc : memref<!tpu.dma_semaphore, #tpu.memory_space<semaphore_mem>>
      %dma_start3A_258 = arith.constant 0 : i32
      %dma_start3A_259 = tpu.memref_slice %arg8[%add3A_255, %dma_start3A_258] : memref<32x128xf32, #tpu.memory_space<hbm>> -> memref<1x128xf32, #tpu.memory_space<hbm>>
      %dma_start3A_260 = tpu.memref_squeeze %dma_start3A_259 : memref<1x128xf32, #tpu.memory_space<hbm>> -> memref<128xf32, #tpu.memory_space<hbm>>
      %dma_start3A_261 = arith.constant 0 : i32
      %dma_start3A_262 = tpu.memref_slice %arg8[%add3A_255, %dma_start3A_261] : memref<32x128xf32, #tpu.memory_space<hbm>> -> memref<1x128xf32, #tpu.memory_space<hbm>>
      %dma_start3A_263 = tpu.memref_squeeze %dma_start3A_262 : memref<1x128xf32, #tpu.memory_space<hbm>> -> memref<128xf32, #tpu.memory_space<hbm>>
      tpu.enqueue_dma source(%arg14 : memref<128xf32, #tpu.memory_space<vmem>>) target(%dma_start3A_263 : memref<128xf32, #tpu.memory_space<hbm>>) target_semaphore(%run_scoped3A : memref<!tpu.dma_semaphore, #tpu.memory_space<semaphore_mem>>)
      %dma_wait3A_264 = arith.constant 0 : i32
      %dma_wait3A_265 = tpu.memref_slice %arg8[%add3A_255, %dma_wait3A_264] : memref<32x128xf32, #tpu.memory_space<hbm>> -> memref<1x128xf32, #tpu.memory_space<hbm>>
      %dma_wait3A_266 = tpu.memref_squeeze %dma_wait3A_265 : memref<1x128xf32, #tpu.memory_space<hbm>> -> memref<128xf32, #tpu.memory_space<hbm>>
      %dma_wait3A_267 = arith.constant 0 : i32
      %dma_wait3A_268 = tpu.memref_slice %arg8[%add3A_255, %dma_wait3A_267] : memref<32x128xf32, #tpu.memory_space<hbm>> -> memref<1x128xf32, #tpu.memory_space<hbm>>
      %dma_wait3A_269 = tpu.memref_squeeze %dma_wait3A_268 : memref<1x128xf32, #tpu.memory_space<hbm>> -> memref<128xf32, #tpu.memory_space<hbm>>
      tpu.wait_dma2 semaphore(%run_scoped3A : memref<!tpu.dma_semaphore, #tpu.memory_space<semaphore_mem>>) src(%arg14 : memref<128xf32, #tpu.memory_space<vmem>>) dst(%dma_wait3A_269 : memref<128xf32, #tpu.memory_space<hbm>>)
      tpu.yield
    }) : () -> ()
    %eq3A = arith.constant 0 : i32
    %eq3A_256 = arith.cmpi eq, %rem3A_18, %eq3A : i32
    %convert_element_type3A = arith.extui %eq3A_256 : i1 to i32
    %cond3A = arith.constant 0 : i32
    %cond3A_257 = arith.cmpi ne, %convert_element_type3A, %cond3A : i32
    scf.if %cond3A_257 {
      "tpu.region"() ({
        %run_scoped3A = tpu.sem_alloc : memref<!tpu.dma_semaphore, #tpu.memory_space<semaphore_mem>>
        %dma_start3A_258 = arith.constant 0 : i32
        %dma_start3A_259 = tpu.memref_slice %arg7[%select_n3A, %dma_start3A_258] : memref<4x2048xf32, #tpu.memory_space<hbm>> -> memref<1x2048xf32, #tpu.memory_space<hbm>>
        %dma_start3A_260 = tpu.memref_squeeze %dma_start3A_259 : memref<1x2048xf32, #tpu.memory_space<hbm>> -> memref<2048xf32, #tpu.memory_space<hbm>>
        %dma_start3A_261 = arith.constant 0 : i32
        %dma_start3A_262 = tpu.memref_slice %arg7[%select_n3A, %dma_start3A_261] : memref<4x2048xf32, #tpu.memory_space<hbm>> -> memref<1x2048xf32, #tpu.memory_space<hbm>>
        %dma_start3A_263 = tpu.memref_squeeze %dma_start3A_262 : memref<1x2048xf32, #tpu.memory_space<hbm>> -> memref<2048xf32, #tpu.memory_space<hbm>>
        tpu.enqueue_dma source(%arg10 : memref<2048xf32, #tpu.memory_space<vmem>>) target(%dma_start3A_263 : memref<2048xf32, #tpu.memory_space<hbm>>) target_semaphore(%run_scoped3A : memref<!tpu.dma_semaphore, #tpu.memory_space<semaphore_mem>>)
        %dma_wait3A_264 = arith.constant 0 : i32
        %dma_wait3A_265 = tpu.memref_slice %arg7[%select_n3A, %dma_wait3A_264] : memref<4x2048xf32, #tpu.memory_space<hbm>> -> memref<1x2048xf32, #tpu.memory_space<hbm>>
        %dma_wait3A_266 = tpu.memref_squeeze %dma_wait3A_265 : memref<1x2048xf32, #tpu.memory_space<hbm>> -> memref<2048xf32, #tpu.memory_space<hbm>>
        %dma_wait3A_267 = arith.constant 0 : i32
        %dma_wait3A_268 = tpu.memref_slice %arg7[%select_n3A, %dma_wait3A_267] : memref<4x2048xf32, #tpu.memory_space<hbm>> -> memref<1x2048xf32, #tpu.memory_space<hbm>>
        %dma_wait3A_269 = tpu.memref_squeeze %dma_wait3A_268 : memref<1x2048xf32, #tpu.memory_space<hbm>> -> memref<2048xf32, #tpu.memory_space<hbm>>
        tpu.wait_dma2 semaphore(%run_scoped3A : memref<!tpu.dma_semaphore, #tpu.memory_space<semaphore_mem>>) src(%arg10 : memref<2048xf32, #tpu.memory_space<vmem>>) dst(%dma_wait3A_269 : memref<2048xf32, #tpu.memory_space<hbm>>)
        tpu.yield
      }) : () -> ()
    } else {
    }
    return
  }
}

module attributes {stable_mosaic.version = 14 : i64} {
  func.func @_scores_body(%arg0: i32, %arg1: i32, %arg2: memref<1x256x1024xf32, #tpu.memory_space<vmem>>, %arg3: memref<1x256x1024xf32, #tpu.memory_space<vmem>>, %arg4: memref<1x256x1024xf32, #tpu.memory_space<vmem>>, %arg5: memref<1x256x1024xf32, #tpu.memory_space<vmem>>, %arg6: memref<1x1x1024xf32, #tpu.memory_space<vmem>>, %arg7: memref<2x1024xf32, #tpu.memory_space<vmem>>, %arg8: memref<1x1xf32, #tpu.memory_space<vmem>>, %arg9: memref<1x1x256xf32, #tpu.memory_space<vmem>>, %arg10: memref<1x1x256xf32, #tpu.memory_space<vmem>>, %arg11: memref<1x1x256xf32, #tpu.memory_space<vmem>>, %arg12: memref<1x1x256xf32, #tpu.memory_space<vmem>>) attributes {dimension_semantics = [#tpu.dimension_semantics<arbitrary>, #tpu.dimension_semantics<arbitrary>], iteration_bounds = array<i64: 4, 2>, scalar_prefetch = 0 : i64, scratch_operands = 0 : i64, tpu.core_type = #tpu.core_type<tc>, window_params = [{transform_indices = @transform_0, window_bounds = array<i64: 1, 256, 1024>}, {transform_indices = @transform_1, window_bounds = array<i64: 1, 256, 1024>}, {transform_indices = @transform_2, window_bounds = array<i64: 1, 256, 1024>}, {transform_indices = @transform_3, window_bounds = array<i64: 1, 256, 1024>}, {transform_indices = @transform_4, window_bounds = array<i64: 1, 1, 1024>}, {pipeline_mode = #tpu.pipeline_mode<synchronous>, transform_indices = @transform_5, window_bounds = array<i64: 2, 1024>}, {pipeline_mode = #tpu.pipeline_mode<synchronous>, transform_indices = @transform_6, window_bounds = array<i64: 1, 1>}, {transform_indices = @transform_7, window_bounds = array<i64: 1, 1, 256>}, {transform_indices = @transform_8, window_bounds = array<i64: 1, 1, 256>}, {transform_indices = @transform_9, window_bounds = array<i64: 1, 1, 256>}, {transform_indices = @transform_10, window_bounds = array<i64: 1, 1, 256>}]} {
    %get3A = arith.constant 0 : index
    %get3A_0 = arith.constant 0 : index
    %get3A_1 = vector.load %arg7[%get3A, %get3A_0] : memref<2x1024xf32, #tpu.memory_space<vmem>>, vector<1x1024xf32>
    %get3A_2 = arith.constant 1 : index
    %get3A_3 = arith.constant 0 : index
    %get3A_4 = vector.load %arg7[%get3A_2, %get3A_3] : memref<2x1024xf32, #tpu.memory_space<vmem>>, vector<1x1024xf32>
    %get3A_5 = arith.constant 0 : index
    %get3A_6 = arith.constant 0 : index
    %get3A_7 = arith.constant 0 : index
    %get3A_8 = vector.load %arg6[%get3A_5, %get3A_6, %get3A_7] : memref<1x1x1024xf32, #tpu.memory_space<vmem>>, vector<1x1x1024xf32>
    %get3A_9 = vector.shape_cast %get3A_8 : vector<1x1x1024xf32> to vector<1x1024xf32>
    %mul3A = arith.mulf %get3A_9, %get3A_1 : vector<1x1024xf32>
    %reduce_sum3A = vector.shape_cast %mul3A : vector<1x1024xf32> to vector<1x1x1024xf32>
    %reduce_sum3A_10 = arith.constant dense<0.000000e+00> : vector<1xf32>
    %reduce_sum3A_11 = vector.multi_reduction <add>, %reduce_sum3A, %reduce_sum3A_10 [1, 2] : vector<1x1x1024xf32> to vector<1xf32>
    %reduce_sum3A_12 = vector.shape_cast %reduce_sum3A_11 : vector<1xf32> to vector<1x1x1xf32>
    %reduce_sum3A_13 = vector.extract %reduce_sum3A_12[0, 0, 0] : f32 from vector<1x1x1xf32>
    %get3A_14 = arith.constant 0 : index
    %get3A_15 = arith.constant 0 : index
    %get3A_16 = vector.load %arg8[%get3A_14, %get3A_15] : memref<1x1xf32, #tpu.memory_space<vmem>>, vector<1x1xf32>
    %get3A_17 = vector.extract %get3A_16[0, 0] : f32 from vector<1x1xf32>
    %add3A = arith.addf %reduce_sum3A_13, %get3A_17 : f32
    %get3A_18 = arith.constant 0 : index
    %get3A_19 = arith.constant 0 : index
    %get3A_20 = arith.constant 0 : index
    %get3A_21 = vector.load %arg2[%get3A_18, %get3A_19, %get3A_20] : memref<1x256x1024xf32, #tpu.memory_space<vmem>>, vector<1x256x1024xf32>
    %get3A_22 = vector.shape_cast %get3A_21 : vector<1x256x1024xf32> to vector<256x1024xf32>
    %dot_general3A = arith.constant dense<0.000000e+00> : vector<1x256xf32>
    %dot_general3A_23 = tpu.matmul %get3A_4, %get3A_22, %dot_general3A {dimension_numbers = #tpu.dot_dimension_numbers<[1], [1], [0], [0], [0, 0, 1, 0], [], []>, transpose_lhs_hint = false} : vector<1x1024xf32>, vector<256x1024xf32>, vector<1x256xf32> -> vector<1x256xf32>
    %add3A_24 = vector.broadcast %add3A : f32 to vector<1x256xf32>
    %add3A_25 = arith.addf %dot_general3A_23, %add3A_24 : vector<1x256xf32>
    %swap3A = arith.constant 0 : index
    %swap3A_26 = arith.constant 0 : index
    %swap3A_27 = arith.constant 0 : index
    %swap3A_28 = vector.load %arg9[%swap3A, %swap3A_26, %swap3A_27] : memref<1x1x256xf32, #tpu.memory_space<vmem>>, vector<1x1x256xf32>
    %swap3A_29 = vector.shape_cast %swap3A_28 : vector<1x1x256xf32> to vector<1x256xf32>
    %swap3A_30 = vector.shape_cast %add3A_25 : vector<1x256xf32> to vector<1x1x256xf32>
    tpu.vector_store %arg9[%swap3A, %swap3A_26, %swap3A_27], %swap3A_30 {strides = array<i32>} : memref<1x1x256xf32, #tpu.memory_space<vmem>>, vector<1x1x256xf32>,
    %get3A_31 = arith.constant 0 : index
    %get3A_32 = arith.constant 0 : index
    %get3A_33 = arith.constant 0 : index
    %get3A_34 = vector.load %arg3[%get3A_31, %get3A_32, %get3A_33] : memref<1x256x1024xf32, #tpu.memory_space<vmem>>, vector<1x256x1024xf32>
    %get3A_35 = vector.shape_cast %get3A_34 : vector<1x256x1024xf32> to vector<256x1024xf32>
    %dot_general3A_36 = arith.constant dense<0.000000e+00> : vector<1x256xf32>
    %dot_general3A_37 = tpu.matmul %get3A_4, %get3A_35, %dot_general3A_36 {dimension_numbers = #tpu.dot_dimension_numbers<[1], [1], [0], [0], [0, 0, 1, 0], [], []>, transpose_lhs_hint = false} : vector<1x1024xf32>, vector<256x1024xf32>, vector<1x256xf32> -> vector<1x256xf32>
    %add3A_38 = vector.broadcast %add3A : f32 to vector<1x256xf32>
    %add3A_39 = arith.addf %dot_general3A_37, %add3A_38 : vector<1x256xf32>
    %swap3A_40 = arith.constant 0 : index
    %swap3A_41 = arith.constant 0 : index
    %swap3A_42 = arith.constant 0 : index
    %swap3A_43 = vector.load %arg10[%swap3A_40, %swap3A_41, %swap3A_42] : memref<1x1x256xf32, #tpu.memory_space<vmem>>, vector<1x1x256xf32>
    %swap3A_44 = vector.shape_cast %swap3A_43 : vector<1x1x256xf32> to vector<1x256xf32>
    %swap3A_45 = vector.shape_cast %add3A_39 : vector<1x256xf32> to vector<1x1x256xf32>
    tpu.vector_store %arg10[%swap3A_40, %swap3A_41, %swap3A_42], %swap3A_45 {strides = array<i32>} : memref<1x1x256xf32, #tpu.memory_space<vmem>>, vector<1x1x256xf32>,
    %get3A_46 = arith.constant 0 : index
    %get3A_47 = arith.constant 0 : index
    %get3A_48 = arith.constant 0 : index
    %get3A_49 = vector.load %arg4[%get3A_46, %get3A_47, %get3A_48] : memref<1x256x1024xf32, #tpu.memory_space<vmem>>, vector<1x256x1024xf32>
    %get3A_50 = vector.shape_cast %get3A_49 : vector<1x256x1024xf32> to vector<256x1024xf32>
    %dot_general3A_51 = arith.constant dense<0.000000e+00> : vector<1x256xf32>
    %dot_general3A_52 = tpu.matmul %get3A_4, %get3A_50, %dot_general3A_51 {dimension_numbers = #tpu.dot_dimension_numbers<[1], [1], [0], [0], [0, 0, 1, 0], [], []>, transpose_lhs_hint = false} : vector<1x1024xf32>, vector<256x1024xf32>, vector<1x256xf32> -> vector<1x256xf32>
    %add3A_53 = vector.broadcast %add3A : f32 to vector<1x256xf32>
    %add3A_54 = arith.addf %dot_general3A_52, %add3A_53 : vector<1x256xf32>
    %swap3A_55 = arith.constant 0 : index
    %swap3A_56 = arith.constant 0 : index
    %swap3A_57 = arith.constant 0 : index
    %swap3A_58 = vector.load %arg11[%swap3A_55, %swap3A_56, %swap3A_57] : memref<1x1x256xf32, #tpu.memory_space<vmem>>, vector<1x1x256xf32>
    %swap3A_59 = vector.shape_cast %swap3A_58 : vector<1x1x256xf32> to vector<1x256xf32>
    %swap3A_60 = vector.shape_cast %add3A_54 : vector<1x256xf32> to vector<1x1x256xf32>
    tpu.vector_store %arg11[%swap3A_55, %swap3A_56, %swap3A_57], %swap3A_60 {strides = array<i32>} : memref<1x1x256xf32, #tpu.memory_space<vmem>>, vector<1x1x256xf32>,
    %get3A_61 = arith.constant 0 : index
    %get3A_62 = arith.constant 0 : index
    %get3A_63 = arith.constant 0 : index
    %get3A_64 = vector.load %arg5[%get3A_61, %get3A_62, %get3A_63] : memref<1x256x1024xf32, #tpu.memory_space<vmem>>, vector<1x256x1024xf32>
    %get3A_65 = vector.shape_cast %get3A_64 : vector<1x256x1024xf32> to vector<256x1024xf32>
    %dot_general3A_66 = arith.constant dense<0.000000e+00> : vector<1x256xf32>
    %dot_general3A_67 = tpu.matmul %get3A_4, %get3A_65, %dot_general3A_66 {dimension_numbers = #tpu.dot_dimension_numbers<[1], [1], [0], [0], [0, 0, 1, 0], [], []>, transpose_lhs_hint = false} : vector<1x1024xf32>, vector<256x1024xf32>, vector<1x256xf32> -> vector<1x256xf32>
    %add3A_68 = vector.broadcast %add3A : f32 to vector<1x256xf32>
    %add3A_69 = arith.addf %dot_general3A_67, %add3A_68 : vector<1x256xf32>
    %swap3A_70 = arith.constant 0 : index
    %swap3A_71 = arith.constant 0 : index
    %swap3A_72 = arith.constant 0 : index
    %swap3A_73 = vector.load %arg12[%swap3A_70, %swap3A_71, %swap3A_72] : memref<1x1x256xf32, #tpu.memory_space<vmem>>, vector<1x1x256xf32>
    %swap3A_74 = vector.shape_cast %swap3A_73 : vector<1x1x256xf32> to vector<1x256xf32>
    %swap3A_75 = vector.shape_cast %add3A_69 : vector<1x256xf32> to vector<1x1x256xf32>
    tpu.vector_store %arg12[%swap3A_70, %swap3A_71, %swap3A_72], %swap3A_75 {strides = array<i32>} : memref<1x1x256xf32, #tpu.memory_space<vmem>>, vector<1x1x256xf32>,
    return
  }
  func.func @transform_0(%arg0: i32, %arg1: i32) -> (i32, i32, i32) {
    %add3A = arith.constant 0 : i32
    %add3A_0 = arith.addi %arg1, %add3A : i32
    %c0_i32 = arith.constant 0 : i32
    %c0_i32_1 = arith.constant 0 : i32
    return %arg0, %add3A_0, %c0_i32 : i32, i32, i32
  }
  func.func @transform_1(%arg0: i32, %arg1: i32) -> (i32, i32, i32) {
    %add3A = arith.constant 2 : i32
    %add3A_0 = arith.addi %arg1, %add3A : i32
    %c0_i32 = arith.constant 0 : i32
    %c0_i32_1 = arith.constant 0 : i32
    return %arg0, %add3A_0, %c0_i32 : i32, i32, i32
  }
  func.func @transform_2(%arg0: i32, %arg1: i32) -> (i32, i32, i32) {
    %add3A = arith.constant 4 : i32
    %add3A_0 = arith.addi %arg1, %add3A : i32
    %c0_i32 = arith.constant 0 : i32
    %c0_i32_1 = arith.constant 0 : i32
    return %arg0, %add3A_0, %c0_i32 : i32, i32, i32
  }
  func.func @transform_3(%arg0: i32, %arg1: i32) -> (i32, i32, i32) {
    %add3A = arith.constant 6 : i32
    %add3A_0 = arith.addi %arg1, %add3A : i32
    %c0_i32 = arith.constant 0 : i32
    %c0_i32_1 = arith.constant 0 : i32
    return %arg0, %add3A_0, %c0_i32 : i32, i32, i32
  }
  func.func @transform_4(%arg0: i32, %arg1: i32) -> (i32, i32, i32) {
    %c0_i32 = arith.constant 0 : i32
    %c0_i32_0 = arith.constant 0 : i32
    %c0_i32_1 = arith.constant 0 : i32
    return %arg0, %c0_i32, %c0_i32_0 : i32, i32, i32
  }
  func.func @transform_5(%arg0: i32, %arg1: i32) -> (i32, i32) {
    %c0_i32 = arith.constant 0 : i32
    %c0_i32_0 = arith.constant 0 : i32
    %c0_i32_1 = arith.constant 0 : i32
    return %c0_i32, %c0_i32_0 : i32, i32
  }
  func.func @transform_6(%arg0: i32, %arg1: i32) -> (i32, i32) {
    %c0_i32 = arith.constant 0 : i32
    %c0_i32_0 = arith.constant 0 : i32
    %c0_i32_1 = arith.constant 0 : i32
    return %c0_i32, %c0_i32_0 : i32, i32
  }
  func.func @transform_7(%arg0: i32, %arg1: i32) -> (i32, i32, i32) {
    %c0_i32 = arith.constant 0 : i32
    %c0_i32_0 = arith.constant 0 : i32
    return %arg0, %c0_i32, %arg1 : i32, i32, i32
  }
  func.func @transform_8(%arg0: i32, %arg1: i32) -> (i32, i32, i32) {
    %c0_i32 = arith.constant 0 : i32
    %c0_i32_0 = arith.constant 0 : i32
    return %arg0, %c0_i32, %arg1 : i32, i32, i32
  }
  func.func @transform_9(%arg0: i32, %arg1: i32) -> (i32, i32, i32) {
    %c0_i32 = arith.constant 0 : i32
    %c0_i32_0 = arith.constant 0 : i32
    return %arg0, %c0_i32, %arg1 : i32, i32, i32
  }
  func.func @transform_10(%arg0: i32, %arg1: i32) -> (i32, i32, i32) {
    %c0_i32 = arith.constant 0 : i32
    %c0_i32_0 = arith.constant 0 : i32
    return %arg0, %c0_i32, %arg1 : i32, i32, i32
  }
}

</mosaic_0001>

<sc_bundles>
// kernel: kernel.4.cloned.1.call-start
scs
__scs_entry_jumppad:
0x0: {  	(pc) =	sbr.rel $0x88, $3  }
0x1: {  	(tag) =	ssettag $0x0;
	lr =	simm.s32 $0x1  }
0x2: {  	[smem:$0x3F9D] =	sst lr;
	_ =	strace $0xD0000000  }
0x3: {  	_ = 	snop  }
0x4: {  	_ = 	snop  }
0x5: {  	_ = 	snop  }
0x6: {  	_ = 	snop  }
0x7: {  	_ = 	snop  }
__scs_overlays_trampoline_lowered:
0x8: {  	[smem:$0x3FAC] =	sst s0  }
0x9: {  	[smem:$0x3FAD] =	sst s1  }
0xa: {  	[smem:$0x3FAE] =	sst s2  }
0xb: {  	[smem:$0x3FAF] =	sst s3  }
0xc: {  	[smem:$0x3FB0] =	sst s4  }
0xd: {  	[smem:$0x3FB1] =	sst s5  }
0xe: {  	[smem:$0x3FB2] =	sst s6  }
0xf: {  	[smem:$0x3FB3] =	sst s7  }
0x10: {  	[smem:$0x3FB4] =	sst s8  }
0x11: {  	[smem:$0x3FB5] =	sst s9;
	s0 =	simm.s32 @!p0 $0x0  }
0x12: {  	s1 =	sld [smem:$0x3F9B];
	s0 =	simm.s32 @p0 $0x1  }
0x13: {  	[smem:$0x3FB6] =	sst s0;
	s0 =	simm.s32 @!p1 $0x0  }
0x14: {  	s2 =	sld [smem:$0x3F9A];
	s0 =	simm.s32 @p1 $0x1  }
0x15: {  	[smem:$0x3FB7] =	sst s0;
	s0 =	simm.s32 @!p2 $0x0  }
0x16: {  	s3 =	sld [smem:$0x3FDB];
	s0 =	simm.s32 @p2 $0x1  }
0x17: {  	s4 =	simm.s32 $0x1BF5;
	[smem:$0x3FB9] =	sst s0  }
0x18: {  	s0 =	sld [smem:$0x3F9C];
	_ =	swait.ge [sflag:s4], $0x0  }
0x19: {  	s7 =	sld [smem:$0x3F9D]  }
0x1a: {  	s8 =	sadd.s32 $0xFFFFE003, lr  }
0x1b: {  	s9 =	sadd.s32 $0xFFFFFEF7, lr;
	s5 =	simm.s32 $0xFFFFFFFF;
	p2 =	slt.u32 s8, $0xFFFFF086  }
0x1c: {  	p1 =	slt.u32 s9, $0xF7A;
	s5 =	simm.s32 @!p2 $0x0  }
0x1d: {  	s5 =	simm.s32 @p1 $0x1;
	p0 =	seq.s32 s7, s2  }
0x1e: {  	s7 =	smul.u32 @!p0 $0xF7A, s2;
	p2 =	seq.s32 @!p0 s5, $0x0  }
0x1f: {  	s9 =	smul.u32 $0xF7A, s1;
	s8 =	simm.s32 @!p0 $0x1BF5;
	p2 =	por !p2, p0  }
0x20: {  	[sflag:s8] =	ssyncset.s32 @!p0 $0xFFFFF086;
	s6 =	sadd.s32 @!p0 s3, s7;
	s7 =	simm.s32 @!p0 $0x108  }
0x21: {  	s3 =	sadd.s32 s3, s9;
	s6 =	sadd.s32 @!p0 $0x88, s6;
	s7 =	simm.s32 @p2 $0x1082  }
0x22: {  	[simem:s7], [sflag:s8] =	dma.local @!p0 [hbm:s6], $0xF7A  }
0x23: {  	s9 =	sor.u32 $0xD0000000, s2;
	s6 =	simm.s32 $0x108;
	_ =	swait.ge @!p0 [sflag:s8], $0x0  }
0x24: {  	s3 =	sadd.s32 $0x88, s3;
	s6 =	simm.s32 @!p1 $0x1082;
	[sflag:s4] =	ssyncset.s32 $0xFFFFF086  }
0x25: {  	[simem:s6], [sflag:s4] =	dma.local [hbm:s3], $0xF7A  }
0x26: {  	[smem:$0x3F9D] =	sst s1;
	(tag) =	ssettag s2;
	_ =	strace s9  }
0x27: {  	s1 =	sld [smem:$0x3FAD]  }
0x28: {  	s2 =	sld [smem:$0x3FAE]  }
0x29: {  	s4 =	sld [smem:$0x3FB0]  }
0x2a: {  	p0 =	seq.s32 s5, $0x0;
	s5 =	sld [smem:$0x3FB1]  }
0x2b: {  	s6 =	sld [smem:$0x3FB2]  }
0x2c: {  	s7 =	sld [smem:$0x3FB3]  }
0x2d: {  	s3 =	simm.s32 $0x108;
	s8 =	sld [smem:$0x3FB4]  }
0x2e: {  	s3 =	simm.s32 @!p0 $0x1082;
	s9 =	sld [smem:$0x3FB5]  }
0x2f: {  	lr =	sadd.s32 s0, s3;
	s0 =	sld [smem:$0x3FAC]  }
0x30: {  	s3 =	sld [smem:$0x3FAF]  }
0x31: {  	[smem:$0x3FB8] =	sst s10  }
0x32: {  	s10 =	sld [smem:$0x3FB6];
	_ =	sdelay $0x3  }
0x33: {  	p0 =	seq.s32 s10, $0x1;
	s10 =	sld [smem:$0x3FB8];
	_ =	sdelay $0x3  }
0x34: {  	[smem:$0x3FB8] =	sst s10  }
0x35: {  	s10 =	sld [smem:$0x3FB7];
	_ =	sdelay $0x3  }
0x36: {  	p1 =	seq.s32 s10, $0x1;
	s10 =	sld [smem:$0x3FB8];
	_ =	sdelay $0x3  }
0x37: {  	[smem:$0x3FB8] =	sst s10  }
0x38: {  	s10 =	sld [smem:$0x3FB9]  }
0x39: {  	_ = 	snop;
	(pc) =	sbr.ind lr, $3  }
0x3a: {  	_ = 	snop  }
0x3b: {  	_ = 	snop  }
0x3c: {  	p2 =	seq.s32 s10, $0x1;
	s10 =	sld [smem:$0x3FB8]  }
0x3d: {  	_ =	shalt  }
0x3e: {  	_ =	shalt  }
0x3f: {  	_ =	shalt  }
0x40: {  	_ =	shalt  }
0x41: {  	_ =	shalt  }
0x42: {  	_ =	shalt  }
0x43: {  	_ =	shalt  }
0x44: {  	_ =	shalt  }
0x45: {  	_ =	shalt  }
0x46: {  	_ =	shalt  }
0x47: {  	_ =	shalt  }
0x48: {  	_ =	shalt  }
0x49: {  	_ =	shalt  }
0x4a: {  	_ =	shalt  }
0x4b: {  	_ =	shalt  }
0x4c: {  	_ =	shalt  }
0x4d: {  	_ =	shalt  }
0x4e: {  	_ =	shalt  }
0x4f: {  	_ =	shalt  }
0x50: {  	_ =	shalt  }
0x51: {  	_ =	shalt  }
0x52: {  	_ =	shalt  }
0x53: {  	_ =	shalt  }
0x54: {  	_ =	shalt  }
0x55: {  	_ =	shalt  }
0x56: {  	_ =	shalt  }
0x57: {  	_ =	shalt  }
0x58: {  	_ =	shalt  }
0x59: {  	_ =	shalt  }
0x5a: {  	_ =	shalt  }
0x5b: {  	_ =	shalt  }
0x5c: {  	_ =	shalt  }
0x5d: {  	_ =	shalt  }
0x5e: {  	_ =	shalt  }
0x5f: {  	_ =	shalt  }
0x60: {  	_ =	shalt  }
0x61: {  	_ =	shalt  }
0x62: {  	_ =	shalt  }
0x63: {  	_ =	shalt  }
0x64: {  	_ =	shalt  }
0x65: {  	_ =	shalt  }
0x66: {  	_ =	shalt  }
0x67: {  	_ =	shalt  }
0x68: {  	_ =	shalt  }
0x69: {  	_ =	shalt  }
0x6a: {  	_ =	shalt  }
0x6b: {  	_ =	shalt  }
0x6c: {  	_ =	shalt  }
0x6d: {  	_ =	shalt  }
0x6e: {  	_ =	shalt  }
0x6f: {  	_ =	shalt  }
0x70: {  	_ =	shalt  }
0x71: {  	_ =	shalt  }
0x72: {  	_ =	shalt  }
0x73: {  	_ =	shalt  }
0x74: {  	_ =	shalt  }
0x75: {  	_ =	shalt  }
0x76: {  	_ =	shalt  }
0x77: {  	_ =	shalt  }
0x78: {  	_ =	shalt  }
0x79: {  	_ =	shalt  }
0x7a: {  	_ =	shalt  }
0x7b: {  	_ =	shalt  }
0x7c: {  	_ =	shalt  }
0x7d: {  	_ =	shalt  }
0x7e: {  	_ =	shalt  }
0x7f: {  	_ =	shalt  }
0x80: {  	_ =	shalt  }
0x81: {  	_ =	shalt  }
0x82: {  	_ =	shalt  }
0x83: {  	_ =	shalt  }
0x84: {  	_ =	shalt  }
0x85: {  	_ =	shalt  }
0x86: {  	_ =	shalt  }
0x87: {  	_ =	shalt  }
.Lfunc_end0:
.L_simem_size_0:
called_computation_lowered:
.L_overlay_start_0:
0x88: {  	s2 =	sld [smem:$0x3FD9]  }
0x89: {  	s3 =	sld [smem:$0x3FFE];
	_ =	sdelay $0x1  }
0x8a: {  	s1 =	srdreg.scid  }
0x8b: {  	s0 =	sand.u32 $0x1, s1  }
0x8c: {  	s14 =	sshll.u32 s0, $0xA;
	s2 =	sadd.s32 s3, s2  }
0x8d: {  	s2 =	sadd.s32 s2, s14  }
0x8e: {  	[smem:$0x3FC4] =	sst s2  }
0x8f: {  	_ = 	snop  }
0x90: {  	s2 =	sld [smem:$0x3FD0];
	_ =	sdelay $0x2  }
0x91: {  	s4 =	simm.s32 $0xA;
	s5 =	simm.s32 $0x10;
	s15 =	sld [smem:$0x3FC9]  }
0x92: {  	[smem:s5], [sflag:s4] =	dma.local [hbm:s2], $0x1  }
0x93: {  	_ =	swait.eq [sflag:s4], $0x1  }
0x94: {  	[sflag:s4] =	ssyncset.done $0x0  }
0x95: {  	s16 =	sld [smem:$0x10];
	[sflag:s4] =	ssyncadd.s32 $0xFFFFFFFF  }
0x96: {  	s17 =	sld [smem:$0x11];
	(tm) =	ssettm $0x1  }
0x97: {  	s18 =	sld [smem:$0x3FFB];
	_ =	sdelay $0x3  }
0x98: {  	_ =	strace s18  }
0x99: {  	s5 =	sld [smem:$0x3FFC];
	_ =	sdelay $0x3  }
0x9a: {  	_ =	strace s5  }
0x9b: {  	s5 =	sld [smem:$0x3FFD];
	_ =	sdelay $0x3  }
0x9c: {  	_ =	strace s5  }
0x9d: {  	_ =	strace $0x8FFFFFFF  }
0x9e: {  	s19 =	sld [smem:$0x3FDB];
	_ =	sdelay $0x1  }
0x9f: {  	s6 =	simm.s32 $_scs_section_size  }
0xa0: {  	s7 =	simm.s32 $_size__tile_overlayer_lowered;
	s8 =	simm.s32 $_tile_overlayer_lowered  }
0xa1: {  	s22 =	simm.s32 $0x1BFF;
	s21 =	sshll.u32 s8, $0x1;
	s5 =	sadd.s32 s6, s19  }
0xa2: {  	s9 =	simm.s32 $0x0;
	s20 =	sshll.u32 s7, $0x1;
	s7 =	sadd.s32 s21, s5  }
0xa3: {  	[timem:s9], [sflag:s22] =	dma.local [hbm:s7], s20  }
0xa4: {  	_ =	swait.ge [sflag:s22], s20  }
0xa5: {  	s6 =	ssub.s32 $0x0, s20;
	[sflag:s22] =	ssyncset.done $0x0  }
0xa6: {  	[sflag:s22] =	ssyncadd.s32 s6;
	_ =	sdelay $0x1  }
0xa7: {  	s23 =	simm.s32 $0x1B8B  }
0xa8: {  	_ =	swait.ge [sflag:s23], $0x1  }
0xa9: {  	[sflag:s23] =	ssyncset.done $0x0  }
0xaa: {  	s25 =	simm.s32 $0x1B8E;
	s24 =	sld [smem:$0x3FFE];
	[sflag:s23] =	ssyncadd.s32 $0xFFFFFFFF  }
0xab: {  	s26 =	simm.s32 $execute0_lowered;
	[smem:$0x3FD2] =	sst s25  }
0xac: {  	s7 =	sshll.u32 s26, $0x1;
	_ =	strace $0x80000046;
	[dreg:$0x1] =	wrdreg $0xFFFFFFFF  }
0xad: {  	s28 =	simm.s32 $_size_execute0_lowered;
	s5 =	sadd.s32 s5, s7;
	[dreg:$0x0] =	wrdreg $0x0  }
0xae: {  	s7 =	sshll.u32 s28, $0x1;
	[dreg:$0x2] =	wrdreg s5  }
0xaf: {  	[dreg:$0x3] =	wrdreg s7  }
0xb0: {  	[dreg:$0x4] =	wrdreg $0xC0  }
0xb1: {  	_ =	task [dreg:s9], $0x5FFFF  }
0xb2: {  	[dreg:$0x1] =	wrdreg $0xFFFFFFFF  }
0xb3: {  	[dreg:$0x0] =	wrdreg $0x60  }
0xb4: {  	[dreg:$0x2] =	wrdreg s24  }
0xb5: {  	[dreg:$0x3] =	wrdreg s16  }
0xb6: {  	[dreg:$0x4] =	wrdreg s15  }
0xb7: {  	[dreg:$0x5] =	wrdreg s17  }
0xb8: {  	[dreg:$0x6] =	wrdreg $0x9  }
0xb9: {  	_ =	task.clear_ibuf [dreg:s9], $0x7FFFF;
	_ =	strace $0x90000046  }
0xba: {  	s29 =	simm.s32 $0x9;
	_ =	strace $0x8000004E  }
0xbb: {  	_ =	swait.ge [sflag:s29], $0x1  }
0xbc: {  	[sflag:s29] =	ssyncadd.s32 $0xFFFFFFFF  }
0xbd: {  	_ =	strace $0x9000004E  }
0xbe: {  	_ =	sfence  }
0xbf: {  	s30 =	sld [smem:$0x0];
	_ =	sdelay $0x2  }
0xc0: {  	s31 =	sshll.u32 s1, $0xD;
	s1 =	sshrl.u32 s1, $0x2  }
0xc1: {  	s3 =	sand.u32 $0x4000, s31;
	s1 =	sadd.s32 s1, s30  }
0xc2: {  	s0 =	sor.u32 s3, s0;
	s1 =	sshll.u32 s1, $0x11  }
0xc3: {  	s0 =	sor.u32 s1, s0  }
0xc4: {  	s0 =	sadd.s32 $0x8F2B, s0  }
0xc5: {  	[sflag:s0] =	ssyncadd.remote.s32 $0x1  }
0xc6: {  	_ =	sfence.sel $0xFFFF  }
0xc7: {  	[dreg:$0x0] =	wrdreg $0xFFFFFFFF;
	(pc) =	sbr.abs _section_cstart, $3  }
0xc8: {  	[dreg:$0x1] =	wrdreg $0xFFFFFFFF  }
0xc9: {  	_ =	task.clear_ibuf [dreg:s9], $0x2FFFF;
	_ =	strace $0x9FFFFFFF  }
0xca: {  	(tm) =	ssettm $0x7FFFFFFF  }
0xcb: {  	_ =	shalt  }
tec
execute0_lowered:
.L_overlay_start_1:
0x0: {  	(tag) =	ssettag $0x1  }
0x1: {  	s0 =	rddreg [dreg:$0x0]  }
0x2: {  	s1 =	rddreg [dreg:$0x1]  }
0x3: {  	s8 =	rddreg [dreg:$0x2]  }
0x4: {  	s9 =	rddreg [dreg:$0x3]  }
0x5: {  	s2 =	simm.s32 $0x0;
	s3 =	srdreg.scid;
	s7 =	stileid.u32  }
0x6: {  	s12 =	simm.s32 $0x2100;
	s14 =	simm.s32 $0x2280;
	s15 =	simm.s32 $0x2300  }
0x7: {  	s17 =	simm.s32 $0x2380;
	s18 =	simm.s32 $0x2400;
	[smem:$0x7FF] =	sst s2  }
0x8: {  	s20 =	simm.s32 $0x2480;
	_ =	strace $0x80000047;
	[dreg:$0x5] =	wrdreg s12  }
0x9: {  	s21 =	simm.s32 $0x2500;
	s23 =	simm.s32 $0x2580;
	[dreg:$0x8] =	wrdreg s14  }
0xa: {  	s24 =	simm.s32 $0x2600;
	s28 =	simm.s32 $0x2;
	[dreg:$0x9] =	wrdreg s15  }
0xb: {  	s29 =	simm.s32 $0x0;
	s3 =	sand.u32 $0x1, s3;
	[dreg:$0xa] =	wrdreg s17  }
0xc: {  	s10 =	sshrl.u32 s7, $0x2;
	s7 =	sshll.u32 s7, $0x1;
	[dreg:$0xb] =	wrdreg s18  }
0xd: {  	s4 =	ssub.s32 $0x2, s3;
	s5 =	sshll.u32 s10, $0x4;
	[dreg:$0xc] =	wrdreg s20  }
0xe: {  	s25 =	sand.u32 $0x6, s7;
	s7 =	sshll.u32 s10, $0xB;
	[dreg:$0xd] =	wrdreg s21  }
0xf: {  	s30 =	sshll.u32 s10, $0x7;
	s10 =	simm.s32 $0x2180;
	[dreg:$0xe] =	wrdreg s23  }
0x10: {  	s12 =	simm.s32 $0x2200;
	[dreg:$0xf] =	wrdreg s24;
	s20 =	simm.s32 $0x1  }
0x11: {  	s21 =	simm.s32 $0x1000;
	s6 =	sshrl.u32 s4, $0x1;
	[dreg:$0x6] =	wrdreg s10  }
0x12: {  	s0 =	sadd.s32 s5, s0;
	s16 =	sor.u32 s3, s25;
	[dreg:$0x7] =	wrdreg s12  }
0x13: {  	s12 =	sor.u32 $0x200, s7;
	s14 =	sor.u32 $0x600, s7;
	s25 =	simm.s32 $0x2680  }
0x14: {  	s11 =	ssub.s32 s4, s6;
	s3 =	sadd.s32 $0xA00, s0;
	s4 =	sadd.s32 s1, s5  }
0x15: {  	s5 =	sadd.s32 $0xE00, s0;
	s6 =	sadd.s32 $0xC00, s0;
	s26 =	sshll.u32 s16, $0x7  }
0x16: {  	s31 =	sshll.u32 s16, $0x4;
	s0 =	sadd.s32 $0x1000, s0;
	[dreg:$0x10] =	wrdreg s25  }
0x17: {  	s1 =	sadd.s32 s9, s30;
	s30 =	simm.s32 $0x2780;
	[dreg:$0x15] =	wrdreg s0  }
0x18: {  	p0 =	sne.s32 s16, $0x0;
	s1 =	sadd.s32 s31, s1;
	[dreg:$0x12] =	wrdreg s30  }
0x19: {  	s25 =	simm.s32 $0x2880;
	s13 =	smax.u32 s11, $0x1;
	[dreg:$0x14] =	wrdreg s1  }
.Ltmp0:
0x1a: {  	s19 =	sadd.s32 $0x40, s3;
	[dreg:$0x16] =	wrdreg s13;
	(pc) =	sbr.rel .LBB2_1-.Ltmp0, $4  }
0x1b: {  	s8 =	sadd.s32 s8, s26;
	s22 =	sadd.s32 $0x80, s3;
	[dreg:$0x17] =	wrdreg s19  }
0x1c: {  	s26 =	simm.s32 $0x2700;
	s31 =	simm.s32 $0x2800;
	[dreg:$0x18] =	wrdreg s22  }
0x1d: {  	s24 =	sadd.s32 $0x80, s4;
	s13 =	sor.u32 $0x400, s7;
	[dreg:$0x11] =	wrdreg s26  }
0x1e: {  	v47 =	vimm.f32 $0.0e+00;
	s19 =	sadd.s32 $0xC0, s3;
	s22 =	sadd.s32 $0x40, s4;
	[dreg:$0x13] =	wrdreg s31  }
.LBB2_24:
0x1f: {  	_ =	strace $0x9000004D;
	[tilespmem:$0x2900] =	vst v5  }
0x20: {  	[tilespmem:$0x2910] =	vst v6  }
0x21: {  	[tilespmem:$0x2920] =	vst v8  }
0x22: {  	[tilespmem:$0x2930] =	vst v7  }
0x23: {  	[tilespmem:$0x2940] =	vst v4  }
0x24: {  	[tilespmem:$0x2950] =	vst v2  }
0x25: {  	[tilespmem:$0x2960] =	vst v3  }
0x26: {  	[tilespmem:$0x2970] =	vst v1;
	s1 =	simm.s32 $0x2900;
	s0 =	rddreg [dreg:$0x14]  }
0x27: {  	[hbm4b:s0+s2] =	stream.linear.scatter [tilespmem:s1], [sflag:$0x2], $0x80, $0x38;
	[tilespmem:$0x2980] =	vst v63  }
0x28: {  	_ =	swait.ge [sflag:s28], $0x80  }
0x29: {  	s9 =	simm.s32 @!p0 $0x800;
	s0 =	simm.s32 @!p0 $0x80;
	[sflag:s28] =	ssyncset.done $0x0  }
0x2a: {  	s1 =	simm.s32 @!p0 $0x200;
	s10 =	rddreg [dreg:$0x15];
	[sflag:s28] =	ssyncadd.s32 $0xFFFFFF80  }
0x2b: {  	[hbm4b:s10+s0] =	stream.strided.scatter @!p0 [tilespmem:s9], [sflag:$0x2], $0x800, s1, s0, $0x38;
	[tilespmem:$0x2980] =	vst v63  }
0x2c: {  	s0 =	simm.s32 @!p0 $0x2  }
0x2d: {  	_ =	swait.ge @!p0 [sflag:s0], $0x800  }
0x2e: {  	s29 =	sadd.s32 $0x1, s29;
	s31 =	rddreg [dreg:$0x16]  }
0x2f: {  	p1 =	sne.s32 s29, s31  }
.Ltmp1:
0x30: {  	_ = 	snop;
	(pc) =	sbr.rel @!p1 .LBB2_25-.Ltmp1, $3  }
0x31: {  	_ =	sdelay $0x1  }
0x32: {  	[sflag:s0] =	ssyncset.done @!p0 $0x0  }
0x33: {  	[sflag:s0] =	ssyncadd.s32 @!p0 $0xFFFFF800  }
.LBB2_1:
0x34: {  	_ =	strace $0x80000048  }
0x35: {  	[tilespmem:s2], [sflag:$0x1] =	stream.linear.gather [hbm4b:s3+s2], $0x80, $0x200038;
	[tilespmem:$0x2980] =	vst v63  }
0x36: {  	s1 =	simm.s32 $0x200;
	s0 =	rddreg [dreg:$0x17]  }
0x37: {  	[tilespmem:s1], [sflag:$0x1] =	stream.linear.gather [hbm4b:s0+s2], $0x80, $0x200038;
	[tilespmem:$0x2980] =	vst v63  }
0x38: {  	s10 =	simm.s32 $0x400;
	s9 =	rddreg [dreg:$0x18]  }
0x39: {  	[tilespmem:s10], [sflag:$0x1] =	stream.linear.gather [hbm4b:s9+s2], $0x80, $0x200038;
	[tilespmem:$0x2980] =	vst v63  }
0x3a: {  	s11 =	simm.s32 $0x600  }
0x3b: {  	[tilespmem:s11], [sflag:$0x1] =	stream.linear.gather [hbm4b:s19+s2], $0x80, $0x200038;
	[tilespmem:$0x2980] =	vst v63  }
0x3c: {  	s15 =	simm.s32 $0x80  }
0x3d: {  	[tilespmem:s15], [sflag:$0x1] =	stream.linear.gather [hbm4b:s4+s2], $0x80, $0x200038;
	[tilespmem:$0x2980] =	vst v63  }
0x3e: {  	s16 =	simm.s32 $0x280  }
0x3f: {  	[tilespmem:s16], [sflag:$0x1] =	stream.linear.gather [hbm4b:s22+s2], $0x80, $0x200038;
	[tilespmem:$0x2980] =	vst v63  }
0x40: {  	s17 =	simm.s32 $0x480  }
0x41: {  	[tilespmem:s17], [sflag:$0x1] =	stream.linear.gather [hbm4b:s24+s2], $0x80, $0x200038;
	[tilespmem:$0x2980] =	vst v63  }
0x42: {  	s18 =	sadd.s32 $0xC0, s4;
	s23 =	simm.s32 $0x680  }
0x43: {  	[tilespmem:s23], [sflag:$0x1] =	stream.linear.gather [hbm4b:s18+s2], $0x80, $0x200038;
	[tilespmem:$0x2980] =	vst v63  }
0x44: {  	s26 =	simm.s32 $0x100  }
0x45: {  	[tilespmem:s26], [sflag:$0x1] =	stream.linear.gather [hbm4b:s5+s2], $0x80, $0x200038;
	[tilespmem:$0x2980] =	vst v63  }
0x46: {  	s30 =	sadd.s32 $0x40, s5;
	s31 =	simm.s32 $0x300  }
0x47: {  	[tilespmem:s31], [sflag:$0x1] =	stream.linear.gather [hbm4b:s30+s2], $0x80, $0x200038;
	[tilespmem:$0x2980] =	vst v63  }
0x48: {  	s1 =	sadd.s32 $0x80, s5;
	s9 =	simm.s32 $0x500  }
0x49: {  	[tilespmem:s9], [sflag:$0x1] =	stream.linear.gather [hbm4b:s1+s2], $0x80, $0x200038;
	[tilespmem:$0x2980] =	vst v63  }
0x4a: {  	s10 =	sadd.s32 $0xC0, s5;
	s11 =	simm.s32 $0x700  }
0x4b: {  	[tilespmem:s11], [sflag:$0x1] =	stream.linear.gather [hbm4b:s10+s2], $0x80, $0x200038;
	[tilespmem:$0x2980] =	vst v63  }
0x4c: {  	s15 =	simm.s32 $0x180  }
0x4d: {  	[tilespmem:s15], [sflag:$0x1] =	stream.linear.gather [hbm4b:s6+s2], $0x80, $0x200038;
	[tilespmem:$0x2980] =	vst v63  }
0x4e: {  	s16 =	sadd.s32 $0x40, s6;
	s17 =	simm.s32 $0x380  }
0x4f: {  	[tilespmem:s17], [sflag:$0x1] =	stream.linear.gather [hbm4b:s16+s2], $0x80, $0x200038;
	[tilespmem:$0x2980] =	vst v63  }
0x50: {  	s18 =	sadd.s32 $0x80, s6;
	s23 =	simm.s32 $0x580  }
0x51: {  	[tilespmem:s23], [sflag:$0x1] =	stream.linear.gather [hbm4b:s18+s2], $0x80, $0x200038;
	[tilespmem:$0x2980] =	vst v63  }
0x52: {  	s26 =	sadd.s32 $0xC0, s6;
	s30 =	simm.s32 $0x780  }
0x53: {  	[tilespmem:s30], [sflag:$0x1] =	stream.linear.gather [hbm4b:s26+s2], $0x80, $0x200038;
	[tilespmem:$0x2980] =	vst v63  }
0x54: {  	_ =	swait.ge [sflag:s20], $0x200  }
0x55: {  	[sflag:s20] =	ssyncset.done $0x0  }
0x56: {  	[sflag:s20] =	ssyncadd.s32 $0xFFFFFE00  }
0x57: {  	_ =	swait.ge [sflag:s20], $0x200  }
0x58: {  	[sflag:s20] =	ssyncset.done $0x0  }
0x59: {  	[sflag:s20] =	ssyncadd.s32 $0xFFFFFE00  }
0x5a: {  	_ =	swait.ge [sflag:s20], $0x200  }
0x5b: {  	[sflag:s20] =	ssyncset.done $0x0  }
0x5c: {  	[sflag:s20] =	ssyncadd.s32 $0xFFFFFE00  }
0x5d: {  	_ =	swait.ge [sflag:s20], $0x200  }
0x5e: {  	[sflag:s20] =	ssyncset.done $0x0  }
0x5f: {  	[sflag:s20] =	ssyncadd.s32 $0xFFFFFE00  }
0x60: {  	s0 =	simm.s32 $0x40;
	s31 =	simm.s32 $0x10;
	_ =	strace $0x90000048  }
0x61: {  	s1 =	sand.u32 $0x70, s31;
	s16 =	sand.u32 $0x600, s0;
	_ =	strace $0x80000049  }
0x62: {  	s1 =	sor.u32 s1, s16;
	v1 =	vld [tilespmem:$0x0]  }
0x63: {  	v2 =	vld [tilespmem:s1+$0x0];
	s1 =	simm.s32 $0x20  }
.LBB2_2:
0x64: {  	p1 =	sne.s32 s1, $0x1F0  }
.Ltmp2:
0x65: {  	_ = 	snop;
	(pc) =	sbr.rel @p1 .LBB2_2-.Ltmp2, $4  }
0x66: {  	s0 =	sadd.s32 $0x40, s0  }
0x67: {  	s16 =	sand.u32 $0x70, s1;
	s18 =	sand.u32 $0x600, s0  }
0x68: {  	s16 =	sor.u32 s16, s18  }
0x69: {  	s1 =	sadd.s32 $0x10, s1;
	v1 =	vmax.f32 v1, v2;
	v2 =	vld [tilespmem:s16+$0x0]  }
0x6a: {  	_ = 	snop  }
0x6b: {  	s0 =	simm.s32 $0x0  }
0x6c: {  	s1 =	sand.u32 $0x70, s0;
	s16 =	sand.u32 $0x600, s0  }
0x6d: {  	s1 =	sor.u32 s1, s16  }
0x6e: {  	s18 =	simm.s32 $0x0;
	s16 =	simm.s32 $0x10;
	v1 =	vmax.f32 v1, v2;
	v2 =	vld [tilespmem:s1+$0x80]  }
.LBB2_4:
0x6f: {  	p1 =	sne.s32 s16, $0x1F0  }
.Ltmp3:
0x70: {  	_ = 	snop;
	(pc) =	sbr.rel @p1 .LBB2_4-.Ltmp3, $4  }
0x71: {  	s18 =	sadd.s32 $0x40, s18  }
0x72: {  	s23 =	sand.u32 $0x70, s16;
	s26 =	sand.u32 $0x600, s18  }
0x73: {  	s23 =	sor.u32 s23, s26  }
0x74: {  	s16 =	sadd.s32 $0x10, s16;
	v1 =	vmax.f32 v1, v2;
	v2 =	vld [tilespmem:s23+$0x80]  }
0x75: {  	_ =	sdelay $0x3  }
0x76: {  	s16 =	simm.s32 $0x10;
	v1 =	vmax.f32 v1, v2;
	v2 =	vld [tilespmem:s1+$0x100]  }
.LBB2_6:
0x77: {  	p1 =	sne.s32 s16, $0x1F0  }
.Ltmp4:
0x78: {  	_ = 	snop;
	(pc) =	sbr.rel @p1 .LBB2_6-.Ltmp4, $4  }
0x79: {  	s0 =	sadd.s32 $0x40, s0  }
0x7a: {  	s1 =	sand.u32 $0x70, s16;
	s18 =	sand.u32 $0x600, s0  }
0x7b: {  	s1 =	sor.u32 s1, s18  }
0x7c: {  	s16 =	sadd.s32 $0x10, s16;
	v1 =	vmax.f32 v1, v2;
	v2 =	vld [tilespmem:s1+$0x100]  }
0x7d: {  	_ = 	snop  }
0x7e: {  	s0 =	simm.s32 $0x0  }
0x7f: {  	s1 =	sand.u32 $0x70, s0;
	s16 =	sand.u32 $0x600, s0  }
0x80: {  	s16 =	sor.u32 s1, s16  }
0x81: {  	s1 =	simm.s32 $0x10;
	v1 =	vmax.f32 v1, v2;
	v2 =	vld [tilespmem:s16+$0x180]  }
.LBB2_8:
0x82: {  	p1 =	sne.s32 s1, $0x1F0  }
.Ltmp5:
0x83: {  	_ = 	snop;
	(pc) =	sbr.rel @p1 .LBB2_8-.Ltmp5, $4  }
0x84: {  	s0 =	sadd.s32 $0x40, s0  }
0x85: {  	s16 =	sand.u32 $0x70, s1;
	s18 =	sand.u32 $0x600, s0  }
0x86: {  	s16 =	sor.u32 s16, s18  }
0x87: {  	s1 =	sadd.s32 $0x10, s1;
	v1 =	vmax.f32 v1, v2;
	v2 =	vld [tilespmem:s16+$0x180]  }
0x88: {  	_ =	sdelay $0x3  }
0x89: {  	v1 =	vmax.f32 v1, v2  }
0x8a: {  	(xrf0) =	vmax.scan.msk.f32 $0xffff, v1;
	_ =	sdelay $0x5  }
0x8b: {  	v1, _, _ =	vpop (xrf0)  }
0x8c: {  	(v2sf) =	vpush v1, $0xF;
	_ =	sdelay $0xe  }
0x8d: {  	s31 =	spop (v2sf)  }
0x8e: {  	_ =	strace $0x90000049  }
0x8f: {  	_ =	strace $0x8000004A  }
0x90: {  	v46 =	vld [tilespmem:$0x200]  }
0x91: {  	v3 =	vld [tilespmem:$0x210]  }
0x92: {  	v4 =	vld [tilespmem:$0x220]  }
0x93: {  	v5 =	vld [tilespmem:$0x230]  }
0x94: {  	v6 =	vld [tilespmem:$0x240]  }
0x95: {  	v7 =	vld [tilespmem:$0x250];
	[tilespmem:$0x1F550] =	vst v46  }
0x96: {  	v0 =	vld [tilespmem:$0x0];
	[tilespmem:$0x1F560] =	vst v3  }
0x97: {  	v9 =	vld [tilespmem:$0x10];
	[tilespmem:$0x1F570] =	vst v4  }
0x98: {  	v10 =	vld [tilespmem:$0x20];
	[tilespmem:$0x1F580] =	vst v5  }
0x99: {  	v11 =	vld [tilespmem:$0x30];
	[tilespmem:$0x1F590] =	vst v6  }
0x9a: {  	v12 =	vld [tilespmem:$0x40];
	[tilespmem:$0x1F5A0] =	vst v7  }
0x9b: {  	v13 =	vld [tilespmem:$0x50];
	[tilespmem:$0x1F5B0] =	vst v0  }
0x9c: {  	v48 =	vld [tilespmem:$0x4C0];
	[tilespmem:$0x1F5C0] =	vst v9  }
0x9d: {  	v54 =	vld [tilespmem:$0x4D0];
	[tilespmem:$0x1F5D0] =	vst v10  }
0x9e: {  	v14 =	vld [tilespmem:$0x60];
	[tilespmem:$0x1F5E0] =	vst v11  }
0x9f: {  	v56 =	vld [tilespmem:$0x680];
	[tilespmem:$0x1F5F0] =	vst v12  }
0xa0: {  	v15 =	vld [tilespmem:$0x70];
	[tilespmem:$0x1F600] =	vst v13  }
0xa1: {  	v58 =	vld [tilespmem:$0x690];
	[tilespmem:$0x1FEE0] =	vst v48  }
0xa2: {  	v16 =	vld [tilespmem:$0x260];
	[tilespmem:$0x1FEF0] =	vst v54  }
0xa3: {  	v59 =	vld [tilespmem:$0x6A0];
	[tilespmem:$0x1F610] =	vst v14  }
0xa4: {  	v17 =	vld [tilespmem:$0x270];
	[tilespmem:$0x1FE00] =	vst v56  }
0xa5: {  	v60 =	vld [tilespmem:$0x6B0];
	[tilespmem:$0x1F620] =	vst v15  }
0xa6: {  	v18 =	vld [tilespmem:$0x400];
	[tilespmem:$0x1FE30] =	vst v58  }
0xa7: {  	v61 =	vld [tilespmem:$0x6C0];
	[tilespmem:$0x1F630] =	vst v16  }
0xa8: {  	v19 =	vld [tilespmem:$0x410];
	[tilespmem:$0x1FE40] =	vst v59  }
0xa9: {  	v62 =	vld [tilespmem:$0x100];
	[tilespmem:$0x1F640] =	vst v17  }
0xaa: {  	v20 =	vld [tilespmem:$0x420];
	[tilespmem:$0x1FE50] =	vst v60  }
0xab: {  	v63 =	vld [tilespmem:$0x110];
	[tilespmem:$0x1F650] =	vst v18  }
0xac: {  	v21 =	vld [tilespmem:$0x430];
	[tilespmem:$0x1FE60] =	vst v61  }
0xad: {  	v22 =	vld [tilespmem:$0x440];
	[tilespmem:$0x1F660] =	vst v19  }
0xae: {  	v23 =	vld [tilespmem:$0x450];
	[tilespmem:$0x1FD40] =	vst v62  }
0xaf: {  	v24 =	vld [tilespmem:$0x460];
	[tilespmem:$0x1F670] =	vst v20  }
0xb0: {  	v25 =	vld [tilespmem:$0x470];
	[tilespmem:$0x1FD70] =	vst v63  }
0xb1: {  	v26 =	vld [tilespmem:$0x600];
	[tilespmem:$0x1F680] =	vst v21  }
0xb2: {  	v27 =	vld [tilespmem:$0x610];
	[tilespmem:$0x1F690] =	vst v22  }
0xb3: {  	v28 =	vld [tilespmem:$0x620];
	[tilespmem:$0x1F6A0] =	vst v23  }
0xb4: {  	v29 =	vld [tilespmem:$0x630];
	[tilespmem:$0x1F6B0] =	vst v24  }
0xb5: {  	v30 =	vld [tilespmem:$0x640];
	[tilespmem:$0x1F6C0] =	vst v25  }
0xb6: {  	v31 =	vld [tilespmem:$0x650];
	[tilespmem:$0x1F6D0] =	vst v26  }
0xb7: {  	v32 =	vld [tilespmem:$0x660];
	[tilespmem:$0x1F6E0] =	vst v27  }
0xb8: {  	s30 =	sadd.f32 $-1.000000000e+00, s31;
	v33 =	vld [tilespmem:$0x670];
	[tilespmem:$0x1F6F0] =	vst v28  }
0xb9: {  	v34 =	vld [tilespmem:$0x80];
	[tilespmem:$0x1F700] =	vst v29  }
0xba: {  	v35 =	vld [tilespmem:$0x90];
	s0 =	sadd.f32 s31, s30;
	[tilespmem:$0x1F710] =	vst v30  }
0xbb: {  	v36 =	vld [tilespmem:$0xA0];
	[tilespmem:$0x1F720] =	vst v31  }
0xbc: {  	v37 =	vld [tilespmem:$0xB0];
	s0 =	smul.f32 $5.000000000e-01, s0;
	[tilespmem:$0x1F730] =	vst v32  }
0xbd: {  	v38 =	vld [tilespmem:$0xC0];
	[tilespmem:$0x1F740] =	vst v33  }
0xbe: {  	v39 =	vld [tilespmem:$0xD0];
	v1 =	vmov s0;
	[tilespmem:$0x1F750] =	vst v34  }
0xbf: {  	v40 =	vld [tilespmem:$0xE0];
	v2 =	vsub.f32 v46, v1;
	v3 =	vsub.f32 v3, v1;
	[tilespmem:$0x1F760] =	vst v35  }
0xc0: {  	v41 =	vld [tilespmem:$0xF0];
	v4 =	vsub.f32 v4, v1;
	v5 =	vsub.f32 v5, v1;
	[tilespmem:$0x1F770] =	vst v36  }
0xc1: {  	v42 =	vld [tilespmem:$0x280];
	v6 =	vsub.f32 v6, v1;
	v7 =	vsub.f32 v7, v1;
	[tilespmem:$0x1F780] =	vst v37  }
0xc2: {  	v43 =	vld [tilespmem:$0x290];
	v8 =	vsub.f32 v0, v1;
	v9 =	vsub.f32 v9, v1;
	[tilespmem:$0x1F790] =	vst v38  }
0xc3: {  	v44 =	vld [tilespmem:$0x2A0];
	v10 =	vsub.f32 v10, v1;
	v11 =	vsub.f32 v11, v1;
	[tilespmem:$0x1F7A0] =	vst v39  }
0xc4: {  	v45 =	vld [tilespmem:$0x2B0];
	v12 =	vsub.f32 v12, v1;
	v13 =	vsub.f32 v13, v1;
	[tilespmem:$0x1F7B0] =	vst v40;
	v2 =	vmax.f32 v2, $0.0e+00  }
0xc5: {  	v49 =	vld [tilespmem:$0x2D0];
	[tilespmem:$0x1F7C0] =	vst v41;
	v3 =	vmax.f32 v3, $0.0e+00;
	v4 =	vmax.f32 v4, $0.0e+00;
	v8 =	vmax.f32 v8, $0.0e+00  }
0xc6: {  	v55 =	vld [tilespmem:$0x2E0];
	[tilespmem:$0x1F7D0] =	vst v42;
	v9 =	vmax.f32 v9, $0.0e+00;
	v10 =	vmax.f32 v10, $0.0e+00;
	v8 =	vadd.f32 $0.0e+00, v8  }
0xc7: {  	v50 =	vld [tilespmem:$0x480];
	[tilespmem:$0x1F7E0] =	vst v43;
	v11 =	vmax.f32 v11, $0.0e+00;
	v9 =	vadd.f32 $0.0e+00, v9;
	v10 =	vadd.f32 $0.0e+00, v10  }
0xc8: {  	v57 =	vld [tilespmem:$0x2F0];
	[tilespmem:$0x1F7F0] =	vst v44;
	v12 =	vmax.f32 v12, $0.0e+00;
	v11 =	vadd.f32 $0.0e+00, v11;
	v2 =	vadd.f32 v2, v8  }
0xc9: {  	v51 =	vld [tilespmem:$0x490];
	[tilespmem:$0x1F800] =	vst v45;
	v5 =	vmax.f32 v5, $0.0e+00;
	v8 =	vadd.f32 $0.0e+00, v12;
	v3 =	vadd.f32 v3, v9  }
0xca: {  	v52 =	vld [tilespmem:$0x4A0];
	[tilespmem:$0x1F820] =	vst v49;
	v9 =	vmax.f32 v13, $0.0e+00;
	v4 =	vadd.f32 v4, v10;
	v5 =	vadd.f32 v5, v11  }
0xcb: {  	v53 =	vld [tilespmem:$0x4B0];
	[tilespmem:$0x1F830] =	vst v55;
	v6 =	vmax.f32 v6, $0.0e+00;
	v10 =	vsub.f32 v14, v1;
	v9 =	vadd.f32 $0.0e+00, v9  }
0xcc: {  	v46 =	vld [tilespmem:$0x2C0];
	[tilespmem:$0x1F840] =	vst v50;
	v7 =	vmax.f32 v7, $0.0e+00;
	v6 =	vadd.f32 v6, v8;
	v8 =	vsub.f32 v15, v1  }
0xcd: {  	v56 =	vld [tilespmem:$0x500];
	[tilespmem:$0x1F850] =	vst v57;
	v7 =	vadd.f32 v7, v9;
	v9 =	vmax.f32 v10, $0.0e+00;
	v10 =	vsub.f32 v16, v1  }
0xce: {  	v54 =	vld [tilespmem:$0x510];
	[tilespmem:$0x1F860] =	vst v51;
	v11 =	vsub.f32 v17, v1;
	v8 =	vmax.f32 v8, $0.0e+00;
	v9 =	vadd.f32 $0.0e+00, v9  }
0xcf: {  	v48 =	vld [tilespmem:$0x520];
	[tilespmem:$0x1F870] =	vst v52;
	v12 =	vsub.f32 v18, v1;
	v8 =	vadd.f32 $0.0e+00, v8;
	v10 =	vmax.f32 v10, $0.0e+00  }
0xd0: {  	v0 =	vld [tilespmem:$0x530];
	[tilespmem:$0x1F880] =	vst v53;
	v9 =	vadd.f32 v10, v9;
	v10 =	vmax.f32 v11, $0.0e+00;
	v11 =	vsub.f32 v19, v1  }
0xd1: {  	v61 =	vld [tilespmem:$0x300];
	[tilespmem:$0x1F810] =	vst v46;
	v8 =	vadd.f32 v10, v8;
	v10 =	vmax.f32 v12, $0.0e+00;
	v12 =	vsub.f32 v20, v1  }
0xd2: {  	v60 =	vld [tilespmem:$0x310];
	[tilespmem:$0x1FBE0] =	vst v56;
	v2 =	vadd.f32 v10, v2;
	v10 =	vmax.f32 v11, $0.0e+00;
	v11 =	vsub.f32 v21, v1  }
0xd3: {  	v59 =	vld [tilespmem:$0x320];
	[tilespmem:$0x1FC00] =	vst v54;
	v3 =	vadd.f32 v10, v3;
	v10 =	vmax.f32 v12, $0.0e+00;
	v12 =	vsub.f32 v22, v1  }
0xd4: {  	v58 =	vld [tilespmem:$0x330];
	[tilespmem:$0x1FC10] =	vst v48;
	v4 =	vadd.f32 v10, v4;
	v10 =	vmax.f32 v11, $0.0e+00;
	v11 =	vsub.f32 v23, v1  }
0xd5: {  	v63 =	vld [tilespmem:$0x120];
	[tilespmem:$0x1FC20] =	vst v0;
	v5 =	vadd.f32 v10, v5;
	v10 =	vmax.f32 v12, $0.0e+00;
	v12 =	vsub.f32 v24, v1  }
0xd6: {  	v62 =	vld [tilespmem:$0x130];
	[tilespmem:$0x1FC90] =	vst v61;
	v6 =	vadd.f32 v10, v6;
	v10 =	vmax.f32 v11, $0.0e+00;
	v11 =	vsub.f32 v25, v1  }
0xd7: {  	v13 =	vld [tilespmem:$0x380];
	[tilespmem:$0x1FCB0] =	vst v60;
	v7 =	vadd.f32 v10, v7;
	v10 =	vmax.f32 v12, $0.0e+00;
	v12 =	vsub.f32 v26, v1  }
0xd8: {  	[tilespmem:$0x1FCC0] =	vst v59;
	v15 =	vld [tilespmem:$0x390];
	v9 =	vadd.f32 v10, v9;
	v10 =	vmax.f32 v11, $0.0e+00;
	v11 =	vsub.f32 v27, v1  }
0xd9: {  	[tilespmem:$0x1FCD0] =	vst v58;
	v20 =	vld [tilespmem:$0x180];
	v8 =	vadd.f32 v10, v8;
	v10 =	vmax.f32 v12, $0.0e+00;
	v12 =	vsub.f32 v28, v1  }
0xda: {  	[tilespmem:$0x1FD80] =	vst v63;
	v21 =	vld [tilespmem:$0x3A0];
	v2 =	vadd.f32 v10, v2;
	v10 =	vmax.f32 v11, $0.0e+00;
	v11 =	vsub.f32 v29, v1  }
0xdb: {  	[tilespmem:$0x1FD90] =	vst v62;
	v22 =	vld [tilespmem:$0x190];
	v3 =	vadd.f32 v10, v3;
	v10 =	vmax.f32 v12, $0.0e+00;
	v12 =	vsub.f32 v30, v1  }
0xdc: {  	[tilespmem:$0x1F9B0] =	vst v13;
	v23 =	vld [tilespmem:$0x1A0];
	v4 =	vadd.f32 v10, v4;
	v10 =	vmax.f32 v11, $0.0e+00;
	v11 =	vsub.f32 v31, v1  }
0xdd: {  	[tilespmem:$0x1F9D0] =	vst v15;
	v24 =	vld [tilespmem:$0x1B0];
	v5 =	vadd.f32 v10, v5;
	v10 =	vmax.f32 v12, $0.0e+00;
	v12 =	vsub.f32 v32, v1  }
0xde: {  	v25 =	vld [tilespmem:$0x700];
	[tilespmem:$0x1FA60] =	vst v20;
	v6 =	vadd.f32 v10, v6;
	v10 =	vmax.f32 v11, $0.0e+00;
	v11 =	vsub.f32 v33, v1  }
0xdf: {  	v26 =	vld [tilespmem:$0x710];
	[tilespmem:$0x1F9E0] =	vst v21;
	v7 =	vadd.f32 v10, v7;
	v10 =	vmax.f32 v12, $0.0e+00;
	v12 =	vsub.f32 v34, v1  }
0xe0: {  	[tilespmem:$0x1FA90] =	vst v22;
	v28 =	vld [tilespmem:$0x720];
	v9 =	vadd.f32 v10, v9;
	v10 =	vmax.f32 v11, $0.0e+00;
	v11 =	vsub.f32 v35, v1  }
0xe1: {  	[tilespmem:$0x1FAA0] =	vst v23;
	v29 =	vld [tilespmem:$0x730];
	v8 =	vadd.f32 v10, v8;
	v10 =	vmax.f32 v12, $0.0e+00;
	v12 =	vsub.f32 v36, v1  }
0xe2: {  	[tilespmem:$0x1FAB0] =	vst v24;
	v30 =	vld [tilespmem:$0x3B0];
	v2 =	vadd.f32 v10, v2;
	v10 =	vmax.f32 v11, $0.0e+00;
	v11 =	vsub.f32 v37, v1  }
0xe3: {  	[tilespmem:$0x1FB20] =	vst v25;
	v31 =	vld [tilespmem:$0x580];
	v3 =	vadd.f32 v10, v3;
	v10 =	vmax.f32 v12, $0.0e+00;
	v12 =	vsub.f32 v38, v1  }
0xe4: {  	[tilespmem:$0x1FB50] =	vst v26;
	v32 =	vld [tilespmem:$0x590];
	v4 =	vadd.f32 v10, v4;
	v10 =	vmax.f32 v11, $0.0e+00;
	v11 =	vsub.f32 v39, v1  }
0xe5: {  	v33 =	vld [tilespmem:$0x5A0];
	[tilespmem:$0x1FB60] =	vst v28;
	v5 =	vadd.f32 v10, v5;
	v10 =	vmax.f32 v12, $0.0e+00;
	v12 =	vsub.f32 v40, v1  }
0xe6: {  	v34 =	vld [tilespmem:$0x5B0];
	[tilespmem:$0x1FB70] =	vst v29;
	v6 =	vadd.f32 v10, v6;
	v10 =	vmax.f32 v11, $0.0e+00;
	v11 =	vsub.f32 v41, v1  }
0xe7: {  	[tilespmem:$0x1F9F0] =	vst v30;
	v36 =	vld [tilespmem:$0x560];
	v7 =	vadd.f32 v10, v7;
	v10 =	vmax.f32 v12, $0.0e+00;
	v12 =	vsub.f32 v42, v1  }
0xe8: {  	[tilespmem:$0x1F900] =	vst v31;
	v40 =	vld [tilespmem:$0x5E0];
	v9 =	vadd.f32 v10, v9;
	v10 =	vmax.f32 v11, $0.0e+00;
	v11 =	vsub.f32 v43, v1  }
0xe9: {  	[tilespmem:$0x1F920] =	vst v32;
	v41 =	vld [tilespmem:$0x5F0];
	v8 =	vadd.f32 v10, v8;
	v10 =	vmax.f32 v12, $0.0e+00;
	v12 =	vsub.f32 v44, v1  }
0xea: {  	[tilespmem:$0x1F930] =	vst v33;
	v42 =	vld [tilespmem:$0x780];
	v2 =	vadd.f32 v10, v2;
	v10 =	vmax.f32 v11, $0.0e+00;
	v11 =	vsub.f32 v45, v1  }
0xeb: {  	[tilespmem:$0x1F940] =	vst v34;
	v43 =	vld [tilespmem:$0x790];
	v3 =	vadd.f32 v10, v3;
	v10 =	vmax.f32 v12, $0.0e+00;
	v12 =	vsub.f32 v46, v1  }
0xec: {  	[tilespmem:$0x1FC70] =	vst v36;
	v44 =	vld [tilespmem:$0x7A0];
	v4 =	vadd.f32 v10, v4;
	v10 =	vmax.f32 v11, $0.0e+00;
	v11 =	vsub.f32 v49, v1  }
0xed: {  	v45 =	vld [tilespmem:$0x7B0];
	[tilespmem:$0x1F990] =	vst v40;
	v5 =	vadd.f32 v10, v5;
	v10 =	vmax.f32 v12, $0.0e+00;
	v12 =	vsub.f32 v55, v1  }
0xee: {  	v46 =	vld [tilespmem:$0x7C0];
	[tilespmem:$0x1F9C0] =	vst v41;
	v6 =	vadd.f32 v10, v6;
	v10 =	vmax.f32 v11, $0.0e+00;
	v11 =	vsub.f32 v50, v1  }
0xef: {  	[tilespmem:$0x1F890] =	vst v42;
	v50 =	vld [tilespmem:$0x750];
	v16 =	vadd.f32 v10, v7;
	v7 =	vmax.f32 v12, $0.0e+00;
	v12 =	vsub.f32 v53, v1  }
0xf0: {  	[tilespmem:$0x1F8A0] =	vst v43;
	v10 =	vsub.f32 v57, v1;
	v57 =	vld [tilespmem:$0x5D0]  }
0xf1: {  	[tilespmem:$0x1F8B0] =	vst v44;
	v17 =	vadd.f32 v7, v9;
	v7 =	vmax.f32 v11, $0.0e+00;
	v55 =	vmax.f32 v12, $0.0e+00;
	v12 =	vld [tilespmem:$0x5C0]  }
0xf2: {  	[tilespmem:$0x1F8C0] =	vst v45;
	v19 =	vadd.f32 v7, v2;
	v2 =	vsub.f32 v42, v1;
	v42 =	vld [tilespmem:$0x3E0]  }
0xf3: {  	v9 =	vsub.f32 v51, v1;
	[tilespmem:$0x1F8D0] =	vst v46;
	v10 =	vmax.f32 v10, $0.0e+00;
	v7 =	vsub.f32 v45, v1;
	v45 =	vld [tilespmem:$0x1D0]  }
0xf4: {  	v18 =	vadd.f32 v10, v8;
	v8 =	vld [tilespmem:$0x7D0];
	[tilespmem:$0x1FBA0] =	vst v50  }
0xf5: {  	v11 =	vsub.f32 v52, v1;
	v52 =	vmax.f32 v9, $0.0e+00;
	v9 =	vld [tilespmem:$0x7E0];
	[tilespmem:$0x1F970] =	vst v57  }
0xf6: {  	v49 =	vadd.f32 v55, v5;
	v5 =	vsub.f32 v44, v1;
	v44 =	vld [tilespmem:$0x1C0];
	[tilespmem:$0x1F950] =	vst v12  }
0xf7: {  	v53 =	vmax.f32 v11, $0.0e+00;
	v10 =	vsub.f32 v33, v1;
	v33 =	vsub.f32 v0, v1;
	v0 =	vld [tilespmem:$0x360];
	[tilespmem:$0x1FA40] =	vst v42  }
0xf8: {  	v14 =	vadd.f32 v53, v4;
	v4 =	vld [tilespmem:$0x7F0];
	[tilespmem:$0x1FAE0] =	vst v45  }
0xf9: {  	[tilespmem:$0x1F8E0] =	vst v8  }
0xfa: {  	v27 =	vadd.f32 v52, v3;
	v3 =	vsub.f32 v43, v1;
	v43 =	vld [tilespmem:$0x3F0];
	[tilespmem:$0x1F8F0] =	vst v9  }
0xfb: {  	[tilespmem:$0x1FAC0] =	vst v44  }
0xfc: {  	v12 =	vsub.f32 v12, v1;
	[tilespmem:$0x1FD20] =	vst v0  }
0xfd: {  	v55 =	vsub.f32 v46, v1;
	v11 =	vsub.f32 v34, v1;
	[tilespmem:$0x1F910] =	vst v4  }
0xfe: {  	v53 =	vsub.f32 v8, v1;
	v34 =	vsub.f32 v44, v1;
	[tilespmem:$0x1F960] =	vst v12  }
0xff: {  	v52 =	vsub.f32 v9, v1;
	v0 =	vsub.f32 v0, v1;
	[tilespmem:$0x1FA70] =	vst v43  }
0x100: {  	v8 =	vsub.f32 v31, v1;
	v12 =	vsub.f32 v57, v1;
	[tilespmem:$0x1FAD0] =	vst v34  }
0x101: {  	v31 =	vld [tilespmem:$0x3C0];
	v9 =	vsub.f32 v32, v1;
	v46 =	vsub.f32 v43, v1;
	[tilespmem:$0x1FD30] =	vst v0  }
0x102: {  	v44 =	vld [tilespmem:$0x570];
	v57 =	vsub.f32 v41, v1;
	v41 =	vsub.f32 v45, v1;
	[tilespmem:$0x1F980] =	vst v12  }
0x103: {  	v32 =	vsub.f32 v48, v1;
	v48 =	vld [tilespmem:$0x370];
	v12 =	vsub.f32 v40, v1;
	[tilespmem:$0x1FA80] =	vst v46  }
0x104: {  	v51 =	vsub.f32 v4, v1;
	v4 =	vld [tilespmem:$0x3D0];
	[tilespmem:$0x1FAF0] =	vst v41  }
0x105: {  	v43 =	vld [tilespmem:$0x540];
	[tilespmem:$0x1F9A0] =	vst v12  }
0x106: {  	v45 =	vld [tilespmem:$0x350];
	[tilespmem:$0x1FA00] =	vst v31  }
0x107: {  	[tilespmem:$0x1FCA0] =	vst v44  }
0x108: {  	[tilespmem:$0x1FD50] =	vst v48  }
0x109: {  	[tilespmem:$0x1FA20] =	vst v4  }
0x10a: {  	v40 =	vld [tilespmem:$0x760];
	v31 =	vsub.f32 v31, v1;
	[tilespmem:$0x1FC30] =	vst v43  }
0x10b: {  	v35 =	vsub.f32 v59, v1;
	v59 =	vsub.f32 v48, v1;
	[tilespmem:$0x1FD00] =	vst v45  }
0x10c: {  	v41 =	vld [tilespmem:$0x140];
	v12 =	vsub.f32 v13, v1;
	v4 =	vsub.f32 v4, v1;
	[tilespmem:$0x1FA10] =	vst v31  }
0x10d: {  	v13 =	vsub.f32 v15, v1;
	v15 =	vsub.f32 v21, v1;
	[tilespmem:$0x1FD60] =	vst v59  }
0x10e: {  	v21 =	vsub.f32 v30, v1;
	v30 =	vld [tilespmem:$0x1E0];
	v46 =	vsub.f32 v43, v1;
	[tilespmem:$0x1FA30] =	vst v4  }
0x10f: {  	v34 =	vsub.f32 v61, v1;
	[tilespmem:$0x1FBC0] =	vst v40  }
0x110: {  	v61 =	vsub.f32 v44, v1;
	v44 =	vld [tilespmem:$0x170];
	v31 =	vsub.f32 v42, v1;
	[tilespmem:$0x1FC40] =	vst v46  }
0x111: {  	v48 =	vld [tilespmem:$0x6F0];
	[tilespmem:$0x1FDA0] =	vst v41  }
0x112: {  	v39 =	vsub.f32 v63, v1;
	v43 =	vld [tilespmem:$0x160];
	v63 =	vsub.f32 v41, v1;
	[tilespmem:$0x1FA50] =	vst v31  }
0x113: {  	[tilespmem:$0x1FB00] =	vst v30  }
0x114: {  	v42 =	vld [tilespmem:$0x770];
	[tilespmem:$0x1FDB0] =	vst v63  }
0x115: {  	v4 =	vld [tilespmem:$0x1F0];
	[tilespmem:$0x1FE10] =	vst v44  }
0x116: {  	v46 =	vld [tilespmem:$0x6E0];
	v30 =	vsub.f32 v30, v1;
	[tilespmem:$0x1FEC0] =	vst v48  }
0x117: {  	v31 =	vld [tilespmem:$0x740];
	[tilespmem:$0x1FDE0] =	vst v43  }
0x118: {  	v44 =	vsub.f32 v44, v1;
	[tilespmem:$0x1FB10] =	vst v30  }
0x119: {  	[tilespmem:$0x1FBF0] =	vst v42  }
0x11a: {  	[tilespmem:$0x1FE20] =	vst v44  }
0x11b: {  	[tilespmem:$0x1FB30] =	vst v4  }
0x11c: {  	v4 =	vsub.f32 v4, v1;
	[tilespmem:$0x1FEA0] =	vst v46;
	v30 =	vsub.f32 v31, v1  }
0x11d: {  	[tilespmem:$0x1FB80] =	vst v31;
	v31 =	vsub.f32 v54, v1;
	v54 =	vsub.f32 v45, v1;
	v45 =	vld [tilespmem:$0x6D0]  }
0x11e: {  	[tilespmem:$0x1FB40] =	vst v4  }
0x11f: {  	v4 =	vld [tilespmem:$0x550];
	[tilespmem:$0x1FB90] =	vst v30;
	v30 =	vsub.f32 v50, v1  }
0x120: {  	[tilespmem:$0x1FD10] =	vst v54  }
0x121: {  	v50 =	vld [tilespmem:$0x340];
	[tilespmem:$0x1FBB0] =	vst v30;
	v30 =	vsub.f32 v40, v1  }
0x122: {  	[tilespmem:$0x1FE80] =	vst v45  }
0x123: {  	[tilespmem:$0x1FBD0] =	vst v30  }
0x124: {  	v63 =	vsub.f32 v45, v1;
	v45 =	vmax.f32 v11, $0.0e+00;
	[tilespmem:$0x1FC50] =	vst v4  }
0x125: {  	[tilespmem:$0x1FF40] =	vst v45  }
0x126: {  	[tilespmem:$0x1FCE0] =	vst v50  }
0x127: {  	v4 =	vsub.f32 v4, v1;
	v45 =	vmax.f32 v13, $0.0e+00;
	[tilespmem:$0x1FE90] =	vst v63  }
0x128: {  	v20 =	vsub.f32 v20, v1;
	[tilespmem:$0x1FF60] =	vst v45  }
0x129: {  	v22 =	vsub.f32 v22, v1;
	v63 =	vmax.f32 v9, $0.0e+00;
	[tilespmem:$0x1FC60] =	vst v4  }
0x12a: {  	v25 =	vsub.f32 v25, v1;
	v50 =	vsub.f32 v50, v1;
	v45 =	vmax.f32 v20, $0.0e+00;
	[tilespmem:$0x1FF30] =	vst v63  }
0x12b: {  	v30 =	vsub.f32 v56, v1;
	v56 =	vsub.f32 v42, v1;
	v42 =	vld [tilespmem:$0x150];
	[tilespmem:$0x1FF80] =	vst v45  }
0x12c: {  	v24 =	vsub.f32 v24, v1;
	v59 =	vld [tilespmem:$0x1FE40];
	v4 =	vsub.f32 v36, v1;
	v45 =	vmax.f32 v25, $0.0e+00;
	[tilespmem:$0x1FCF0] =	vst v50  }
0x12d: {  	v23 =	vsub.f32 v23, v1;
	v40 =	vsub.f32 v62, v1;
	v62 =	vld [tilespmem:$0x1FE60];
	[tilespmem:$0x1FFA0] =	vst v45  }
0x12e: {  	v28 =	vsub.f32 v28, v1;
	v45 =	vmax.f32 v24, $0.0e+00;
	[tilespmem:$0x1FC80] =	vst v4;
	v4 =	vsub.f32 v60, v1;
	v60 =	vld [tilespmem:$0x1FD70]  }
0x12f: {  	v26 =	vsub.f32 v26, v1;
	v29 =	vsub.f32 v29, v1;
	v32 =	vmax.f32 v32, $0.0e+00;
	v50 =	vld [tilespmem:$0x4E0];
	[tilespmem:$0x1FFC0] =	vst v45  }
0x130: {  	v36 =	vsub.f32 v58, v1;
	v58 =	vld [tilespmem:$0x1FD40];
	v45 =	vmax.f32 v28, $0.0e+00;
	[tilespmem:$0x1FDC0] =	vst v42;
	v41 =	vsub.f32 v42, v1  }
0x131: {  	v20 =	vmax.f32 v21, $0.0e+00;
	v63 =	vmax.f32 v10, $0.0e+00;
	v42 =	vsub.f32 v43, v1;
	[tilespmem:$0x1FFE0] =	vst v45  }
0x132: {  	v10 =	vmax.f32 v40, $0.0e+00;
	v44 =	vsub.f32 v62, v1;
	v28 =	vmax.f32 v31, $0.0e+00;
	v43 =	vld [tilespmem:$0x1FE00];
	[tilespmem:$0x1FDD0] =	vst v41  }
0x133: {  	v45 =	vmax.f32 v30, $0.0e+00;
	v30 =	vmax.f32 v33, $0.0e+00;
	[tilespmem:$0x1FDF0] =	vst v42;
	v38 =	vsub.f32 v60, v1;
	v60 =	vld [tilespmem:$0x1FE50]  }
0x134: {  	v42 =	vsub.f32 v59, v1;
	v59 =	vsub.f32 v48, v1;
	v48 =	vmax.f32 v12, $0.0e+00;
	[tilespmem:$0x1FF00] =	vst v50  }
0x135: {  	v33 =	vmax.f32 v35, $0.0e+00;
	v31 =	vmax.f32 v4, $0.0e+00;
	v37 =	vsub.f32 v58, v1;
	v58 =	vld [tilespmem:$0x1FE30];
	[tilespmem:$0x1FF50] =	vst v48  }
0x136: {  	v62 =	vld [tilespmem:$0x1FEF0];
	v12 =	vmax.f32 v39, $0.0e+00;
	v50 =	vsub.f32 v50, v1;
	v48 =	vmax.f32 v15, $0.0e+00;
	[tilespmem:$0x1FED0] =	vst v59  }
0x137: {  	v54 =	vld [tilespmem:$0x4F0];
	v59 =	vmax.f32 v5, $0.0e+00;
	[tilespmem:$0x1FF70] =	vst v48;
	v48 =	vmax.f32 v22, $0.0e+00;
	v13 =	vmax.f32 v42, $0.0e+00  }
0x138: {  	v41 =	vsub.f32 v43, v1;
	[tilespmem:$0x1FF90] =	vst v48;
	v48 =	vmax.f32 v23, $0.0e+00;
	v43 =	vsub.f32 v60, v1;
	v60 =	vld [tilespmem:$0x1FEE0]  }
0x139: {  	v25 =	vmax.f32 v50, $0.0e+00;
	[tilespmem:$0x1FFB0] =	vst v48;
	v48 =	vmax.f32 v26, $0.0e+00;
	v15 =	vmax.f32 v38, $0.0e+00  }
0x13a: {  	v0 =	vsub.f32 v58, v1;
	v58 =	vsub.f32 v46, v1;
	[tilespmem:$0x1FFD0] =	vst v48;
	v48 =	vmax.f32 v29, $0.0e+00  }
0x13b: {  	v46 =	vsub.f32 v62, v1;
	v62 =	vmax.f32 v8, $0.0e+00;
	v29 =	vmax.f32 v34, $0.0e+00;
	[tilespmem:$0x1FFF0] =	vst v48  }
0x13c: {  	v23 =	vmax.f32 v41, $0.0e+00;
	v48 =	vmax.f32 v36, $0.0e+00;
	[tilespmem:$0x1FEB0] =	vst v58;
	v58 =	vmax.f32 v3, $0.0e+00  }
0x13d: {  	[tilespmem:$0x1FE70] =	vst v44;
	v24 =	vmax.f32 v0, $0.0e+00;
	v44 =	vsub.f32 v60, v1;
	v1 =	vsub.f32 v54, v1  }
0x13e: {  	[tilespmem:$0x1FF10] =	vst v54;
	v22 =	vmax.f32 v46, $0.0e+00;
	v26 =	vmax.f32 v43, $0.0e+00;
	v54 =	vmax.f32 v2, $0.0e+00  }
0x13f: {  	s1 =	simm.s32 $0x15;
	v60 =	vmax.f32 v7, $0.0e+00;
	v7 =	vmax.f32 v37, $0.0e+00;
	[tilespmem:$0x1FF20] =	vst v1;
	v21 =	vmax.f32 v44, $0.0e+00  }
.LBB2_10:
0x140: {  	v0 =	vld [tilespmem:$0x1FF20]  }
0x141: {  	v42 =	vld [tilespmem:$0x1FE70]  }
0x142: {  	v43 =	vld [tilespmem:$0x1FE90]  }
0x143: {  	v44 =	vld [tilespmem:$0x1FEB0]  }
0x144: {  	v46 =	vld [tilespmem:$0x1FED0]  }
0x145: {  	v50 =	vld [tilespmem:$0x1FDD0]  }
0x146: {  	v34 =	vld [tilespmem:$0x1FDF0]  }
0x147: {  	v35 =	vld [tilespmem:$0x1FE20]  }
0x148: {  	v36 =	vld [tilespmem:$0x1FCF0]  }
0x149: {  	v37 =	vld [tilespmem:$0x1FD10]  }
0x14a: {  	v38 =	vld [tilespmem:$0x1FD30]  }
0x14b: {  	v39 =	vld [tilespmem:$0x1FD60]  }
0x14c: {  	v40 =	vld [tilespmem:$0x1FC40]  }
0x14d: {  	v41 =	vld [tilespmem:$0x1FC60];
	v13 =	vadd.f32 v13, v14;
	v14 =	vadd.f32 v26, v49  }
0x14e: {  	v49 =	vld [tilespmem:$0x1FDB0]  }
0x14f: {  	v16 =	vadd.f32 v22, v16;
	v10 =	vadd.f32 v10, v14;
	v22 =	vmax.f32 v43, $0.0e+00;
	v43 =	vld [tilespmem:$0x1FB90]  }
0x150: {  	v6 =	vadd.f32 v21, v6;
	v19 =	vadd.f32 v23, v19;
	v23 =	vmax.f32 v44, $0.0e+00;
	v44 =	vld [tilespmem:$0x1FFA0]  }
0x151: {  	v12 =	vadd.f32 v12, v13;
	v10 =	vadd.f32 v48, v10;
	v48 =	vld [tilespmem:$0x1FFE0]  }
0x152: {  	v21 =	vadd.f32 v24, v27;
	v7 =	vadd.f32 v7, v19;
	v19 =	vmax.f32 v50, $0.0e+00;
	v50 =	vld [tilespmem:$0x1FBD0]  }
0x153: {  	v12 =	vadd.f32 v33, v12;
	v33 =	vld [tilespmem:$0x1FF90]  }
0x154: {  	v17 =	vadd.f32 v25, v17;
	v15 =	vadd.f32 v15, v21;
	v13 =	vmax.f32 v34, $0.0e+00;
	v34 =	vld [tilespmem:$0x1FAF0]  }
0x155: {  	v4 =	vmax.f32 v0, $0.0e+00;
	v7 =	vadd.f32 v29, v7;
	v9 =	vmax.f32 v41, $0.0e+00;
	v41 =	vld [tilespmem:$0x1FF60]  }
0x156: {  	v15 =	vadd.f32 v31, v15;
	v4 =	vadd.f32 v4, v18;
	v18 =	vmax.f32 v42, $0.0e+00;
	v42 =	vld [tilespmem:$0x1FC80]  }
0x157: {  	v16 =	vadd.f32 v22, v16;
	v7 =	vadd.f32 v45, v7;
	v45 =	vld [tilespmem:$0x1FFD0]  }
0x158: {  	v17 =	vadd.f32 v23, v17;
	v6 =	vadd.f32 v18, v6;
	v18 =	vmax.f32 v46, $0.0e+00;
	v46 =	vld [tilespmem:$0x1FBB0]  }
0x159: {  	v8 =	vadd.f32 v28, v15;
	v5 =	vadd.f32 v32, v12;
	v12 =	vmax.f32 v61, $0.0e+00;
	v61 =	vld [tilespmem:$0x1FAD0]  }
0x15a: {  	v10 =	vadd.f32 v30, v10;
	v32 =	vld [tilespmem:$0x1FF80];
	v4 =	vadd.f32 v18, v4  }
0x15b: {  	v18 =	vmax.f32 v49, $0.0e+00;
	v14 =	vadd.f32 v19, v16;
	v16 =	vmax.f32 v35, $0.0e+00;
	v49 =	vld [tilespmem:$0x1FFF0]  }
0x15c: {  	v13 =	vadd.f32 v13, v17;
	v17 =	vmax.f32 v37, $0.0e+00;
	v35 =	vld [tilespmem:$0x1FFB0];
	v6 =	vadd.f32 v18, v6  }
0x15d: {  	v37 =	vld [tilespmem:$0x1FB10];
	v18 =	vmax.f32 v38, $0.0e+00;
	v4 =	vadd.f32 v16, v4;
	v14 =	vadd.f32 v17, v14  }
0x15e: {  	v38 =	vld [tilespmem:$0x1FB40];
	v16 =	vmax.f32 v36, $0.0e+00;
	v13 =	vadd.f32 v18, v13;
	v7 =	vadd.f32 v44, v7  }
0x15f: {  	v1 =	vadd.f32 v48, v5;
	v36 =	vld [tilespmem:$0x1FFC0];
	v6 =	vadd.f32 v16, v6;
	v16 =	vmax.f32 v39, $0.0e+00  }
0x160: {  	v44 =	vld [tilespmem:$0x1FA50];
	v11 =	vmax.f32 v42, $0.0e+00;
	v4 =	vadd.f32 v16, v4;
	v9 =	vadd.f32 v9, v14  }
0x161: {  	v48 =	vld [tilespmem:$0x1FF30];
	v16 =	vmax.f32 v40, $0.0e+00;
	v11 =	vadd.f32 v11, v13;
	v3 =	vadd.f32 v45, v8  }
0x162: {  	v5 =	vmax.f32 v50, $0.0e+00;
	v50 =	vld [tilespmem:$0x1FF40];
	v7 =	vadd.f32 v32, v7;
	v6 =	vadd.f32 v16, v6  }
0x163: {  	v39 =	vld [tilespmem:$0x1FA10];
	v8 =	vmax.f32 v46, $0.0e+00;
	v2 =	vadd.f32 v49, v10;
	v1 =	vadd.f32 v35, v1  }
0x164: {  	v42 =	vld [tilespmem:$0x1FA30];
	v10 =	vmax.f32 v34, $0.0e+00;
	v4 =	vadd.f32 v12, v4;
	v8 =	vadd.f32 v8, v9  }
0x165: {  	v40 =	vld [tilespmem:$0x1FF50];
	v12 =	vmax.f32 v43, $0.0e+00;
	v5 =	vadd.f32 v5, v11;
	v3 =	vadd.f32 v33, v3  }
0x166: {  	v45 =	vld [tilespmem:$0x1FA80];
	v9 =	vmax.f32 v56, $0.0e+00;
	v6 =	vadd.f32 v12, v6;
	v2 =	vadd.f32 v36, v2  }
0x167: {  	v49 =	vld [tilespmem:$0x1F980];
	v11 =	vmax.f32 v37, $0.0e+00;
	v4 =	vadd.f32 v9, v4;
	v8 =	vadd.f32 v10, v8  }
0x168: {  	v43 =	vld [tilespmem:$0x1FF70];
	v9 =	vmax.f32 v61, $0.0e+00;
	v5 =	vadd.f32 v11, v5;
	v3 =	vadd.f32 v41, v3  }
0x169: {  	v56 =	vld [tilespmem:$0x1F9A0];
	v10 =	vmax.f32 v42, $0.0e+00;
	v11 =	vmax.f32 v44, $0.0e+00;
	v6 =	vadd.f32 v9, v6  }
0x16a: {  	v46 =	vld [tilespmem:$0x1F960];
	v9 =	vmax.f32 v38, $0.0e+00;
	v7 =	vadd.f32 v40, v7;
	v2 =	vadd.f32 v20, v2  }
0x16b: {  	v4 =	vadd.f32 v9, v4;
	v9 =	vmax.f32 v39, $0.0e+00;
	v8 =	vadd.f32 v10, v8  }
0x16c: {  	v5 =	vadd.f32 v11, v5;
	v3 =	vadd.f32 v48, v3;
	v10 =	vmax.f32 v49, $0.0e+00  }
0x16d: {  	v1 =	vadd.f32 v43, v1;
	v6 =	vadd.f32 v9, v6;
	v9 =	vmax.f32 v45, $0.0e+00  }
0x16e: {  	v7 =	vadd.f32 v62, v7;
	v2 =	vadd.f32 v50, v2;
	v11 =	vmax.f32 v56, $0.0e+00  }
0x16f: {  	v4 =	vadd.f32 v9, v4;
	v9 =	vmax.f32 v46, $0.0e+00;
	v8 =	vadd.f32 v10, v8  }
0x170: {  	v5 =	vadd.f32 v11, v5;
	v3 =	vadd.f32 v58, v3;
	v10 =	vmax.f32 v53, $0.0e+00  }
0x171: {  	v11 =	vmax.f32 v52, $0.0e+00;
	v1 =	vadd.f32 v63, v1;
	v6 =	vadd.f32 v9, v6  }
0x172: {  	v9 =	vmax.f32 v57, $0.0e+00;
	v7 =	vadd.f32 v54, v7;
	v2 =	vadd.f32 v60, v2  }
0x173: {  	v4 =	vadd.f32 v9, v4;
	v9 =	vmax.f32 v55, $0.0e+00;
	v8 =	vadd.f32 v10, v8  }
0x174: {  	v1 =	vadd.f32 v59, v1;
	v6 =	vadd.f32 v9, v6;
	v9 =	vmax.f32 v51, $0.0e+00  }
0x175: {  	v5 =	vadd.f32 v11, v5;
	v4 =	vadd.f32 v9, v4  }
0x176: {  	v3 =	vadd.f32 v3, v7;
	v1 =	vadd.f32 v2, v1  }
0x177: {  	v60 =	vadd.f32 v8, v6;
	v4 =	vadd.f32 v4, v5;
	_ =	sdelay $0x1  }
0x178: {  	v1 =	vadd.f32 v1, v3;
	v2 =	vadd.f32 v4, v60;
	_ =	sdelay $0x1  }
0x179: {  	v1 =	vadd.f32 v2, v1;
	_ =	sdelay $0x1  }
0x17a: {  	(xrf2) =	vadd.scan.msk.f32 $0xffff, v1;
	_ =	sdelay $0x9  }
0x17b: {  	v1, _, _ =	vpop (xrf2)  }
0x17c: {  	(v2sf) =	vpush v1, $0xF;
	_ =	sdelay $0xe  }
0x17d: {  	s18 =	spop (v2sf)  }
0x17e: {  	p2 =	sgt.f32 s18, $1.000000000e+00  }
0x17f: {  	s16 =	smov.u32 s31;
	s31 =	smov.u32 s0  }
0x180: {  	s30 =	smov.u32 @p2 s0;
	s31 =	smov.u32 @p2 s16  }
0x181: {  	v33 =	vld [tilespmem:$0x1F8D0];
	s26 =	sadd.f32 s31, s30;
	_ =	sdelay $0x1  }
0x182: {  	v34 =	vld [tilespmem:$0x1F8E0];
	s0 =	smul.f32 $5.000000000e-01, s26;
	_ =	sdelay $0x1  }
0x183: {  	v35 =	vld [tilespmem:$0x1F8F0];
	v1 =	vmov s0  }
0x184: {  	v0 =	vsub.f32 v33, v1  }
0x185: {  	v36 =	vld [tilespmem:$0x1F900]  }
0x186: {  	[tilespmem:$0x1F4A0] =	vst v0;
	v0 =	vsub.f32 v34, v1  }
0x187: {  	v37 =	vld [tilespmem:$0x1F910]  }
0x188: {  	[tilespmem:$0x1F490] =	vst v0;
	v0 =	vsub.f32 v35, v1  }
0x189: {  	v39 =	vld [tilespmem:$0x1F930]  }
0x18a: {  	[tilespmem:$0x1F470] =	vst v0;
	v0 =	vsub.f32 v36, v1  }
0x18b: {  	v40 =	vld [tilespmem:$0x1F940]  }
0x18c: {  	[tilespmem:$0x1F2F0] =	vst v0;
	v0 =	vsub.f32 v37, v1  }
0x18d: {  	v41 =	vld [tilespmem:$0x1F950]  }
0x18e: {  	[tilespmem:$0x1F3E0] =	vst v0;
	v0 =	vsub.f32 v39, v1  }
0x18f: {  	v42 =	vld [tilespmem:$0x1F970]  }
0x190: {  	[tilespmem:$0x1F300] =	vst v0;
	v0 =	vsub.f32 v40, v1  }
0x191: {  	v43 =	vld [tilespmem:$0x1F990]  }
0x192: {  	[tilespmem:$0x1F310] =	vst v0;
	v0 =	vsub.f32 v41, v1  }
0x193: {  	v44 =	vld [tilespmem:$0x1F9B0]  }
0x194: {  	[tilespmem:$0x1F960] =	vst v0;
	v0 =	vsub.f32 v42, v1  }
0x195: {  	v45 =	vld [tilespmem:$0x1F9C0]  }
0x196: {  	[tilespmem:$0x1F980] =	vst v0;
	v0 =	vsub.f32 v43, v1  }
0x197: {  	v46 =	vld [tilespmem:$0x1F9D0]  }
0x198: {  	[tilespmem:$0x1F9A0] =	vst v0;
	v0 =	vsub.f32 v44, v1  }
0x199: {  	v48 =	vld [tilespmem:$0x1F9E0]  }
0x19a: {  	[tilespmem:$0x1F320] =	vst v0;
	v0 =	vsub.f32 v45, v1  }
0x19b: {  	v49 =	vld [tilespmem:$0x1F9F0]  }
0x19c: {  	[tilespmem:$0x1F3A0] =	vst v0;
	v0 =	vsub.f32 v46, v1  }
0x19d: {  	v50 =	vld [tilespmem:$0x1FA00]  }
0x19e: {  	[tilespmem:$0x1F330] =	vst v0;
	v0 =	vsub.f32 v48, v1  }
0x19f: {  	v51 =	vld [tilespmem:$0x1FA20]  }
0x1a0: {  	v32 =	vld [tilespmem:$0x1F8C0];
	[tilespmem:$0x1F340] =	vst v0;
	v0 =	vsub.f32 v49, v1  }
0x1a1: {  	v52 =	vld [tilespmem:$0x1FA40]  }
0x1a2: {  	v61 =	vld [tilespmem:$0x1F890];
	[tilespmem:$0x1F360] =	vst v0;
	v0 =	vsub.f32 v50, v1  }
0x1a3: {  	v53 =	vld [tilespmem:$0x1FA60]  }
0x1a4: {  	v38 =	vld [tilespmem:$0x1F920];
	[tilespmem:$0x1FA10] =	vst v0;
	v0 =	vsub.f32 v51, v1  }
0x1a5: {  	v54 =	vld [tilespmem:$0x1FA70]  }
0x1a6: {  	v63 =	vld [tilespmem:$0x1F8B0];
	[tilespmem:$0x1FA30] =	vst v0;
	v0 =	vsub.f32 v52, v1  }
0x1a7: {  	v56 =	vld [tilespmem:$0x1FAA0]  }
0x1a8: {  	v55 =	vld [tilespmem:$0x1FA90];
	[tilespmem:$0x1FA50] =	vst v0;
	v0 =	vsub.f32 v53, v1  }
0x1a9: {  	v57 =	vld [tilespmem:$0x1FAB0]  }
0x1aa: {  	v58 =	vsub.f32 v61, v1;
	v61 =	vld [tilespmem:$0x1FAC0];
	[tilespmem:$0x1F350] =	vst v0;
	v0 =	vsub.f32 v54, v1  }
0x1ab: {  	v59 =	vsub.f32 v63, v1;
	v60 =	vsub.f32 v32, v1;
	v32 =	vld [tilespmem:$0x1FAE0]  }
0x1ac: {  	v63 =	vsub.f32 v38, v1;
	v38 =	vld [tilespmem:$0x1FB70];
	[tilespmem:$0x1FA80] =	vst v0;
	v0 =	vsub.f32 v56, v1  }
0x1ad: {  	v29 =	vsub.f32 v55, v1;
	v55 =	vld [tilespmem:$0x1FCB0]  }
0x1ae: {  	v33 =	vld [tilespmem:$0x1FB00];
	[tilespmem:$0x1F370] =	vst v0;
	v0 =	vsub.f32 v57, v1  }
0x1af: {  	v34 =	vld [tilespmem:$0x1FB20]  }
0x1b0: {  	v35 =	vld [tilespmem:$0x1FB30];
	[tilespmem:$0x1F380] =	vst v0;
	v0 =	vsub.f32 v61, v1  }
0x1b1: {  	v28 =	vsub.f32 v38, v1;
	v38 =	vld [tilespmem:$0x1FD50]  }
0x1b2: {  	v15 =	vsub.f32 v55, v1;
	v55 =	vld [tilespmem:$0x1FEA0];
	[tilespmem:$0x1FAD0] =	vst v0;
	v0 =	vsub.f32 v32, v1  }
0x1b3: {  	v39 =	vld [tilespmem:$0x1FB80]  }
0x1b4: {  	v36 =	vld [tilespmem:$0x1FB50];
	[tilespmem:$0x1FAF0] =	vst v0;
	v0 =	vsub.f32 v33, v1  }
0x1b5: {  	v40 =	vld [tilespmem:$0x1FBA0]  }
0x1b6: {  	v41 =	vld [tilespmem:$0x1FBC0];
	[tilespmem:$0x1FB10] =	vst v0;
	v0 =	vsub.f32 v35, v1  }
0x1b7: {  	v42 =	vld [tilespmem:$0x1FBE0]  }
0x1b8: {  	v37 =	vld [tilespmem:$0x1FB60];
	[tilespmem:$0x1FB40] =	vst v0;
	v0 =	vsub.f32 v39, v1  }
0x1b9: {  	v43 =	vld [tilespmem:$0x1FBF0]  }
0x1ba: {  	v44 =	vld [tilespmem:$0x1FC00];
	[tilespmem:$0x1FB90] =	vst v0;
	v0 =	vsub.f32 v40, v1  }
0x1bb: {  	v50 =	vld [tilespmem:$0x1FC30]  }
0x1bc: {  	v30 =	vsub.f32 v42, v1;
	v42 =	vld [tilespmem:$0x1FDA0];
	[tilespmem:$0x1FBB0] =	vst v0;
	v0 =	vsub.f32 v41, v1  }
0x1bd: {  	v51 =	vld [tilespmem:$0x1FC50]  }
0x1be: {  	v46 =	vld [tilespmem:$0x1FC10];
	[tilespmem:$0x1FBD0] =	vst v0;
	v0 =	vsub.f32 v43, v1  }
0x1bf: {  	v52 =	vld [tilespmem:$0x1FC70]  }
0x1c0: {  	v48 =	vsub.f32 v37, v1;
	v37 =	vld [tilespmem:$0x1FD40];
	[tilespmem:$0x1F3B0] =	vst v0;
	v0 =	vsub.f32 v50, v1  }
0x1c1: {  	v54 =	vld [tilespmem:$0x1FCA0]  }
0x1c2: {  	v49 =	vld [tilespmem:$0x1FC20];
	[tilespmem:$0x1FC40] =	vst v0;
	v0 =	vsub.f32 v51, v1  }
0x1c3: {  	v45 =	vsub.f32 v34, v1;
	v61 =	vld [tilespmem:$0x1FCE0]  }
0x1c4: {  	v34 =	vsub.f32 v46, v1;
	v46 =	vld [tilespmem:$0x1FE00];
	[tilespmem:$0x1FC60] =	vst v0;
	v0 =	vsub.f32 v52, v1  }
0x1c5: {  	v35 =	vld [tilespmem:$0x1FD00]  }
0x1c6: {  	v53 =	vld [tilespmem:$0x1FC90];
	[tilespmem:$0x1FC80] =	vst v0;
	v0 =	vsub.f32 v54, v1  }
0x1c7: {  	v33 =	vsub.f32 v36, v1;
	v36 =	vld [tilespmem:$0x1FD20]  }
0x1c8: {  	v7 =	vsub.f32 v37, v1;
	v37 =	vld [tilespmem:$0x1FEE0];
	[tilespmem:$0x1F390] =	vst v0;
	v0 =	vsub.f32 v61, v1  }
0x1c9: {  	v27 =	vsub.f32 v49, v1;
	v49 =	vld [tilespmem:$0x1FE10]  }
0x1ca: {  	v22 =	vsub.f32 v46, v1;
	v46 =	vld [tilespmem:$0x1F810];
	[tilespmem:$0x1FCF0] =	vst v0;
	v0 =	vsub.f32 v35, v1  }
0x1cb: {  	v56 =	vld [tilespmem:$0x1FCC0]  }
0x1cc: {  	v25 =	vsub.f32 v53, v1;
	v53 =	vld [tilespmem:$0x1FE60];
	[tilespmem:$0x1FD10] =	vst v0;
	v0 =	vsub.f32 v36, v1  }
0x1cd: {  	v43 =	vld [tilespmem:$0x1FDC0]  }
0x1ce: {  	v57 =	vld [tilespmem:$0x1FCD0];
	[tilespmem:$0x1FD30] =	vst v0;
	v0 =	vsub.f32 v38, v1  }
0x1cf: {  	v32 =	vsub.f32 v44, v1;
	v44 =	vld [tilespmem:$0x1FDE0]  }
0x1d0: {  	v26 =	vsub.f32 v56, v1;
	v56 =	vld [tilespmem:$0x1F840];
	[tilespmem:$0x1FD60] =	vst v0;
	v0 =	vsub.f32 v42, v1  }
0x1d1: {  	v39 =	vld [tilespmem:$0x1FD70]  }
0x1d2: {  	v40 =	vld [tilespmem:$0x1FD80];
	[tilespmem:$0x1FDB0] =	vst v0;
	v0 =	vsub.f32 v43, v1  }
0x1d3: {  	v24 =	vsub.f32 v57, v1;
	v57 =	vld [tilespmem:$0x1FEC0]  }
0x1d4: {  	v41 =	vld [tilespmem:$0x1FD90];
	[tilespmem:$0x1FDD0] =	vst v0;
	v0 =	vsub.f32 v44, v1  }
0x1d5: {  	v54 =	vld [tilespmem:$0x1FE80]  }
0x1d6: {  	v12 =	vsub.f32 v39, v1;
	v39 =	vld [tilespmem:$0x1FF00];
	[tilespmem:$0x1FDF0] =	vst v0;
	v0 =	vsub.f32 v49, v1  }
0x1d7: {  	v23 =	vsub.f32 v40, v1;
	v40 =	vld [tilespmem:$0x1F7D0]  }
0x1d8: {  	v50 =	vld [tilespmem:$0x1FE30];
	[tilespmem:$0x1FE20] =	vst v0;
	v0 =	vsub.f32 v53, v1  }
0x1d9: {  	v51 =	vld [tilespmem:$0x1FE40]  }
0x1da: {  	v10 =	vsub.f32 v41, v1;
	v41 =	vld [tilespmem:$0x1FF10];
	[tilespmem:$0x1FE70] =	vst v0;
	v0 =	vsub.f32 v54, v1  }
0x1db: {  	v52 =	vld [tilespmem:$0x1FE50]  }
0x1dc: {  	v20 =	vsub.f32 v40, v1;
	v40 =	vld [tilespmem:$0x1F7B0];
	[tilespmem:$0x1FE90] =	vst v0;
	v0 =	vsub.f32 v55, v1  }
0x1dd: {  	v38 =	vld [tilespmem:$0x1FEF0]  }
0x1de: {  	v16 =	vsub.f32 v51, v1;
	v51 =	vld [tilespmem:$0x1F820];
	[tilespmem:$0x1FEB0] =	vst v0;
	v0 =	vsub.f32 v57, v1  }
0x1df: {  	v35 =	vld [tilespmem:$0x1F870]  }
0x1e0: {  	v61 =	vld [tilespmem:$0x1F860];
	[tilespmem:$0x1FED0] =	vst v0;
	v0 =	vsub.f32 v37, v1  }
0x1e1: {  	v42 =	vld [tilespmem:$0x1F7E0]  }
0x1e2: {  	v36 =	vld [tilespmem:$0x1F880];
	[tilespmem:$0x1F510] =	vst v0;
	v0 =	vsub.f32 v38, v1  }
0x1e3: {  	v13 =	vsub.f32 v50, v1;
	v43 =	vld [tilespmem:$0x1F7F0]  }
0x1e4: {  	v50 =	vsub.f32 v35, v1;
	v35 =	vld [tilespmem:$0x1F760];
	[tilespmem:$0x1F520] =	vst v0;
	v0 =	vsub.f32 v39, v1  }
0x1e5: {  	v17 =	vsub.f32 v52, v1;
	v52 =	vsub.f32 v56, v1;
	v44 =	vld [tilespmem:$0x1F800]  }
0x1e6: {  	v56 =	vsub.f32 v42, v1;
	v42 =	vld [tilespmem:$0x1F7C0];
	[tilespmem:$0x1F540] =	vst v0;
	v0 =	vsub.f32 v41, v1  }
0x1e7: {  	v54 =	vld [tilespmem:$0x1F830]  }
0x1e8: {  	v18 =	vsub.f32 v43, v1;
	v43 =	vld [tilespmem:$0x1F6E0];
	[tilespmem:$0x1FF20] =	vst v0;
	v0 =	vsub.f32 v46, v1  }
0x1e9: {  	v55 =	vsub.f32 v61, v1;
	v61 =	vld [tilespmem:$0x1F850]  }
0x1ea: {  	v53 =	vsub.f32 v36, v1;
	v36 =	vld [tilespmem:$0x1F770];
	[tilespmem:$0x1F4D0] =	vst v0;
	v0 =	vsub.f32 v51, v1  }
0x1eb: {  	v38 =	vld [tilespmem:$0x1F790]  }
0x1ec: {  	v49 =	vsub.f32 v44, v1;
	v44 =	vld [tilespmem:$0x1F6F0];
	[tilespmem:$0x1F4E0] =	vst v0;
	v0 =	vsub.f32 v54, v1  }
0x1ed: {  	v39 =	vld [tilespmem:$0x1F7A0]  }
0x1ee: {  	v57 =	vld [tilespmem:$0x1F750];
	[tilespmem:$0x1F4F0] =	vst v0;
	v0 =	vsub.f32 v61, v1  }
0x1ef: {  	v37 =	vld [tilespmem:$0x1F780]  }
0x1f0: {  	v5 =	vsub.f32 v43, v1;
	v43 =	vld [tilespmem:$0x1F6A0];
	[tilespmem:$0x1F500] =	vst v0;
	v0 =	vsub.f32 v38, v1  }
0x1f1: {  	v11 =	vsub.f32 v36, v1;
	v36 =	vld [tilespmem:$0x1F730]  }
0x1f2: {  	v41 =	vld [tilespmem:$0x1F6D0];
	[tilespmem:$0x1F460] =	vst v0;
	v0 =	vsub.f32 v39, v1  }
0x1f3: {  	v14 =	vsub.f32 v57, v1;
	v51 =	vld [tilespmem:$0x1F710]  }
0x1f4: {  	v57 =	vsub.f32 v37, v1;
	v37 =	vld [tilespmem:$0x1F650];
	[tilespmem:$0x1F480] =	vst v0;
	v0 =	vsub.f32 v40, v1  }
0x1f5: {  	v61 =	vsub.f32 v35, v1;
	v35 =	vld [tilespmem:$0x1F720]  }
0x1f6: {  	v46 =	vld [tilespmem:$0x1F700];
	[tilespmem:$0x1F4B0] =	vst v0;
	v0 =	vsub.f32 v42, v1  }
0x1f7: {  	v6 =	vsub.f32 v41, v1;
	v41 =	vld [tilespmem:$0x1F680]  }
0x1f8: {  	v38 =	vld [tilespmem:$0x1F740];
	[tilespmem:$0x1F4C0] =	vst v0;
	v0 =	vsub.f32 v51, v1  }
0x1f9: {  	v39 =	vld [tilespmem:$0x1F660]  }
0x1fa: {  	v40 =	vld [tilespmem:$0x1F670];
	[tilespmem:$0x1F410] =	vst v0;
	v0 =	vsub.f32 v35, v1  }
0x1fb: {  	v42 =	vld [tilespmem:$0x1F690]  }
0x1fc: {  	v8 =	vsub.f32 v44, v1;
	v44 =	vld [tilespmem:$0x1F6B0];
	[tilespmem:$0x1F420] =	vst v0;
	v0 =	vsub.f32 v36, v1  }
0x1fd: {  	v54 =	vsub.f32 v46, v1;
	v46 =	vld [tilespmem:$0x1F550]  }
0x1fe: {  	v51 =	vsub.f32 v41, v1;
	v41 =	vld [tilespmem:$0x1F580];
	[tilespmem:$0x1F440] =	vst v0;
	v0 =	vsub.f32 v38, v1  }
0x1ff: {  	v35 =	vsub.f32 v37, v1;
	v37 =	vsub.f32 v40, v1;
	v40 =	vld [tilespmem:$0x1F570]  }
0x200: {  	v36 =	vsub.f32 v39, v1;
	v39 =	vld [tilespmem:$0x1F560];
	[tilespmem:$0x1F450] =	vst v0;
	v0 =	vsub.f32 v42, v1  }
0x201: {  	v38 =	vld [tilespmem:$0x1F6C0]  }
0x202: {  	v42 =	vld [tilespmem:$0x1F590];
	[tilespmem:$0x1F3C0] =	vst v0;
	v0 =	vsub.f32 v43, v1  }
0x203: {  	v43 =	vld [tilespmem:$0x1F5A0]  }
0x204: {  	v9 =	vsub.f32 v46, v1;
	v46 =	vld [tilespmem:$0x1F5B0];
	[tilespmem:$0x1F3D0] =	vst v0;
	v0 =	vsub.f32 v44, v1  }
0x205: {  	v44 =	vld [tilespmem:$0x1F630]  }
0x206: {  	[tilespmem:$0x1F3F0] =	vst v0;
	v0 =	vsub.f32 v38, v1;
	v38 =	vsub.f32 v39, v1  }
0x207: {  	v31 =	vld [tilespmem:$0x1F620];
	v39 =	vsub.f32 v40, v1;
	v40 =	vsub.f32 v41, v1  }
0x208: {  	v41 =	vsub.f32 v42, v1;
	v42 =	vsub.f32 v43, v1;
	v43 =	vld [tilespmem:$0x1F640]  }
0x209: {  	[tilespmem:$0x1F400] =	vst v0;
	v0 =	vsub.f32 v46, v1;
	v46 =	vld [tilespmem:$0x1F5D0]  }
0x20a: {  	v19 =	vsub.f32 v44, v1;
	v44 =	vld [tilespmem:$0x1F5C0]  }
0x20b: {  	v62 =	vld [tilespmem:$0x1F8A0]  }
0x20c: {  	v3 =	vld [tilespmem:$0x1F600]  }
0x20d: {  	v4 =	vld [tilespmem:$0x1F610]  }
0x20e: {  	v2 =	vsub.f32 v46, v1;
	v46 =	vld [tilespmem:$0x1F5F0]  }
0x20f: {  	v21 =	vsub.f32 v43, v1;
	v43 =	vsub.f32 v44, v1;
	v44 =	vld [tilespmem:$0x1F5E0];
	_ =	sdelay $0x2  }
0x210: {  	v62 =	vsub.f32 v62, v1;
	v3 =	vsub.f32 v3, v1  }
0x211: {  	v4 =	vsub.f32 v4, v1;
	v46 =	vsub.f32 v46, v1  }
0x212: {  	v44 =	vsub.f32 v44, v1;
	v1 =	vsub.f32 v31, v1;
	v31 =	vmax.f32 v58, $0.0e+00  }
0x213: {  	[tilespmem:$0x1F430] =	vst v31;
	v31 =	vld [tilespmem:$0x1F2F0];
	_ =	sdelay $0x3  }
0x214: {  	v29 =	vmax.f32 v29, $0.0e+00  }
0x215: {  	[tilespmem:$0x1FF90] =	vst v29;
	v29 =	vld [tilespmem:$0x1F360];
	v58 =	vmax.f32 v62, $0.0e+00;
	v62 =	vmax.f32 v31, $0.0e+00;
	v31 =	vmax.f32 v63, $0.0e+00  }
0x216: {  	[tilespmem:$0x1FF30] =	vst v31;
	v31 =	vld [tilespmem:$0x1F300];
	_ =	sdelay $0x4  }
0x217: {  	v29 =	vmax.f32 v29, $0.0e+00;
	v63 =	vmax.f32 v31, $0.0e+00;
	v31 =	vld [tilespmem:$0x1F310]  }
0x218: {  	[tilespmem:$0x1F530] =	vst v29;
	v29 =	vmax.f32 v45, $0.0e+00  }
0x219: {  	[tilespmem:$0x1FFA0] =	vst v29;
	v29 =	vld [tilespmem:$0x1F370];
	_ =	sdelay $0x2  }
0x21a: {  	v31 =	vmax.f32 v31, $0.0e+00  }
0x21b: {  	[tilespmem:$0x1FF40] =	vst v31;
	v31 =	vld [tilespmem:$0x1F320]  }
0x21c: {  	v29 =	vmax.f32 v29, $0.0e+00  }
0x21d: {  	[tilespmem:$0x1FFB0] =	vst v29;
	v29 =	vld [tilespmem:$0x1F380];
	_ =	sdelay $0x2  }
0x21e: {  	v3 =	vmax.f32 v3, $0.0e+00;
	v31 =	vmax.f32 v31, $0.0e+00  }
0x21f: {  	v4 =	vmax.f32 v4, $0.0e+00;
	v3 =	vadd.f32 $0.0e+00, v3;
	v28 =	vmax.f32 v28, $0.0e+00;
	[tilespmem:$0x1FF50] =	vst v31;
	v31 =	vld [tilespmem:$0x1F330]  }
0x220: {  	v4 =	vadd.f32 $0.0e+00, v4;
	[tilespmem:$0x1FFF0] =	vst v28;
	v45 =	vmax.f32 v30, $0.0e+00;
	v29 =	vmax.f32 v29, $0.0e+00  }
0x221: {  	v30 =	vmax.f32 v27, $0.0e+00;
	v28 =	vmax.f32 v32, $0.0e+00;
	[tilespmem:$0x1FFC0] =	vst v29;
	v29 =	vmax.f32 v33, $0.0e+00  }
0x222: {  	v32 =	vmax.f32 v34, $0.0e+00;
	v33 =	vmax.f32 v26, $0.0e+00;
	[tilespmem:$0x1FFD0] =	vst v29;
	v29 =	vmax.f32 v48, $0.0e+00  }
0x223: {  	v48 =	vmax.f32 v24, $0.0e+00;
	[tilespmem:$0x1FFE0] =	vst v29;
	v29 =	vmax.f32 v25, $0.0e+00;
	v24 =	vmax.f32 v13, $0.0e+00  }
0x224: {  	v13 =	vmax.f32 v16, $0.0e+00;
	v16 =	vmax.f32 v20, $0.0e+00;
	v31 =	vmax.f32 v31, $0.0e+00  }
0x225: {  	v25 =	vmax.f32 v52, $0.0e+00;
	v26 =	vmax.f32 v17, $0.0e+00;
	v20 =	vmax.f32 v50, $0.0e+00;
	[tilespmem:$0x1FF60] =	vst v31;
	v31 =	vld [tilespmem:$0x1F340]  }
0x226: {  	v17 =	vmax.f32 v56, $0.0e+00;
	v34 =	vmax.f32 v53, $0.0e+00;
	v27 =	vmax.f32 v55, $0.0e+00  }
0x227: {  	v5 =	vmax.f32 v5, $0.0e+00;
	v53 =	vmax.f32 v11, $0.0e+00;
	v0 =	vmax.f32 v0, $0.0e+00  }
0x228: {  	v8 =	vmax.f32 v8, $0.0e+00;
	v50 =	vmax.f32 v14, $0.0e+00;
	v14 =	vld [tilespmem:$0x1F3D0];
	v0 =	vadd.f32 $0.0e+00, v0  }
0x229: {  	v55 =	vmax.f32 v57, $0.0e+00;
	v6 =	vmax.f32 v6, $0.0e+00;
	v56 =	vmax.f32 v9, $0.0e+00  }
0x22a: {  	v54 =	vmax.f32 v54, $0.0e+00;
	v0 =	vadd.f32 v56, v0;
	v31 =	vmax.f32 v31, $0.0e+00  }
0x22b: {  	v52 =	vmax.f32 v61, $0.0e+00;
	v51 =	vmax.f32 v51, $0.0e+00;
	v35 =	vmax.f32 v35, $0.0e+00;
	[tilespmem:$0x1FF70] =	vst v31;
	v31 =	vld [tilespmem:$0x1F350]  }
0x22c: {  	v36 =	vmax.f32 v36, $0.0e+00;
	v42 =	vmax.f32 v42, $0.0e+00;
	v0 =	vadd.f32 v35, v0  }
0x22d: {  	v3 =	vadd.f32 v42, v3;
	v9 =	vmax.f32 v19, $0.0e+00;
	v19 =	vmax.f32 v14, $0.0e+00;
	v14 =	vld [tilespmem:$0x1F3F0]  }
0x22e: {  	v38 =	vmax.f32 v38, $0.0e+00;
	v39 =	vmax.f32 v39, $0.0e+00;
	v0 =	vadd.f32 v6, v0;
	v6 =	vld [tilespmem:$0x1F420]  }
0x22f: {  	v4 =	vadd.f32 v9, v4;
	v3 =	vadd.f32 v19, v3;
	v43 =	vmax.f32 v43, $0.0e+00  }
0x230: {  	v2 =	vmax.f32 v2, $0.0e+00;
	v43 =	vadd.f32 $0.0e+00, v43;
	v31 =	vmax.f32 v31, $0.0e+00  }
0x231: {  	v1 =	vmax.f32 v1, $0.0e+00;
	[tilespmem:$0x1FF80] =	vst v31;
	v31 =	vmax.f32 v15, $0.0e+00;
	v15 =	vmax.f32 v12, $0.0e+00  }
0x232: {  	v12 =	vmax.f32 v23, $0.0e+00;
	v23 =	vmax.f32 v22, $0.0e+00;
	v22 =	vmax.f32 v14, $0.0e+00;
	v14 =	vld [tilespmem:$0x1F400]  }
0x233: {  	v38 =	vadd.f32 v38, v43;
	v1 =	vadd.f32 $0.0e+00, v1;
	v6 =	vmax.f32 v6, $0.0e+00  }
0x234: {  	v11 =	vmax.f32 v21, $0.0e+00;
	v2 =	vadd.f32 $0.0e+00, v2;
	v3 =	vadd.f32 v6, v3;
	v6 =	vld [tilespmem:$0x1F450]  }
0x235: {  	v40 =	vmax.f32 v40, $0.0e+00;
	v1 =	vadd.f32 v11, v1;
	v11 =	vadd.f32 v36, v38  }
0x236: {  	v9 =	vld [tilespmem:$0x1F3C0];
	v2 =	vadd.f32 v39, v2;
	v46 =	vmax.f32 v46, $0.0e+00;
	v44 =	vmax.f32 v44, $0.0e+00  }
0x237: {  	v46 =	vadd.f32 $0.0e+00, v46;
	v5 =	vadd.f32 v5, v11;
	v11 =	vld [tilespmem:$0x1F440];
	v19 =	vmax.f32 v14, $0.0e+00  }
0x238: {  	v41 =	vmax.f32 v41, $0.0e+00;
	v44 =	vadd.f32 $0.0e+00, v44;
	v14 =	vld [tilespmem:$0x1F410];
	v1 =	vadd.f32 v19, v1  }
0x239: {  	v57 =	vld [tilespmem:$0x1F3A0];
	v0 =	vadd.f32 v50, v0;
	v46 =	vadd.f32 v41, v46;
	v6 =	vmax.f32 v6, $0.0e+00  }
0x23a: {  	v37 =	vmax.f32 v37, $0.0e+00;
	v44 =	vadd.f32 v40, v44;
	v1 =	vadd.f32 v6, v1;
	v6 =	vld [tilespmem:$0x1F460]  }
0x23b: {  	v61 =	vld [tilespmem:$0x1F390];
	v9 =	vmax.f32 v9, $0.0e+00;
	v2 =	vadd.f32 v37, v2;
	v4 =	vadd.f32 v22, v4  }
0x23c: {  	v56 =	vld [tilespmem:$0x1F3B0];
	v9 =	vadd.f32 v9, v46;
	v21 =	vadd.f32 v51, v44;
	v11 =	vmax.f32 v11, $0.0e+00  }
0x23d: {  	v2 =	vadd.f32 v8, v2;
	v4 =	vadd.f32 v11, v4;
	v11 =	vld [tilespmem:$0x1F480];
	v19 =	vmax.f32 v14, $0.0e+00  }
0x23e: {  	v50 =	vld [tilespmem:$0x1F540];
	v8 =	vadd.f32 v54, v21;
	v9 =	vadd.f32 v19, v9  }
0x23f: {  	v14 =	vld [tilespmem:$0x1F4B0];
	v6 =	vmax.f32 v6, $0.0e+00  }
0x240: {  	v8 =	vadd.f32 v55, v8;
	v6 =	vadd.f32 v6, v9;
	v9 =	vld [tilespmem:$0x1F4C0]  }
0x241: {  	v49 =	vmax.f32 v49, $0.0e+00;
	v46 =	vld [tilespmem:$0x1F510]  }
0x242: {  	v8 =	vadd.f32 v49, v8;
	v49 =	vld [tilespmem:$0x1F520];
	v11 =	vmax.f32 v11, $0.0e+00  }
0x243: {  	v59 =	vmax.f32 v59, $0.0e+00;
	v5 =	vadd.f32 v52, v5;
	v3 =	vadd.f32 v11, v3;
	v11 =	vld [tilespmem:$0x1F4E0]  }
0x244: {  	v60 =	vmax.f32 v60, $0.0e+00;
	v7 =	vmax.f32 v7, $0.0e+00;
	v2 =	vadd.f32 v53, v2;
	v44 =	vld [tilespmem:$0x1F500]  }
0x245: {  	v5 =	vadd.f32 v17, v5;
	v19 =	vmax.f32 v14, $0.0e+00;
	v14 =	vld [tilespmem:$0x1F4F0];
	v9 =	vmax.f32 v9, $0.0e+00  }
0x246: {  	v18 =	vmax.f32 v18, $0.0e+00;
	v0 =	vadd.f32 v16, v0;
	v1 =	vadd.f32 v9, v1;
	v9 =	vld [tilespmem:$0x1F4D0]  }
0x247: {  	p1 =	sne.s32 s1, $0x1;
	v10 =	vmax.f32 v10, $0.0e+00;
	v53 =	vld [tilespmem:$0x1F490];
	v2 =	vadd.f32 v18, v2;
	v27 =	vadd.f32 v27, v5  }
.Ltmp6:
0x248: {  	v51 =	vld [tilespmem:$0x1F3E0];
	v22 =	vmax.f32 v49, $0.0e+00;
	v49 =	vadd.f32 v34, v8;
	v11 =	vmax.f32 v11, $0.0e+00;
	(pc) =	sbr.rel @p1 .LBB2_10-.Ltmp6, $4  }
0x249: {  	v54 =	vld [tilespmem:$0x1F430];
	v21 =	vmax.f32 v46, $0.0e+00;
	v16 =	vadd.f32 v11, v3;
	v4 =	vadd.f32 v19, v4  }
0x24a: {  	v52 =	vld [tilespmem:$0x1F470];
	v3 =	vmax.f32 v44, $0.0e+00;
	v19 =	vadd.f32 v25, v0;
	v17 =	vmax.f32 v14, $0.0e+00  }
0x24b: {  	v55 =	vld [tilespmem:$0x1F4A0];
	v14 =	vadd.f32 v20, v2;
	v17 =	vadd.f32 v17, v4;
	v9 =	vmax.f32 v9, $0.0e+00  }
0x24c: {  	s1 =	sadd.s32 $0xFFFFFFFF, s1;
	v25 =	vmax.f32 v50, $0.0e+00;
	v20 =	vld [tilespmem:$0x1F530];
	v18 =	vadd.f32 v3, v1;
	v6 =	vadd.f32 v9, v6  }
0x24d: {  	v9 =	vld [tilespmem:$0x1FE70];
	_ =	sdelay $0x3  }
0x24e: {  	v0 =	vadd.f32 v21, v6  }
0x24f: {  	v9 =	vmax.f32 v9, $0.0e+00  }
0x250: {  	v0 =	vadd.f32 v9, v0;
	v9 =	vld [tilespmem:$0x1FE90];
	_ =	sdelay $0x3  }
0x251: {  	v1 =	vadd.f32 v22, v16;
	v2 =	vld [tilespmem:$0x1FF20]  }
0x252: {  	v9 =	vmax.f32 v9, $0.0e+00  }
0x253: {  	v4 =	vadd.f32 v23, v19;
	v1 =	vadd.f32 v9, v1;
	v9 =	vld [tilespmem:$0x1FED0];
	_ =	sdelay $0x1  }
0x254: {  	v4 =	vadd.f32 v7, v4;
	v7 =	vld [tilespmem:$0x1FDB0]  }
0x255: {  	v2 =	vmax.f32 v2, $0.0e+00  }
0x256: {  	v2 =	vadd.f32 v2, v18  }
0x257: {  	v9 =	vmax.f32 v9, $0.0e+00  }
0x258: {  	v2 =	vadd.f32 v9, v2;
	v9 =	vld [tilespmem:$0x1FE20]  }
0x259: {  	v7 =	vmax.f32 v7, $0.0e+00  }
0x25a: {  	v0 =	vadd.f32 v7, v0;
	v7 =	vld [tilespmem:$0x1FDD0];
	_ =	sdelay $0x2  }
0x25b: {  	v11 =	vld [tilespmem:$0x1FEB0];
	v9 =	vmax.f32 v9, $0.0e+00  }
0x25c: {  	v2 =	vadd.f32 v9, v2;
	v9 =	vld [tilespmem:$0x1FD10]  }
0x25d: {  	v7 =	vmax.f32 v7, $0.0e+00  }
0x25e: {  	v8 =	vadd.f32 v26, v49;
	v1 =	vadd.f32 v7, v1;
	v7 =	vld [tilespmem:$0x1FDF0];
	_ =	sdelay $0x1  }
0x25f: {  	v3 =	vadd.f32 v25, v17;
	v8 =	vadd.f32 v10, v8;
	v10 =	vld [tilespmem:$0x1FD30]  }
0x260: {  	v11 =	vmax.f32 v11, $0.0e+00;
	v9 =	vmax.f32 v9, $0.0e+00  }
0x261: {  	v3 =	vadd.f32 v11, v3;
	v1 =	vadd.f32 v9, v1;
	v9 =	vld [tilespmem:$0x1FC60]  }
0x262: {  	v7 =	vmax.f32 v7, $0.0e+00  }
0x263: {  	v3 =	vadd.f32 v7, v3;
	v7 =	vld [tilespmem:$0x1FCF0]  }
0x264: {  	v10 =	vmax.f32 v10, $0.0e+00  }
0x265: {  	v3 =	vadd.f32 v10, v3;
	v10 =	vld [tilespmem:$0x1FC80]  }
0x266: {  	v9 =	vmax.f32 v9, $0.0e+00  }
0x267: {  	v1 =	vadd.f32 v9, v1;
	v9 =	vld [tilespmem:$0x1FFA0]  }
0x268: {  	v6 =	vadd.f32 v13, v14;
	v4 =	vadd.f32 v29, v4;
	v7 =	vmax.f32 v7, $0.0e+00  }
0x269: {  	v5 =	vadd.f32 v24, v27;
	v0 =	vadd.f32 v7, v0;
	v7 =	vld [tilespmem:$0x1FD60]  }
0x26a: {  	v6 =	vadd.f32 v12, v6;
	v4 =	vadd.f32 v45, v4;
	v10 =	vmax.f32 v10, $0.0e+00  }
0x26b: {  	v5 =	vadd.f32 v15, v5;
	v3 =	vadd.f32 v10, v3;
	v10 =	vld [tilespmem:$0x1FFE0]  }
0x26c: {  	v6 =	vadd.f32 v33, v6;
	v4 =	vadd.f32 v9, v4;
	v9 =	vld [tilespmem:$0x1FFD0]  }
0x26d: {  	v5 =	vadd.f32 v31, v5  }
0x26e: {  	v6 =	vadd.f32 v32, v6;
	v7 =	vmax.f32 v7, $0.0e+00  }
0x26f: {  	v5 =	vadd.f32 v28, v5;
	v2 =	vadd.f32 v7, v2;
	v7 =	vld [tilespmem:$0x1FC40]  }
0x270: {  	v6 =	vadd.f32 v10, v6;
	v10 =	vld [tilespmem:$0x1FFF0]  }
0x271: {  	v8 =	vadd.f32 v48, v8;
	v5 =	vadd.f32 v9, v5;
	v9 =	vld [tilespmem:$0x1FBB0];
	_ =	sdelay $0x1  }
0x272: {  	v8 =	vadd.f32 v30, v8  }
0x273: {  	v7 =	vmax.f32 v7, $0.0e+00  }
0x274: {  	v0 =	vadd.f32 v7, v0;
	v7 =	vmax.f32 v61, $0.0e+00;
	v8 =	vadd.f32 v10, v8;
	v10 =	vld [tilespmem:$0x1FBD0]  }
0x275: {  	v2 =	vadd.f32 v7, v2;
	v7 =	vld [tilespmem:$0x1FB90];
	v9 =	vmax.f32 v9, $0.0e+00  }
0x276: {  	v1 =	vadd.f32 v9, v1;
	v9 =	vld [tilespmem:$0x1FF80];
	_ =	sdelay $0x2  }
0x277: {  	v10 =	vmax.f32 v10, $0.0e+00  }
0x278: {  	v3 =	vadd.f32 v10, v3;
	v10 =	vld [tilespmem:$0x1FFB0]  }
0x279: {  	v7 =	vmax.f32 v7, $0.0e+00;
	v4 =	vadd.f32 v9, v4;
	v9 =	vld [tilespmem:$0x1FF90]  }
0x27a: {  	v0 =	vadd.f32 v7, v0;
	v7 =	vmax.f32 v56, $0.0e+00  }
0x27b: {  	v2 =	vadd.f32 v7, v2;
	v7 =	vld [tilespmem:$0x1FAD0];
	_ =	sdelay $0x1  }
0x27c: {  	v6 =	vadd.f32 v10, v6;
	v10 =	vld [tilespmem:$0x1FFC0]  }
0x27d: {  	v5 =	vadd.f32 v9, v5;
	v9 =	vld [tilespmem:$0x1FAF0];
	_ =	sdelay $0x1  }
0x27e: {  	v7 =	vmax.f32 v7, $0.0e+00  }
0x27f: {  	v0 =	vadd.f32 v7, v0;
	v7 =	vld [tilespmem:$0x1FB40]  }
0x280: {  	v8 =	vadd.f32 v10, v8;
	v10 =	vld [tilespmem:$0x1FB10]  }
0x281: {  	v9 =	vmax.f32 v9, $0.0e+00  }
0x282: {  	v1 =	vadd.f32 v9, v1;
	v9 =	vld [tilespmem:$0x1FF50];
	_ =	sdelay $0x1  }
0x283: {  	v7 =	vmax.f32 v7, $0.0e+00  }
0x284: {  	v2 =	vadd.f32 v7, v2;
	v7 =	vld [tilespmem:$0x1FA10];
	v10 =	vmax.f32 v10, $0.0e+00  }
0x285: {  	v3 =	vadd.f32 v10, v3;
	v10 =	vld [tilespmem:$0x1FF70]  }
0x286: {  	v4 =	vadd.f32 v9, v4;
	v9 =	vld [tilespmem:$0x1FF60];
	_ =	sdelay $0x3  }
0x287: {  	v6 =	vadd.f32 v10, v6;
	v10 =	vld [tilespmem:$0x1FA50]  }
0x288: {  	v7 =	vmax.f32 v7, $0.0e+00;
	v5 =	vadd.f32 v9, v5;
	v9 =	vld [tilespmem:$0x1FA30]  }
0x289: {  	v0 =	vadd.f32 v7, v0;
	v7 =	vld [tilespmem:$0x1FA80];
	_ =	sdelay $0x2  }
0x28a: {  	v10 =	vmax.f32 v10, $0.0e+00  }
0x28b: {  	v3 =	vadd.f32 v10, v3;
	v10 =	vld [tilespmem:$0x1FF40];
	v9 =	vmax.f32 v9, $0.0e+00  }
0x28c: {  	v7 =	vmax.f32 v7, $0.0e+00;
	v1 =	vadd.f32 v9, v1;
	v9 =	vld [tilespmem:$0x1FF30]  }
0x28d: {  	v2 =	vadd.f32 v7, v2;
	v7 =	vld [tilespmem:$0x1F960]  }
0x28e: {  	v8 =	vadd.f32 v20, v8;
	_ =	sdelay $0x1  }
0x28f: {  	v8 =	vadd.f32 v10, v8;
	v10 =	vld [tilespmem:$0x1F9A0]  }
0x290: {  	v6 =	vadd.f32 v63, v6;
	v5 =	vadd.f32 v9, v5;
	v9 =	vld [tilespmem:$0x1F980]  }
0x291: {  	v7 =	vmax.f32 v7, $0.0e+00;
	v4 =	vadd.f32 v62, v4  }
0x292: {  	v6 =	vadd.f32 v59, v6;
	v0 =	vadd.f32 v7, v0;
	v7 =	vmax.f32 v57, $0.0e+00  }
0x293: {  	v2 =	vadd.f32 v7, v2;
	v7 =	vmax.f32 v55, $0.0e+00;
	v4 =	vadd.f32 v54, v4  }
0x294: {  	v8 =	vadd.f32 v60, v8;
	v0 =	vadd.f32 v7, v0;
	v7 =	vmax.f32 v51, $0.0e+00  }
0x295: {  	v2 =	vadd.f32 v7, v2;
	v10 =	vmax.f32 v10, $0.0e+00;
	v9 =	vmax.f32 v9, $0.0e+00  }
0x296: {  	v3 =	vadd.f32 v10, v3;
	v1 =	vadd.f32 v9, v1  }
0x297: {  	v10 =	vmax.f32 v52, $0.0e+00;
	v5 =	vadd.f32 v58, v5;
	v9 =	vmax.f32 v53, $0.0e+00  }
0x298: {  	v3 =	vadd.f32 v10, v3;
	v1 =	vadd.f32 v9, v1  }
0x299: {  	v4 =	vadd.f32 v5, v4;
	v5 =	vadd.f32 v8, v6  }
0x29a: {  	v0 =	vadd.f32 v1, v0;
	v1 =	vadd.f32 v2, v3;
	_ =	sdelay $0x1  }
0x29b: {  	v2 =	vadd.f32 v5, v4;
	v0 =	vadd.f32 v1, v0;
	_ =	sdelay $0x1  }
0x29c: {  	v0 =	vadd.f32 v0, v2;
	_ =	sdelay $0x1  }
0x29d: {  	(xrf2) =	vadd.scan.msk.f32 $0xffff, v0;
	_ =	sdelay $0x9  }
0x29e: {  	v0, _, _ =	vpop (xrf2)  }
0x29f: {  	(v2sf) =	vpush v0, $0xF;
	_ =	sdelay $0xe  }
0x2a0: {  	s1 =	spop (v2sf)  }
0x2a1: {  	_ =	strace $0x9000004A  }
0x2a2: {  	_ =	strace $0x8000004B  }
0x2a3: {  	v23 =	vld [tilespmem:$0x0]  }
0x2a4: {  	v28 =	vld [tilespmem:$0x10]  }
0x2a5: {  	v19 =	vld [tilespmem:$0x600]  }
0x2a6: {  	v30 =	vld [tilespmem:$0x280]  }
0x2a7: {  	v31 =	vld [tilespmem:$0x2C0]  }
0x2a8: {  	v54 =	vld [tilespmem:$0x4C0]  }
0x2a9: {  	v55 =	vld [tilespmem:$0x680]  }
0x2aa: {  	v9 =	vld [tilespmem:$0x140]  }
0x2ab: {  	v7 =	vld [tilespmem:$0x300]  }
0x2ac: {  	p1 =	sgt.f32 s1, $1.000000000e+00;
	v3 =	vld [tilespmem:$0x500]  }
0x2ad: {  	v1 =	vld [tilespmem:$0x540]  }
0x2ae: {  	s30 =	smov.u32 @p1 s0;
	v34 =	vld [tilespmem:$0x700]  }
0x2af: {  	v5 =	vld [tilespmem:$0x340];
	v0 =	vmov s30  }
0x2b0: {  	v38 =	vld [tilespmem:$0x100];
	v0 =	vadd.f32 $0.0e+00, v0  }
0x2b1: {  	v41 =	vld [tilespmem:$0x6C0]  }
0x2b2: {  	v42 =	vld [tilespmem:$0x480];
	v13 =	vbroadcast v0, $0x0  }
0x2b3: {  	v17 =	vld [tilespmem:$0xC0];
	v25 =	vadd.f32 $0.0e+00, v23  }
0x2b4: {  	v43 =	vld [tilespmem:$0x80];
	v29 =	vadd.f32 $0.0e+00, v28;
	vm1 =	vgt.f32 v1, v13;
	vm0 =	vgt.f32 v34, v13  }
0x2b5: {  	v35 =	vld [tilespmem:$0x510];
	vm2 =	vgt.f32 v3, v13;
	vm3 =	vgt.f32 v5, v13;
	vm4 =	vgt.f32 v7, v13  }
0x2b6: {  	v36 =	vld [tilespmem:$0x350];
	vm5 =	vgt.f32 v9, v13;
	vm6 =	vgt.f32 v38, v13;
	vm8 =	vgt.f32 v55, v13  }
0x2b7: {  	v37 =	vld [tilespmem:$0x310];
	vm9 =	vgt.f32 v54, v13;
	vm7 =	vgt.f32 v41, v13;
	vm10 =	vgt.f32 v42, v13  }
0x2b8: {  	v39 =	vld [tilespmem:$0x150];
	vm11 =	vgt.f32 v31, v13;
	vm12 =	vgt.f32 v30, v13;
	vm14 =	vgt.f32 v17, v13  }
0x2b9: {  	v40 =	vld [tilespmem:$0x110];
	[tilespmem:$0x1E6E0] =	vst v1;
	vm13 =	vgt.f32 v43, v13;
	vm15 =	vgt.f32 v19, v13;
	v2 =	vsel vm1, $0x3F800000, v47  }
0x2ba: {  	[tilespmem:$0x1E6F0] =	vst v3;
	v1 =	vnsel vm1, $0x0, v1;
	v4 =	vsel vm2, $0x3F800000, v47;
	v3 =	vnsel vm2, $0x0, v3  }
0x2bb: {  	[tilespmem:$0x1E700] =	vst v5;
	vm1 =	vgt.f32 v35, v13;
	v6 =	vsel vm3, $0x3F800000, v47;
	vm2 =	vgt.f32 v36, v13  }
0x2bc: {  	v21 =	vld [tilespmem:$0x440];
	[tilespmem:$0x1E710] =	vst v7;
	v5 =	vnsel vm3, $0x0, v5;
	vm3 =	vgt.f32 v37, v13;
	v8 =	vsel vm4, $0x3F800000, v47  }
0x2bd: {  	v24 =	vld [tilespmem:$0x240];
	[tilespmem:$0x1E720] =	vst v9;
	v7 =	vnsel vm4, $0x0, v7;
	v10 =	vsel vm5, $0x3F800000, v47;
	v9 =	vnsel vm5, $0x0, v9  }
0x2be: {  	vm4 =	vgt.f32 v39, v13;
	v11 =	vsel vm6, $0x3F800000, v47;
	vm5 =	vgt.f32 v40, v13  }
0x2bf: {  	v44 =	vld [tilespmem:$0x40];
	v56 =	vsel vm8, $0x3F800000, v47;
	v57 =	vsel vm9, $0x3F800000, v47;
	v0 =	vsel vm11, $0x3F800000, v47  }
0x2c0: {  	v58 =	vld [tilespmem:$0x200];
	[tilespmem:$0x1E730] =	vst v17;
	v15 =	vsel vm12, $0x3F800000, v47;
	v16 =	vsel vm14, $0x3F800000, v47;
	v17 =	vnsel vm14, $0x0, v17  }
0x2c1: {  	[tilespmem:$0x1E740] =	vst v19;
	vm14 =	vgt.f32 v21, v13;
	v18 =	vsel vm15, $0x3F800000, v47;
	v19 =	vnsel vm15, $0x0, v19  }
0x2c2: {  	v46 =	vld [tilespmem:$0x50];
	[tilespmem:$0x1E750] =	vst v21;
	vm15 =	vgt.f32 v24, v13;
	v49 =	vsel vm7, $0x3F800000, v47;
	v50 =	vnsel vm6, $0x0, v38  }
0x2c3: {  	[tilespmem:$0x1E760] =	vst v23;
	v20 =	vsel vm14, $0x3F800000, v47;
	v21 =	vnsel vm14, $0x0, v21;
	v22 =	vsel vm15, $0x3F800000, v47  }
0x2c4: {  	v59 =	vld [tilespmem:$0x210];
	[tilespmem:$0x1E770] =	vst v24;
	vm14 =	vgt.f32 v23, v13;
	v23 =	vnsel vm15, $0x0, v24;
	vm15 =	vgt.f32 v44, v13  }
0x2c5: {  	[tilespmem:$0x1E780] =	vst v25;
	v24 =	vsel vm14, $0x3F800000, v47;
	v25 =	vnsel vm14, $0x0, v25;
	vm14 =	vgt.f32 v58, v13  }
0x2c6: {  	v60 =	vld [tilespmem:$0x400];
	v52 =	vsel vm4, $0x3F800000, v47;
	v26 =	vsel vm15, $0x3F800000, v47;
	v27 =	vsel vm14, $0x3F800000, v47  }
0x2c7: {  	v24 =	vadd.f32 v26, v24;
	v26 =	vnsel vm15, $0x0, v44;
	vm15 =	vgt.f32 v46, v13  }
0x2c8: {  	[tilespmem:$0x1E7B0] =	vst v28;
	v25 =	vadd.f32 v26, v25;
	v26 =	vnsel vm14, $0x0, v58;
	vm14 =	vgt.f32 v28, v13  }
0x2c9: {  	v61 =	vld [tilespmem:$0x250];
	[tilespmem:$0x1E7C0] =	vst v29;
	v28 =	vsel vm14, $0x3F800000, v47;
	v29 =	vnsel vm14, $0x0, v29;
	vm14 =	vgt.f32 v59, v13  }
0x2ca: {  	v24 =	vadd.f32 v27, v24;
	v27 =	vsel vm15, $0x3F800000, v47;
	v25 =	vadd.f32 v26, v25  }
0x2cb: {  	v62 =	vld [tilespmem:$0x640];
	[tilespmem:$0x1E790] =	vst v44;
	v26 =	vadd.f32 v27, v28;
	v27 =	vnsel vm15, $0x0, v46;
	vm15 =	vgt.f32 v60, v13  }
0x2cc: {  	v63 =	vld [tilespmem:$0x410];
	[tilespmem:$0x1E7A0] =	vst v58;
	v28 =	vsel vm14, $0x3F800000, v47;
	v27 =	vadd.f32 v27, v29;
	v22 =	vadd.f32 v22, v24  }
0x2cd: {  	[tilespmem:$0x1E7D0] =	vst v46;
	v24 =	vsel vm15, $0x3F800000, v47;
	v23 =	vadd.f32 v23, v25;
	v25 =	vnsel vm14, $0x0, v59  }
0x2ce: {  	[tilespmem:$0x1E7E0] =	vst v59;
	v26 =	vadd.f32 v28, v26;
	v28 =	vld [tilespmem:$0x450];
	vm14 =	vgt.f32 v61, v13;
	v25 =	vadd.f32 v25, v27  }
0x2cf: {  	[tilespmem:$0x1E7F0] =	vst v60;
	v27 =	vsel vm14, $0x3F800000, v47;
	v22 =	vadd.f32 v24, v22;
	v24 =	vnsel vm15, $0x0, v60  }
0x2d0: {  	[tilespmem:$0x1E800] =	vst v61;
	vm15 =	vgt.f32 v62, v13;
	v23 =	vadd.f32 v24, v23;
	v24 =	vnsel vm14, $0x0, v61  }
0x2d1: {  	[tilespmem:$0x1E810] =	vst v63;
	v26 =	vadd.f32 v27, v26;
	v27 =	vld [tilespmem:$0x610];
	vm14 =	vgt.f32 v63, v13;
	v24 =	vadd.f32 v24, v25  }
0x2d2: {  	[tilespmem:$0x1E830] =	vst v62;
	v25 =	vsel vm14, $0x3F800000, v47;
	v20 =	vadd.f32 v20, v22;
	v22 =	vnsel vm14, $0x0, v63  }
0x2d3: {  	[tilespmem:$0x1E850] =	vst v43;
	v25 =	vadd.f32 v25, v26;
	v26 =	vld [tilespmem:$0x650];
	v21 =	vadd.f32 v21, v23;
	vm14 =	vgt.f32 v28, v13  }
0x2d4: {  	[tilespmem:$0x1E880] =	vst v30;
	v22 =	vadd.f32 v22, v24;
	v18 =	vadd.f32 v18, v20;
	v20 =	vsel vm15, $0x3F800000, v47  }
0x2d5: {  	[tilespmem:$0x1E8A0] =	vst v31;
	v23 =	vsel vm14, $0x3F800000, v47;
	v24 =	vnsel vm14, $0x0, v28;
	v19 =	vadd.f32 v19, v21  }
0x2d6: {  	[tilespmem:$0x1E8C0] =	vst v42;
	v23 =	vadd.f32 v23, v25;
	vm14 =	vgt.f32 v27, v13;
	v21 =	vadd.f32 v24, v22  }
0x2d7: {  	[tilespmem:$0x1E8E0] =	vst v54;
	v25 =	vld [tilespmem:$0x90];
	v18 =	vadd.f32 v20, v18;
	v20 =	vsel vm13, $0x3F800000, v47;
	v22 =	vsel vm14, $0x3F800000, v47  }
0x2d8: {  	[tilespmem:$0x1E900] =	vst v55;
	v29 =	vld [tilespmem:$0xD0];
	v22 =	vadd.f32 v22, v23;
	v23 =	vnsel vm15, $0x0, v62;
	vm15 =	vgt.f32 v26, v13  }
0x2d9: {  	[tilespmem:$0x1E920] =	vst v38;
	v18 =	vadd.f32 v20, v18;
	v19 =	vadd.f32 v23, v19;
	v23 =	vnsel vm14, $0x0, v27  }
0x2da: {  	[tilespmem:$0x1E930] =	vst v41;
	v59 =	vimm.s32 $0x0;
	v21 =	vadd.f32 v23, v21;
	v23 =	vsel vm15, $0x3F800000, v47  }
0x2db: {  	v53 =	vld [tilespmem:$0x5E0];
	[tilespmem:$0x1E960] =	vst v40;
	v20 =	vnsel vm13, $0x0, v43;
	v16 =	vadd.f32 v16, v18;
	v22 =	vadd.f32 v23, v22  }
0x2dc: {  	[tilespmem:$0x1E970] =	vst v39;
	v23 =	vld [tilespmem:$0x290];
	vm13 =	vgt.f32 v25, v13;
	v19 =	vadd.f32 v20, v19;
	v20 =	vnsel vm15, $0x0, v26  }
0x2dd: {  	[tilespmem:$0x1E980] =	vst v37;
	v38 =	vld [tilespmem:$0x320];
	vm14 =	vgt.f32 v29, v13;
	v20 =	vadd.f32 v20, v21;
	v21 =	vsel vm13, $0x3F800000, v47  }
0x2de: {  	[tilespmem:$0x1E990] =	vst v36;
	v58 =	vld [tilespmem:$0x770];
	v15 =	vadd.f32 v15, v16;
	v18 =	vadd.f32 v21, v22;
	v21 =	vnsel vm13, $0x0, v25  }
0x2df: {  	[tilespmem:$0x1E9A0] =	vst v35;
	v17 =	vadd.f32 v17, v19;
	v22 =	vld [tilespmem:$0x2D0];
	v20 =	vadd.f32 v21, v20;
	v21 =	vsel vm14, $0x3F800000, v47  }
0x2e0: {  	[tilespmem:$0x1E9B0] =	vst v34;
	v19 =	vnsel vm12, $0x0, v30;
	v0 =	vadd.f32 v0, v15;
	v16 =	vadd.f32 v21, v18  }
0x2e1: {  	[tilespmem:$0x1EBA0] =	vst v53;
	v18 =	vnsel vm14, $0x0, v29;
	v17 =	vadd.f32 v19, v17;
	vm12 =	vgt.f32 v23, v13  }
0x2e2: {  	[tilespmem:$0x1EE50] =	vst v38;
	v21 =	vld [tilespmem:$0x490];
	v19 =	vnsel vm11, $0x0, v31;
	v18 =	vadd.f32 v18, v20;
	v15 =	vsel vm12, $0x3F800000, v47  }
0x2e3: {  	[tilespmem:$0x1ED30] =	vst v58;
	v20 =	vld [tilespmem:$0x4D0];
	v17 =	vadd.f32 v19, v17;
	v19 =	vsel vm10, $0x3F800000, v47;
	v15 =	vadd.f32 v15, v16  }
0x2e4: {  	[tilespmem:$0x1E820] =	vst v28;
	v28 =	vld [tilespmem:$0x5C0];
	v16 =	vnsel vm12, $0x0, v23;
	vm11 =	vgt.f32 v22, v13;
	v0 =	vadd.f32 v19, v0  }
0x2e5: {  	[tilespmem:$0x1E890] =	vst v29;
	v24 =	vld [tilespmem:$0x20];
	v16 =	vadd.f32 v16, v18;
	v18 =	vnsel vm10, $0x0, v42;
	v19 =	vsel vm11, $0x3F800000, v47  }
0x2e6: {  	[tilespmem:$0x1E840] =	vst v27;
	v27 =	vld [tilespmem:$0x30];
	v15 =	vadd.f32 v19, v15;
	v19 =	vnsel vm11, $0x0, v22;
	v17 =	vadd.f32 v18, v17  }
0x2e7: {  	[tilespmem:$0x1E8D0] =	vst v22;
	v22 =	vld [tilespmem:$0x690];
	vm11 =	vgt.f32 v21, v13;
	v18 =	vnsel vm9, $0x0, v54;
	v0 =	vadd.f32 v57, v0  }
0x2e8: {  	[tilespmem:$0x1E870] =	vst v25;
	v25 =	vld [tilespmem:$0x3E0];
	vm10 =	vgt.f32 v20, v13;
	v16 =	vadd.f32 v19, v16;
	v48 =	vsel vm11, $0x3F800000, v47  }
0x2e9: {  	[tilespmem:$0x1E860] =	vst v26;
	v26 =	vld [tilespmem:$0x60];
	v14 =	vadd.f32 v48, v15;
	v15 =	vnsel vm11, $0x0, v21;
	v17 =	vadd.f32 v18, v17  }
0x2ea: {  	[tilespmem:$0x1EA90] =	vst v28;
	v18 =	vld [tilespmem:$0x6D0];
	v0 =	vadd.f32 v56, v0;
	v15 =	vadd.f32 v15, v16;
	v16 =	vsel vm10, $0x3F800000, v47  }
0x2eb: {  	v60 =	vimm.s32 $0x0;
	v43 =	vadd.f32 $0.0e+00, v24;
	[tilespmem:$0x1E8F0] =	vst v21;
	v21 =	vld [tilespmem:$0x1E0];
	v14 =	vadd.f32 v16, v14  }
0x2ec: {  	[tilespmem:$0x1F280] =	vst v24;
	v30 =	vld [tilespmem:$0x790];
	v16 =	vnsel vm8, $0x0, v55;
	v0 =	vadd.f32 v49, v0;
	vm8 =	vgt.f32 v22, v13  }
0x2ed: {  	[tilespmem:$0x1F290] =	vst v43;
	v16 =	vadd.f32 v16, v17;
	v17 =	vnsel vm10, $0x0, v20;
	vm10 =	vgt.f32 v25, v13  }
0x2ee: {  	[tilespmem:$0x1F2D0] =	vst v27;
	v29 =	vld [tilespmem:$0x780];
	v15 =	vadd.f32 v17, v15;
	v17 =	vsel vm8, $0x3F800000, v47;
	v0 =	vadd.f32 v11, v0  }
0x2ef: {  	v31 =	vld [tilespmem:$0x7D0];
	[tilespmem:$0x1E8B0] =	vst v23;
	v14 =	vadd.f32 v17, v14;
	v17 =	vnsel vm7, $0x0, v41;
	vm6 =	vgt.f32 v18, v13  }
0x2f0: {  	[tilespmem:$0x1F2A0] =	vst v26;
	v23 =	vld [tilespmem:$0x580];
	vm14 =	vgt.f32 v21, v13;
	v16 =	vadd.f32 v17, v16;
	v17 =	vnsel vm8, $0x0, v22  }
0x2f1: {  	[tilespmem:$0x1EAE0] =	vst v30;
	v42 =	vld [tilespmem:$0x560];
	v0 =	vadd.f32 v10, v0;
	v15 =	vadd.f32 v17, v15;
	v17 =	vsel vm6, $0x3F800000, v47  }
0x2f2: {  	[tilespmem:$0x1EC10] =	vst v25;
	v54 =	vld [tilespmem:$0x7A0];
	v51 =	vnsel vm6, $0x0, v18;
	v11 =	vadd.f32 v17, v14;
	v12 =	vadd.f32 v50, v16  }
0x2f3: {  	[tilespmem:$0x1EAB0] =	vst v29;
	v57 =	vld [tilespmem:$0x760];
	v0 =	vadd.f32 v8, v0;
	v14 =	vadd.f32 v51, v15;
	v15 =	vsel vm5, $0x3F800000, v47  }
0x2f4: {  	[tilespmem:$0x1EAF0] =	vst v31;
	v56 =	vld [tilespmem:$0x7B0];
	v10 =	vadd.f32 v15, v11;
	v11 =	vnsel vm5, $0x0, v40;
	v9 =	vadd.f32 v9, v12  }
0x2f5: {  	[tilespmem:$0x1E910] =	vst v20;
	v19 =	vld [tilespmem:$0x1C0];
	vm6 =	vgt.f32 v53, v13;
	v0 =	vadd.f32 v6, v0;
	v11 =	vadd.f32 v11, v14  }
0x2f6: {  	[tilespmem:$0x1EA70] =	vst v23;
	v55 =	vld [tilespmem:$0x7E0];
	v8 =	vadd.f32 v52, v10;
	v10 =	vnsel vm4, $0x0, v39;
	v7 =	vadd.f32 v7, v9  }
0x2f7: {  	[tilespmem:$0x1ED90] =	vst v42;
	v20 =	vld [tilespmem:$0x6E0];
	v0 =	vadd.f32 v4, v0;
	v9 =	vadd.f32 v10, v11;
	v10 =	vsel vm3, $0x3F800000, v47  }
0x2f8: {  	[tilespmem:$0x1E950] =	vst v18;
	v18 =	vld [tilespmem:$0x4A0];
	v52 =	vnsel vm14, $0x0, v21;
	v6 =	vadd.f32 v10, v8;
	v8 =	vnsel vm3, $0x0, v37  }
0x2f9: {  	[tilespmem:$0x1E940] =	vst v22;
	v11 =	vld [tilespmem:$0x550];
	v5 =	vadd.f32 v5, v7;
	v0 =	vadd.f32 v2, v0;
	vm3 =	vgt.f32 v56, v13  }
0x2fa: {  	[tilespmem:$0x1EB60] =	vst v54;
	v22 =	vld [tilespmem:$0x3C0];
	v7 =	vadd.f32 v8, v9;
	v8 =	vsel vm2, $0x3F800000, v47;
	v33 =	vsel vm3, $0xFFFFFFFF, v59  }
0x2fb: {  	[tilespmem:$0x1ED10] =	vst v57;
	v9 =	vld [tilespmem:$0x710];
	v4 =	vadd.f32 v8, v6;
	v6 =	vnsel vm2, $0x0, v36;
	v3 =	vadd.f32 v3, v5  }
0x2fc: {  	[tilespmem:$0x1EA10] =	vst v19;
	v8 =	vld [tilespmem:$0x740];
	v36 =	vsel vm6, $0xFFFFFFFF, v60;
	v5 =	vadd.f32 v6, v7;
	v6 =	vsel vm1, $0x3F800000, v47  }
0x2fd: {  	[tilespmem:$0x1EB80] =	vst v56;
	v17 =	vld [tilespmem:$0x750];
	v2 =	vadd.f32 v6, v4;
	v4 =	vnsel vm1, $0x0, v35;
	v1 =	vadd.f32 v1, v3  }
0x2fe: {  	[tilespmem:$0x1EC90] =	vst v21;
	vm1 =	vgt.f32 v11, v13;
	v3 =	vadd.f32 v4, v5;
	v4 =	vsel vm0, $0x3F800000, v47  }
0x2ff: {  	[tilespmem:$0x1EB20] =	vst v55;
	v7 =	vld [tilespmem:$0x180];
	v5 =	vsel vm1, $0x3F800000, v47;
	v0 =	vadd.f32 v4, v0;
	v4 =	vnsel vm0, $0x0, v34  }
0x300: {  	v16 =	vld [tilespmem:$0xE0];
	[tilespmem:$0x1EF60] =	vst v20;
	v2 =	vadd.f32 v5, v2;
	vm2 =	vgt.f32 v9, v13;
	v1 =	vadd.f32 v4, v1  }
0x301: {  	v15 =	vld [tilespmem:$0x260];
	[tilespmem:$0x1EA50] =	vst v22;
	vm0 =	vgt.f32 v8, v13;
	v4 =	vnsel vm1, $0x0, v11;
	v5 =	vsel vm2, $0x3F800000, v47  }
0x302: {  	v40 =	vld [tilespmem:$0x520];
	[tilespmem:$0x1F080] =	vst v18;
	vm1 =	vgt.f32 v17, v13;
	v3 =	vadd.f32 v4, v3;
	v4 =	vsel vm0, $0x3F800000, v47  }
0x303: {  	[tilespmem:$0x1E9C0] =	vst v11;
	v11 =	vld [tilespmem:$0x190];
	v2 =	vadd.f32 v5, v2;
	v0 =	vadd.f32 v4, v0;
	v4 =	vnsel vm0, $0x0, v8  }
0x304: {  	v12 =	vld [tilespmem:$0x620];
	[tilespmem:$0x1EA00] =	vst v17;
	vm0 =	vgt.f32 v7, v13;
	v1 =	vadd.f32 v4, v1;
	v4 =	vnsel vm2, $0x0, v9  }
0x305: {  	[tilespmem:$0x1E9E0] =	vst v9;
	v5 =	vsel vm1, $0x3F800000, v47;
	v9 =	vld [tilespmem:$0x380];
	v3 =	vadd.f32 v4, v3;
	v4 =	vsel vm0, $0x3F800000, v47  }
0x306: {  	v14 =	vld [tilespmem:$0x460];
	[tilespmem:$0x1F160] =	vst v16;
	v2 =	vadd.f32 v5, v2;
	v0 =	vadd.f32 v4, v0;
	v4 =	vnsel vm0, $0x0, v7  }
0x307: {  	[tilespmem:$0x1E9F0] =	vst v7;
	v7 =	vld [tilespmem:$0x1D0];
	vm0 =	vgt.f32 v19, v13;
	v1 =	vadd.f32 v4, v1;
	v4 =	vnsel vm1, $0x0, v17  }
0x308: {  	[tilespmem:$0x1EDD0] =	vst v40;
	vm2 =	vgt.f32 v11, v13;
	v17 =	vld [tilespmem:$0x390];
	v3 =	vadd.f32 v4, v3;
	v4 =	vsel vm0, $0x3F800000, v47  }
0x309: {  	[tilespmem:$0x1F200] =	vst v12;
	v5 =	vsel vm2, $0x3F800000, v47;
	v0 =	vadd.f32 v4, v0;
	v4 =	vnsel vm0, $0x0, v19  }
0x30a: {  	[tilespmem:$0x1F260] =	vst v15;
	vm0 =	vgt.f32 v9, v13;
	v1 =	vadd.f32 v4, v1;
	v4 =	vnsel vm2, $0x0, v11  }
0x30b: {  	v21 =	vld [tilespmem:$0x430];
	[tilespmem:$0x1EB70] =	vst v33;
	v2 =	vadd.f32 v5, v2;
	v3 =	vadd.f32 v4, v3;
	v4 =	vsel vm0, $0x3F800000, v47  }
0x30c: {  	v10 =	vld [tilespmem:$0xA0];
	[tilespmem:$0x1F220] =	vst v14;
	vm1 =	vgt.f32 v7, v13;
	v0 =	vadd.f32 v4, v0;
	v4 =	vnsel vm0, $0x0, v9  }
0x30d: {  	[tilespmem:$0x1EA30] =	vst v9;
	v5 =	vsel vm1, $0x3F800000, v47;
	v9 =	vld [tilespmem:$0x3D0];
	vm0 =	vgt.f32 v22, v13;
	vm2 =	vgt.f32 v17, v13  }
0x30e: {  	[tilespmem:$0x1EB90] =	vst v36;
	v6 =	vld [tilespmem:$0x2E0];
	v2 =	vadd.f32 v5, v2;
	v1 =	vadd.f32 v4, v1;
	v4 =	vnsel vm1, $0x0, v7  }
0x30f: {  	[tilespmem:$0x1EA40] =	vst v7;
	v7 =	vld [tilespmem:$0x590];
	v5 =	vsel vm2, $0x3F800000, v47;
	v3 =	vadd.f32 v4, v3;
	v4 =	vsel vm0, $0x3F800000, v47  }
0x310: {  	[tilespmem:$0x1E9D0] =	vst v8;
	v8 =	vld [tilespmem:$0x6A0];
	v0 =	vadd.f32 v4, v0;
	v2 =	vadd.f32 v5, v2;
	v4 =	vnsel vm0, $0x0, v22  }
0x311: {  	[tilespmem:$0x1F250] =	vst v21;
	vm0 =	vgt.f32 v23, v13;
	v22 =	vld [tilespmem:$0x5A0];
	v1 =	vadd.f32 v4, v1;
	v4 =	vnsel vm2, $0x0, v17  }
0x312: {  	[tilespmem:$0x1F1A0] =	vst v10;
	v19 =	vld [tilespmem:$0x1F0];
	v3 =	vadd.f32 v4, v3;
	vm1 =	vgt.f32 v9, v13;
	v4 =	vsel vm0, $0x3F800000, v47  }
0x313: {  	[tilespmem:$0x1EA60] =	vst v17;
	v17 =	vld [tilespmem:$0x5B0];
	v0 =	vadd.f32 v4, v0;
	v4 =	vnsel vm0, $0x0, v23;
	v5 =	vsel vm1, $0x3F800000, v47  }
0x314: {  	[tilespmem:$0x1F0E0] =	vst v6;
	vm0 =	vgt.f32 v28, v13;
	vm2 =	vgt.f32 v7, v13;
	v2 =	vadd.f32 v5, v2  }
0x315: {  	[tilespmem:$0x1EA20] =	vst v11;
	v11 =	vld [tilespmem:$0x3A0];
	v1 =	vadd.f32 v4, v1;
	v4 =	vnsel vm1, $0x0, v9;
	v5 =	vsel vm2, $0x3F800000, v47  }
0x316: {  	[tilespmem:$0x1EFC0] =	vst v8;
	v23 =	vld [tilespmem:$0x5D0];
	v3 =	vadd.f32 v4, v3;
	v4 =	vsel vm0, $0x3F800000, v47;
	vm8 =	vgt.f32 v22, v13  }
0x317: {  	[tilespmem:$0x1ECB0] =	vst v19;
	v0 =	vadd.f32 v4, v0;
	v2 =	vadd.f32 v5, v2;
	v4 =	vnsel vm0, $0x0, v28  }
0x318: {  	[tilespmem:$0x1EA80] =	vst v9;
	v9 =	vld [tilespmem:$0x7C0];
	vm0 =	vgt.f32 v29, v13;
	vm7 =	vgt.f32 v17, v13;
	v41 =	vnsel vm8, $0x0, v22  }
0x319: {  	[tilespmem:$0x1EBD0] =	vst v22;
	v22 =	vimm.s32 $0x0;
	v1 =	vadd.f32 v4, v1;
	v4 =	vnsel vm2, $0x0, v7  }
0x31a: {  	[tilespmem:$0x1EBF0] =	vst v17;
	vm2 =	vgt.f32 v30, v13;
	v39 =	vnsel vm7, $0x0, v17;
	v17 =	vimm.s32 $0x0  }
0x31b: {  	[tilespmem:$0x1EC50] =	vst v11;
	v3 =	vadd.f32 v4, v3;
	vm1 =	vgt.f32 v23, v13;
	v4 =	vsel vm0, $0x3F800000, v47  }
0x31c: {  	[tilespmem:$0x1EAA0] =	vst v7;
	v17 =	vsel vm10, $0xFFFFFFFF, v17;
	v0 =	vadd.f32 v4, v0;
	v4 =	vnsel vm0, $0x0, v29;
	v29 =	vld [tilespmem:$0x7F0]  }
0x31d: {  	v22 =	vsel vm7, $0xFFFFFFFF, v22;
	v5 =	vsel vm1, $0x3F800000, v47;
	vm0 =	vgt.f32 v9, v13;
	[tilespmem:$0x1EC20] =	vst v17;
	v17 =	vld [tilespmem:$0x570]  }
0x31e: {  	[tilespmem:$0x1EAC0] =	vst v23;
	v2 =	vadd.f32 v5, v2;
	v1 =	vadd.f32 v4, v1;
	v4 =	vsel vm0, $0x3F800000, v47  }
0x31f: {  	[tilespmem:$0x1EC00] =	vst v22;
	v5 =	vnsel vm1, $0x0, v23;
	v23 =	vld [tilespmem:$0x160];
	v28 =	vadd.f32 v4, v0;
	v0 =	vsel vm2, $0x3F800000, v47  }
0x320: {  	[tilespmem:$0x1EAD0] =	vst v9;
	v4 =	vld [tilespmem:$0x5F0];
	v7 =	vadd.f32 v0, v2;
	v0 =	vnsel vm0, $0x0, v9;
	vm0 =	vgt.f32 v31, v13  }
0x321: {  	v3 =	vadd.f32 v5, v3;
	v5 =	vld [tilespmem:$0x3F0];
	v62 =	vnsel vm0, $0x0, v31;
	v31 =	vadd.f32 $0.0e+00, v27;
	[tilespmem:$0x1EB40] =	vst v29  }
0x322: {  	[tilespmem:$0x1EDB0] =	vst v17  }
0x323: {  	[tilespmem:$0x1EB00] =	vst v31  }
0x324: {  	v61 =	vimm.s32 $0x0;
	v2 =	vnsel vm2, $0x0, v30;
	[tilespmem:$0x1EEA0] =	vst v23  }
0x325: {  	vm2 =	vgt.f32 v55, v13;
	v9 =	vadd.f32 v0, v1;
	v0 =	vld [tilespmem:$0x3B0];
	v31 =	vimm.s32 $0x0;
	[tilespmem:$0x1EBC0] =	vst v4  }
0x326: {  	v22 =	vimm.s32 $0x0;
	v1 =	vld [tilespmem:$0x1A0];
	vm5 =	vgt.f32 v4, v13;
	v31 =	vsel vm2, $0xFFFFFFFF, v31;
	[tilespmem:$0x1EC40] =	vst v5  }
0x327: {  	v3 =	vadd.f32 v2, v3;
	v2 =	vld [tilespmem:$0x1B0];
	vm9 =	vgt.f32 v5, v13;
	[tilespmem:$0x1EB10] =	vst v31;
	v35 =	vsel vm5, $0xFFFFFFFF, v61  }
0x328: {  	v22 =	vsel vm9, $0xFFFFFFFF, v22;
	[tilespmem:$0x1EBB0] =	vst v35  }
0x329: {  	[tilespmem:$0x1EC30] =	vst v22  }
0x32a: {  	v63 =	vimm.s32 $0x0;
	[tilespmem:$0x1EC70] =	vst v0  }
0x32b: {  	vm12 =	vgt.f32 v11, v13;
	vm1 =	vgt.f32 v29, v13;
	v31 =	vimm.s32 $0x0;
	[tilespmem:$0x1ECD0] =	vst v1  }
0x32c: {  	v46 =	vnsel vm9, $0x0, v5;
	v5 =	vimm.s32 $0x0;
	v31 =	vsel vm1, $0xFFFFFFFF, v31;
	[tilespmem:$0x1ECF0] =	vst v2  }
0x32d: {  	vm4 =	vgt.f32 v54, v13;
	v36 =	vnsel vm5, $0x0, v4;
	v5 =	vsel vm12, $0xFFFFFFFF, v5;
	[tilespmem:$0x1EB30] =	vst v31  }
0x32e: {  	v4 =	vld [tilespmem:$0x730];
	vm11 =	vgt.f32 v0, v13;
	v35 =	vsel vm8, $0xFFFFFFFF, v63;
	[tilespmem:$0x1EC60] =	vst v5;
	v5 =	vimm.s32 $0x0  }
0x32f: {  	v31 =	vnsel vm1, $0x0, v29;
	v29 =	vimm.s32 $0x0;
	[tilespmem:$0x1EBE0] =	vst v35;
	v5 =	vsel vm11, $0xFFFFFFFF, v5  }
0x330: {  	v49 =	vnsel vm11, $0x0, v0;
	v0 =	vld [tilespmem:$0x530];
	v29 =	vsel vm4, $0xFFFFFFFF, v29;
	[tilespmem:$0x1EC80] =	vst v5;
	v5 =	vimm.s32 $0x0  }
0x331: {  	v34 =	vnsel vm4, $0x0, v54;
	vm15 =	vgt.f32 v1, v13;
	[tilespmem:$0x1EB50] =	vst v29;
	v5 =	vsel vm14, $0xFFFFFFFF, v5  }
0x332: {  	vm13 =	vgt.f32 v19, v13;
	v54 =	vnsel vm15, $0x0, v1;
	v1 =	vld [tilespmem:$0x360];
	[tilespmem:$0x1ECA0] =	vst v5;
	v5 =	vimm.s32 $0x0  }
0x333: {  	v30 =	vsel vm0, $0x3F800000, v47;
	vm0 =	vgt.f32 v2, v13;
	[tilespmem:$0x1ED70] =	vst v4;
	v5 =	vsel vm13, $0xFFFFFFFF, v5  }
0x334: {  	v37 =	vnsel vm6, $0x0, v53;
	v53 =	vnsel vm0, $0x0, v2;
	v2 =	vld [tilespmem:$0x370];
	[tilespmem:$0x1ECC0] =	vst v5;
	v5 =	vimm.s32 $0x0  }
0x335: {  	[tilespmem:$0x1EDF0] =	vst v0;
	v5 =	vsel vm15, $0xFFFFFFFF, v5  }
0x336: {  	v33 =	vnsel vm3, $0x0, v56;
	v51 =	vnsel vm13, $0x0, v19;
	v29 =	vld [tilespmem:$0x720];
	[tilespmem:$0x1ECE0] =	vst v5;
	v5 =	vimm.s32 $0x0  }
0x337: {  	v19 =	vimm.s32 $0x0;
	v50 =	vnsel vm12, $0x0, v11;
	[tilespmem:$0x1EE10] =	vst v1;
	v5 =	vsel vm0, $0xFFFFFFFF, v5  }
0x338: {  	v11 =	vimm.s32 $0x0;
	vm1 =	vgt.f32 v57, v13;
	[tilespmem:$0x1ED00] =	vst v5;
	v5 =	vimm.s32 $0x0  }
0x339: {  	v32 =	vnsel vm2, $0x0, v55;
	[tilespmem:$0x1EE30] =	vst v2;
	vm0 =	vgt.f32 v58, v13;
	v5 =	vsel vm1, $0xFFFFFFFF, v5  }
0x33a: {  	v55 =	vnsel vm1, $0x0, v57;
	v44 =	vnsel vm0, $0x0, v58;
	[tilespmem:$0x1ED20] =	vst v5;
	v5 =	vimm.s32 $0x0  }
0x33b: {  	[tilespmem:$0x1ED50] =	vst v29;
	vm1 =	vgt.f32 v42, v13;
	v5 =	vsel vm0, $0xFFFFFFFF, v5;
	vm0 =	vgt.f32 v29, v13  }
0x33c: {  	[tilespmem:$0x1ED40] =	vst v5;
	v5 =	vld [tilespmem:$0x330];
	v11 =	vsel vm0, $0xFFFFFFFF, v11;
	v45 =	vnsel vm0, $0x0, v29;
	vm0 =	vgt.f32 v4, v13  }
0x33d: {  	[tilespmem:$0x1ED60] =	vst v11;
	v19 =	vsel vm0, $0xFFFFFFFF, v19;
	v56 =	vnsel vm0, $0x0, v4;
	v4 =	vimm.s32 $0x0  }
0x33e: {  	v11 =	vld [tilespmem:$0x170];
	vm0 =	vgt.f32 v17, v13;
	[tilespmem:$0x1ED80] =	vst v19;
	v4 =	vsel vm1, $0xFFFFFFFF, v4;
	v19 =	vimm.s32 $0x0  }
0x33f: {  	v57 =	vnsel vm1, $0x0, v42;
	v42 =	vnsel vm0, $0x0, v17;
	v17 =	vld [tilespmem:$0x130];
	[tilespmem:$0x1EDA0] =	vst v4;
	v19 =	vsel vm0, $0xFFFFFFFF, v19  }
0x340: {  	vm1 =	vgt.f32 v40, v13;
	[tilespmem:$0x1EDC0] =	vst v19;
	v19 =	vimm.s32 $0x0  }
0x341: {  	v4 =	vld [tilespmem:$0x120];
	v19 =	vsel vm1, $0xFFFFFFFF, v19;
	[tilespmem:$0x1EE80] =	vst v5  }
0x342: {  	vm0 =	vgt.f32 v0, v13;
	[tilespmem:$0x1EDE0] =	vst v19  }
0x343: {  	v58 =	vnsel vm0, $0x0, v0;
	v0 =	vld [tilespmem:$0x6F0];
	v19 =	vimm.s32 $0x0;
	[tilespmem:$0x1EED0] =	vst v11  }
0x344: {  	v19 =	vsel vm0, $0xFFFFFFFF, v19;
	[tilespmem:$0x1EF30] =	vst v17  }
0x345: {  	vm0 =	vgt.f32 v1, v13;
	[tilespmem:$0x1EE00] =	vst v19;
	v19 =	vimm.s32 $0x0  }
0x346: {  	v59 =	vnsel vm1, $0x0, v40;
	vm1 =	vgt.f32 v38, v13;
	[tilespmem:$0x1EF00] =	vst v4;
	v19 =	vsel vm0, $0xFFFFFFFF, v19  }
0x347: {  	v60 =	vnsel vm0, $0x0, v1;
	v1 =	vld [tilespmem:$0x6B0];
	vm0 =	vgt.f32 v2, v13;
	[tilespmem:$0x1EE20] =	vst v19;
	v19 =	vimm.s32 $0x0  }
0x348: {  	[tilespmem:$0x1EF90] =	vst v0;
	v61 =	vnsel vm0, $0x0, v2;
	v2 =	vimm.s32 $0x0;
	v19 =	vsel vm0, $0xFFFFFFFF, v19  }
0x349: {  	v2 =	vsel vm1, $0xFFFFFFFF, v2;
	[tilespmem:$0x1EE40] =	vst v19  }
0x34a: {  	[tilespmem:$0x1EE60] =	vst v2;
	v2 =	vnsel vm1, $0x0, v38  }
0x34b: {  	vm0 =	vgt.f32 v5, v13;
	v19 =	vimm.s32 $0x0;
	[tilespmem:$0x1EE70] =	vst v2  }
0x34c: {  	v63 =	vnsel vm0, $0x0, v5;
	v5 =	vld [tilespmem:$0x4F0];
	v19 =	vsel vm0, $0xFFFFFFFF, v19;
	vm0 =	vgt.f32 v11, v13;
	[tilespmem:$0x1EFF0] =	vst v1  }
0x34d: {  	vm1 =	vgt.f32 v23, v13;
	v2 =	vld [tilespmem:$0x4E0];
	[tilespmem:$0x1EE90] =	vst v19;
	v19 =	vimm.s32 $0x0;
	v11 =	vnsel vm0, $0x0, v11  }
0x34e: {  	v19 =	vsel vm1, $0xFFFFFFFF, v19;
	[tilespmem:$0x1EEF0] =	vst v11  }
0x34f: {  	[tilespmem:$0x1EEB0] =	vst v19;
	v19 =	vnsel vm1, $0x0, v23  }
0x350: {  	v11 =	vld [tilespmem:$0x4B0];
	[tilespmem:$0x1EEC0] =	vst v19  }
0x351: {  	v19 =	vimm.s32 $0x0;
	[tilespmem:$0x1F050] =	vst v5  }
0x352: {  	v19 =	vsel vm0, $0xFFFFFFFF, v19;
	vm0 =	vgt.f32 v4, v13;
	[tilespmem:$0x1F020] =	vst v2  }
0x353: {  	[tilespmem:$0x1EEE0] =	vst v19;
	v4 =	vnsel vm0, $0x0, v4  }
0x354: {  	v19 =	vimm.s32 $0x0;
	[tilespmem:$0x1EF20] =	vst v4  }
0x355: {  	v19 =	vsel vm0, $0xFFFFFFFF, v19;
	vm0 =	vgt.f32 v17, v13;
	[tilespmem:$0x1F0B0] =	vst v11  }
0x356: {  	[tilespmem:$0x1EF10] =	vst v19;
	v19 =	vimm.s32 $0x0;
	v17 =	vnsel vm0, $0x0, v17  }
0x357: {  	vm1 =	vgt.f32 v20, v13;
	v19 =	vsel vm0, $0xFFFFFFFF, v19;
	[tilespmem:$0x1EF50] =	vst v17;
	v17 =	vimm.s32 $0x0  }
0x358: {  	v4 =	vld [tilespmem:$0x2F0];
	vm0 =	vgt.f32 v0, v13;
	[tilespmem:$0x1EF40] =	vst v19;
	v17 =	vsel vm1, $0xFFFFFFFF, v17  }
0x359: {  	v0 =	vnsel vm0, $0x0, v0;
	[tilespmem:$0x1EF70] =	vst v17  }
0x35a: {  	v19 =	vimm.s32 $0x0;
	v17 =	vnsel vm1, $0x0, v20;
	[tilespmem:$0x1EFB0] =	vst v0  }
0x35b: {  	v19 =	vsel vm0, $0xFFFFFFFF, v19;
	[tilespmem:$0x1EF80] =	vst v17  }
0x35c: {  	vm1 =	vgt.f32 v8, v13;
	[tilespmem:$0x1EFA0] =	vst v19  }
0x35d: {  	vm0 =	vgt.f32 v1, v13;
	v8 =	vnsel vm1, $0x0, v8;
	[tilespmem:$0x1F100] =	vst v4  }
0x35e: {  	v0 =	vld [tilespmem:$0x2B0];
	v19 =	vimm.s32 $0x0;
	v1 =	vnsel vm0, $0x0, v1;
	[tilespmem:$0x1EFE0] =	vst v8  }
0x35f: {  	v20 =	vld [tilespmem:$0x420];
	v19 =	vsel vm1, $0xFFFFFFFF, v19;
	v8 =	vimm.s32 $0x0;
	[tilespmem:$0x1F010] =	vst v1  }
0x360: {  	[tilespmem:$0x1EFD0] =	vst v19;
	v8 =	vsel vm0, $0xFFFFFFFF, v8;
	vm0 =	vgt.f32 v2, v13  }
0x361: {  	v17 =	vld [tilespmem:$0x2A0];
	[tilespmem:$0x1F000] =	vst v8;
	v2 =	vnsel vm0, $0x0, v2  }
0x362: {  	[tilespmem:$0x1F040] =	vst v2  }
0x363: {  	v1 =	vld [tilespmem:$0xF0];
	v8 =	vimm.s32 $0x0;
	[tilespmem:$0x1F140] =	vst v0  }
0x364: {  	v8 =	vsel vm0, $0xFFFFFFFF, v8;
	[tilespmem:$0x1F240] =	vst v20  }
0x365: {  	vm0 =	vgt.f32 v5, v13;
	[tilespmem:$0x1F030] =	vst v8  }
0x366: {  	v5 =	vnsel vm0, $0x0, v5;
	[tilespmem:$0x1F120] =	vst v17  }
0x367: {  	v48 =	vnsel vm10, $0x0, v25;
	v8 =	vimm.s32 $0x0;
	[tilespmem:$0x1F070] =	vst v5  }
0x368: {  	vm1 =	vgt.f32 v18, v13;
	v19 =	vld [tilespmem:$0x470];
	v8 =	vsel vm0, $0xFFFFFFFF, v8;
	v5 =	vimm.s32 $0x0;
	[tilespmem:$0x1F180] =	vst v1  }
0x369: {  	vm0 =	vgt.f32 v11, v13;
	[tilespmem:$0x1F060] =	vst v8;
	v5 =	vsel vm1, $0xFFFFFFFF, v5;
	v8 =	vimm.s32 $0x0  }
0x36a: {  	vm7 =	vgt.f32 v21, v13;
	[tilespmem:$0x1F090] =	vst v5;
	v5 =	vnsel vm1, $0x0, v18;
	v8 =	vsel vm0, $0xFFFFFFFF, v8  }
0x36b: {  	v2 =	vld [tilespmem:$0xB0];
	vm1 =	vgt.f32 v4, v13;
	[tilespmem:$0x1F0C0] =	vst v8;
	v8 =	vnsel vm0, $0x0, v11;
	vm0 =	vgt.f32 v6, v13  }
0x36c: {  	[tilespmem:$0x1F0D0] =	vst v8;
	v8 =	vimm.s32 $0x0;
	v29 =	vnsel vm0, $0x0, v6;
	v6 =	vimm.s32 $0x0  }
0x36d: {  	v21 =	vnsel vm7, $0x0, v21;
	[tilespmem:$0x1F230] =	vst v19;
	v8 =	vsel vm0, $0xFFFFFFFF, v8;
	v6 =	vsel vm1, $0xFFFFFFFF, v6  }
0x36e: {  	vm0 =	vgt.f32 v17, v13;
	[tilespmem:$0x1F0F0] =	vst v8;
	v8 =	vnsel vm1, $0x0, v4;
	v4 =	vimm.s32 $0x0  }
0x36f: {  	[tilespmem:$0x1F0A0] =	vst v5;
	v40 =	vnsel vm0, $0x0, v17;
	v4 =	vsel vm0, $0xFFFFFFFF, v4;
	vm0 =	vgt.f32 v0, v13  }
0x370: {  	v5 =	vld [tilespmem:$0x660];
	[tilespmem:$0x1F1C0] =	vst v2;
	vm1 =	vgt.f32 v16, v13;
	v38 =	vnsel vm0, $0x0, v0;
	v0 =	vimm.s32 $0x0  }
0x371: {  	vm2 =	vgt.f32 v12, v13;
	[tilespmem:$0x1F130] =	vst v4;
	v4 =	vimm.s32 $0x0;
	v0 =	vsel vm1, $0xFFFFFFFF, v0  }
0x372: {  	v4 =	vsel vm0, $0xFFFFFFFF, v4;
	vm0 =	vgt.f32 v1, v13;
	[tilespmem:$0x1F170] =	vst v0;
	v0 =	vimm.s32 $0x0  }
0x373: {  	vm8 =	vgt.f32 v15, v13;
	vm12 =	vgt.f32 v24, v13;
	v11 =	vld [tilespmem:$0x670];
	[tilespmem:$0x1F110] =	vst v6;
	v0 =	vsel vm0, $0xFFFFFFFF, v0  }
0x374: {  	v35 =	vnsel vm0, $0x0, v1;
	vm0 =	vgt.f32 v10, v13;
	[tilespmem:$0x1F190] =	vst v0;
	v0 =	vimm.s32 $0x0  }
0x375: {  	v18 =	vld [tilespmem:$0x630];
	v25 =	vnsel vm1, $0x0, v16;
	[tilespmem:$0x1F1E0] =	vst v5;
	vm1 =	vgt.f32 v2, v13;
	v0 =	vsel vm0, $0xFFFFFFFF, v0  }
0x376: {  	v1 =	vnsel vm0, $0x0, v10;
	v10 =	vld [tilespmem:$0x220];
	vm0 =	vgt.f32 v5, v13;
	[tilespmem:$0x1F1B0] =	vst v0;
	v0 =	vimm.s32 $0x0  }
0x377: {  	v22 =	vnsel vm8, $0x0, v15;
	[tilespmem:$0x1F150] =	vst v4;
	v4 =	vnsel vm0, $0x0, v5;
	v5 =	vld [tilespmem:$0x70];
	v0 =	vsel vm1, $0xFFFFFFFF, v0  }
0x378: {  	v24 =	vnsel vm12, $0x0, v43;
	v2 =	vnsel vm1, $0x0, v2;
	vm1 =	vgt.f32 v11, v13;
	[tilespmem:$0x1F1D0] =	vst v0;
	v0 =	vld [tilespmem:$0x270]  }
0x379: {  	vm4 =	vgt.f32 v14, v13;
	vm13 =	vgt.f32 v27, v13;
	[tilespmem:$0x1F1F0] =	vst v11;
	v16 =	vnsel vm1, $0x0, v11;
	v11 =	vld [tilespmem:$0x230]  }
0x37a: {  	vm15 =	vgt.f32 v26, v13;
	vm6 =	vgt.f32 v20, v13;
	vm5 =	vgt.f32 v19, v13;
	[tilespmem:$0x1F210] =	vst v18  }
0x37b: {  	v26 =	vnsel vm15, $0x0, v26;
	v20 =	vnsel vm6, $0x0, v20;
	v19 =	vnsel vm5, $0x0, v19;
	[tilespmem:$0x1F270] =	vst v10  }
0x37c: {  	v6 =	vnsel vm2, $0x0, v12;
	vm3 =	vgt.f32 v18, v13;
	vm10 =	vgt.f32 v10, v13;
	[tilespmem:$0x1F2E0] =	vst v5  }
0x37d: {  	v17 =	vnsel vm3, $0x0, v18;
	v18 =	vnsel vm4, $0x0, v14;
	v23 =	vnsel vm10, $0x0, v10;
	[tilespmem:$0x1F2B0] =	vst v0  }
0x37e: {  	s30 =	simm.s32 $0x2;
	vm14 =	vgt.f32 v5, v13;
	vm9 =	vgt.f32 v0, v13;
	[tilespmem:$0x1F2C0] =	vst v11;
	vm11 =	vgt.f32 v11, v13  }
.LBB2_12:
0x37f: {  	v5 =	vld [tilespmem:$0x1F2E0];
	_ =	sdelay $0x3  }
0x380: {  	v0 =	vld [tilespmem:$0x1EB00]  }
0x381: {  	v13 =	vadd.f32 v26, v24;
	v24 =	vnsel vm14, $0x0, v5;
	v5 =	vld [tilespmem:$0x1F2C0];
	_ =	sdelay $0x3  }
0x382: {  	v0 =	vnsel vm13, $0x0, v0  }
0x383: {  	v0 =	vadd.f32 v24, v0;
	v24 =	vnsel vm11, $0x0, v5;
	v5 =	vld [tilespmem:$0x1F2B0]  }
0x384: {  	v26 =	vsel vm12, $0x3F800000, v47;
	v27 =	vsel vm15, $0x3F800000, v47;
	v13 =	vadd.f32 v23, v13  }
0x385: {  	v23 =	vadd.f32 v27, v26  }
0x386: {  	v26 =	vsel vm13, $0x3F800000, v47;
	v27 =	vsel vm14, $0x3F800000, v47;
	v13 =	vadd.f32 v22, v13  }
0x387: {  	v22 =	vadd.f32 v27, v26;
	v0 =	vadd.f32 v24, v0  }
0x388: {  	v26 =	vsel vm10, $0x3F800000, v47;
	v13 =	vadd.f32 v20, v13;
	v24 =	vnsel vm9, $0x0, v5  }
0x389: {  	v23 =	vadd.f32 v26, v23;
	v0 =	vadd.f32 v24, v0;
	v24 =	vsel vm11, $0x3F800000, v47  }
0x38a: {  	v13 =	vadd.f32 v18, v13;
	v20 =	vadd.f32 v24, v22;
	v22 =	vsel vm8, $0x3F800000, v47  }
0x38b: {  	v0 =	vadd.f32 v21, v0;
	v21 =	vadd.f32 v22, v23;
	v22 =	vsel vm9, $0x3F800000, v47  }
0x38c: {  	v6 =	vadd.f32 v6, v13;
	v18 =	vadd.f32 v22, v20;
	v20 =	vsel vm6, $0x3F800000, v47  }
0x38d: {  	v5 =	vld [tilespmem:$0x1F1B0];
	v0 =	vadd.f32 v19, v0;
	v19 =	vadd.f32 v20, v21;
	v20 =	vsel vm7, $0x3F800000, v47  }
0x38e: {  	v4 =	vadd.f32 v4, v6;
	v43 =	vadd.f32 v20, v18;
	v18 =	vsel vm4, $0x3F800000, v47  }
0x38f: {  	v0 =	vadd.f32 v17, v0;
	v17 =	vadd.f32 v18, v19;
	v18 =	vsel vm5, $0x3F800000, v47  }
0x390: {  	v6 =	vadd.f32 v18, v43  }
0x391: {  	v1 =	vadd.f32 v1, v4;
	v0 =	vadd.f32 v16, v0;
	v16 =	vsel vm3, $0x3F800000, v47  }
0x392: {  	v4 =	vadd.f32 v16, v6;
	v6 =	vsel vm0, $0x3F800000, v47;
	vm0 =	vnez.u8 v5;
	v5 =	vld [tilespmem:$0x1F1D0]  }
0x393: {  	v3 =	vadd.f32 v62, v3;
	v62 =	vsel vm2, $0x3F800000, v47  }
0x394: {  	v13 =	vadd.f32 v62, v17;
	_ =	sdelay $0x1  }
0x395: {  	v0 =	vadd.f32 v2, v0;
	v2 =	vadd.f32 v6, v13;
	v6 =	vsel vm1, $0x3F800000, v47  }
0x396: {  	v4 =	vadd.f32 v6, v4;
	v6 =	vsel vm0, $0x3F800000, v47;
	vm0 =	vnez.u8 v5;
	v5 =	vld [tilespmem:$0x1F170];
	_ =	sdelay $0x4  }
0x397: {  	v2 =	vadd.f32 v6, v2;
	v6 =	vsel vm0, $0x3F800000, v47;
	vm0 =	vnez.u8 v5;
	v5 =	vld [tilespmem:$0x1F190];
	_ =	sdelay $0x4  }
0x398: {  	v4 =	vadd.f32 v6, v4;
	v6 =	vsel vm0, $0x3F800000, v47;
	vm0 =	vnez.u8 v5;
	v5 =	vld [tilespmem:$0x1F130];
	_ =	sdelay $0x4  }
0x399: {  	v2 =	vadd.f32 v6, v2;
	v6 =	vsel vm0, $0x3F800000, v47;
	vm0 =	vnez.u8 v5;
	v5 =	vld [tilespmem:$0x1F150];
	_ =	sdelay $0x3  }
0x39a: {  	v1 =	vadd.f32 v25, v1  }
0x39b: {  	v4 =	vadd.f32 v6, v4;
	v6 =	vsel vm0, $0x3F800000, v47;
	vm0 =	vnez.u8 v5;
	v5 =	vld [tilespmem:$0x1F0A0]  }
0x39c: {  	v1 =	vadd.f32 v40, v1;
	_ =	sdelay $0x1  }
0x39d: {  	v1 =	vadd.f32 v29, v1;
	_ =	sdelay $0x1  }
0x39e: {  	v1 =	vadd.f32 v5, v1;
	v5 =	vld [tilespmem:$0x1F0F0];
	_ =	sdelay $0x3  }
0x39f: {  	v0 =	vadd.f32 v35, v0  }
0x3a0: {  	v2 =	vadd.f32 v6, v2;
	v6 =	vsel vm0, $0x3F800000, v47;
	vm0 =	vnez.u8 v5;
	v5 =	vld [tilespmem:$0x1F0D0]  }
0x3a1: {  	v0 =	vadd.f32 v38, v0;
	_ =	sdelay $0x1  }
0x3a2: {  	v0 =	vadd.f32 v8, v0;
	_ =	sdelay $0x1  }
0x3a3: {  	v0 =	vadd.f32 v5, v0;
	v5 =	vld [tilespmem:$0x1F110];
	_ =	sdelay $0x4  }
0x3a4: {  	v4 =	vadd.f32 v6, v4;
	v6 =	vsel vm0, $0x3F800000, v47;
	vm0 =	vnez.u8 v5;
	v5 =	vld [tilespmem:$0x1F040];
	_ =	sdelay $0x4  }
0x3a5: {  	v1 =	vadd.f32 v5, v1;
	v5 =	vld [tilespmem:$0x1F090];
	_ =	sdelay $0x4  }
0x3a6: {  	v2 =	vadd.f32 v6, v2;
	v6 =	vsel vm0, $0x3F800000, v47;
	vm0 =	vnez.u8 v5;
	v5 =	vld [tilespmem:$0x1F070];
	_ =	sdelay $0x4  }
0x3a7: {  	v0 =	vadd.f32 v5, v0;
	v5 =	vld [tilespmem:$0x1F0C0];
	_ =	sdelay $0x4  }
0x3a8: {  	v4 =	vadd.f32 v6, v4;
	v6 =	vsel vm0, $0x3F800000, v47;
	vm0 =	vnez.u8 v5;
	v5 =	vld [tilespmem:$0x1EFE0];
	_ =	sdelay $0x4  }
0x3a9: {  	v1 =	vadd.f32 v5, v1;
	v5 =	vld [tilespmem:$0x1F030];
	_ =	sdelay $0x4  }
0x3aa: {  	v2 =	vadd.f32 v6, v2;
	v6 =	vsel vm0, $0x3F800000, v47;
	vm0 =	vnez.u8 v5;
	v5 =	vld [tilespmem:$0x1F010];
	_ =	sdelay $0x4  }
0x3ab: {  	v0 =	vadd.f32 v5, v0;
	v5 =	vld [tilespmem:$0x1F060];
	_ =	sdelay $0x4  }
0x3ac: {  	v4 =	vadd.f32 v6, v4;
	v6 =	vsel vm0, $0x3F800000, v47;
	vm0 =	vnez.u8 v5;
	v5 =	vld [tilespmem:$0x1EF80];
	_ =	sdelay $0x4  }
0x3ad: {  	v1 =	vadd.f32 v5, v1;
	v5 =	vld [tilespmem:$0x1EFD0];
	_ =	sdelay $0x4  }
0x3ae: {  	v2 =	vadd.f32 v6, v2;
	v6 =	vsel vm0, $0x3F800000, v47;
	vm0 =	vnez.u8 v5;
	v5 =	vld [tilespmem:$0x1EFB0];
	_ =	sdelay $0x4  }
0x3af: {  	v0 =	vadd.f32 v5, v0;
	v5 =	vld [tilespmem:$0x1F000];
	_ =	sdelay $0x4  }
0x3b0: {  	v4 =	vadd.f32 v6, v4;
	v6 =	vsel vm0, $0x3F800000, v47;
	vm0 =	vnez.u8 v5  }
0x3b1: {  	v5 =	vsel vm0, $0x3F800000, v47  }
0x3b2: {  	v4 =	vadd.f32 v5, v4;
	v5 =	vld [tilespmem:$0x1EF70];
	_ =	sdelay $0x4  }
0x3b3: {  	v2 =	vadd.f32 v6, v2;
	vm0 =	vnez.u8 v5  }
0x3b4: {  	v5 =	vsel vm0, $0x3F800000, v47  }
0x3b5: {  	v2 =	vadd.f32 v5, v2;
	v5 =	vld [tilespmem:$0x1EFA0];
	_ =	sdelay $0x4  }
0x3b6: {  	vm0 =	vnez.u8 v5  }
0x3b7: {  	v5 =	vsel vm0, $0x3F800000, v47  }
0x3b8: {  	v4 =	vadd.f32 v5, v4;
	v5 =	vld [tilespmem:$0x1EF10];
	_ =	sdelay $0x4  }
0x3b9: {  	vm0 =	vnez.u8 v5  }
0x3ba: {  	v5 =	vsel vm0, $0x3F800000, v47  }
0x3bb: {  	v2 =	vadd.f32 v5, v2;
	v5 =	vld [tilespmem:$0x1EF40];
	_ =	sdelay $0x4  }
0x3bc: {  	vm0 =	vnez.u8 v5  }
0x3bd: {  	v5 =	vsel vm0, $0x3F800000, v47  }
0x3be: {  	v4 =	vadd.f32 v5, v4;
	v5 =	vld [tilespmem:$0x1EEB0];
	_ =	sdelay $0x4  }
0x3bf: {  	vm0 =	vnez.u8 v5  }
0x3c0: {  	v5 =	vsel vm0, $0x3F800000, v47  }
0x3c1: {  	v2 =	vadd.f32 v5, v2;
	v5 =	vld [tilespmem:$0x1EEE0];
	_ =	sdelay $0x4  }
0x3c2: {  	vm0 =	vnez.u8 v5  }
0x3c3: {  	v5 =	vsel vm0, $0x3F800000, v47  }
0x3c4: {  	v4 =	vadd.f32 v5, v4;
	v5 =	vld [tilespmem:$0x1EE60];
	_ =	sdelay $0x4  }
0x3c5: {  	vm0 =	vnez.u8 v5  }
0x3c6: {  	v5 =	vsel vm0, $0x3F800000, v47  }
0x3c7: {  	v2 =	vadd.f32 v5, v2;
	v5 =	vld [tilespmem:$0x1EE90];
	_ =	sdelay $0x4  }
0x3c8: {  	vm0 =	vnez.u8 v5  }
0x3c9: {  	v5 =	vsel vm0, $0x3F800000, v47  }
0x3ca: {  	v4 =	vadd.f32 v5, v4;
	v5 =	vld [tilespmem:$0x1EE20];
	_ =	sdelay $0x4  }
0x3cb: {  	vm0 =	vnez.u8 v5  }
0x3cc: {  	v5 =	vsel vm0, $0x3F800000, v47  }
0x3cd: {  	v2 =	vadd.f32 v5, v2;
	v5 =	vld [tilespmem:$0x1EE40];
	_ =	sdelay $0x4  }
0x3ce: {  	vm0 =	vnez.u8 v5  }
0x3cf: {  	v5 =	vsel vm0, $0x3F800000, v47  }
0x3d0: {  	v4 =	vadd.f32 v5, v4;
	v5 =	vld [tilespmem:$0x1EDE0];
	_ =	sdelay $0x4  }
0x3d1: {  	vm0 =	vnez.u8 v5  }
0x3d2: {  	v5 =	vsel vm0, $0x3F800000, v47  }
0x3d3: {  	v2 =	vadd.f32 v5, v2;
	v5 =	vld [tilespmem:$0x1EE00];
	_ =	sdelay $0x4  }
0x3d4: {  	vm0 =	vnez.u8 v5  }
0x3d5: {  	v5 =	vsel vm0, $0x3F800000, v47  }
0x3d6: {  	v4 =	vadd.f32 v5, v4;
	v5 =	vld [tilespmem:$0x1EDA0];
	_ =	sdelay $0x4  }
0x3d7: {  	vm0 =	vnez.u8 v5  }
0x3d8: {  	v5 =	vsel vm0, $0x3F800000, v47  }
0x3d9: {  	v2 =	vadd.f32 v5, v2;
	v5 =	vld [tilespmem:$0x1EDC0];
	_ =	sdelay $0x4  }
0x3da: {  	vm0 =	vnez.u8 v5  }
0x3db: {  	v5 =	vsel vm0, $0x3F800000, v47  }
0x3dc: {  	v4 =	vadd.f32 v5, v4;
	v5 =	vld [tilespmem:$0x1ED60];
	_ =	sdelay $0x4  }
0x3dd: {  	vm0 =	vnez.u8 v5  }
0x3de: {  	v5 =	vsel vm0, $0x3F800000, v47  }
0x3df: {  	v2 =	vadd.f32 v5, v2;
	v5 =	vld [tilespmem:$0x1ED80];
	_ =	sdelay $0x4  }
0x3e0: {  	vm0 =	vnez.u8 v5  }
0x3e1: {  	v5 =	vsel vm0, $0x3F800000, v47  }
0x3e2: {  	v4 =	vadd.f32 v5, v4;
	v5 =	vld [tilespmem:$0x1ED20];
	_ =	sdelay $0x4  }
0x3e3: {  	vm0 =	vnez.u8 v5  }
0x3e4: {  	v5 =	vsel vm0, $0x3F800000, v47  }
0x3e5: {  	v2 =	vadd.f32 v5, v2;
	v5 =	vld [tilespmem:$0x1ED40];
	_ =	sdelay $0x4  }
0x3e6: {  	vm0 =	vnez.u8 v5  }
0x3e7: {  	v5 =	vsel vm0, $0x3F800000, v47  }
0x3e8: {  	v4 =	vadd.f32 v5, v4;
	v5 =	vld [tilespmem:$0x1ECE0];
	_ =	sdelay $0x4  }
0x3e9: {  	vm0 =	vnez.u8 v5  }
0x3ea: {  	v5 =	vsel vm0, $0x3F800000, v47  }
0x3eb: {  	v2 =	vadd.f32 v5, v2;
	v5 =	vld [tilespmem:$0x1ED00];
	_ =	sdelay $0x4  }
0x3ec: {  	vm0 =	vnez.u8 v5  }
0x3ed: {  	v5 =	vsel vm0, $0x3F800000, v47  }
0x3ee: {  	v4 =	vadd.f32 v5, v4;
	v5 =	vld [tilespmem:$0x1ECA0];
	_ =	sdelay $0x4  }
0x3ef: {  	vm0 =	vnez.u8 v5  }
0x3f0: {  	v5 =	vsel vm0, $0x3F800000, v47  }
0x3f1: {  	v2 =	vadd.f32 v5, v2;
	v5 =	vld [tilespmem:$0x1ECC0];
	_ =	sdelay $0x4  }
0x3f2: {  	vm0 =	vnez.u8 v5  }
0x3f3: {  	v5 =	vsel vm0, $0x3F800000, v47  }
0x3f4: {  	v4 =	vadd.f32 v5, v4;
	v5 =	vld [tilespmem:$0x1EC60];
	_ =	sdelay $0x4  }
0x3f5: {  	vm0 =	vnez.u8 v5  }
0x3f6: {  	v5 =	vsel vm0, $0x3F800000, v47  }
0x3f7: {  	v2 =	vadd.f32 v5, v2;
	v5 =	vld [tilespmem:$0x1EC80];
	_ =	sdelay $0x4  }
0x3f8: {  	vm0 =	vnez.u8 v5  }
0x3f9: {  	v5 =	vsel vm0, $0x3F800000, v47  }
0x3fa: {  	v4 =	vadd.f32 v5, v4;
	v5 =	vld [tilespmem:$0x1EC20];
	_ =	sdelay $0x4  }
0x3fb: {  	vm0 =	vnez.u8 v5  }
0x3fc: {  	v5 =	vsel vm0, $0x3F800000, v47  }
0x3fd: {  	v2 =	vadd.f32 v5, v2;
	v5 =	vld [tilespmem:$0x1EC30];
	_ =	sdelay $0x4  }
0x3fe: {  	vm0 =	vnez.u8 v5  }
0x3ff: {  	v6 =	vld [tilespmem:$0x1EF20];
	v5 =	vsel vm0, $0x3F800000, v47  }
0x400: {  	v4 =	vadd.f32 v5, v4;
	v5 =	vld [tilespmem:$0x1EBE0];
	_ =	sdelay $0x4  }
0x401: {  	v1 =	vadd.f32 v6, v1;
	v6 =	vld [tilespmem:$0x1EF50];
	vm0 =	vnez.u8 v5  }
0x402: {  	v5 =	vsel vm0, $0x3F800000, v47  }
0x403: {  	v2 =	vadd.f32 v5, v2;
	v5 =	vld [tilespmem:$0x1EC00];
	_ =	sdelay $0x2  }
0x404: {  	v0 =	vadd.f32 v6, v0;
	v6 =	vld [tilespmem:$0x1EEC0];
	_ =	sdelay $0x1  }
0x405: {  	vm0 =	vnez.u8 v5  }
0x406: {  	v5 =	vsel vm0, $0x3F800000, v47  }
0x407: {  	v4 =	vadd.f32 v5, v4;
	v5 =	vld [tilespmem:$0x1EB90]  }
0x408: {  	v1 =	vadd.f32 v6, v1;
	v6 =	vld [tilespmem:$0x1EEF0];
	_ =	sdelay $0x3  }
0x409: {  	vm0 =	vnez.u8 v5  }
0x40a: {  	v0 =	vadd.f32 v6, v0;
	v6 =	vld [tilespmem:$0x1EE70];
	v5 =	vsel vm0, $0x3F800000, v47  }
0x40b: {  	v2 =	vadd.f32 v5, v2;
	v5 =	vld [tilespmem:$0x1EBB0];
	_ =	sdelay $0x3  }
0x40c: {  	v0 =	vadd.f32 v63, v0  }
0x40d: {  	v1 =	vadd.f32 v6, v1;
	vm0 =	vnez.u8 v5  }
0x40e: {  	v0 =	vadd.f32 v61, v0;
	v5 =	vsel vm0, $0x3F800000, v47  }
0x40f: {  	v1 =	vadd.f32 v60, v1;
	v4 =	vadd.f32 v5, v4;
	v5 =	vld [tilespmem:$0x1EB50]  }
0x410: {  	v0 =	vadd.f32 v58, v0  }
0x411: {  	v1 =	vadd.f32 v59, v1  }
0x412: {  	v0 =	vadd.f32 v42, v0  }
0x413: {  	v1 =	vadd.f32 v57, v1  }
0x414: {  	v0 =	vadd.f32 v56, v0;
	vm0 =	vnez.u8 v5  }
0x415: {  	v1 =	vadd.f32 v45, v1;
	v5 =	vsel vm0, $0x3F800000, v47  }
0x416: {  	v0 =	vadd.f32 v44, v0;
	v2 =	vadd.f32 v5, v2;
	v5 =	vld [tilespmem:$0x1EB70]  }
0x417: {  	v1 =	vadd.f32 v55, v1  }
0x418: {  	v0 =	vadd.f32 v53, v0  }
0x419: {  	v1 =	vadd.f32 v54, v1  }
0x41a: {  	v0 =	vadd.f32 v51, v0  }
0x41b: {  	v1 =	vadd.f32 v52, v1;
	vm0 =	vnez.u8 v5  }
0x41c: {  	v0 =	vadd.f32 v49, v0;
	v5 =	vsel vm0, $0x3F800000, v47  }
0x41d: {  	v1 =	vadd.f32 v50, v1;
	v4 =	vadd.f32 v5, v4;
	v5 =	vld [tilespmem:$0x1EB10];
	_ =	sdelay $0x1  }
0x41e: {  	v0 =	vadd.f32 v46, v0;
	v1 =	vadd.f32 v48, v1;
	_ =	sdelay $0x1  }
0x41f: {  	v0 =	vadd.f32 v39, v0;
	v1 =	vadd.f32 v41, v1  }
0x420: {  	vm0 =	vnez.u8 v5  }
0x421: {  	v0 =	vadd.f32 v36, v0;
	v1 =	vadd.f32 v37, v1;
	v5 =	vsel vm0, $0x3F800000, v47  }
0x422: {  	v2 =	vadd.f32 v5, v2;
	v5 =	vld [tilespmem:$0x1EB30]  }
0x423: {  	v0 =	vadd.f32 v33, v0;
	v1 =	vadd.f32 v34, v1;
	_ =	sdelay $0x1  }
0x424: {  	v0 =	vadd.f32 v31, v0;
	v1 =	vadd.f32 v32, v1;
	_ =	sdelay $0x1  }
0x425: {  	v3 =	vadd.f32 v3, v9;
	v0 =	vadd.f32 v0, v1;
	vm0 =	vnez.u8 v5  }
0x426: {  	v1 =	vadd.f32 v30, v7;
	v5 =	vsel vm0, $0x3F800000, v47  }
0x427: {  	v0 =	vadd.f32 v0, v3;
	v4 =	vadd.f32 v5, v4;
	_ =	sdelay $0x1  }
0x428: {  	v1 =	vadd.f32 v1, v28;
	(xrf2) =	vadd.scan.msk.f32 $0xffff, v0;
	v2 =	vadd.f32 v4, v2;
	_ =	sdelay $0x1  }
0x429: {  	v0 =	vadd.f32 v2, v1;
	_ =	sdelay $0x1  }
0x42a: {  	(xrf2) =	vadd.scan.msk.f32 $0xffff, v0;
	_ =	sdelay $0x5  }
0x42b: {  	v0, _, _ =	vpop (xrf2)  }
0x42c: {  	(v2sf) =	vpush v0, $0xF;
	_ =	sdelay $0x2  }
0x42d: {  	v0, _, _ =	vpop (xrf2)  }
0x42e: {  	v0 =	vadd.f32 $0.0e+00, v0;
	_ =	sdelay $0x1  }
0x42f: {  	v0 =	vbroadcast v0, $0xF;
	_ =	sdelay $0x1  }
0x430: {  	(erf) = vrcp.f32 v0;
	_ =	sdelay $0x6  }
0x431: {  	s0 =	spop (v2sf)  }
0x432: {  	s0 =	sadd.f32 $-1.000000000e+00, s0  }
0x433: {  	v0 =	vpop (erf)  }
0x434: {  	v13 =	vmul.f32 s0, v0;
	v0 =	vld [tilespmem:$0x1EAD0];
	_ =	sdelay $0x4  }
0x435: {  	vm0 =	vgt.f32 v0, v13  }
0x436: {  	v1 =	vsel vm0, $0x3F800000, v47  }
0x437: {  	[tilespmem:$0x1E6A0] =	vst v1;
	v1 =	vld [tilespmem:$0x1EAF0];
	_ =	sdelay $0x4  }
0x438: {  	v0 =	vnsel vm0, $0x0, v0;
	vm1 =	vgt.f32 v1, v13  }
0x439: {  	[tilespmem:$0x1E6C0] =	vst v0;
	v0 =	vsel vm1, $0x3F800000, v47  }
0x43a: {  	[tilespmem:$0x1E220] =	vst v0;
	v0 =	vld [tilespmem:$0x1EB20];
	_ =	sdelay $0x4  }
0x43b: {  	v1 =	vnsel vm1, $0x0, v1;
	vm0 =	vgt.f32 v0, v13  }
0x43c: {  	[tilespmem:$0x1E200] =	vst v1;
	v1 =	vimm.s32 $0x0;
	v0 =	vnsel vm0, $0x0, v0  }
0x43d: {  	v1 =	vsel vm0, $0xFFFFFFFF, v1;
	[tilespmem:$0x1E210] =	vst v0;
	v0 =	vld [tilespmem:$0x1EAB0]  }
0x43e: {  	[tilespmem:$0x1EB10] =	vst v1;
	v1 =	vld [tilespmem:$0x1EAE0];
	_ =	sdelay $0x3  }
0x43f: {  	v2 =	vld [tilespmem:$0x1EB40];
	vm0 =	vgt.f32 v0, v13  }
0x440: {  	vm1 =	vgt.f32 v1, v13;
	v0 =	vnsel vm0, $0x0, v0  }
0x441: {  	[tilespmem:$0x1E680] =	vst v0;
	v0 =	vsel vm1, $0x3F800000, v47  }
0x442: {  	[tilespmem:$0x1E6B0] =	vst v0;
	v0 =	vnsel vm1, $0x0, v1  }
0x443: {  	[tilespmem:$0x1E6D0] =	vst v0;
	v0 =	vld [tilespmem:$0x1EA90]  }
0x444: {  	vm2 =	vgt.f32 v2, v13  }
0x445: {  	v2 =	vnsel vm2, $0x0, v2;
	v1 =	vld [tilespmem:$0x1EB60]  }
0x446: {  	[tilespmem:$0x1E240] =	vst v2;
	v2 =	vsel vm0, $0x3F800000, v47  }
0x447: {  	[tilespmem:$0x1E660] =	vst v2;
	v2 =	vld [tilespmem:$0x1EB80]  }
0x448: {  	vm0 =	vgt.f32 v0, v13  }
0x449: {  	v3 =	vimm.s32 $0x0;
	v0 =	vnsel vm0, $0x0, v0  }
0x44a: {  	v3 =	vsel vm2, $0xFFFFFFFF, v3;
	vm2 =	vgt.f32 v1, v13;
	[tilespmem:$0x1E640] =	vst v0;
	v0 =	vld [tilespmem:$0x1EAC0]  }
0x44b: {  	v1 =	vnsel vm2, $0x0, v1  }
0x44c: {  	vm1 =	vgt.f32 v2, v13;
	[tilespmem:$0x1E270] =	vst v1;
	v1 =	vimm.s32 $0x0  }
0x44d: {  	v1 =	vsel vm1, $0xFFFFFFFF, v1  }
0x44e: {  	[tilespmem:$0x1EB70] =	vst v1;
	v1 =	vnsel vm1, $0x0, v2  }
0x44f: {  	[tilespmem:$0x1E250] =	vst v1;
	v1 =	vsel vm0, $0x3F800000, v47;
	vm0 =	vgt.f32 v0, v13  }
0x450: {  	[tilespmem:$0x1E620] =	vst v1;
	v1 =	vsel vm0, $0x3F800000, v47  }
0x451: {  	v0 =	vnsel vm0, $0x0, v0;
	[tilespmem:$0x1E670] =	vst v1;
	v1 =	vld [tilespmem:$0x1EBA0]  }
0x452: {  	[tilespmem:$0x1E690] =	vst v0;
	v0 =	vld [tilespmem:$0x1EA70];
	_ =	sdelay $0x3  }
0x453: {  	vm1 =	vgt.f32 v1, v13  }
0x454: {  	vm0 =	vgt.f32 v0, v13;
	v1 =	vnsel vm1, $0x0, v1  }
0x455: {  	[tilespmem:$0x1E330] =	vst v1;
	v1 =	vsel vm0, $0x3F800000, v47  }
0x456: {  	[tilespmem:$0x1E5E0] =	vst v1;
	v1 =	vld [tilespmem:$0x1EAA0];
	_ =	sdelay $0x3  }
0x457: {  	v2 =	vimm.s32 $0x0  }
0x458: {  	v2 =	vsel vm1, $0xFFFFFFFF, v2;
	v0 =	vnsel vm0, $0x0, v0;
	vm1 =	vgt.f32 v1, v13  }
0x459: {  	[tilespmem:$0x1E600] =	vst v0;
	v0 =	vsel vm1, $0x3F800000, v47  }
0x45a: {  	[tilespmem:$0x1E630] =	vst v0;
	v0 =	vld [tilespmem:$0x1EBD0];
	_ =	sdelay $0x4  }
0x45b: {  	[tilespmem:$0x1EB90] =	vst v2;
	v2 =	vld [tilespmem:$0x1EBC0];
	v1 =	vnsel vm1, $0x0, v1;
	vm0 =	vgt.f32 v0, v13  }
0x45c: {  	[tilespmem:$0x1E650] =	vst v1;
	v1 =	vimm.s32 $0x0;
	v0 =	vnsel vm0, $0x0, v0  }
0x45d: {  	v1 =	vsel vm0, $0xFFFFFFFF, v1;
	[tilespmem:$0x1E1E0] =	vst v0;
	v0 =	vld [tilespmem:$0x1EA50]  }
0x45e: {  	[tilespmem:$0x1EBE0] =	vst v1;
	v1 =	vld [tilespmem:$0x1EA80]  }
0x45f: {  	[tilespmem:$0x1EB30] =	vst v3;
	v3 =	vimm.s32 $0x0  }
0x460: {  	v3 =	vsel vm2, $0xFFFFFFFF, v3;
	vm2 =	vgt.f32 v2, v13  }
0x461: {  	v2 =	vnsel vm2, $0x0, v2  }
0x462: {  	[tilespmem:$0x1E230] =	vst v2;
	v2 =	vld [tilespmem:$0x1EBF0];
	vm0 =	vgt.f32 v0, v13  }
0x463: {  	[tilespmem:$0x1EB50] =	vst v3;
	vm1 =	vgt.f32 v1, v13;
	v0 =	vnsel vm0, $0x0, v0  }
0x464: {  	[tilespmem:$0x1E5C0] =	vst v0;
	v0 =	vsel vm1, $0x3F800000, v47  }
0x465: {  	[tilespmem:$0x1E5F0] =	vst v0;
	v0 =	vnsel vm1, $0x0, v1  }
0x466: {  	v3 =	vimm.s32 $0x0;
	[tilespmem:$0x1E610] =	vst v0;
	v0 =	vld [tilespmem:$0x1EA30]  }
0x467: {  	v3 =	vsel vm2, $0xFFFFFFFF, v3;
	vm2 =	vgt.f32 v2, v13  }
0x468: {  	v2 =	vnsel vm2, $0x0, v2;
	v1 =	vld [tilespmem:$0x1EC10]  }
0x469: {  	[tilespmem:$0x1E1F0] =	vst v2;
	v2 =	vsel vm0, $0x3F800000, v47  }
0x46a: {  	[tilespmem:$0x1E5A0] =	vst v2;
	v2 =	vld [tilespmem:$0x1EC40]  }
0x46b: {  	vm0 =	vgt.f32 v0, v13  }
0x46c: {  	[tilespmem:$0x1EBB0] =	vst v3;
	v3 =	vimm.s32 $0x0;
	v0 =	vnsel vm0, $0x0, v0  }
0x46d: {  	v3 =	vsel vm2, $0xFFFFFFFF, v3;
	vm2 =	vgt.f32 v1, v13;
	[tilespmem:$0x1E580] =	vst v0;
	v0 =	vld [tilespmem:$0x1EA60]  }
0x46e: {  	v1 =	vnsel vm2, $0x0, v1  }
0x46f: {  	vm1 =	vgt.f32 v2, v13;
	[tilespmem:$0x1E320] =	vst v1;
	v1 =	vimm.s32 $0x0  }
0x470: {  	v1 =	vsel vm1, $0xFFFFFFFF, v1  }
0x471: {  	[tilespmem:$0x1EC30] =	vst v1;
	v1 =	vnsel vm1, $0x0, v2  }
0x472: {  	[tilespmem:$0x1E310] =	vst v1;
	v1 =	vsel vm0, $0x3F800000, v47;
	vm0 =	vgt.f32 v0, v13  }
0x473: {  	[tilespmem:$0x1E560] =	vst v1;
	v1 =	vsel vm0, $0x3F800000, v47  }
0x474: {  	v0 =	vnsel vm0, $0x0, v0;
	[tilespmem:$0x1E5B0] =	vst v1;
	v1 =	vld [tilespmem:$0x1EC50]  }
0x475: {  	[tilespmem:$0x1E5D0] =	vst v0;
	v0 =	vld [tilespmem:$0x1EA10];
	_ =	sdelay $0x3  }
0x476: {  	vm1 =	vgt.f32 v1, v13  }
0x477: {  	vm0 =	vgt.f32 v0, v13;
	v1 =	vnsel vm1, $0x0, v1  }
0x478: {  	[tilespmem:$0x1E2E0] =	vst v1;
	v1 =	vsel vm0, $0x3F800000, v47  }
0x479: {  	[tilespmem:$0x1E520] =	vst v1;
	v1 =	vld [tilespmem:$0x1EA40];
	_ =	sdelay $0x3  }
0x47a: {  	v2 =	vimm.s32 $0x0  }
0x47b: {  	v2 =	vsel vm1, $0xFFFFFFFF, v2;
	v0 =	vnsel vm0, $0x0, v0;
	vm1 =	vgt.f32 v1, v13  }
0x47c: {  	[tilespmem:$0x1E540] =	vst v0;
	v0 =	vsel vm1, $0x3F800000, v47  }
0x47d: {  	[tilespmem:$0x1E570] =	vst v0;
	v0 =	vld [tilespmem:$0x1EC90];
	_ =	sdelay $0x4  }
0x47e: {  	[tilespmem:$0x1EC60] =	vst v2;
	v2 =	vld [tilespmem:$0x1EC70];
	v1 =	vnsel vm1, $0x0, v1;
	vm0 =	vgt.f32 v0, v13  }
0x47f: {  	[tilespmem:$0x1E590] =	vst v1;
	v1 =	vimm.s32 $0x0;
	v0 =	vnsel vm0, $0x0, v0  }
0x480: {  	v1 =	vsel vm0, $0xFFFFFFFF, v1;
	[tilespmem:$0x1E2B0] =	vst v0;
	v0 =	vld [tilespmem:$0x1E9F0]  }
0x481: {  	[tilespmem:$0x1ECA0] =	vst v1;
	v1 =	vld [tilespmem:$0x1EA20]  }
0x482: {  	[tilespmem:$0x1EC00] =	vst v3;
	v3 =	vimm.s32 $0x0  }
0x483: {  	v3 =	vsel vm2, $0xFFFFFFFF, v3;
	vm2 =	vgt.f32 v2, v13  }
0x484: {  	v2 =	vnsel vm2, $0x0, v2  }
0x485: {  	[tilespmem:$0x1E2F0] =	vst v2;
	v2 =	vld [tilespmem:$0x1ECB0];
	vm0 =	vgt.f32 v0, v13  }
0x486: {  	[tilespmem:$0x1EC20] =	vst v3;
	vm1 =	vgt.f32 v1, v13;
	v0 =	vnsel vm0, $0x0, v0  }
0x487: {  	[tilespmem:$0x1E500] =	vst v0;
	v0 =	vsel vm1, $0x3F800000, v47  }
0x488: {  	[tilespmem:$0x1E530] =	vst v0;
	v0 =	vnsel vm1, $0x0, v1  }
0x489: {  	v3 =	vimm.s32 $0x0;
	[tilespmem:$0x1E550] =	vst v0;
	v0 =	vld [tilespmem:$0x1E9D0]  }
0x48a: {  	v3 =	vsel vm2, $0xFFFFFFFF, v3;
	vm2 =	vgt.f32 v2, v13  }
0x48b: {  	v2 =	vnsel vm2, $0x0, v2;
	v1 =	vld [tilespmem:$0x1ECD0]  }
0x48c: {  	[tilespmem:$0x1E2A0] =	vst v2;
	v2 =	vsel vm0, $0x3F800000, v47  }
0x48d: {  	[tilespmem:$0x1E4E0] =	vst v2;
	v2 =	vld [tilespmem:$0x1ECF0]  }
0x48e: {  	vm0 =	vgt.f32 v0, v13  }
0x48f: {  	[tilespmem:$0x1EC80] =	vst v3;
	v3 =	vimm.s32 $0x0;
	v0 =	vnsel vm0, $0x0, v0  }
0x490: {  	v3 =	vsel vm2, $0xFFFFFFFF, v3;
	vm2 =	vgt.f32 v1, v13;
	[tilespmem:$0x1E4C0] =	vst v0;
	v0 =	vld [tilespmem:$0x1EA00]  }
0x491: {  	v1 =	vnsel vm2, $0x0, v1  }
0x492: {  	vm1 =	vgt.f32 v2, v13;
	[tilespmem:$0x1E280] =	vst v1;
	v1 =	vimm.s32 $0x0  }
0x493: {  	v1 =	vsel vm1, $0xFFFFFFFF, v1  }
0x494: {  	[tilespmem:$0x1ED00] =	vst v1;
	v1 =	vnsel vm1, $0x0, v2  }
0x495: {  	[tilespmem:$0x1E260] =	vst v1;
	v1 =	vsel vm0, $0x3F800000, v47;
	vm0 =	vgt.f32 v0, v13  }
0x496: {  	[tilespmem:$0x1E4A0] =	vst v1;
	v1 =	vsel vm0, $0x3F800000, v47  }
0x497: {  	v0 =	vnsel vm0, $0x0, v0;
	[tilespmem:$0x1E4F0] =	vst v1;
	v1 =	vld [tilespmem:$0x1ED10]  }
0x498: {  	[tilespmem:$0x1E510] =	vst v0;
	v0 =	vld [tilespmem:$0x1E9B0];
	_ =	sdelay $0x3  }
0x499: {  	vm1 =	vgt.f32 v1, v13  }
0x49a: {  	vm0 =	vgt.f32 v0, v13;
	v1 =	vnsel vm1, $0x0, v1  }
0x49b: {  	[tilespmem:$0x1E2D0] =	vst v1;
	v1 =	vsel vm0, $0x3F800000, v47  }
0x49c: {  	[tilespmem:$0x1E460] =	vst v1;
	v1 =	vld [tilespmem:$0x1E9E0];
	_ =	sdelay $0x3  }
0x49d: {  	v2 =	vimm.s32 $0x0  }
0x49e: {  	v2 =	vsel vm1, $0xFFFFFFFF, v2;
	v0 =	vnsel vm0, $0x0, v0;
	vm1 =	vgt.f32 v1, v13  }
0x49f: {  	[tilespmem:$0x1E480] =	vst v0;
	v0 =	vsel vm1, $0x3F800000, v47  }
0x4a0: {  	[tilespmem:$0x1E4B0] =	vst v0;
	v0 =	vld [tilespmem:$0x1ED50];
	_ =	sdelay $0x4  }
0x4a1: {  	[tilespmem:$0x1ED20] =	vst v2;
	v1 =	vnsel vm1, $0x0, v1;
	vm0 =	vgt.f32 v0, v13  }
0x4a2: {  	v2 =	vld [tilespmem:$0x1ED30];
	[tilespmem:$0x1E4D0] =	vst v1;
	v1 =	vimm.s32 $0x0;
	v0 =	vnsel vm0, $0x0, v0  }
0x4a3: {  	v1 =	vsel vm0, $0xFFFFFFFF, v1;
	[tilespmem:$0x1E300] =	vst v0;
	v0 =	vld [tilespmem:$0x1E6E0]  }
0x4a4: {  	[tilespmem:$0x1ED60] =	vst v1;
	v1 =	vld [tilespmem:$0x1E9C0];
	_ =	sdelay $0x1  }
0x4a5: {  	[tilespmem:$0x1ECC0] =	vst v3;
	v3 =	vimm.s32 $0x0  }
0x4a6: {  	v3 =	vsel vm2, $0xFFFFFFFF, v3;
	vm2 =	vgt.f32 v2, v13  }
0x4a7: {  	v2 =	vnsel vm2, $0x0, v2;
	vm0 =	vgt.f32 v0, v13  }
0x4a8: {  	[tilespmem:$0x1E2C0] =	vst v2;
	v2 =	vld [tilespmem:$0x1ED70];
	vm1 =	vgt.f32 v1, v13;
	v0 =	vnsel vm0, $0x0, v0  }
0x4a9: {  	[tilespmem:$0x1E440] =	vst v0;
	v0 =	vsel vm1, $0x3F800000, v47  }
0x4aa: {  	[tilespmem:$0x1E470] =	vst v0;
	v0 =	vnsel vm1, $0x0, v1  }
0x4ab: {  	[tilespmem:$0x1E490] =	vst v0;
	v0 =	vld [tilespmem:$0x1E6F0]  }
0x4ac: {  	[tilespmem:$0x1ECE0] =	vst v3;
	v3 =	vimm.s32 $0x0  }
0x4ad: {  	v3 =	vsel vm2, $0xFFFFFFFF, v3;
	vm2 =	vgt.f32 v2, v13  }
0x4ae: {  	v2 =	vnsel vm2, $0x0, v2  }
0x4af: {  	[tilespmem:$0x1E290] =	vst v2;
	v2 =	vsel vm0, $0x3F800000, v47;
	v1 =	vld [tilespmem:$0x1ED90]  }
0x4b0: {  	[tilespmem:$0x1E420] =	vst v2;
	v2 =	vld [tilespmem:$0x1EDB0];
	vm0 =	vgt.f32 v0, v13  }
0x4b1: {  	v0 =	vnsel vm0, $0x0, v0  }
0x4b2: {  	[tilespmem:$0x1E400] =	vst v0;
	v0 =	vld [tilespmem:$0x1E9A0]  }
0x4b3: {  	[tilespmem:$0x1ED40] =	vst v3;
	v3 =	vimm.s32 $0x0  }
0x4b4: {  	v3 =	vsel vm2, $0xFFFFFFFF, v3;
	vm2 =	vgt.f32 v1, v13  }
0x4b5: {  	vm1 =	vgt.f32 v2, v13;
	v24 =	vnsel vm2, $0x0, v1;
	v1 =	vimm.s32 $0x0  }
0x4b6: {  	v1 =	vsel vm1, $0xFFFFFFFF, v1  }
0x4b7: {  	[tilespmem:$0x1EDC0] =	vst v1;
	v1 =	vsel vm0, $0x3F800000, v47;
	vm0 =	vgt.f32 v0, v13  }
0x4b8: {  	[tilespmem:$0x1E3E0] =	vst v1;
	v1 =	vsel vm0, $0x3F800000, v47  }
0x4b9: {  	v0 =	vnsel vm0, $0x0, v0;
	[tilespmem:$0x1E430] =	vst v1;
	v1 =	vld [tilespmem:$0x1EDD0]  }
0x4ba: {  	[tilespmem:$0x1E450] =	vst v0;
	v0 =	vld [tilespmem:$0x1E700];
	_ =	sdelay $0x4  }
0x4bb: {  	v20 =	vnsel vm1, $0x0, v2;
	vm1 =	vgt.f32 v1, v13;
	vm0 =	vgt.f32 v0, v13  }
0x4bc: {  	v19 =	vnsel vm1, $0x0, v1;
	v1 =	vsel vm0, $0x3F800000, v47  }
0x4bd: {  	[tilespmem:$0x1E3A0] =	vst v1;
	v1 =	vld [tilespmem:$0x1E990];
	_ =	sdelay $0x3  }
0x4be: {  	v2 =	vimm.s32 $0x0  }
0x4bf: {  	v2 =	vsel vm1, $0xFFFFFFFF, v2;
	v0 =	vnsel vm0, $0x0, v0;
	vm1 =	vgt.f32 v1, v13  }
0x4c0: {  	[tilespmem:$0x1E3C0] =	vst v0;
	v0 =	vsel vm1, $0x3F800000, v47  }
0x4c1: {  	[tilespmem:$0x1E3F0] =	vst v0;
	v0 =	vld [tilespmem:$0x1EE10]  }
0x4c2: {  	[tilespmem:$0x1EDE0] =	vst v2;
	v2 =	vld [tilespmem:$0x1EDF0];
	_ =	sdelay $0x3  }
0x4c3: {  	[tilespmem:$0x1ED80] =	vst v3;
	v3 =	vimm.s32 $0x0;
	vm0 =	vgt.f32 v0, v13  }
0x4c4: {  	v3 =	vsel vm2, $0xFFFFFFFF, v3;
	vm2 =	vgt.f32 v2, v13;
	v17 =	vnsel vm0, $0x0, v0;
	v0 =	vld [tilespmem:$0x1E710]  }
0x4c5: {  	v21 =	vnsel vm2, $0x0, v2;
	v2 =	vld [tilespmem:$0x1E980];
	_ =	sdelay $0x1  }
0x4c6: {  	v1 =	vnsel vm1, $0x0, v1  }
0x4c7: {  	[tilespmem:$0x1E410] =	vst v1;
	v1 =	vimm.s32 $0x0  }
0x4c8: {  	v1 =	vsel vm0, $0xFFFFFFFF, v1;
	vm0 =	vgt.f32 v0, v13  }
0x4c9: {  	vm1 =	vgt.f32 v2, v13;
	v0 =	vnsel vm0, $0x0, v0  }
0x4ca: {  	[tilespmem:$0x1E380] =	vst v0;
	v0 =	vsel vm1, $0x3F800000, v47  }
0x4cb: {  	[tilespmem:$0x1E3B0] =	vst v0;
	v0 =	vnsel vm1, $0x0, v2;
	v2 =	vld [tilespmem:$0x1EE80];
	_ =	sdelay $0x3  }
0x4cc: {  	[tilespmem:$0x1EE20] =	vst v1;
	v1 =	vld [tilespmem:$0x1EE30]  }
0x4cd: {  	[tilespmem:$0x1E3D0] =	vst v0;
	v0 =	vld [tilespmem:$0x1E720];
	vm1 =	vgt.f32 v2, v13  }
0x4ce: {  	v6 =	vnsel vm1, $0x0, v2;
	v2 =	vld [tilespmem:$0x1E970];
	_ =	sdelay $0x1  }
0x4cf: {  	[tilespmem:$0x1EDA0] =	vst v3;
	v3 =	vimm.s32 $0x0  }
0x4d0: {  	v3 =	vsel vm2, $0xFFFFFFFF, v3;
	vm2 =	vgt.f32 v1, v13  }
0x4d1: {  	v16 =	vnsel vm2, $0x0, v1;
	v1 =	vsel vm0, $0x3F800000, v47;
	vm0 =	vgt.f32 v0, v13  }
0x4d2: {  	[tilespmem:$0x1E360] =	vst v1;
	v1 =	vld [tilespmem:$0x1EE50];
	v35 =	vsel vm0, $0x3F800000, v47;
	v0 =	vnsel vm0, $0x0, v0;
	vm0 =	vgt.f32 v2, v13  }
0x4d3: {  	[tilespmem:$0x1E340] =	vst v0;
	v0 =	vsel vm0, $0x3F800000, v47  }
0x4d4: {  	[tilespmem:$0x1E370] =	vst v0;
	v0 =	vnsel vm0, $0x0, v2  }
0x4d5: {  	[tilespmem:$0x1E390] =	vst v0;
	v0 =	vld [tilespmem:$0x1EEA0]  }
0x4d6: {  	[tilespmem:$0x1EE00] =	vst v3;
	v3 =	vimm.s32 $0x0  }
0x4d7: {  	v3 =	vsel vm2, $0xFFFFFFFF, v3;
	vm2 =	vgt.f32 v1, v13  }
0x4d8: {  	v1 =	vnsel vm2, $0x0, v1  }
0x4d9: {  	[tilespmem:$0x1EE70] =	vst v1;
	v1 =	vimm.s32 $0x0  }
0x4da: {  	v1 =	vsel vm1, $0xFFFFFFFF, v1;
	vm1 =	vgt.f32 v0, v13  }
0x4db: {  	v0 =	vnsel vm1, $0x0, v0  }
0x4dc: {  	[tilespmem:$0x1EEC0] =	vst v0;
	v0 =	vld [tilespmem:$0x1EED0];
	_ =	sdelay $0x3  }
0x4dd: {  	[tilespmem:$0x1EE40] =	vst v3;
	v3 =	vimm.s32 $0x0  }
0x4de: {  	v4 =	vld [tilespmem:$0x1E920];
	v3 =	vsel vm2, $0xFFFFFFFF, v3;
	vm2 =	vgt.f32 v0, v13  }
0x4df: {  	v5 =	vld [tilespmem:$0x1E960];
	v0 =	vnsel vm2, $0x0, v0  }
0x4e0: {  	[tilespmem:$0x1EEF0] =	vst v0;
	v0 =	vld [tilespmem:$0x1EF00]  }
0x4e1: {  	[tilespmem:$0x1EE90] =	vst v1;
	v1 =	vimm.s32 $0x0  }
0x4e2: {  	v1 =	vsel vm1, $0xFFFFFFFF, v1  }
0x4e3: {  	vm0 =	vgt.f32 v4, v13;
	[tilespmem:$0x1EEB0] =	vst v1;
	v1 =	vimm.s32 $0x0  }
0x4e4: {  	v25 =	vsel vm0, $0x3F800000, v47;
	vm1 =	vgt.f32 v5, v13;
	v1 =	vsel vm2, $0xFFFFFFFF, v1  }
0x4e5: {  	v46 =	vnsel vm0, $0x0, v4;
	[tilespmem:$0x1EEE0] =	vst v1;
	v1 =	vnsel vm1, $0x0, v5;
	vm0 =	vgt.f32 v0, v13  }
0x4e6: {  	[tilespmem:$0x1E350] =	vst v1;
	v1 =	vimm.s32 $0x0;
	v0 =	vnsel vm0, $0x0, v0  }
0x4e7: {  	v1 =	vsel vm0, $0xFFFFFFFF, v1;
	[tilespmem:$0x1EF20] =	vst v0;
	v0 =	vld [tilespmem:$0x1E950]  }
0x4e8: {  	[tilespmem:$0x1EF10] =	vst v1;
	v1 =	vld [tilespmem:$0x1EF30];
	_ =	sdelay $0x3  }
0x4e9: {  	v37 =	vsel vm1, $0x3F800000, v47;
	vm1 =	vgt.f32 v0, v13  }
0x4ea: {  	vm2 =	vgt.f32 v1, v13;
	v48 =	vnsel vm1, $0x0, v0;
	v0 =	vld [tilespmem:$0x1EF60]  }
0x4eb: {  	v1 =	vnsel vm2, $0x0, v1  }
0x4ec: {  	[tilespmem:$0x1EF50] =	vst v1;
	v1 =	vld [tilespmem:$0x1EF90]  }
0x4ed: {  	v5 =	vld [tilespmem:$0x1E930]  }
0x4ee: {  	v2 =	vimm.s32 $0x0  }
0x4ef: {  	v2 =	vsel vm2, $0xFFFFFFFF, v2;
	vm2 =	vgt.f32 v0, v13  }
0x4f0: {  	v0 =	vnsel vm2, $0x0, v0  }
0x4f1: {  	v45 =	vsel vm1, $0x3F800000, v47;
	vm1 =	vgt.f32 v1, v13;
	[tilespmem:$0x1EF80] =	vst v0;
	v0 =	vimm.s32 $0x0  }
0x4f2: {  	vm0 =	vgt.f32 v5, v13;
	v0 =	vsel vm1, $0xFFFFFFFF, v0  }
0x4f3: {  	v38 =	vnsel vm0, $0x0, v5;
	v5 =	vld [tilespmem:$0x1E900];
	[tilespmem:$0x1EFA0] =	vst v0;
	v0 =	vnsel vm1, $0x0, v1  }
0x4f4: {  	[tilespmem:$0x1EFB0] =	vst v0;
	v0 =	vld [tilespmem:$0x1E940];
	_ =	sdelay $0x3  }
0x4f5: {  	v18 =	vsel vm0, $0x3F800000, v47;
	vm0 =	vgt.f32 v5, v13  }
0x4f6: {  	v44 =	vsel vm0, $0x3F800000, v47;
	v40 =	vnsel vm0, $0x0, v5;
	vm0 =	vgt.f32 v0, v13  }
0x4f7: {  	v49 =	vnsel vm0, $0x0, v0;
	v0 =	vld [tilespmem:$0x1EFC0];
	_ =	sdelay $0x4  }
0x4f8: {  	v1 =	vimm.s32 $0x0;
	vm1 =	vgt.f32 v0, v13  }
0x4f9: {  	v1 =	vsel vm1, $0xFFFFFFFF, v1  }
0x4fa: {  	[tilespmem:$0x1EFD0] =	vst v1;
	v1 =	vld [tilespmem:$0x1EFF0];
	_ =	sdelay $0x3  }
0x4fb: {  	[tilespmem:$0x1EF40] =	vst v2;
	v2 =	vimm.s32 $0x0  }
0x4fc: {  	v5 =	vld [tilespmem:$0x1E8E0];
	v2 =	vsel vm2, $0xFFFFFFFF, v2;
	v0 =	vnsel vm1, $0x0, v0;
	vm2 =	vgt.f32 v1, v13  }
0x4fd: {  	[tilespmem:$0x1EFE0] =	vst v0;
	v0 =	vld [tilespmem:$0x1E910];
	v1 =	vnsel vm2, $0x0, v1  }
0x4fe: {  	[tilespmem:$0x1F010] =	vst v1;
	v1 =	vld [tilespmem:$0x1F020];
	_ =	sdelay $0x2  }
0x4ff: {  	v50 =	vsel vm0, $0x3F800000, v47;
	vm0 =	vgt.f32 v5, v13  }
0x500: {  	v8 =	vsel vm0, $0x3F800000, v47;
	v51 =	vnsel vm0, $0x0, v5;
	vm1 =	vgt.f32 v0, v13  }
0x501: {  	v55 =	vnsel vm1, $0x0, v0;
	v0 =	vimm.s32 $0x0;
	vm0 =	vgt.f32 v1, v13  }
0x502: {  	v0 =	vsel vm0, $0xFFFFFFFF, v0  }
0x503: {  	[tilespmem:$0x1F030] =	vst v0;
	v0 =	vnsel vm0, $0x0, v1  }
0x504: {  	[tilespmem:$0x1F040] =	vst v0;
	v0 =	vld [tilespmem:$0x1E8F0]  }
0x505: {  	v1 =	vld [tilespmem:$0x1F050];
	_ =	sdelay $0x3  }
0x506: {  	[tilespmem:$0x1EF70] =	vst v2;
	v2 =	vimm.s32 $0x0;
	v5 =	vld [tilespmem:$0x1E8C0];
	v22 =	vsel vm1, $0x3F800000, v47;
	vm1 =	vgt.f32 v0, v13  }
0x507: {  	v2 =	vsel vm2, $0xFFFFFFFF, v2;
	vm2 =	vgt.f32 v1, v13;
	v52 =	vnsel vm1, $0x0, v0;
	v0 =	vld [tilespmem:$0x1F080]  }
0x508: {  	v7 =	vld [tilespmem:$0x1E8A0];
	v1 =	vnsel vm2, $0x0, v1  }
0x509: {  	[tilespmem:$0x1F070] =	vst v1;
	v1 =	vld [tilespmem:$0x1F0B0];
	_ =	sdelay $0x1  }
0x50a: {  	[tilespmem:$0x1F000] =	vst v2;
	v2 =	vimm.s32 $0x0;
	vm0 =	vgt.f32 v5, v13  }
0x50b: {  	v56 =	vsel vm0, $0x3F800000, v47;
	v2 =	vsel vm2, $0xFFFFFFFF, v2;
	vm2 =	vgt.f32 v0, v13  }
0x50c: {  	v29 =	vnsel vm0, $0x0, v5;
	v23 =	vsel vm1, $0x3F800000, v47;
	v0 =	vnsel vm2, $0x0, v0  }
0x50d: {  	vm1 =	vgt.f32 v7, v13;
	vm0 =	vgt.f32 v1, v13;
	[tilespmem:$0x1F0A0] =	vst v0;
	v0 =	vimm.s32 $0x0  }
0x50e: {  	v54 =	vnsel vm1, $0x0, v7;
	v7 =	vld [tilespmem:$0x1E730];
	v0 =	vsel vm0, $0xFFFFFFFF, v0  }
0x50f: {  	[tilespmem:$0x1F0C0] =	vst v0;
	v0 =	vnsel vm0, $0x0, v1  }
0x510: {  	[tilespmem:$0x1F0D0] =	vst v0;
	v0 =	vld [tilespmem:$0x1E830]  }
0x511: {  	v15 =	vld [tilespmem:$0x1E860]  }
0x512: {  	v9 =	vld [tilespmem:$0x1E760]  }
0x513: {  	v5 =	vld [tilespmem:$0x1E880];
	vm3 =	vgt.f32 v7, v13  }
0x514: {  	v58 =	vnsel vm3, $0x0, v7;
	v7 =	vld [tilespmem:$0x1E750]  }
0x515: {  	v33 =	vld [tilespmem:$0x1E890];
	vm5 =	vgt.f32 v0, v13  }
0x516: {  	v36 =	vnsel vm5, $0x0, v0;
	v0 =	vld [tilespmem:$0x1E7F0]  }
0x517: {  	v34 =	vld [tilespmem:$0x1E8B0];
	[tilespmem:$0x1F060] =	vst v2;
	v2 =	vimm.s32 $0x0  }
0x518: {  	v4 =	vld [tilespmem:$0x1E8D0];
	v2 =	vsel vm2, $0xFFFFFFFF, v2;
	vm2 =	vgt.f32 v5, v13  }
0x519: {  	v28 =	vnsel vm2, $0x0, v5;
	v5 =	vld [tilespmem:$0x1E850];
	vm7 =	vgt.f32 v7, v13  }
0x51a: {  	v32 =	vnsel vm7, $0x0, v7;
	v7 =	vld [tilespmem:$0x1E770]  }
0x51b: {  	v1 =	vld [tilespmem:$0x1E7A0];
	vm8 =	vgt.f32 v0, v13  }
0x51c: {  	v63 =	vnsel vm8, $0x0, v0;
	v0 =	vld [tilespmem:$0x1E790]  }
0x51d: {  	v12 =	vld [tilespmem:$0x1E780];
	v53 =	vsel vm1, $0x3F800000, v47;
	vm1 =	vgt.f32 v34, v13  }
0x51e: {  	v43 =	vld [tilespmem:$0x1E870];
	v27 =	vsel vm2, $0x3F800000, v47;
	v57 =	vsel vm3, $0x3F800000, v47;
	vm2 =	vgt.f32 v33, v13  }
0x51f: {  	[tilespmem:$0x1EE60] =	vst v3;
	v3 =	vld [tilespmem:$0x1E810];
	vm0 =	vgt.f32 v4, v13;
	vm4 =	vgt.f32 v5, v13;
	vm9 =	vgt.f32 v7, v13  }
0x520: {  	[tilespmem:$0x1F090] =	vst v2;
	v2 =	vld [tilespmem:$0x1E800];
	v31 =	vnsel vm4, $0x0, v5;
	vm11 =	vgt.f32 v1, v13;
	v41 =	vsel vm9, $0x3F800000, v47  }
0x521: {  	v5 =	vld [tilespmem:$0x1E740];
	v7 =	vnsel vm9, $0x0, v7;
	vm9 =	vgt.f32 v9, v13;
	vm10 =	vgt.f32 v0, v13  }
0x522: {  	v39 =	vnsel vm11, $0x0, v1;
	v1 =	vld [tilespmem:$0x1E7E0];
	v11 =	vsel vm9, $0x3F800000, v47;
	v9 =	vsel vm10, $0x3F800000, v47  }
0x523: {  	v12 =	vnsel vm9, $0x0, v12;
	v9 =	vadd.f32 v9, v11;
	v11 =	vnsel vm10, $0x0, v0;
	v0 =	vld [tilespmem:$0x1E7D0]  }
0x524: {  	vm3 =	vgt.f32 v43, v13;
	v26 =	vsel vm0, $0x3F800000, v47;
	v11 =	vadd.f32 v11, v12;
	v12 =	vld [tilespmem:$0x1E7B0]  }
0x525: {  	v59 =	vsel vm4, $0x3F800000, v47;
	vm4 =	vgt.f32 v15, v13;
	v62 =	vsel vm7, $0x3F800000, v47  }
0x526: {  	vm7 =	vgt.f32 v3, v13;
	vm6 =	vgt.f32 v5, v13;
	v11 =	vadd.f32 v39, v11;
	v39 =	vld [tilespmem:$0x1E7C0]  }
0x527: {  	v10 =	vsel vm11, $0x3F800000, v47;
	v30 =	vsel vm5, $0x3F800000, v47;
	v60 =	vsel vm6, $0x3F800000, v47  }
0x528: {  	v61 =	vnsel vm6, $0x0, v5;
	vm9 =	vgt.f32 v1, v13;
	v5 =	vsel vm8, $0x3F800000, v47  }
0x529: {  	vm8 =	vgt.f32 v2, v13;
	vm11 =	vgt.f32 v0, v13;
	vm10 =	vgt.f32 v12, v13  }
0x52a: {  	v9 =	vadd.f32 v10, v9;
	v12 =	vsel vm11, $0x3F800000, v47;
	v10 =	vsel vm10, $0x3F800000, v47  }
0x52b: {  	v14 =	vld [tilespmem:$0x1E820];
	v39 =	vnsel vm10, $0x0, v39;
	v10 =	vadd.f32 v12, v10;
	v12 =	vnsel vm11, $0x0, v0  }
0x52c: {  	v9 =	vadd.f32 v41, v9;
	v12 =	vadd.f32 v12, v39;
	v39 =	vsel vm9, $0x3F800000, v47  }
0x52d: {  	v42 =	vld [tilespmem:$0x1E840];
	v7 =	vadd.f32 v7, v11;
	v10 =	vadd.f32 v39, v10;
	v39 =	vnsel vm9, $0x0, v1  }
0x52e: {  	v5 =	vadd.f32 v5, v9;
	v11 =	vadd.f32 v39, v12;
	v12 =	vsel vm8, $0x3F800000, v47  }
0x52f: {  	v7 =	vadd.f32 v63, v7;
	v9 =	vadd.f32 v12, v10;
	v10 =	vnsel vm8, $0x0, v2  }
0x530: {  	vm6 =	vgt.f32 v14, v13;
	v10 =	vadd.f32 v10, v11;
	v11 =	vsel vm7, $0x3F800000, v47  }
0x531: {  	v7 =	vadd.f32 v32, v7;
	v9 =	vadd.f32 v11, v9;
	v11 =	vnsel vm7, $0x0, v3  }
0x532: {  	vm5 =	vgt.f32 v42, v13;
	v10 =	vadd.f32 v11, v10;
	v11 =	vsel vm6, $0x3F800000, v47  }
0x533: {  	v7 =	vadd.f32 v61, v7;
	v9 =	vadd.f32 v11, v9;
	v11 =	vnsel vm6, $0x0, v14  }
0x534: {  	v5 =	vadd.f32 v62, v5;
	v10 =	vadd.f32 v11, v10;
	v11 =	vsel vm5, $0x3F800000, v47  }
0x535: {  	v7 =	vadd.f32 v36, v7;
	v9 =	vadd.f32 v11, v9;
	v11 =	vnsel vm5, $0x0, v42  }
0x536: {  	v5 =	vadd.f32 v60, v5;
	v10 =	vadd.f32 v11, v10;
	v11 =	vsel vm4, $0x3F800000, v47  }
0x537: {  	v7 =	vadd.f32 v31, v7;
	v9 =	vadd.f32 v11, v9;
	v11 =	vnsel vm4, $0x0, v15  }
0x538: {  	v5 =	vadd.f32 v30, v5;
	v10 =	vadd.f32 v11, v10;
	v11 =	vsel vm3, $0x3F800000, v47  }
0x539: {  	v0 =	vld [tilespmem:$0x1F0E0];
	v7 =	vadd.f32 v58, v7;
	v9 =	vadd.f32 v11, v9;
	v11 =	vnsel vm3, $0x0, v43  }
0x53a: {  	v5 =	vadd.f32 v59, v5;
	v10 =	vadd.f32 v11, v10;
	v11 =	vsel vm2, $0x3F800000, v47  }
0x53b: {  	v7 =	vadd.f32 v28, v7;
	v9 =	vadd.f32 v11, v9;
	v11 =	vnsel vm2, $0x0, v33  }
0x53c: {  	v5 =	vadd.f32 v57, v5;
	v10 =	vadd.f32 v11, v10;
	v11 =	vsel vm1, $0x3F800000, v47  }
0x53d: {  	v7 =	vadd.f32 v54, v7;
	v9 =	vadd.f32 v11, v9;
	v11 =	vnsel vm1, $0x0, v34  }
0x53e: {  	v10 =	vadd.f32 v11, v10;
	v11 =	vnsel vm0, $0x0, v4;
	vm0 =	vgt.f32 v0, v13  }
0x53f: {  	v5 =	vadd.f32 v27, v5;
	v7 =	vadd.f32 v29, v7;
	v29 =	vnsel vm0, $0x0, v0;
	v0 =	vld [tilespmem:$0x1F100];
	_ =	sdelay $0x1  }
0x540: {  	v5 =	vadd.f32 v53, v5;
	_ =	sdelay $0x1  }
0x541: {  	v1 =	vimm.s32 $0x0;
	v5 =	vadd.f32 v56, v5  }
0x542: {  	v1 =	vsel vm0, $0xFFFFFFFF, v1;
	vm0 =	vgt.f32 v0, v13  }
0x543: {  	v5 =	vadd.f32 v8, v5;
	v8 =	vnsel vm0, $0x0, v0;
	v0 =	vld [tilespmem:$0x1F120];
	_ =	sdelay $0x3  }
0x544: {  	v7 =	vadd.f32 v51, v7;
	[tilespmem:$0x1F0F0] =	vst v1;
	v1 =	vimm.s32 $0x0  }
0x545: {  	v1 =	vsel vm0, $0xFFFFFFFF, v1;
	vm0 =	vgt.f32 v0, v13  }
0x546: {  	v7 =	vadd.f32 v40, v7;
	v40 =	vnsel vm0, $0x0, v0;
	v0 =	vld [tilespmem:$0x1F140];
	_ =	sdelay $0x3  }
0x547: {  	[tilespmem:$0x1F110] =	vst v1;
	v1 =	vimm.s32 $0x0  }
0x548: {  	v1 =	vsel vm0, $0xFFFFFFFF, v1;
	vm0 =	vgt.f32 v0, v13  }
0x549: {  	v7 =	vadd.f32 v38, v7;
	v38 =	vnsel vm0, $0x0, v0;
	v0 =	vld [tilespmem:$0x1F160];
	_ =	sdelay $0x1  }
0x54a: {  	v5 =	vadd.f32 v44, v5;
	_ =	sdelay $0x1  }
0x54b: {  	v4 =	vadd.f32 v18, v5;
	[tilespmem:$0x1F130] =	vst v1;
	v1 =	vimm.s32 $0x0  }
0x54c: {  	v1 =	vsel vm0, $0xFFFFFFFF, v1;
	vm0 =	vgt.f32 v0, v13  }
0x54d: {  	v9 =	vadd.f32 v26, v9;
	v4 =	vadd.f32 v25, v4;
	v25 =	vnsel vm0, $0x0, v0;
	v0 =	vld [tilespmem:$0x1F180]  }
0x54e: {  	v10 =	vadd.f32 v11, v10  }
0x54f: {  	v9 =	vadd.f32 v23, v9  }
0x550: {  	v10 =	vadd.f32 v52, v10  }
0x551: {  	v9 =	vadd.f32 v22, v9;
	[tilespmem:$0x1F150] =	vst v1;
	v1 =	vimm.s32 $0x0  }
0x552: {  	v10 =	vadd.f32 v55, v10;
	v1 =	vsel vm0, $0xFFFFFFFF, v1;
	vm0 =	vgt.f32 v0, v13  }
0x553: {  	v4 =	vadd.f32 v35, v4;
	v35 =	vnsel vm0, $0x0, v0;
	v0 =	vld [tilespmem:$0x1E350]  }
0x554: {  	v5 =	vadd.f32 v50, v9;
	v9 =	vadd.f32 v49, v10  }
0x555: {  	[tilespmem:$0x1F170] =	vst v1;
	v1 =	vld [tilespmem:$0x1E340]  }
0x556: {  	v9 =	vadd.f32 v48, v9;
	_ =	sdelay $0x1  }
0x557: {  	v7 =	vadd.f32 v46, v7;
	v9 =	vadd.f32 v0, v9;
	v0 =	vld [tilespmem:$0x1E360];
	_ =	sdelay $0x1  }
0x558: {  	v7 =	vadd.f32 v1, v7;
	v1 =	vimm.s32 $0x0  }
0x559: {  	v2 =	vld [tilespmem:$0x1E380];
	v1 =	vsel vm0, $0xFFFFFFFF, v1  }
0x55a: {  	[tilespmem:$0x1F190] =	vst v1;
	v1 =	vld [tilespmem:$0x1F1A0]  }
0x55b: {  	v4 =	vadd.f32 v0, v4;
	v0 =	vld [tilespmem:$0x1E370]  }
0x55c: {  	v5 =	vadd.f32 v45, v5;
	_ =	sdelay $0x1  }
0x55d: {  	v5 =	vadd.f32 v37, v5  }
0x55e: {  	vm0 =	vgt.f32 v1, v13  }
0x55f: {  	v0 =	vadd.f32 v0, v5;
	v5 =	vadd.f32 v2, v7;
	v2 =	vimm.s32 $0x0  }
0x560: {  	v2 =	vsel vm0, $0xFFFFFFFF, v2  }
0x561: {  	[tilespmem:$0x1F1B0] =	vst v2;
	v2 =	vld [tilespmem:$0x1E390];
	_ =	sdelay $0x3  }
0x562: {  	v3 =	vld [tilespmem:$0x1E3B0]  }
0x563: {  	v7 =	vadd.f32 v2, v9;
	v2 =	vld [tilespmem:$0x1E3A0];
	_ =	sdelay $0x3  }
0x564: {  	v0 =	vadd.f32 v3, v0;
	v3 =	vld [tilespmem:$0x1E3C0]  }
0x565: {  	v4 =	vadd.f32 v2, v4;
	v2 =	vld [tilespmem:$0x1F1C0];
	_ =	sdelay $0x3  }
0x566: {  	v1 =	vnsel vm0, $0x0, v1  }
0x567: {  	v3 =	vadd.f32 v3, v5;
	v5 =	vimm.s32 $0x0;
	vm0 =	vgt.f32 v2, v13  }
0x568: {  	v5 =	vsel vm0, $0xFFFFFFFF, v5  }
0x569: {  	[tilespmem:$0x1F1D0] =	vst v5;
	v5 =	vld [tilespmem:$0x1E3D0];
	_ =	sdelay $0x4  }
0x56a: {  	v5 =	vadd.f32 v5, v7;
	v7 =	vld [tilespmem:$0x1E3F0];
	_ =	sdelay $0x4  }
0x56b: {  	v0 =	vadd.f32 v7, v0;
	v7 =	vld [tilespmem:$0x1E400];
	_ =	sdelay $0x2  }
0x56c: {  	v9 =	vld [tilespmem:$0x1E430];
	_ =	sdelay $0x1  }
0x56d: {  	v3 =	vadd.f32 v7, v3;
	v7 =	vld [tilespmem:$0x1E410];
	_ =	sdelay $0x1  }
0x56e: {  	v63 =	vmov v6;
	v6 =	vld [tilespmem:$0x1E3E0]  }
0x56f: {  	v0 =	vadd.f32 v9, v0;
	v9 =	vld [tilespmem:$0x1E440];
	_ =	sdelay $0x1  }
0x570: {  	v5 =	vadd.f32 v7, v5;
	v7 =	vld [tilespmem:$0x1E420];
	_ =	sdelay $0x2  }
0x571: {  	v6 =	vadd.f32 v6, v4;
	v3 =	vadd.f32 v9, v3;
	v9 =	vld [tilespmem:$0x1E470];
	_ =	sdelay $0x1  }
0x572: {  	v6 =	vadd.f32 v7, v6;
	v7 =	vld [tilespmem:$0x1F1F0];
	_ =	sdelay $0x2  }
0x573: {  	v0 =	vadd.f32 v9, v0;
	v9 =	vld [tilespmem:$0x1E480];
	_ =	sdelay $0x1  }
0x574: {  	vm1 =	vgt.f32 v7, v13  }
0x575: {  	v61 =	vmov v16;
	v16 =	vnsel vm1, $0x0, v7;
	v7 =	vld [tilespmem:$0x1E450];
	_ =	sdelay $0x1  }
0x576: {  	v3 =	vadd.f32 v9, v3;
	v9 =	vld [tilespmem:$0x1E490];
	_ =	sdelay $0x2  }
0x577: {  	v5 =	vadd.f32 v7, v5;
	v7 =	vld [tilespmem:$0x1E460];
	_ =	sdelay $0x1  }
0x578: {  	v5 =	vadd.f32 v9, v5;
	v9 =	vld [tilespmem:$0x1E4A0];
	_ =	sdelay $0x2  }
0x579: {  	v7 =	vadd.f32 v7, v6;
	_ =	sdelay $0x1  }
0x57a: {  	v7 =	vadd.f32 v9, v7;
	v9 =	vld [tilespmem:$0x1F210];
	_ =	sdelay $0x4  }
0x57b: {  	vm3 =	vgt.f32 v9, v13  }
0x57c: {  	v60 =	vmov v17;
	v17 =	vnsel vm3, $0x0, v9;
	v9 =	vld [tilespmem:$0x1E4D0];
	_ =	sdelay $0x4  }
0x57d: {  	v5 =	vadd.f32 v9, v5;
	v9 =	vld [tilespmem:$0x1E4E0];
	_ =	sdelay $0x4  }
0x57e: {  	v7 =	vadd.f32 v9, v7;
	v9 =	vld [tilespmem:$0x1F220];
	_ =	sdelay $0x4  }
0x57f: {  	vm4 =	vgt.f32 v9, v13  }
0x580: {  	v18 =	vnsel vm4, $0x0, v9;
	v9 =	vld [tilespmem:$0x1E510];
	_ =	sdelay $0x4  }
0x581: {  	v5 =	vadd.f32 v9, v5;
	v9 =	vld [tilespmem:$0x1E520];
	_ =	sdelay $0x4  }
0x582: {  	v7 =	vadd.f32 v9, v7;
	v9 =	vld [tilespmem:$0x1F230];
	_ =	sdelay $0x4  }
0x583: {  	vm5 =	vgt.f32 v9, v13  }
0x584: {  	v59 =	vmov v19;
	v19 =	vnsel vm5, $0x0, v9;
	v9 =	vld [tilespmem:$0x1E550];
	_ =	sdelay $0x4  }
0x585: {  	v5 =	vadd.f32 v9, v5;
	v9 =	vld [tilespmem:$0x1E560];
	_ =	sdelay $0x3  }
0x586: {  	v10 =	vld [tilespmem:$0x1E4B0]  }
0x587: {  	v7 =	vadd.f32 v9, v7;
	v9 =	vld [tilespmem:$0x1F240];
	_ =	sdelay $0x4  }
0x588: {  	v0 =	vadd.f32 v10, v0;
	v10 =	vld [tilespmem:$0x1E4C0];
	vm6 =	vgt.f32 v9, v13  }
0x589: {  	v42 =	vmov v20;
	v20 =	vnsel vm6, $0x0, v9;
	v9 =	vld [tilespmem:$0x1E590];
	_ =	sdelay $0x3  }
0x58a: {  	v3 =	vadd.f32 v10, v3;
	v10 =	vld [tilespmem:$0x1E4F0]  }
0x58b: {  	v5 =	vadd.f32 v9, v5;
	v9 =	vld [tilespmem:$0x1E5A0];
	_ =	sdelay $0x3  }
0x58c: {  	v0 =	vadd.f32 v10, v0;
	v10 =	vld [tilespmem:$0x1E500]  }
0x58d: {  	v7 =	vadd.f32 v9, v7;
	v9 =	vld [tilespmem:$0x1F250];
	_ =	sdelay $0x4  }
0x58e: {  	v3 =	vadd.f32 v10, v3;
	v10 =	vld [tilespmem:$0x1E530];
	vm7 =	vgt.f32 v9, v13  }
0x58f: {  	v58 =	vmov v21;
	v21 =	vnsel vm7, $0x0, v9;
	v9 =	vld [tilespmem:$0x1E5D0];
	_ =	sdelay $0x3  }
0x590: {  	v0 =	vadd.f32 v10, v0;
	v10 =	vld [tilespmem:$0x1E540]  }
0x591: {  	v5 =	vadd.f32 v9, v5;
	v9 =	vld [tilespmem:$0x1E5E0];
	_ =	sdelay $0x3  }
0x592: {  	v3 =	vadd.f32 v10, v3;
	v10 =	vld [tilespmem:$0x1E570]  }
0x593: {  	v7 =	vadd.f32 v9, v7;
	v9 =	vld [tilespmem:$0x1F260];
	_ =	sdelay $0x3  }
0x594: {  	v0 =	vadd.f32 v10, v0;
	v10 =	vld [tilespmem:$0x1E580]  }
0x595: {  	vm8 =	vgt.f32 v9, v13  }
0x596: {  	v22 =	vnsel vm8, $0x0, v9;
	v9 =	vld [tilespmem:$0x1E610];
	_ =	sdelay $0x2  }
0x597: {  	v3 =	vadd.f32 v10, v3;
	v10 =	vld [tilespmem:$0x1E5B0];
	_ =	sdelay $0x1  }
0x598: {  	v5 =	vadd.f32 v9, v5;
	v9 =	vld [tilespmem:$0x1E620];
	_ =	sdelay $0x2  }
0x599: {  	v0 =	vadd.f32 v10, v0;
	v10 =	vld [tilespmem:$0x1E5C0];
	_ =	sdelay $0x1  }
0x59a: {  	v7 =	vadd.f32 v9, v7;
	v9 =	vld [tilespmem:$0x1F2B0];
	_ =	sdelay $0x2  }
0x59b: {  	v3 =	vadd.f32 v10, v3;
	v10 =	vld [tilespmem:$0x1E5F0];
	_ =	sdelay $0x1  }
0x59c: {  	vm9 =	vgt.f32 v9, v13;
	v9 =	vld [tilespmem:$0x1E630];
	_ =	sdelay $0x2  }
0x59d: {  	v0 =	vadd.f32 v10, v0;
	v10 =	vld [tilespmem:$0x1E600];
	_ =	sdelay $0x1  }
0x59e: {  	v0 =	vadd.f32 v9, v0;
	v9 =	vld [tilespmem:$0x1E640];
	_ =	sdelay $0x2  }
0x59f: {  	v3 =	vadd.f32 v10, v3;
	_ =	sdelay $0x1  }
0x5a0: {  	v3 =	vadd.f32 v9, v3;
	v9 =	vld [tilespmem:$0x1F270];
	_ =	sdelay $0x4  }
0x5a1: {  	vm10 =	vgt.f32 v9, v13  }
0x5a2: {  	v23 =	vnsel vm10, $0x0, v9;
	v9 =	vld [tilespmem:$0x1E670];
	_ =	sdelay $0x4  }
0x5a3: {  	v0 =	vadd.f32 v9, v0;
	v9 =	vld [tilespmem:$0x1E680];
	_ =	sdelay $0x4  }
0x5a4: {  	v3 =	vadd.f32 v9, v3;
	v9 =	vld [tilespmem:$0x1F2C0];
	_ =	sdelay $0x2  }
0x5a5: {  	v10 =	vld [tilespmem:$0x1E650];
	_ =	sdelay $0x1  }
0x5a6: {  	vm11 =	vgt.f32 v9, v13;
	v9 =	vld [tilespmem:$0x1E690];
	_ =	sdelay $0x2  }
0x5a7: {  	v5 =	vadd.f32 v10, v5;
	v10 =	vld [tilespmem:$0x1E660];
	_ =	sdelay $0x1  }
0x5a8: {  	v5 =	vadd.f32 v9, v5;
	v9 =	vld [tilespmem:$0x1E6A0];
	_ =	sdelay $0x2  }
0x5a9: {  	v7 =	vadd.f32 v10, v7;
	_ =	sdelay $0x1  }
0x5aa: {  	v28 =	vadd.f32 v9, v7;
	v7 =	vld [tilespmem:$0x1F280];
	_ =	sdelay $0x4  }
0x5ab: {  	vm12 =	vgt.f32 v7, v13;
	v7 =	vld [tilespmem:$0x1E6B0]  }
0x5ac: {  	v41 =	vld [tilespmem:$0x1E1E0]  }
0x5ad: {  	v62 =	vld [tilespmem:$0x1E200]  }
0x5ae: {  	v32 =	vld [tilespmem:$0x1E210]  }
0x5af: {  	v39 =	vld [tilespmem:$0x1E1F0]  }
0x5b0: {  	v7 =	vadd.f32 v7, v0;
	v0 =	vld [tilespmem:$0x1E6C0]  }
0x5b1: {  	v30 =	vld [tilespmem:$0x1E220]  }
0x5b2: {  	v36 =	vld [tilespmem:$0x1E230]  }
0x5b3: {  	v31 =	vld [tilespmem:$0x1E240]  }
0x5b4: {  	v53 =	vld [tilespmem:$0x1E260]  }
0x5b5: {  	v9 =	vadd.f32 v0, v3;
	v0 =	vld [tilespmem:$0x1F290]  }
0x5b6: {  	v54 =	vld [tilespmem:$0x1E280]  }
0x5b7: {  	v56 =	vld [tilespmem:$0x1E290]  }
0x5b8: {  	v33 =	vld [tilespmem:$0x1E250]  }
0x5b9: {  	v51 =	vld [tilespmem:$0x1E2A0]  }
0x5ba: {  	v57 =	vmov v24;
	v24 =	vnsel vm12, $0x0, v0;
	v0 =	vld [tilespmem:$0x1E6D0]  }
0x5bb: {  	v34 =	vld [tilespmem:$0x1E270]  }
0x5bc: {  	v44 =	vld [tilespmem:$0x1E2C0]  }
0x5bd: {  	v52 =	vld [tilespmem:$0x1E2B0]  }
0x5be: {  	v46 =	vld [tilespmem:$0x1E310]  }
0x5bf: {  	v3 =	vadd.f32 v0, v5;
	v0 =	vld [tilespmem:$0x1F2D0]  }
0x5c0: {  	v55 =	vld [tilespmem:$0x1E2D0]  }
0x5c1: {  	v4 =	vld [tilespmem:$0x1F1E0]  }
0x5c2: {  	v6 =	vld [tilespmem:$0x1F200]  }
0x5c3: {  	v10 =	vld [tilespmem:$0x1F2A0]  }
0x5c4: {  	p1 =	sne.s32 s30, $0x1;
	vm13 =	vgt.f32 v0, v13;
	v0 =	vld [tilespmem:$0x1F2E0]  }
.Ltmp7:
0x5c5: {  	v50 =	vld [tilespmem:$0x1E2E0];
	(pc) =	sbr.rel @p1 .LBB2_12-.Ltmp7, $4  }
0x5c6: {  	v49 =	vld [tilespmem:$0x1E2F0]  }
0x5c7: {  	v45 =	vld [tilespmem:$0x1E300];
	v2 =	vnsel vm0, $0x0, v2;
	vm0 =	vgt.f32 v4, v13  }
0x5c8: {  	v48 =	vld [tilespmem:$0x1E320];
	v4 =	vnsel vm0, $0x0, v4;
	vm2 =	vgt.f32 v6, v13;
	vm15 =	vgt.f32 v10, v13  }
0x5c9: {  	s30 =	sadd.s32 $0xFFFFFFFF, s30;
	v37 =	vld [tilespmem:$0x1E330];
	v6 =	vnsel vm2, $0x0, v6;
	v26 =	vnsel vm15, $0x0, v10;
	vm14 =	vgt.f32 v0, v13  }
0x5ca: {  	v11 =	vld [tilespmem:$0x1EB00]  }
0x5cb: {  	v10 =	vadd.f32 v26, v24;
	v12 =	vld [tilespmem:$0x1F2E0];
	_ =	sdelay $0x1  }
0x5cc: {  	v27 =	vld [tilespmem:$0x1F2C0];
	v10 =	vadd.f32 v23, v10;
	_ =	sdelay $0x1  }
0x5cd: {  	v10 =	vadd.f32 v22, v10;
	v22 =	vld [tilespmem:$0x1F2B0]  }
0x5ce: {  	v11 =	vnsel vm13, $0x0, v11;
	v12 =	vnsel vm14, $0x0, v12  }
0x5cf: {  	v11 =	vadd.f32 v12, v11  }
0x5d0: {  	v0 =	vsel vm12, $0x3F800000, v47;
	v5 =	vsel vm15, $0x3F800000, v47;
	v12 =	vnsel vm11, $0x0, v27  }
0x5d1: {  	v0 =	vadd.f32 v5, v0;
	v5 =	vadd.f32 v12, v11  }
0x5d2: {  	v12 =	vnsel vm9, $0x0, v22  }
0x5d3: {  	v5 =	vadd.f32 v12, v5;
	_ =	sdelay $0x1  }
0x5d4: {  	v5 =	vadd.f32 v21, v5;
	_ =	sdelay $0x1  }
0x5d5: {  	v43 =	vsel vm10, $0x3F800000, v47;
	v5 =	vadd.f32 v19, v5  }
0x5d6: {  	v0 =	vadd.f32 v43, v0  }
0x5d7: {  	v26 =	vsel vm8, $0x3F800000, v47;
	v5 =	vadd.f32 v17, v5  }
0x5d8: {  	v0 =	vadd.f32 v26, v0  }
0x5d9: {  	v43 =	vsel vm6, $0x3F800000, v47;
	v10 =	vadd.f32 v20, v10;
	v5 =	vadd.f32 v16, v5  }
0x5da: {  	v0 =	vadd.f32 v43, v0  }
0x5db: {  	v10 =	vadd.f32 v18, v10;
	v18 =	vsel vm4, $0x3F800000, v47;
	v2 =	vadd.f32 v2, v5;
	v5 =	vld [tilespmem:$0x1F1B0]  }
0x5dc: {  	v13 =	vsel vm13, $0x3F800000, v47;
	v24 =	vsel vm14, $0x3F800000, v47;
	v0 =	vadd.f32 v18, v0  }
0x5dd: {  	v3 =	vadd.f32 v62, v3;
	v62 =	vadd.f32 v24, v13;
	v21 =	vsel vm2, $0x3F800000, v47  }
0x5de: {  	v24 =	vsel vm11, $0x3F800000, v47;
	v0 =	vadd.f32 v21, v0  }
0x5df: {  	v11 =	vadd.f32 v24, v62;
	v24 =	vsel vm0, $0x3F800000, v47  }
0x5e0: {  	v27 =	vsel vm9, $0x3F800000, v47;
	v0 =	vadd.f32 v24, v0;
	vm0 =	vnez.u8 v5  }
0x5e1: {  	v11 =	vadd.f32 v27, v11;
	v27 =	vld [tilespmem:$0x1F1D0];
	v5 =	vsel vm0, $0x3F800000, v47  }
0x5e2: {  	v0 =	vadd.f32 v5, v0;
	v5 =	vld [tilespmem:$0x1F170];
	_ =	sdelay $0x2  }
0x5e3: {  	v62 =	vsel vm7, $0x3F800000, v47;
	v6 =	vadd.f32 v6, v10  }
0x5e4: {  	v20 =	vsel vm5, $0x3F800000, v47;
	v19 =	vadd.f32 v62, v11;
	vm0 =	vnez.u8 v27  }
0x5e5: {  	v4 =	vadd.f32 v4, v6;
	v6 =	vsel vm0, $0x3F800000, v47;
	vm0 =	vnez.u8 v5  }
0x5e6: {  	v22 =	vadd.f32 v20, v19;
	v2 =	vadd.f32 v35, v2;
	v35 =	vld [tilespmem:$0x1F190];
	v5 =	vsel vm0, $0x3F800000, v47  }
0x5e7: {  	v23 =	vsel vm3, $0x3F800000, v47;
	v0 =	vadd.f32 v5, v0;
	v5 =	vld [tilespmem:$0x1F130]  }
0x5e8: {  	v1 =	vadd.f32 v1, v4;
	v4 =	vadd.f32 v23, v22  }
0x5e9: {  	v26 =	vsel vm1, $0x3F800000, v47  }
0x5ea: {  	v4 =	vadd.f32 v26, v4  }
0x5eb: {  	vm0 =	vnez.u8 v35  }
0x5ec: {  	v4 =	vadd.f32 v6, v4;
	v6 =	vsel vm0, $0x3F800000, v47;
	vm0 =	vnez.u8 v5  }
0x5ed: {  	v2 =	vadd.f32 v38, v2;
	v38 =	vld [tilespmem:$0x1F150];
	v5 =	vsel vm0, $0x3F800000, v47  }
0x5ee: {  	v0 =	vadd.f32 v5, v0;
	v5 =	vld [tilespmem:$0x1F0F0];
	_ =	sdelay $0x3  }
0x5ef: {  	vm0 =	vnez.u8 v38  }
0x5f0: {  	v4 =	vadd.f32 v6, v4;
	v6 =	vsel vm0, $0x3F800000, v47;
	vm0 =	vnez.u8 v5  }
0x5f1: {  	v43 =	vld [tilespmem:$0x1F110];
	v5 =	vsel vm0, $0x3F800000, v47  }
0x5f2: {  	v0 =	vadd.f32 v5, v0;
	v5 =	vld [tilespmem:$0x1F090];
	_ =	sdelay $0x3  }
0x5f3: {  	vm0 =	vnez.u8 v43  }
0x5f4: {  	v4 =	vadd.f32 v6, v4;
	v6 =	vsel vm0, $0x3F800000, v47;
	vm0 =	vnez.u8 v5  }
0x5f5: {  	v13 =	vld [tilespmem:$0x1F0C0];
	v5 =	vsel vm0, $0x3F800000, v47  }
0x5f6: {  	v0 =	vadd.f32 v5, v0;
	v5 =	vld [tilespmem:$0x1F030];
	_ =	sdelay $0x3  }
0x5f7: {  	vm0 =	vnez.u8 v13  }
0x5f8: {  	v4 =	vadd.f32 v6, v4;
	v6 =	vsel vm0, $0x3F800000, v47;
	vm0 =	vnez.u8 v5  }
0x5f9: {  	v16 =	vld [tilespmem:$0x1F060];
	v5 =	vsel vm0, $0x3F800000, v47  }
0x5fa: {  	v0 =	vadd.f32 v5, v0;
	v5 =	vld [tilespmem:$0x1EFD0];
	_ =	sdelay $0x3  }
0x5fb: {  	vm0 =	vnez.u8 v16  }
0x5fc: {  	v4 =	vadd.f32 v6, v4;
	v6 =	vsel vm0, $0x3F800000, v47;
	vm0 =	vnez.u8 v5  }
0x5fd: {  	v19 =	vld [tilespmem:$0x1F000];
	v5 =	vsel vm0, $0x3F800000, v47  }
0x5fe: {  	v0 =	vadd.f32 v5, v0;
	v5 =	vld [tilespmem:$0x1EF70];
	_ =	sdelay $0x3  }
0x5ff: {  	vm0 =	vnez.u8 v19  }
0x600: {  	v4 =	vadd.f32 v6, v4;
	v6 =	vsel vm0, $0x3F800000, v47;
	vm0 =	vnez.u8 v5  }
0x601: {  	v22 =	vld [tilespmem:$0x1EFA0];
	v5 =	vsel vm0, $0x3F800000, v47  }
0x602: {  	v0 =	vadd.f32 v5, v0;
	v5 =	vld [tilespmem:$0x1EF10];
	_ =	sdelay $0x3  }
0x603: {  	vm0 =	vnez.u8 v22  }
0x604: {  	v4 =	vadd.f32 v6, v4;
	v6 =	vsel vm0, $0x3F800000, v47;
	vm0 =	vnez.u8 v5  }
0x605: {  	v1 =	vadd.f32 v25, v1;
	v25 =	vld [tilespmem:$0x1EF40];
	v5 =	vsel vm0, $0x3F800000, v47  }
0x606: {  	v0 =	vadd.f32 v5, v0;
	v5 =	vld [tilespmem:$0x1EEB0];
	_ =	sdelay $0x3  }
0x607: {  	v1 =	vadd.f32 v40, v1;
	vm0 =	vnez.u8 v25  }
0x608: {  	v4 =	vadd.f32 v6, v4;
	v6 =	vsel vm0, $0x3F800000, v47;
	vm0 =	vnez.u8 v5  }
0x609: {  	v1 =	vadd.f32 v29, v1;
	v29 =	vld [tilespmem:$0x1EEE0];
	v5 =	vsel vm0, $0x3F800000, v47  }
0x60a: {  	v0 =	vadd.f32 v5, v0;
	v5 =	vld [tilespmem:$0x1EE60];
	_ =	sdelay $0x3  }
0x60b: {  	vm0 =	vnez.u8 v29  }
0x60c: {  	v40 =	vld [tilespmem:$0x1F0A0];
	v4 =	vadd.f32 v6, v4;
	v6 =	vsel vm0, $0x3F800000, v47;
	vm0 =	vnez.u8 v5  }
0x60d: {  	v35 =	vld [tilespmem:$0x1EE90];
	v5 =	vsel vm0, $0x3F800000, v47  }
0x60e: {  	v0 =	vadd.f32 v5, v0;
	v5 =	vld [tilespmem:$0x1EE20];
	_ =	sdelay $0x1  }
0x60f: {  	v12 =	vld [tilespmem:$0x1F040];
	_ =	sdelay $0x1  }
0x610: {  	v15 =	vld [tilespmem:$0x1EFE0];
	v1 =	vadd.f32 v40, v1;
	vm0 =	vnez.u8 v35  }
0x611: {  	v18 =	vld [tilespmem:$0x1EF80];
	v4 =	vadd.f32 v6, v4;
	v6 =	vsel vm0, $0x3F800000, v47;
	vm0 =	vnez.u8 v5  }
0x612: {  	v38 =	vld [tilespmem:$0x1EE40];
	v5 =	vsel vm0, $0x3F800000, v47  }
0x613: {  	v1 =	vadd.f32 v12, v1;
	v0 =	vadd.f32 v5, v0;
	v5 =	vld [tilespmem:$0x1EDE0];
	_ =	sdelay $0x1  }
0x614: {  	v21 =	vld [tilespmem:$0x1EF20];
	v1 =	vadd.f32 v15, v1  }
0x615: {  	v62 =	vld [tilespmem:$0x1F0D0]  }
0x616: {  	v24 =	vld [tilespmem:$0x1EEC0];
	v1 =	vadd.f32 v18, v1;
	vm0 =	vnez.u8 v38  }
0x617: {  	v40 =	vld [tilespmem:$0x1EE00];
	v4 =	vadd.f32 v6, v4;
	v6 =	vsel vm0, $0x3F800000, v47;
	vm0 =	vnez.u8 v5  }
0x618: {  	v27 =	vld [tilespmem:$0x1EE70];
	v5 =	vsel vm0, $0x3F800000, v47  }
0x619: {  	v1 =	vadd.f32 v21, v1;
	v0 =	vadd.f32 v5, v0;
	v5 =	vld [tilespmem:$0x1EDA0]  }
0x61a: {  	v14 =	vld [tilespmem:$0x1F070]  }
0x61b: {  	v2 =	vadd.f32 v8, v2;
	v1 =	vadd.f32 v24, v1;
	_ =	sdelay $0x1  }
0x61c: {  	v17 =	vld [tilespmem:$0x1F010];
	v2 =	vadd.f32 v62, v2;
	v1 =	vadd.f32 v27, v1;
	vm0 =	vnez.u8 v40  }
0x61d: {  	v20 =	vld [tilespmem:$0x1EFB0];
	v4 =	vadd.f32 v6, v4;
	v6 =	vsel vm0, $0x3F800000, v47;
	vm0 =	vnez.u8 v5  }
0x61e: {  	v2 =	vadd.f32 v14, v2;
	v43 =	vld [tilespmem:$0x1EDC0];
	v5 =	vsel vm0, $0x3F800000, v47  }
0x61f: {  	v1 =	vadd.f32 v60, v1;
	v0 =	vadd.f32 v5, v0;
	v5 =	vld [tilespmem:$0x1ED60];
	_ =	sdelay $0x1  }
0x620: {  	v23 =	vld [tilespmem:$0x1EF50];
	v2 =	vadd.f32 v17, v2;
	v1 =	vadd.f32 v59, v1;
	_ =	sdelay $0x1  }
0x621: {  	v26 =	vld [tilespmem:$0x1EEF0];
	v2 =	vadd.f32 v20, v2;
	v1 =	vadd.f32 v57, v1;
	vm0 =	vnez.u8 v43  }
0x622: {  	v4 =	vadd.f32 v6, v4;
	v6 =	vsel vm0, $0x3F800000, v47;
	vm0 =	vnez.u8 v5  }
0x623: {  	v1 =	vadd.f32 v45, v1;
	v45 =	vld [tilespmem:$0x1ED80];
	v5 =	vsel vm0, $0x3F800000, v47  }
0x624: {  	v2 =	vadd.f32 v23, v2;
	v0 =	vadd.f32 v5, v0;
	v5 =	vld [tilespmem:$0x1ED20];
	_ =	sdelay $0x1  }
0x625: {  	v2 =	vadd.f32 v26, v2;
	_ =	sdelay $0x1  }
0x626: {  	v2 =	vadd.f32 v63, v2;
	vm0 =	vnez.u8 v45  }
0x627: {  	v4 =	vadd.f32 v6, v4;
	v6 =	vsel vm0, $0x3F800000, v47;
	vm0 =	vnez.u8 v5  }
0x628: {  	v1 =	vadd.f32 v55, v1;
	v55 =	vld [tilespmem:$0x1ED40];
	v5 =	vsel vm0, $0x3F800000, v47  }
0x629: {  	v2 =	vadd.f32 v61, v2;
	v0 =	vadd.f32 v5, v0;
	v5 =	vld [tilespmem:$0x1ECE0];
	_ =	sdelay $0x1  }
0x62a: {  	v2 =	vadd.f32 v58, v2;
	_ =	sdelay $0x1  }
0x62b: {  	v2 =	vadd.f32 v42, v2;
	vm0 =	vnez.u8 v55  }
0x62c: {  	v4 =	vadd.f32 v6, v4;
	v6 =	vsel vm0, $0x3F800000, v47;
	vm0 =	vnez.u8 v5  }
0x62d: {  	v2 =	vadd.f32 v56, v2;
	v56 =	vld [tilespmem:$0x1ED00];
	v5 =	vsel vm0, $0x3F800000, v47  }
0x62e: {  	v0 =	vadd.f32 v5, v0;
	v5 =	vld [tilespmem:$0x1ECA0];
	_ =	sdelay $0x3  }
0x62f: {  	vm0 =	vnez.u8 v56  }
0x630: {  	v4 =	vadd.f32 v6, v4;
	v6 =	vsel vm0, $0x3F800000, v47;
	vm0 =	vnez.u8 v5  }
0x631: {  	v57 =	vld [tilespmem:$0x1ECC0];
	v5 =	vsel vm0, $0x3F800000, v47  }
0x632: {  	v0 =	vadd.f32 v5, v0;
	v5 =	vld [tilespmem:$0x1EC60];
	_ =	sdelay $0x3  }
0x633: {  	vm0 =	vnez.u8 v57  }
0x634: {  	v4 =	vadd.f32 v6, v4;
	v6 =	vsel vm0, $0x3F800000, v47;
	vm0 =	vnez.u8 v5  }
0x635: {  	v58 =	vld [tilespmem:$0x1EC80];
	v5 =	vsel vm0, $0x3F800000, v47  }
0x636: {  	v0 =	vadd.f32 v5, v0;
	v5 =	vld [tilespmem:$0x1EC20];
	_ =	sdelay $0x3  }
0x637: {  	vm0 =	vnez.u8 v58  }
0x638: {  	v4 =	vadd.f32 v6, v4;
	v6 =	vsel vm0, $0x3F800000, v47;
	vm0 =	vnez.u8 v5  }
0x639: {  	v59 =	vld [tilespmem:$0x1EC30];
	v5 =	vsel vm0, $0x3F800000, v47  }
0x63a: {  	v0 =	vadd.f32 v5, v0;
	v5 =	vld [tilespmem:$0x1EBE0];
	_ =	sdelay $0x3  }
0x63b: {  	vm0 =	vnez.u8 v59  }
0x63c: {  	v4 =	vadd.f32 v6, v4;
	v6 =	vsel vm0, $0x3F800000, v47;
	vm0 =	vnez.u8 v5  }
0x63d: {  	v60 =	vld [tilespmem:$0x1EC00];
	v5 =	vsel vm0, $0x3F800000, v47  }
0x63e: {  	v0 =	vadd.f32 v5, v0;
	v5 =	vld [tilespmem:$0x1EB90];
	_ =	sdelay $0x1  }
0x63f: {  	v1 =	vadd.f32 v54, v1;
	v2 =	vadd.f32 v44, v2;
	_ =	sdelay $0x1  }
0x640: {  	v1 =	vadd.f32 v52, v1;
	v2 =	vadd.f32 v53, v2;
	vm0 =	vnez.u8 v60  }
0x641: {  	v4 =	vadd.f32 v6, v4;
	v6 =	vsel vm0, $0x3F800000, v47;
	vm0 =	vnez.u8 v5  }
0x642: {  	v61 =	vld [tilespmem:$0x1EBB0];
	v1 =	vadd.f32 v50, v1;
	v5 =	vsel vm0, $0x3F800000, v47  }
0x643: {  	v2 =	vadd.f32 v51, v2;
	v0 =	vadd.f32 v5, v0;
	v5 =	vld [tilespmem:$0x1EB50];
	_ =	sdelay $0x1  }
0x644: {  	v1 =	vadd.f32 v48, v1;
	v2 =	vadd.f32 v49, v2;
	_ =	sdelay $0x1  }
0x645: {  	v1 =	vadd.f32 v41, v1;
	v2 =	vadd.f32 v46, v2;
	vm0 =	vnez.u8 v61  }
0x646: {  	v4 =	vadd.f32 v6, v4;
	v6 =	vsel vm0, $0x3F800000, v47;
	vm0 =	vnez.u8 v5  }
0x647: {  	v62 =	vld [tilespmem:$0x1EB70];
	v2 =	vadd.f32 v39, v2;
	v5 =	vsel vm0, $0x3F800000, v47  }
0x648: {  	v1 =	vadd.f32 v37, v1;
	v0 =	vadd.f32 v5, v0;
	v5 =	vld [tilespmem:$0x1EB10]  }
0x649: {  	v63 =	vld [tilespmem:$0x1EB30];
	v2 =	vadd.f32 v36, v2  }
0x64a: {  	v1 =	vadd.f32 v34, v1  }
0x64b: {  	v3 =	vadd.f32 v3, v9;
	v2 =	vadd.f32 v33, v2  }
0x64c: {  	v1 =	vadd.f32 v32, v1;
	v4 =	vadd.f32 v6, v4;
	vm0 =	vnez.u8 v62  }
0x64d: {  	v2 =	vadd.f32 v31, v2;
	v6 =	vsel vm0, $0x3F800000, v47;
	vm0 =	vnez.u8 v5  }
0x64e: {  	v4 =	vadd.f32 v6, v4;
	v5 =	vsel vm0, $0x3F800000, v47;
	vm0 =	vnez.u8 v63  }
0x64f: {  	v1 =	vadd.f32 v2, v1;
	v2 =	vadd.f32 v30, v7;
	v6 =	vsel vm0, $0x3F800000, v47  }
0x650: {  	v0 =	vadd.f32 v5, v0;
	v4 =	vadd.f32 v6, v4  }
0x651: {  	v1 =	vadd.f32 v1, v3  }
0x652: {  	v2 =	vadd.f32 v2, v28;
	v0 =	vadd.f32 v4, v0;
	_ =	sdelay $0x1  }
0x653: {  	(xrf2) =	vadd.scan.msk.f32 $0xffff, v1;
	v0 =	vadd.f32 v0, v2;
	_ =	sdelay $0x1  }
0x654: {  	(xrf2) =	vadd.scan.msk.f32 $0xffff, v0;
	_ =	sdelay $0x7  }
0x655: {  	v0, _, _ =	vpop (xrf2)  }
0x656: {  	(v2sf) =	vpush v0, $0xF  }
0x657: {  	v0, _, _ =	vpop (xrf2)  }
0x658: {  	v0 =	vadd.f32 $0.0e+00, v0;
	_ =	sdelay $0x1  }
0x659: {  	v0 =	vbroadcast v0, $0xF;
	_ =	sdelay $0x1  }
0x65a: {  	(erf) = vrcp.f32 v0;
	_ =	sdelay $0x7  }
0x65b: {  	s1 =	simm.s32 $0x0  }
0x65c: {  	s18 =	sand.u32 $0x1800, s1;
	s0 =	spop (v2sf);
	v0 =	vpop (erf)  }
0x65d: {  	s16 =	sand.u32 $0x70, s1;
	s18 =	sshrl.u32 s18, $0x2;
	_ =	strace $0x9000004B  }
0x65e: {  	s18 =	sor.u32 s16, s18;
	_ =	strace $0x8000004C  }
0x65f: {  	v2 =	vld [tilespmem:s18+$0x0]  }
0x660: {  	s0 =	sadd.f32 $-1.000000000e+00, s0;
	_ =	sdelay $0x1  }
0x661: {  	v1 =	vmul.f32 s0, v0;
	_ =	sdelay $0x1  }
0x662: {  	vm0 =	vgt.f32 v2, v1  }
0x663: {  	v0 =	vmpcnt.ones.xlane vm0;
	_ =	sdelay $0x1  }
0x664: {  	(v2sf) =	vpush v0, $0x0;
	_ =	sdelay $0xe  }
0x665: {  	s17 =	spop (v2sf)  }
0x666: {  	p1 =	slt.s32 s17, $0x1  }
0x667: {  	vm0 =	vgt.f32 @!p1 v2, v1;
	v0 =	vimm.s32 @!p1 $0x0  }
0x668: {  	v0 =	vsel @!p1 vm0, $0x1, v0  }
0x669: {  	(xrf0) =	vadd.scan.msk.s32 @!p1 $0xffff, v0;
	_ =	sdelay $0x2  }
0x66a: {  	v0 =	vmov @!p1 s1  }
0x66b: {  	v0 =	vadd.s32 @!p1 $0xFFFFFFFF, v0  }
0x66c: {  	v0 =	vbroadcast @!p1 v0, $0x0  }
0x66d: {  	v3, _, _ =	vpop @!p1 (xrf0)  }
0x66e: {  	v0 =	vadd.s32 @!p1 v0, v3  }
0x66f: {  	v2 =	vsub.f32 v2, v1  }
0x670: {  	s31 =	simm.s32 $0x100  }
0x671: {  	s30 =	simm.s32 $0x800;
	s23 =	sand.u32 $0x1800, s31;
	v3 =	vmax.f32 v2, $0.0e+00  }
0x672: {  	s0 =	simm.s32 $0x10;
	s26 =	simm.s32 @!p1 $0x1000;
	s9 =	sadd.s32 @!p1 $0x0, s7;
	[tilespmem:s30+$0x0] =	vst v3;
	v3 =	vlaneseq.u32 @!p1  }
0x673: {  	s23 =	sshrl.u32 s23, $0x2;
	s10 =	sand.u32 $0x70, s0;
	[tilespmem:v0+s26+$0x0] =	vst.idx.msk @!p1 vm0, v2;
	v2 =	vor.u32 @!p1 s9, v3;
	s9 =	simm.s32 @!p1 $0x1880  }
0x674: {  	s10 =	sor.u32 s10, s23;
	[tilespmem:v0+s9+$0x0] =	vst.idx.msk @!p1 vm0, v2  }
0x675: {  	v0 =	vld [tilespmem:s10+$0x0];
	_ =	sdelay $0x4  }
0x676: {  	vm0 =	vgt.f32 v0, v1  }
0x677: {  	v2 =	vmpcnt.ones.xlane vm0;
	_ =	sdelay $0x1  }
0x678: {  	(v2sf) =	vpush v2, $0x0;
	_ =	sdelay $0xe  }
0x679: {  	s26 =	spop (v2sf)  }
0x67a: {  	p1 =	slt.s32 s26, $0x1  }
0x67b: {  	vm0 =	vgt.f32 @!p1 v0, v1;
	v2 =	vimm.s32 @!p1 $0x0  }
0x67c: {  	v2 =	vsel @!p1 vm0, $0x1, v2  }
0x67d: {  	(xrf0) =	vadd.scan.msk.s32 @!p1 $0xffff, v2;
	_ =	sdelay $0x1  }
0x67e: {  	s10 =	sadd.s32 $0x0, s17  }
0x67f: {  	v2 =	vmov @!p1 s10  }
0x680: {  	v2 =	vadd.s32 @!p1 $0xFFFFFFFF, v2  }
0x681: {  	v2 =	vbroadcast @!p1 v2, $0x0  }
0x682: {  	v3, _, _ =	vpop @!p1 (xrf0)  }
0x683: {  	v2 =	vadd.s32 @!p1 v2, v3  }
0x684: {  	s23 =	simm.s32 $0x20;
	s18 =	sadd.s32 s10, s26;
	s26 =	simm.s32 $0x10;
	v3 =	vsub.f32 v0, v1  }
.LBB2_14:
0x685: {  	s9 =	sand.u32 $0x70, s23;
	s31 =	sadd.s32 $0x100, s31  }
0x686: {  	s30 =	sadd.s32 $0x10, s30;
	s10 =	smov.u32 s23;
	s11 =	smov.u32 s18;
	v0 =	vmax.f32 v3, $0.0e+00  }
0x687: {  	s17 =	simm.s32 @!p1 $0x1000;
	s26 =	sadd.s32 @!p1 s26, s7;
	s15 =	sand.u32 $0x1800, s31;
	[tilespmem:s30+$0x0] =	vst v0;
	v0 =	vlaneseq.u32 @!p1  }
0x688: {  	s23 =	sadd.s32 $0x10, s23;
	s15 =	sshrl.u32 s15, $0x2;
	[tilespmem:v2+s17+$0x0] =	vst.idx.msk @!p1 vm0, v3;
	v0 =	vor.u32 @!p1 s26, v0;
	s17 =	simm.s32 @!p1 $0x1880  }
0x689: {  	p2 =	sne.s32 s23, $0x200;
	s9 =	sor.u32 s9, s15;
	s26 =	smov.u32 s10;
	[tilespmem:v2+s17+$0x0] =	vst.idx.msk @!p1 vm0, v0  }
0x68a: {  	v0 =	vld [tilespmem:s9+$0x0];
	_ =	sdelay $0x4  }
0x68b: {  	vm0 =	vgt.f32 v0, v1  }
0x68c: {  	v2 =	vmpcnt.ones.xlane vm0;
	_ =	sdelay $0x1  }
0x68d: {  	(v2sf) =	vpush v2, $0x0;
	_ =	sdelay $0xe  }
0x68e: {  	s9 =	spop (v2sf)  }
0x68f: {  	p1 =	slt.s32 s9, $0x1;
	s18 =	sadd.s32 s18, s9  }
0x690: {  	vm0 =	vgt.f32 @!p1 v0, v1;
	v2 =	vimm.s32 @!p1 $0x0  }
0x691: {  	v2 =	vsel @!p1 vm0, $0x1, v2  }
0x692: {  	(xrf0) =	vadd.scan.msk.s32 @!p1 $0xffff, v2;
	_ =	sdelay $0x2  }
0x693: {  	v2 =	vmov @!p1 s11  }
.Ltmp8:
0x694: {  	v2 =	vadd.s32 @!p1 $0xFFFFFFFF, v2;
	(pc) =	sbr.rel @p2 .LBB2_14-.Ltmp8, $4  }
0x695: {  	v2 =	vbroadcast @!p1 v2, $0x0  }
0x696: {  	v3, _, _ =	vpop @!p1 (xrf0)  }
0x697: {  	v2 =	vadd.s32 @!p1 v2, v3  }
0x698: {  	v3 =	vsub.f32 v0, v1  }
0x699: {  	_ =	sdelay $0x2  }
0x69a: {  	s9 =	sadd.s32 $0x10, s30;
	v0 =	vmax.f32 v3, $0.0e+00  }
0x69b: {  	s10 =	sadd.s32 @!p1 s26, s7;
	[tilespmem:s9+$0x0] =	vst v0;
	s9 =	simm.s32 @!p1 $0x1000;
	v0 =	vlaneseq.u32 @!p1  }
0x69c: {  	s23 =	sand.u32 $0x600, s1;
	[tilespmem:v2+s9+$0x0] =	vst.idx.msk @!p1 vm0, v3;
	v0 =	vor.u32 @!p1 s10, v0;
	s9 =	simm.s32 @!p1 $0x1880  }
0x69d: {  	s26 =	sor.u32 s16, s23;
	[tilespmem:v2+s9+$0x0] =	vst.idx.msk @!p1 vm0, v0  }
0x69e: {  	v0 =	vld [tilespmem:s26+$0x80];
	_ =	sdelay $0x4  }
0x69f: {  	vm0 =	vgt.f32 v0, v1  }
0x6a0: {  	v2 =	vmpcnt.ones.xlane vm0;
	_ =	sdelay $0x1  }
0x6a1: {  	(v2sf) =	vpush v2, $0x0;
	_ =	sdelay $0xe  }
0x6a2: {  	s30 =	spop (v2sf)  }
0x6a3: {  	p1 =	slt.s32 s30, $0x1  }
0x6a4: {  	vm0 =	vgt.f32 @!p1 v0, v1;
	v2 =	vimm.s32 @!p1 $0x0  }
0x6a5: {  	v2 =	vsel @!p1 vm0, $0x1, v2  }
0x6a6: {  	(xrf0) =	vadd.scan.msk.s32 @!p1 $0xffff, v2;
	_ =	sdelay $0x1  }
0x6a7: {  	v2 =	vmov @!p1 s18  }
0x6a8: {  	v2 =	vadd.s32 @!p1 $0xFFFFFFFF, v2;
	_ =	sdelay $0x1  }
0x6a9: {  	v3 =	vsub.f32 v0, v1;
	v0 =	vbroadcast @!p1 v2, $0x0  }
0x6aa: {  	v2, _, _ =	vpop @!p1 (xrf0)  }
0x6ab: {  	v2 =	vadd.s32 @!p1 v0, v2;
	_ =	sdelay $0x1  }
0x6ac: {  	s31 =	sand.u32 $0x1F0, s1;
	s1 =	simm.s32 $0x40;
	v4 =	vmax.f32 v3, $0.0e+00  }
0x6ad: {  	v5 =	vlaneseq.u32;
	v10 =	vimm.s32 $0x0;
	[tilespmem:s31+$0xA00] =	vst v4;
	s16 =	sadd.s32 s18, s30;
	s23 =	simm.s32 @!p1 $0x1000;
	v4 =	vlaneseq.u32 @!p1;
	s18 =	sadd.s32 @!p1 $0x0, s12  }
.LBB2_16:
0x6ae: {  	s9 =	sand.u32 $0x70, s0;
	s10 =	sand.u32 $0x600, s1  }
0x6af: {  	[tilespmem:v2+s23+$0x0] =	vst.idx.msk @!p1 vm0, v3;
	v0 =	vor.u32 @!p1 s18, v4;
	s11 =	simm.s32 @!p1 $0x1880;
	s18 =	smov.u32 s0;
	s15 =	smov.u32 s16  }
0x6b0: {  	s0 =	sadd.s32 $0x10, s0;
	s9 =	sor.u32 s9, s10;
	[tilespmem:v2+s11+$0x0] =	vst.idx.msk @!p1 vm0, v0  }
0x6b1: {  	p2 =	sne.s32 s0, $0x200;
	v0 =	vld [tilespmem:s9+$0x80];
	_ =	sdelay $0x4  }
0x6b2: {  	vm0 =	vgt.f32 v0, v1  }
0x6b3: {  	v2 =	vmpcnt.ones.xlane vm0;
	_ =	sdelay $0x1  }
0x6b4: {  	(v2sf) =	vpush v2, $0x0;
	_ =	sdelay $0xe  }
0x6b5: {  	s9 =	spop (v2sf)  }
0x6b6: {  	p1 =	slt.s32 s9, $0x1;
	s16 =	sadd.s32 s16, s9  }
0x6b7: {  	vm0 =	vgt.f32 @!p1 v0, v1;
	v2 =	vimm.s32 @!p1 $0x0  }
0x6b8: {  	v2 =	vsel @!p1 vm0, $0x1, v2  }
0x6b9: {  	(xrf0) =	vadd.scan.msk.s32 @!p1 $0xffff, v2;
	_ =	sdelay $0x2  }
0x6ba: {  	v2 =	vmov @!p1 s15  }
0x6bb: {  	v2 =	vadd.s32 @!p1 $0xFFFFFFFF, v2  }
0x6bc: {  	v2 =	vbroadcast @!p1 v2, $0x0  }
0x6bd: {  	v3, _, _ =	vpop @!p1 (xrf0)  }
.Ltmp9:
0x6be: {  	v2 =	vadd.s32 @!p1 v2, v3;
	(pc) =	sbr.rel @p2 .LBB2_16-.Ltmp9, $3  }
0x6bf: {  	v3 =	vsub.f32 v0, v1;
	_ =	sdelay $0x1  }
0x6c0: {  	s9 =	sand.u32 $0x1F0, s18;
	v0 =	vmax.f32 v3, $0.0e+00  }
0x6c1: {  	s1 =	sadd.s32 $0x40, s1;
	s23 =	simm.s32 @!p1 $0x1000;
	s18 =	sadd.s32 @!p1 s18, s12;
	v4 =	vlaneseq.u32 @!p1;
	[tilespmem:s9+$0xA00] =	vst v0  }
0x6c2: {  	_ =	sdelay $0x3  }
0x6c3: {  	s1 =	simm.s32 $0x0  }
0x6c4: {  	[tilespmem:v2+s23+$0x0] =	vst.idx.msk @!p1 vm0, v3;
	v0 =	vor.u32 @!p1 s18, v4;
	s0 =	simm.s32 @!p1 $0x1880;
	s9 =	sand.u32 $0x70, s1;
	s10 =	sand.u32 $0x600, s1  }
0x6c5: {  	[tilespmem:v2+s0+$0x0] =	vst.idx.msk @!p1 vm0, v0;
	s0 =	sor.u32 s9, s10  }
0x6c6: {  	v0 =	vld [tilespmem:s0+$0x100];
	_ =	sdelay $0x4  }
0x6c7: {  	vm0 =	vgt.f32 v0, v1  }
0x6c8: {  	v2 =	vmpcnt.ones.xlane vm0;
	_ =	sdelay $0x1  }
0x6c9: {  	(v2sf) =	vpush v2, $0x0;
	_ =	sdelay $0xe  }
0x6ca: {  	s31 =	spop (v2sf)  }
0x6cb: {  	p1 =	slt.s32 s31, $0x1  }
0x6cc: {  	vm0 =	vgt.f32 @!p1 v0, v1;
	v2 =	vimm.s32 @!p1 $0x0  }
0x6cd: {  	v2 =	vsel @!p1 vm0, $0x1, v2  }
0x6ce: {  	(xrf0) =	vadd.scan.msk.s32 @!p1 $0xffff, v2;
	_ =	sdelay $0x1  }
0x6cf: {  	v2 =	vmov @!p1 s16  }
0x6d0: {  	v2 =	vadd.s32 @!p1 $0xFFFFFFFF, v2;
	_ =	sdelay $0x1  }
0x6d1: {  	v3 =	vsub.f32 v0, v1;
	v0 =	vbroadcast @!p1 v2, $0x0  }
0x6d2: {  	v2, _, _ =	vpop @!p1 (xrf0)  }
0x6d3: {  	v2 =	vadd.s32 @!p1 v0, v2;
	_ =	sdelay $0x2  }
0x6d4: {  	s18 =	simm.s32 $0x10;
	s23 =	simm.s32 $0x40;
	s1 =	sand.u32 $0x1F0, s1;
	v4 =	vmax.f32 v3, $0.0e+00  }
0x6d5: {  	[tilespmem:s1+$0xC00] =	vst v4;
	s30 =	simm.s32 @!p1 $0x1000;
	s26 =	sadd.s32 @!p1 $0x0, s13;
	v4 =	vlaneseq.u32 @!p1;
	s16 =	sadd.s32 s16, s31  }
.LBB2_18:
0x6d6: {  	s9 =	sand.u32 $0x70, s18;
	s10 =	sand.u32 $0x600, s23;
	[tilespmem:v2+s30+$0x0] =	vst.idx.msk @!p1 vm0, v3;
	v0 =	vor.u32 @!p1 s26, v4;
	s11 =	simm.s32 @!p1 $0x1880  }
0x6d7: {  	s26 =	smov.u32 s18;
	s18 =	sadd.s32 $0x10, s18;
	s9 =	sor.u32 s9, s10;
	[tilespmem:v2+s11+$0x0] =	vst.idx.msk @!p1 vm0, v0  }
0x6d8: {  	p2 =	sne.s32 s18, $0x200;
	v0 =	vld [tilespmem:s9+$0x100];
	s9 =	smov.u32 s16;
	_ =	sdelay $0x4  }
0x6d9: {  	vm0 =	vgt.f32 v0, v1  }
0x6da: {  	v2 =	vmpcnt.ones.xlane vm0;
	_ =	sdelay $0x1  }
0x6db: {  	(v2sf) =	vpush v2, $0x0;
	_ =	sdelay $0xe  }
0x6dc: {  	s10 =	spop (v2sf)  }
0x6dd: {  	p1 =	slt.s32 s10, $0x1;
	s16 =	sadd.s32 s16, s10  }
0x6de: {  	vm0 =	vgt.f32 @!p1 v0, v1;
	v2 =	vimm.s32 @!p1 $0x0  }
0x6df: {  	v2 =	vsel @!p1 vm0, $0x1, v2  }
0x6e0: {  	(xrf0) =	vadd.scan.msk.s32 @!p1 $0xffff, v2;
	_ =	sdelay $0x2  }
0x6e1: {  	v2 =	vmov @!p1 s9  }
0x6e2: {  	v2 =	vadd.s32 @!p1 $0xFFFFFFFF, v2  }
0x6e3: {  	v2 =	vbroadcast @!p1 v2, $0x0  }
0x6e4: {  	v3, _, _ =	vpop @!p1 (xrf0)  }
.Ltmp10:
0x6e5: {  	v2 =	vadd.s32 @!p1 v2, v3;
	(pc) =	sbr.rel @p2 .LBB2_18-.Ltmp10, $3  }
0x6e6: {  	v3 =	vsub.f32 v0, v1;
	_ =	sdelay $0x1  }
0x6e7: {  	s9 =	sand.u32 $0x1F0, s26;
	v0 =	vmax.f32 v3, $0.0e+00  }
0x6e8: {  	s23 =	sadd.s32 $0x40, s23;
	s30 =	simm.s32 @!p1 $0x1000;
	v4 =	vlaneseq.u32 @!p1;
	s26 =	sadd.s32 @!p1 s26, s13;
	[tilespmem:s9+$0xC00] =	vst v0  }
0x6e9: {  	_ =	sdelay $0x4  }
0x6ea: {  	[tilespmem:v2+s30+$0x0] =	vst.idx.msk @!p1 vm0, v3;
	v0 =	vor.u32 @!p1 s26, v4;
	s9 =	simm.s32 @!p1 $0x1880  }
0x6eb: {  	[tilespmem:v2+s9+$0x0] =	vst.idx.msk @!p1 vm0, v0  }
0x6ec: {  	v0 =	vld [tilespmem:s0+$0x180];
	_ =	sdelay $0x4  }
0x6ed: {  	vm0 =	vgt.f32 v0, v1  }
0x6ee: {  	v2 =	vmpcnt.ones.xlane vm0;
	_ =	sdelay $0x1  }
0x6ef: {  	(v2sf) =	vpush v2, $0x0;
	_ =	sdelay $0xe  }
0x6f0: {  	s31 =	spop (v2sf)  }
0x6f1: {  	p1 =	slt.s32 s31, $0x1  }
0x6f2: {  	vm0 =	vgt.f32 @!p1 v0, v1;
	v2 =	vimm.s32 @!p1 $0x0  }
0x6f3: {  	v2 =	vsel @!p1 vm0, $0x1, v2  }
0x6f4: {  	(xrf0) =	vadd.scan.msk.s32 @!p1 $0xffff, v2;
	_ =	sdelay $0x1  }
0x6f5: {  	v2 =	vmov @!p1 s16  }
0x6f6: {  	v2 =	vadd.s32 @!p1 $0xFFFFFFFF, v2;
	_ =	sdelay $0x1  }
0x6f7: {  	v3 =	vsub.f32 v0, v1;
	v0 =	vbroadcast @!p1 v2, $0x0  }
0x6f8: {  	v2, _, _ =	vpop @!p1 (xrf0)  }
0x6f9: {  	v2 =	vadd.s32 @!p1 v0, v2;
	_ =	sdelay $0x1  }
0x6fa: {  	v4 =	vmax.f32 v3, $0.0e+00  }
0x6fb: {  	s18 =	simm.s32 $0x10;
	[tilespmem:s1+$0xE00] =	vst v4;
	s1 =	simm.s32 $0x40  }
0x6fc: {  	s0 =	sadd.s32 s16, s31;
	s23 =	simm.s32 @!p1 $0x1000;
	v4 =	vlaneseq.u32 @!p1;
	s16 =	sadd.s32 @!p1 $0x0, s14  }
.LBB2_20:
0x6fd: {  	s9 =	sand.u32 $0x70, s18;
	s10 =	sand.u32 $0x600, s1;
	[tilespmem:v2+s23+$0x0] =	vst.idx.msk @!p1 vm0, v3;
	v0 =	vor.u32 @!p1 s16, v4;
	s11 =	simm.s32 @!p1 $0x1880  }
0x6fe: {  	s16 =	smov.u32 s18;
	s18 =	sadd.s32 $0x10, s18;
	s9 =	sor.u32 s9, s10;
	[tilespmem:v2+s11+$0x0] =	vst.idx.msk @!p1 vm0, v0  }
0x6ff: {  	p2 =	sne.s32 s18, $0x200;
	v0 =	vld [tilespmem:s9+$0x180];
	s9 =	smov.u32 s0;
	_ =	sdelay $0x4  }
0x700: {  	vm0 =	vgt.f32 v0, v1  }
0x701: {  	v2 =	vmpcnt.ones.xlane vm0;
	_ =	sdelay $0x1  }
0x702: {  	(v2sf) =	vpush v2, $0x0;
	_ =	sdelay $0xe  }
0x703: {  	s10 =	spop (v2sf)  }
0x704: {  	p1 =	slt.s32 s10, $0x1;
	s0 =	sadd.s32 s0, s10  }
0x705: {  	vm0 =	vgt.f32 @!p1 v0, v1;
	v2 =	vimm.s32 @!p1 $0x0  }
0x706: {  	v2 =	vsel @!p1 vm0, $0x1, v2  }
0x707: {  	(xrf0) =	vadd.scan.msk.s32 @!p1 $0xffff, v2;
	_ =	sdelay $0x2  }
0x708: {  	v2 =	vmov @!p1 s9  }
0x709: {  	v2 =	vadd.s32 @!p1 $0xFFFFFFFF, v2  }
0x70a: {  	v2 =	vbroadcast @!p1 v2, $0x0  }
0x70b: {  	v3, _, _ =	vpop @!p1 (xrf0)  }
.Ltmp11:
0x70c: {  	v2 =	vadd.s32 @!p1 v2, v3;
	(pc) =	sbr.rel @p2 .LBB2_20-.Ltmp11, $3  }
0x70d: {  	v3 =	vsub.f32 v0, v1;
	_ =	sdelay $0x1  }
0x70e: {  	s9 =	sand.u32 $0x1F0, s16;
	v0 =	vmax.f32 v3, $0.0e+00  }
0x70f: {  	s1 =	sadd.s32 $0x40, s1;
	s23 =	simm.s32 @!p1 $0x1000;
	v4 =	vlaneseq.u32 @!p1;
	s16 =	sadd.s32 @!p1 s16, s14;
	[tilespmem:s9+$0xE00] =	vst v0  }
0x710: {  	_ =	sdelay $0x1  }
0x711: {  	s1 =	sadd.s32 $0xF, s0  }
0x712: {  	s26 =	sand.u32 $0xF, s1  }
0x713: {  	s30 =	sshra.s32 s1, $0x1F;
	p3 =	slt.s32 s1, $0x1;
	p2 =	sne.s32 s26, $0x0  }
0x714: {  	v0 =	vadd.s32 s0, v5;
	[tilespmem:v2+s23+$0x0] =	vst.idx.msk @!p1 vm0, v3;
	v1 =	vor.u32 @!p1 s16, v4;
	s9 =	simm.s32 @!p1 $0x1880;
	s0 =	sshrl.u32 s30, $0x1C;
	p2 =	por !p3, !p2  }
0x715: {  	[tilespmem:v2+s9+$0x0] =	vst.idx.msk @!p1 vm0, v1;
	s0 =	sadd.s32 s0, s1;
	s1 =	simm.s32 $0x1;
	p1 =	por !p2, !p2  }
0x716: {  	s0 =	sshra.s32 s0, $0x4;
	s1 =	simm.s32 @!p1 $0x0  }
0x717: {  	v5 =	vimm.f32 $0.0e+00;
	v6 =	vimm.f32 $0.0e+00;
	s0 =	ssub.s32 s0, s1  }
0x718: {  	v8 =	vimm.f32 $0.0e+00;
	v7 =	vimm.f32 $0.0e+00;
	v4 =	vimm.f32 $0.0e+00;
	p1 =	slt.s32 s0, $0x1  }
.Ltmp12:
0x719: {  	v3 =	vimm.f32 $0.0e+00;
	v14 =	vimm.s32 $0x7;
	v15 =	vimm.s32 $0x4;
	(pc) =	sbr.rel @p1 .LBB2_24-.Ltmp12, $4  }
0x71a: {  	v16 =	vimm.s32 $0x5;
	v17 =	vimm.s32 $0x6;
	v18 =	vimm.s32 $0x8  }
0x71b: {  	s31 =	simm.s32 $0x1880;
	v19 =	vimm.s32 $0x9;
	v20 =	vimm.s32 $0xA;
	v21 =	vimm.s32 $0xB;
	_ =	strace $0x9000004C;
	[tilespmem:v0+s21+$0x0] =	vst.idx.msk $0xffff, v5  }
0x71c: {  	v22 =	vimm.s32 $0xC;
	v23 =	vimm.s32 $0xD;
	v24 =	vimm.s32 $0xE;
	[tilespmem:v0+s31+$0x0] =	vst.idx.msk $0xffff, v10  }
0x71d: {  	v25 =	vimm.s32 $0xF;
	v2 =	vimm.f32 $0.0e+00;
	v1 =	vimm.f32 $0.0e+00;
	_ =	strace $0x8000004D  }
0x71e: {  	v1 =	vimm.f32 $0.0e+00;
	v3 =	vimm.f32 $0.0e+00  }
0x71f: {  	v2 =	vimm.f32 $0.0e+00;
	v4 =	vimm.f32 $0.0e+00;
	v7 =	vimm.f32 $0.0e+00  }
0x720: {  	s1 =	simm.s32 $0xF;
	s30 =	simm.s32 $0x1880;
	v8 =	vimm.f32 $0.0e+00;
	v6 =	vimm.f32 $0.0e+00;
	v5 =	vimm.f32 $0.0e+00  }
.LBB2_23:
0x721: {  	v0 =	vld [tilespmem:s30+$0x0];
	_ =	sdelay $0x4  }
0x722: {  	v9 =	vshll.u32 v0, $0x3  }
0x723: {  	v0 =	vand.u32 $0x7, v0;
	v9 =	vand.u32 $0xFFFFFFC0, v9  }
0x724: {  	v0 =	vor.u32 v0, v9  }
0x725: {  	v9 =	vperm.xlane v0, v10;
	v10 =	vlaneseq.u32  }
0x726: {  	v10 =	vmul.u32 $0x8, v10  }
0x727: {  	v11 =	vimm.s32 $0x1  }
0x728: {  	v11 =	vperm.xlane v0, v11;
	v9 =	vadd.s32 v10, v9  }
0x729: {  	v12 =	vimm.s32 $0x2  }
0x72a: {  	v12 =	vperm.xlane v0, v12;
	v11 =	vadd.s32 v10, v11  }
0x72b: {  	v13 =	vimm.s32 $0x3  }
0x72c: {  	s9 =	rddreg [dreg:$0x5];
	vm0 =	vmmov $0x1;
	v13 =	vperm.xlane v0, v13;
	v12 =	vadd.s32 v10, v12  }
0x72d: {  	[tilespmem:s9], [sflag:$0x1] =	stream.indirect_vreg.gather [hbm4b:s8+s2], $0x80, v9, vm0, $0x2000b8;
	[tilespmem:$0x2980] =	vst v63  }
0x72e: {  	s10 =	rddreg [dreg:$0x6];
	v9 =	vadd.s32 v10, v13;
	v13 =	vperm.xlane v0, v15  }
0x72f: {  	[tilespmem:s10], [sflag:$0x1] =	stream.indirect_vreg.gather [hbm4b:s8+s2], $0x80, v11, vm0, $0x2000b8;
	[tilespmem:$0x2980] =	vst v63  }
0x730: {  	s26 =	rddreg [dreg:$0x7];
	v11 =	vadd.s32 v10, v13;
	v13 =	vperm.xlane v0, v16  }
0x731: {  	[tilespmem:s26], [sflag:$0x1] =	stream.indirect_vreg.gather [hbm4b:s8+s2], $0x80, v12, vm0, $0x2000b8;
	[tilespmem:$0x2980] =	vst v63  }
0x732: {  	s31 =	rddreg [dreg:$0x8];
	v12 =	vadd.s32 v10, v13;
	v13 =	vperm.xlane v0, v17  }
0x733: {  	[tilespmem:s31], [sflag:$0x1] =	stream.indirect_vreg.gather [hbm4b:s8+s2], $0x80, v9, vm0, $0x2000b8;
	[tilespmem:$0x2980] =	vst v63  }
0x734: {  	s11 =	rddreg [dreg:$0x9];
	v9 =	vadd.s32 v10, v13;
	v13 =	vperm.xlane v0, v14  }
0x735: {  	[tilespmem:s11], [sflag:$0x1] =	stream.indirect_vreg.gather [hbm4b:s8+s2], $0x80, v11, vm0, $0x2000b8;
	[tilespmem:$0x2980] =	vst v63  }
0x736: {  	s15 =	rddreg [dreg:$0xa];
	v11 =	vadd.s32 v10, v13;
	v13 =	vperm.xlane v0, v18  }
0x737: {  	[tilespmem:s15], [sflag:$0x1] =	stream.indirect_vreg.gather [hbm4b:s8+s2], $0x80, v12, vm0, $0x2000b8;
	[tilespmem:$0x2980] =	vst v63  }
0x738: {  	s16 =	rddreg [dreg:$0xb];
	v12 =	vadd.s32 v10, v13;
	v13 =	vperm.xlane v0, v19  }
0x739: {  	[tilespmem:s16], [sflag:$0x1] =	stream.indirect_vreg.gather [hbm4b:s8+s2], $0x80, v9, vm0, $0x2000b8;
	[tilespmem:$0x2980] =	vst v63  }
0x73a: {  	s17 =	rddreg [dreg:$0xc];
	v9 =	vadd.s32 v10, v13;
	v13 =	vperm.xlane v0, v20  }
0x73b: {  	[tilespmem:s17], [sflag:$0x1] =	stream.indirect_vreg.gather [hbm4b:s8+s2], $0x80, v11, vm0, $0x2000b8;
	[tilespmem:$0x2980] =	vst v63  }
0x73c: {  	s18 =	rddreg [dreg:$0xd];
	v11 =	vadd.s32 v10, v13;
	v13 =	vperm.xlane v0, v21  }
0x73d: {  	[tilespmem:s18], [sflag:$0x1] =	stream.indirect_vreg.gather [hbm4b:s8+s2], $0x80, v12, vm0, $0x2000b8;
	[tilespmem:$0x2980] =	vst v63  }
0x73e: {  	s23 =	rddreg [dreg:$0xe];
	v12 =	vadd.s32 v10, v13;
	v13 =	vperm.xlane v0, v22  }
0x73f: {  	[tilespmem:s23], [sflag:$0x1] =	stream.indirect_vreg.gather [hbm4b:s8+s2], $0x80, v9, vm0, $0x2000b8;
	[tilespmem:$0x2980] =	vst v63  }
0x740: {  	s26 =	rddreg [dreg:$0xf];
	v9 =	vadd.s32 v10, v13;
	v13 =	vperm.xlane v0, v23  }
0x741: {  	[tilespmem:s26], [sflag:$0x1] =	stream.indirect_vreg.gather [hbm4b:s8+s2], $0x80, v11, vm0, $0x2000b8;
	[tilespmem:$0x2980] =	vst v63  }
0x742: {  	s31 =	rddreg [dreg:$0x10];
	v11 =	vadd.s32 v10, v13;
	v13 =	vperm.xlane v0, v24  }
0x743: {  	[tilespmem:s31], [sflag:$0x1] =	stream.indirect_vreg.gather [hbm4b:s8+s2], $0x80, v12, vm0, $0x2000b8;
	[tilespmem:$0x2980] =	vst v63  }
0x744: {  	s11 =	rddreg [dreg:$0x11];
	v0 =	vperm.xlane v0, v25;
	v12 =	vadd.s32 v10, v13  }
0x745: {  	[tilespmem:s11], [sflag:$0x1] =	stream.indirect_vreg.gather [hbm4b:s8+s2], $0x80, v9, vm0, $0x2000b8;
	[tilespmem:$0x2980] =	vst v63  }
0x746: {  	s15 =	rddreg [dreg:$0x12];
	s16 =	sadd.s32 $0xFFFFFFF1, s1;
	v0 =	vadd.s32 v10, v0  }
0x747: {  	v9 =	vmov s16;
	[tilespmem:s15], [sflag:$0x1] =	stream.indirect_vreg.gather [hbm4b:s8+s2], $0x80, v11, vm0, $0x2000b8;
	[tilespmem:$0x2980] =	vst v63  }
0x748: {  	s11 =	rddreg [dreg:$0x13];
	v9 =	vand.u32 $0xFFFFFFF0, v9  }
0x749: {  	v9 =	vbroadcast v9, $0x0;
	[tilespmem:s11], [sflag:$0x1] =	stream.indirect_vreg.gather [hbm4b:s8+s2], $0x80, v12, vm0, $0x2000b8;
	[tilespmem:$0x2980] =	vst v63  }
0x74a: {  	_ = 	snop  }
0x74b: {  	[tilespmem:s25], [sflag:$0x1] =	stream.indirect_vreg.gather [hbm4b:s8+s2], $0x80, v0, vm0, $0x2000b8;
	[tilespmem:$0x2980] =	vst v63  }
0x74c: {  	_ =	swait.ge [sflag:s20], $0x800  }
0x74d: {  	[sflag:s20] =	ssyncset.done $0x0  }
0x74e: {  	[sflag:s20] =	ssyncadd.s32 $0xFFFFF800  }
0x74f: {  	v0 =	vld.idx.msk [tilespmem:v9+s21+$0x0], $0xffff  }
0x750: {  	v13 =	vld [tilespmem:$0x2100]  }
0x751: {  	v14 =	vld [tilespmem:$0x2110]  }
0x752: {  	v16 =	vld [tilespmem:$0x2120]  }
0x753: {  	v23 =	vld [tilespmem:$0x2130]  }
0x754: {  	v24 =	vld [tilespmem:$0x2140]  }
0x755: {  	v25 =	vld [tilespmem:$0x2150]  }
0x756: {  	v26 =	vld [tilespmem:$0x2160]  }
0x757: {  	v27 =	vld [tilespmem:$0x2170]  }
0x758: {  	v29 =	vld [tilespmem:$0x2180]  }
0x759: {  	v30 =	vld [tilespmem:$0x2190]  }
0x75a: {  	v31 =	vld [tilespmem:$0x21A0]  }
0x75b: {  	v32 =	vld [tilespmem:$0x21B0]  }
0x75c: {  	v33 =	vld [tilespmem:$0x21C0]  }
0x75d: {  	v34 =	vld [tilespmem:$0x21D0]  }
0x75e: {  	v35 =	vld [tilespmem:$0x21E0]  }
0x75f: {  	v36 =	vld [tilespmem:$0x21F0]  }
0x760: {  	v38 =	vld [tilespmem:$0x2200]  }
0x761: {  	v39 =	vld [tilespmem:$0x2210]  }
0x762: {  	v40 =	vld [tilespmem:$0x2220]  }
0x763: {  	v41 =	vld [tilespmem:$0x2230]  }
0x764: {  	v42 =	vld [tilespmem:$0x2240]  }
0x765: {  	v43 =	vld [tilespmem:$0x2250]  }
0x766: {  	v44 =	vld [tilespmem:$0x2260]  }
0x767: {  	v45 =	vld [tilespmem:$0x2270]  }
0x768: {  	v46 =	vld [tilespmem:$0x2280]  }
0x769: {  	v48 =	vld [tilespmem:$0x2290]  }
0x76a: {  	v49 =	vld [tilespmem:$0x22A0]  }
0x76b: {  	v50 =	vld [tilespmem:$0x22B0]  }
0x76c: {  	v51 =	vld [tilespmem:$0x22C0]  }
0x76d: {  	v52 =	vld [tilespmem:$0x22D0]  }
0x76e: {  	v53 =	vld [tilespmem:$0x22E0]  }
0x76f: {  	v54 =	vld [tilespmem:$0x22F0]  }
0x770: {  	v55 =	vld [tilespmem:$0x2300]  }
0x771: {  	v56 =	vld [tilespmem:$0x2310]  }
0x772: {  	v57 =	vld [tilespmem:$0x2320]  }
0x773: {  	v58 =	vld [tilespmem:$0x2330]  }
0x774: {  	v59 =	vld [tilespmem:$0x2340]  }
0x775: {  	v20 =	vld [tilespmem:$0x2350]  }
0x776: {  	s17 =	sadd.s32 $0xFFFFFFF2, s1;
	v21 =	vld [tilespmem:$0x2360]  }
0x777: {  	s10 =	sadd.s32 $0xFFFFFFF7, s1;
	v9 =	vmov s17;
	v18 =	vld [tilespmem:$0x2370]  }
0x778: {  	v11 =	vmov s10;
	v22 =	vld [tilespmem:$0x2380];
	v9 =	vand.u32 $0xFFFFFFF1, v9  }
0x779: {  	v11 =	vand.u32 $0xFFFFFFF6, v11;
	v19 =	vld [tilespmem:$0x2390];
	v9 =	vbroadcast v9, $0x0  }
0x77a: {  	v60 =	vbroadcast v11, $0x0;
	v15 =	vld [tilespmem:$0x23A0]  }
0x77b: {  	v12 =	vld [tilespmem:$0x23B0]  }
0x77c: {  	v11 =	vld [tilespmem:$0x23C0]  }
0x77d: {  	v61 =	vmul.f32 v13, v0;
	v13 =	vld [tilespmem:$0x23D0]  }
0x77e: {  	s18 =	sadd.s32 $0xFFFFFFF3, s1;
	v62 =	vmul.f32 v14, v0;
	v14 =	vld [tilespmem:$0x23E0]  }
0x77f: {  	v23 =	vmul.f32 v23, v0;
	v28 =	vld.idx.msk [tilespmem:v9+s21+$0x0], $0xffff;
	v9 =	vmov s18  }
0x780: {  	v63 =	vmul.f32 v16, v0;
	v61 =	vadd.f32 v61, v5;
	v5 =	vld.idx.msk [tilespmem:v60+s21+$0x0], $0xffff;
	v9 =	vand.u32 $0xFFFFFFF2, v9  }
0x781: {  	v62 =	vadd.f32 v62, v6;
	v6 =	vadd.f32 v23, v7;
	v7 =	vld [tilespmem:$0x2410];
	v9 =	vbroadcast v9, $0x0  }
0x782: {  	v16 =	vld [tilespmem:$0x23F0]  }
0x783: {  	s11 =	sadd.s32 $0xFFFFFFF8, s1;
	v63 =	vadd.f32 v63, v8;
	v8 =	vmul.f32 v24, v0;
	v23 =	vmul.f32 v25, v0;
	v60 =	vld [tilespmem:$0x2400]  }
0x784: {  	v24 =	vmov s11;
	v25 =	vmul.f32 v26, v0;
	v0 =	vmul.f32 v27, v0;
	v26 =	vld [tilespmem:$0x2440]  }
0x785: {  	v24 =	vand.u32 $0xFFFFFFF7, v24;
	v27 =	vadd.f32 v8, v4;
	v4 =	vld [tilespmem:$0x2420];
	v2 =	vadd.f32 v23, v2  }
0x786: {  	s23 =	sadd.s32 $0xFFFFFFF4, s1;
	v3 =	vadd.f32 v25, v3;
	v25 =	vld [tilespmem:$0x2430];
	v0 =	vadd.f32 v0, v1;
	v7 =	vmul.f32 v7, v5  }
0x787: {  	v8 =	vmul.f32 v29, v28;
	v29 =	vbroadcast v24, $0x0;
	v37 =	vld.idx.msk [tilespmem:v9+s21+$0x0], $0xffff;
	v9 =	vmov s23  }
0x788: {  	v23 =	vmul.f32 v30, v28;
	v24 =	vmul.f32 v32, v28;
	v32 =	vld [tilespmem:$0x2480];
	v9 =	vand.u32 $0xFFFFFFF3, v9  }
0x789: {  	v1 =	vmul.f32 v31, v28;
	v30 =	vadd.f32 v8, v61;
	v8 =	vld [tilespmem:$0x2450];
	v9 =	vbroadcast v9, $0x0  }
0x78a: {  	v4 =	vmul.f32 v4, v5;
	v31 =	vadd.f32 v23, v62;
	v61 =	vmul.f32 v33, v28;
	v23 =	vld [tilespmem:$0x2460]  }
0x78b: {  	s15 =	sadd.s32 $0xFFFFFFF9, s1;
	v33 =	vadd.f32 v1, v63;
	v1 =	vmul.f32 v34, v28;
	v6 =	vadd.f32 v24, v6;
	v24 =	vld [tilespmem:$0x2470]  }
0x78c: {  	v62 =	vmul.f32 v35, v28;
	v28 =	vmul.f32 v36, v28;
	v63 =	vmov s15;
	v35 =	vld [tilespmem:$0x24B0]  }
0x78d: {  	v36 =	vld [tilespmem:$0x24C0];
	v34 =	vand.u32 $0xFFFFFFF8, v63;
	v27 =	vadd.f32 v61, v27;
	v2 =	vadd.f32 v1, v2  }
0x78e: {  	s26 =	sadd.s32 $0xFFFFFFF5, s1;
	v3 =	vadd.f32 v62, v3;
	v0 =	vadd.f32 v28, v0;
	v34 =	vbroadcast v34, $0x0;
	v1 =	vld.idx.msk [tilespmem:v29+s21+$0x0], $0xffff  }
0x78f: {  	v29 =	vmul.f32 v38, v37;
	v61 =	vmul.f32 v39, v37;
	v17 =	vld.idx.msk [tilespmem:v9+s21+$0x0], $0xffff;
	v9 =	vmov s26  }
0x790: {  	v62 =	vmul.f32 v40, v37;
	v38 =	vld [tilespmem:$0x2490];
	v63 =	vmul.f32 v41, v37;
	v9 =	vand.u32 $0xFFFFFFF4, v9  }
0x791: {  	v39 =	vld [tilespmem:$0x24A0];
	v29 =	vadd.f32 v29, v30;
	v30 =	vadd.f32 v61, v31;
	v9 =	vbroadcast v9, $0x0  }
0x792: {  	v40 =	vld [tilespmem:$0x24D0];
	v61 =	vmul.f32 v42, v37;
	v33 =	vadd.f32 v62, v33;
	v62 =	vmul.f32 v43, v37  }
0x793: {  	v41 =	vld [tilespmem:$0x2500];
	v6 =	vadd.f32 v63, v6;
	v63 =	vmul.f32 v44, v37;
	v37 =	vmul.f32 v45, v37  }
0x794: {  	v25 =	vmul.f32 v25, v5;
	v42 =	vld [tilespmem:$0x24E0];
	v28 =	vadd.f32 v62, v2;
	v2 =	vmul.f32 v46, v17  }
0x795: {  	s16 =	sadd.s32 $0xFFFFFFFA, s1;
	v8 =	vmul.f32 v8, v5;
	v31 =	vld [tilespmem:$0x24F0];
	v27 =	vadd.f32 v61, v27;
	v0 =	vadd.f32 v37, v0  }
0x796: {  	s31 =	sadd.s32 $0xFFFFFFF6, s1;
	v62 =	vmov s16;
	v37 =	vmul.f32 v50, v17;
	v29 =	vadd.f32 v2, v29;
	v2 =	vld.idx.msk [tilespmem:v34+s21+$0x0], $0xffff  }
0x797: {  	v43 =	vand.u32 $0xFFFFFFF9, v62;
	v49 =	vmul.f32 v49, v17;
	v10 =	vld.idx.msk [tilespmem:v9+s21+$0x0], $0xffff;
	v9 =	vmov s31  }
0x798: {  	v43 =	vbroadcast v43, $0x0;
	v6 =	vadd.f32 v37, v6;
	v37 =	vld [tilespmem:$0x2530];
	v9 =	vand.u32 $0xFFFFFFF5, v9  }
0x799: {  	v48 =	vmul.f32 v48, v17;
	v33 =	vadd.f32 v49, v33;
	v49 =	vld [tilespmem:$0x2550];
	v9 =	vbroadcast v9, $0x0  }
0x79a: {  	v44 =	vld [tilespmem:$0x2540];
	v3 =	vadd.f32 v63, v3;
	v63 =	vmul.f32 v51, v17;
	v61 =	vmul.f32 v52, v17  }
0x79b: {  	v46 =	vld [tilespmem:$0x2510];
	v62 =	vmul.f32 v53, v17;
	v17 =	vmul.f32 v54, v17  }
0x79c: {  	v52 =	vld [tilespmem:$0x26D0];
	v30 =	vadd.f32 v48, v30;
	v28 =	vadd.f32 v61, v28;
	v61 =	vmul.f32 v40, v1  }
0x79d: {  	v48 =	vld [tilespmem:$0x2520];
	v34 =	vadd.f32 v62, v3;
	v62 =	vmul.f32 v42, v1;
	v50 =	vmul.f32 v37, v2  }
0x79e: {  	v27 =	vadd.f32 v63, v27;
	v53 =	vmul.f32 v49, v2;
	v3 =	vmul.f32 v55, v10;
	v55 =	vld [tilespmem:$0x2560]  }
0x79f: {  	v0 =	vadd.f32 v17, v0;
	v17 =	vmul.f32 v56, v10;
	v63 =	vmul.f32 v57, v10;
	v9 =	vld.idx.msk [tilespmem:v9+s21+$0x0], $0xffff  }
0x7a0: {  	s17 =	sadd.s32 $0xFFFFFFFB, s1;
	v54 =	vmul.f32 v59, v10;
	v57 =	vld [tilespmem:$0x2570];
	v29 =	vadd.f32 v3, v29;
	v3 =	vmul.f32 v58, v10  }
0x7a1: {  	v20 =	vmul.f32 v20, v10;
	v21 =	vmul.f32 v21, v10;
	v59 =	vmov s17;
	v58 =	vld [tilespmem:$0x2580]  }
0x7a2: {  	v45 =	vand.u32 $0xFFFFFFFA, v59;
	v17 =	vadd.f32 v17, v30;
	v6 =	vadd.f32 v3, v6;
	v3 =	vld.idx.msk [tilespmem:v43+s21+$0x0], $0xffff  }
0x7a3: {  	v10 =	vmul.f32 v18, v10;
	v20 =	vadd.f32 v20, v28;
	v28 =	vld [tilespmem:$0x25A0];
	v45 =	vbroadcast v45, $0x0  }
0x7a4: {  	v59 =	vld [tilespmem:$0x2710];
	v56 =	vadd.f32 v63, v33;
	v55 =	vmul.f32 v55, v2;
	v18 =	vmul.f32 v22, v9  }
0x7a5: {  	v30 =	vld [tilespmem:$0x2610];
	v0 =	vadd.f32 v10, v0;
	v19 =	vmul.f32 v19, v9;
	v10 =	vmul.f32 v15, v9  }
0x7a6: {  	v27 =	vadd.f32 v54, v27;
	v63 =	vld [tilespmem:$0x2690];
	v12 =	vmul.f32 v12, v9;
	v11 =	vmul.f32 v11, v9  }
0x7a7: {  	v21 =	vadd.f32 v21, v34;
	v54 =	vld [tilespmem:$0x26E0];
	v13 =	vmul.f32 v13, v9;
	v58 =	vmul.f32 v58, v3  }
0x7a8: {  	v22 =	vld [tilespmem:$0x2590];
	v28 =	vmul.f32 v28, v3;
	v18 =	vadd.f32 v18, v29;
	v17 =	vadd.f32 v19, v17  }
0x7a9: {  	v15 =	vld [tilespmem:$0x25B0];
	v10 =	vadd.f32 v10, v56;
	v6 =	vadd.f32 v12, v6;
	v12 =	vmul.f32 v14, v9  }
0x7aa: {  	s18 =	sadd.s32 $0xFFFFFFFC, s1;
	s23 =	sadd.s32 $0xFFFFFFFD, s1;
	v19 =	vld [tilespmem:$0x25C0];
	v9 =	vmul.f32 v16, v9;
	v11 =	vadd.f32 v11, v27;
	v13 =	vadd.f32 v13, v20  }
0x7ab: {  	v29 =	vld [tilespmem:$0x25D0];
	v20 =	vmul.f32 v60, v5;
	v27 =	vmov s18;
	v60 =	vmov s23  }
0x7ac: {  	v14 =	vld [tilespmem:$0x25E0];
	v27 =	vand.u32 $0xFFFFFFFB, v27;
	v12 =	vadd.f32 v12, v21;
	v0 =	vadd.f32 v9, v0  }
0x7ad: {  	v16 =	vld [tilespmem:$0x25F0];
	v18 =	vadd.f32 v20, v18;
	v20 =	vmul.f32 v26, v5;
	v7 =	vadd.f32 v7, v17  }
0x7ae: {  	v56 =	vld [tilespmem:$0x2700];
	v27 =	vbroadcast v27, $0x0;
	v4 =	vadd.f32 v4, v10;
	v6 =	vadd.f32 v25, v6  }
0x7af: {  	v9 =	vld.idx.msk [tilespmem:v45+s21+$0x0], $0xffff;
	v17 =	vmul.f32 v23, v5;
	v8 =	vadd.f32 v8, v13;
	v5 =	vmul.f32 v24, v5  }
0x7b0: {  	v21 =	vld [tilespmem:$0x2600];
	v13 =	vmul.f32 v32, v1;
	v24 =	vmul.f32 v39, v1;
	v32 =	vand.u32 $0xFFFFFFFC, v60  }
0x7b1: {  	v26 =	vld [tilespmem:$0x2620];
	v42 =	vbroadcast v32, $0x0;
	v22 =	vmul.f32 v22, v3;
	v11 =	vadd.f32 v20, v11  }
0x7b2: {  	v10 =	vld [tilespmem:$0x2630];
	v12 =	vadd.f32 v17, v12;
	v17 =	vmul.f32 v38, v1;
	v0 =	vadd.f32 v5, v0  }
0x7b3: {  	v23 =	vld [tilespmem:$0x2650];
	v5 =	vadd.f32 v13, v18;
	v4 =	vadd.f32 v24, v4;
	v18 =	vmul.f32 v35, v1  }
0x7b4: {  	v25 =	vld [tilespmem:$0x2660];
	v24 =	vmul.f32 v36, v1;
	v1 =	vmul.f32 v31, v1;
	v8 =	vadd.f32 v61, v8  }
0x7b5: {  	v45 =	vld [tilespmem:$0x26B0];
	v19 =	vmul.f32 v19, v3;
	v14 =	vmul.f32 v14, v3;
	v7 =	vadd.f32 v17, v7  }
0x7b6: {  	v60 =	vld [tilespmem:$0x2720];
	v6 =	vadd.f32 v18, v6;
	v11 =	vadd.f32 v24, v11;
	v24 =	vmul.f32 v41, v2  }
0x7b7: {  	v20 =	vld [tilespmem:$0x2640];
	v12 =	vadd.f32 v62, v12;
	v0 =	vadd.f32 v1, v0;
	v1 =	vmul.f32 v46, v2  }
0x7b8: {  	v13 =	vld [tilespmem:$0x2670];
	v8 =	vadd.f32 v53, v8;
	v62 =	vmov s1;
	v10 =	vmul.f32 v10, v9  }
0x7b9: {  	s26 =	sadd.s32 $0xFFFFFFFE, s1;
	v61 =	vld [tilespmem:$0x2750];
	v5 =	vadd.f32 v24, v5;
	v24 =	vmul.f32 v48, v2;
	v1 =	vadd.f32 v1, v7  }
0x7ba: {  	v18 =	vld [tilespmem:$0x26A0];
	v7 =	vmul.f32 v44, v2;
	v2 =	vmul.f32 v57, v2;
	v57 =	vmov s26  }
0x7bb: {  	v46 =	vld [tilespmem:$0x26C0];
	v6 =	vadd.f32 v50, v6;
	v12 =	vadd.f32 v55, v12;
	v35 =	vand.u32 $0xFFFFFFFD, v57  }
0x7bc: {  	v17 =	vld.idx.msk [tilespmem:v27+s21+$0x0], $0xffff;
	v20 =	vmul.f32 v20, v9;
	v4 =	vadd.f32 v24, v4;
	v7 =	vadd.f32 v7, v11  }
0x7bd: {  	v27 =	vld [tilespmem:$0x2680];
	v0 =	vadd.f32 v2, v0;
	v2 =	vadd.f32 v58, v5;
	v5 =	vmul.f32 v15, v3  }
0x7be: {  	v24 =	vld [tilespmem:$0x26F0];
	v35 =	vbroadcast v35, $0x0;
	v1 =	vadd.f32 v22, v1;
	v4 =	vadd.f32 v28, v4  }
0x7bf: {  	s31 =	sadd.s32 $0xFFFFFFFF, s1;
	v11 =	vld.idx.msk [tilespmem:v42+s21+$0x0], $0xffff;
	v5 =	vadd.f32 v5, v6;
	v6 =	vmul.f32 v29, v3;
	v7 =	vadd.f32 v19, v7  }
0x7c0: {  	v15 =	vld [tilespmem:$0x2730];
	v3 =	vmul.f32 v16, v3;
	v16 =	vmul.f32 v21, v9;
	v21 =	vmov s31  }
0x7c1: {  	v22 =	vld [tilespmem:$0x2740];
	v6 =	vadd.f32 v6, v8;
	v8 =	vadd.f32 v14, v12;
	v12 =	vmul.f32 v30, v9  }
0x7c2: {  	v19 =	vld [tilespmem:$0x2760];
	v21 =	vand.u32 $0xFFFFFFFE, v21;
	v5 =	vadd.f32 v10, v5;
	v10 =	vmul.f32 v25, v9  }
0x7c3: {  	v14 =	vld [tilespmem:$0x2770];
	v2 =	vadd.f32 v16, v2;
	v1 =	vadd.f32 v12, v1;
	v12 =	vmul.f32 v26, v9  }
0x7c4: {  	v18 =	vmul.f32 v18, v17;
	v16 =	vld [tilespmem:$0x2780];
	v7 =	vadd.f32 v20, v7;
	v8 =	vadd.f32 v10, v8  }
0x7c5: {  	v20 =	vld [tilespmem:$0x27B0];
	v10 =	vmul.f32 v63, v17;
	v4 =	vadd.f32 v12, v4;
	v12 =	vmul.f32 v23, v9  }
0x7c6: {  	v0 =	vadd.f32 v3, v0;
	v21 =	vbroadcast v21, $0x0;
	v25 =	vld [tilespmem:$0x27D0];
	v9 =	vmul.f32 v13, v9  }
0x7c7: {  	v3 =	vld.idx.msk [tilespmem:v35+s21+$0x0], $0xffff;
	v1 =	vadd.f32 v10, v1;
	v10 =	vmul.f32 v46, v17;
	v6 =	vadd.f32 v12, v6  }
0x7c8: {  	v26 =	vld [tilespmem:$0x2790];
	v12 =	vmul.f32 v27, v17;
	v0 =	vadd.f32 v9, v0;
	v9 =	vmul.f32 v45, v17  }
0x7c9: {  	v63 =	vld [tilespmem:$0x2840];
	v4 =	vadd.f32 v18, v4;
	v7 =	vadd.f32 v10, v7;
	v10 =	vmul.f32 v24, v17  }
0x7ca: {  	v23 =	vld [tilespmem:$0x27A0];
	v27 =	vmul.f32 v54, v17;
	v5 =	vadd.f32 v9, v5;
	v9 =	vmul.f32 v52, v17  }
0x7cb: {  	v13 =	vld [tilespmem:$0x27C0];
	v2 =	vadd.f32 v12, v2;
	v0 =	vadd.f32 v10, v0;
	v10 =	vmul.f32 v60, v11  }
0x7cc: {  	v18 =	vld [tilespmem:$0x27F0];
	v17 =	vmul.f32 v56, v11;
	v6 =	vadd.f32 v9, v6;
	v9 =	vmul.f32 v59, v11  }
0x7cd: {  	v21 =	vld.idx.msk [tilespmem:v21+s21+$0x0], $0xffff;
	v8 =	vadd.f32 v27, v8;
	v4 =	vadd.f32 v10, v4;
	v10 =	vmul.f32 v22, v11  }
0x7ce: {  	v24 =	vld [tilespmem:$0x2800];
	v22 =	vmul.f32 v61, v11;
	v1 =	vadd.f32 v9, v1;
	v9 =	vmul.f32 v15, v11  }
0x7cf: {  	v12 =	vld [tilespmem:$0x27E0];
	v2 =	vadd.f32 v17, v2;
	v7 =	vadd.f32 v10, v7;
	v10 =	vmul.f32 v16, v3  }
0x7d0: {  	v15 =	vld [tilespmem:$0x2830];
	v6 =	vadd.f32 v22, v6;
	v5 =	vadd.f32 v9, v5;
	v9 =	vmul.f32 v19, v11  }
0x7d1: {  	v27 =	vld [tilespmem:$0x2810];
	v11 =	vmul.f32 v14, v11;
	v2 =	vadd.f32 v10, v2;
	v10 =	vmul.f32 v23, v3  }
0x7d2: {  	v17 =	vld [tilespmem:$0x2820];
	v23 =	vimm.s32 $0xD;
	v19 =	vmul.f32 v20, v3;
	v8 =	vadd.f32 v9, v8  }
0x7d3: {  	v16 =	vld [tilespmem:$0x2860];
	v0 =	vadd.f32 v11, v0;
	v9 =	vmul.f32 v26, v3;
	v4 =	vadd.f32 v10, v4  }
0x7d4: {  	v22 =	vld [tilespmem:$0x2880];
	v5 =	vadd.f32 v19, v5;
	v19 =	vimm.s32 $0x9;
	v10 =	vmul.f32 v12, v3  }
0x7d5: {  	v11 =	vld [tilespmem:$0x2870];
	v15 =	vmul.f32 v15, v21;
	v1 =	vadd.f32 v9, v1;
	v9 =	vmul.f32 v13, v3  }
0x7d6: {  	v14 =	vld [tilespmem:$0x2850];
	v13 =	vmul.f32 v25, v3;
	v25 =	vimm.s32 $0xF;
	v3 =	vmul.f32 v18, v3  }
0x7d7: {  	v20 =	vld.idx.msk [tilespmem:v62+s21+$0x0], $0xffff;
	v8 =	vadd.f32 v10, v8;
	v10 =	vmul.f32 v24, v21;
	v24 =	vimm.s32 $0xE  }
0x7d8: {  	v12 =	vld [tilespmem:$0x2890];
	v7 =	vadd.f32 v9, v7;
	v6 =	vadd.f32 v13, v6;
	v13 =	vmul.f32 v27, v21  }
0x7d9: {  	v18 =	vld [tilespmem:$0x28B0];
	v0 =	vadd.f32 v3, v0;
	v3 =	vmul.f32 v17, v21;
	v2 =	vadd.f32 v10, v2  }
0x7da: {  	v9 =	vld [tilespmem:$0x28A0];
	v10 =	vmul.f32 v63, v21;
	v11 =	vmul.f32 v11, v21;
	v1 =	vadd.f32 v13, v1  }
0x7db: {  	v17 =	vld [tilespmem:$0x28C0];
	v3 =	vadd.f32 v3, v4;
	v4 =	vadd.f32 v15, v5;
	v5 =	vmul.f32 v14, v21  }
0x7dc: {  	v13 =	vld [tilespmem:$0x28D0];
	v10 =	vadd.f32 v10, v7;
	v7 =	vmul.f32 v16, v21;
	v21 =	vimm.s32 $0xB  }
0x7dd: {  	v15 =	vld [tilespmem:$0x28F0];
	v16 =	vadd.f32 v5, v6;
	v5 =	vmul.f32 v22, v20;
	v6 =	vmul.f32 v12, v20  }
0x7de: {  	v14 =	vld [tilespmem:$0x28E0];
	v0 =	vadd.f32 v11, v0;
	v22 =	vimm.s32 $0xC;
	v12 =	vadd.f32 v7, v8  }
0x7df: {  	v7 =	vmul.f32 v9, v20;
	v5 =	vadd.f32 v5, v2;
	v6 =	vadd.f32 v6, v1  }
0x7e0: {  	p1 =	sne.s32 s0, $0x1;
	v1 =	vmul.f32 v18, v20;
	v18 =	vimm.s32 $0x8;
	v2 =	vmul.f32 v17, v20  }
.Ltmp13:
0x7e1: {  	v17 =	vimm.s32 $0x6;
	v8 =	vadd.f32 v7, v3;
	v3 =	vmul.f32 v13, v20;
	(pc) =	sbr.rel @p1 .LBB2_23-.Ltmp13, $4  }
0x7e2: {  	v9 =	vmul.f32 v15, v20;
	v15 =	vimm.s32 $0x4;
	v7 =	vadd.f32 v1, v4  }
0x7e3: {  	v1 =	vmul.f32 v14, v20;
	v14 =	vimm.s32 $0x7;
	v20 =	vimm.s32 $0xA  }
0x7e4: {  	v4 =	vadd.f32 v2, v10;
	v10 =	vimm.s32 $0x0;
	v2 =	vadd.f32 v3, v16  }
0x7e5: {  	s30 =	sadd.s32 $0x10, s30;
	s0 =	sadd.s32 $0xFFFFFFFF, s0;
	s1 =	sadd.s32 $0x10, s1;
	v16 =	vimm.s32 $0x5;
	v3 =	vadd.f32 v1, v12;
	v1 =	vadd.f32 v9, v0  }
.Ltmp14:
0x7e6: {  	_ = 	snop;
	(pc) =	sbr.rel .LBB2_24-.Ltmp14, $1  }
0x7e7: {  	_ =	sdelay $0x3  }
.LBB2_25:
0x7e8: {  	_ =	sfence.sel $0x180000  }
0x7e9: {  	[bflag:$0x0] =	sbarrier.arrive $0xFFFF  }
0x7ea: {  	_ =	strace $0x90000047  }
0x7eb: {  	s0 =	stileid.u32;
	[bflag:$0x2] =	sbarrier.arrive $0xFFFF  }
0x7ec: {  	p0 =	sne.s32 s0, $0x0;
	s0 =	rddreg [dreg:$0x4]  }
0x7ed: {  	s0 =	sadd.s32 @!p0 $0x100000, s0  }
0x7ee: {  	[sflag:s0] =	ssyncadd.tile.s32 @!p0 $0x1;
	_ =	shalt  }
.Lfunc_end2:
_tile_overlayer_lowered:
.L_overlay_start_2:
0x7ef: {  	(tag) =	ssettag $0x2  }
0x7f0: {  	s0 =	rddreg [dreg:$0x0];
	s2 =	stileid.u32  }
0x7f1: {  	s1 =	rddreg [dreg:$0x1];
	p0 =	sne.s32 s2, $0x0  }
0x7f2: {  	s3 =	rddreg [dreg:$0x2];
	[bflag:$0x3] =	sbarrier.arrive $0xFFFF;
	s2 =	simm.s32 @!p0 $0x1C02  }
0x7f3: {  	[timem:s3], [sflag:s2] =	dma.local @!p0 [hbm:s0], s1  }
0x7f4: {  	s0 =	simm.s32 @!p0 $0x2  }
0x7f5: {  	_ =	swait.ge @!p0 [sflag:s0], s1  }
0x7f6: {  	s1 =	ssub.s32 @!p0 $0x0, s1;
	[sflag:s0] =	ssyncset.done @!p0 $0x0  }
0x7f7: {  	[sflag:s0] =	ssyncadd.s32 @!p0 s1  }
0x7f8: {  	[bflag:$0x3] =	sbarrier.arrive $0xFFFF  }
0x7f9: {  	_ =	shalt  }

</sc_bundles>
